<compile_context>
chip_gen: v7x
topology: tpu7x:2x2x1
jax: 0.10.2.dev20260603
libtpu: 0.0.44.dev20260713+nightly
codegen_flags: <defaults>
</compile_context>

<pallas_src>
import functools

import jax
import jax.numpy as jnp
from jax import lax
from jax.experimental import pallas as pl
from jax.experimental.pallas import tpu as pltpu
from jax.experimental.pallas import tpu_sc as plsc

VOCAB = 1_000_000
DIM = 64
BATCH = 16384
HIST = 50

NW = 32
ROWS_PER_W = BATCH // NW
CB = 16
CHUNKS_PER_W = ROWS_PER_W // CB
NCHUNKS = BATCH // CB
IDX_PER_CHUNK = CB * HIST
GW = 80
NG = IDX_PER_CHUNK // GW
LANES = 16
KREG = DIM // LANES


def _sc_gather_pool(x3, table):
    mesh = plsc.VectorSubcoreMesh(core_axis_name="c", subcore_axis_name="s")
    nc = mesh.num_cores

    @functools.partial(
        pl.kernel,
        out_type=jax.ShapeDtypeStruct((NCHUNKS, CB, DIM), jnp.float32),
        mesh=mesh,
        scratch_types=[
            pltpu.VMEM((NG, GW), jnp.int32),
            pltpu.VMEM((NG, GW), jnp.int32),
            pltpu.VMEM((IDX_PER_CHUNK, DIM), jnp.float32),
            pltpu.VMEM((IDX_PER_CHUNK, DIM), jnp.float32),
            pltpu.VMEM((CB, DIM), jnp.float32),
            pltpu.SemaphoreType.DMA,
            pltpu.SemaphoreType.DMA,
        ],
        compiler_params=pltpu.CompilerParams(use_tc_tiling_on_sc=False),
    )
    def k(x_hbm, table_hbm, out_hbm, idx_a, idx_b, rows_a, rows_b,
          pooled_v, sem_a, sem_b):
        wid = lax.axis_index("s") * nc + lax.axis_index("c")

        def fire(g, idx_v, rows_v, sem):
            chunk = wid * CHUNKS_PER_W + g
            pltpu.sync_copy(x_hbm.at[chunk], idx_v)
            for j in range(NG):
                pltpu.async_copy(
                    table_hbm.at[idx_v.at[j]],
                    rows_v.at[pl.ds(j * GW, GW)],
                    sem,
                )

        def drain(idx_v, rows_v, sem):
            for j in range(NG):
                pltpu.make_async_copy(
                    table_hbm.at[idx_v.at[j]],
                    rows_v.at[pl.ds(j * GW, GW)],
                    sem,
                ).wait()

        def consume(g, rows_v):
            chunk = wid * CHUNKS_PER_W + g

            def row_body(bi, rcarry):
                base = bi * HIST
                accs = [rows_v[base, pl.ds(k16 * LANES, LANES)]
                        for k16 in range(KREG)]
                for l in range(1, HIST):
                    for k16 in range(KREG):
                        accs[k16] = accs[k16] + rows_v[
                            base + l, pl.ds(k16 * LANES, LANES)]
                for k16 in range(KREG):
                    pooled_v[bi, pl.ds(k16 * LANES, LANES)] = accs[k16]
                return rcarry

            lax.fori_loop(0, CB, row_body, 0)
            pltpu.sync_copy(pooled_v, out_hbm.at[chunk])

        fire(0, idx_a, rows_a, sem_a)

        def pair_body(i, carry):
            fire(2 * i + 1, idx_b, rows_b, sem_b)
            drain(idx_a, rows_a, sem_a)
            consume(2 * i, rows_a)

            @pl.when(i < CHUNKS_PER_W // 2 - 1)
            def _():
                fire(2 * i + 2, idx_a, rows_a, sem_a)

            drain(idx_b, rows_b, sem_b)
            consume(2 * i + 1, rows_b)
            return carry

        lax.fori_loop(0, CHUNKS_PER_W // 2, pair_body, 0)

    return k(x3, table)


def _tc_project(pooled, W, bvec):

    def mm(p_ref, w_ref, b_ref, o_ref):
        o_ref[...] = (
            jnp.dot(p_ref[...], w_ref[...],
                    preferred_element_type=jnp.float32) * (1.0 / HIST)
            + b_ref[...]
        )

    return pl.pallas_call(
        mm,
        out_shape=jax.ShapeDtypeStruct((BATCH, 2), jnp.float32),
    )(pooled, W, bvec)


def kernel(x, table, W, b):
    x3 = x.astype(jnp.int32).reshape(NCHUNKS, NG, GW)
    pooled = _sc_gather_pool(x3, table).reshape(BATCH, DIM)
    return _tc_project(pooled, W, b.reshape(1, 2))

# --- scband reference (transcript-rebuilt; emitter-appended) ---
"""Pipeline reference for scband-base-line-77489799955095 (READ-ONLY COPY).

The authoritative reference and input builder live on the scoring server;
editing this copy changes nothing except your own understanding.
"""

import jax, jax.numpy as jnp
import numpy as np

VOCAB = 1000000
DIM = 64
BATCH = 16384
HIST = 50

def setup_inputs(seed: int = 0) -> dict:
    key = jax.random.key(seed)
    k_tab, k_idx, k_w, k_b = jax.random.split(key, 4)
    table = jax.random.normal(k_tab, (VOCAB, DIM), dtype=jnp.float32)
    x = jax.random.randint(k_idx, (BATCH, HIST), 0, VOCAB, dtype=jnp.int64)
    W = jax.random.normal(k_w, (DIM, 2), dtype=jnp.float32) * 0.02
    b = jnp.zeros((2,), dtype=jnp.float32)
    return {"x": x, "table": table, "W": W, "b": b}

def reference(x, table, W, b):
    # nn.Embedding.from_pretrained lookup -> gather
    emb = jnp.take(table, x, axis=0)          # [B, L, D]
    pooled = jnp.mean(emb, axis=1)            # [B, D]
    out = pooled @ W + b                      # [B, 2]
    return out

if __name__ == "__main__":
    import jax
    _d = setup_inputs()
    print(jax.jit(kernel)(*tuple(_d.values())))

</pallas_src>

<mosaic_0001>
#map = affine_map<(d0, d1) -> (0, 0, 0)>
#map1 = affine_map<(d0, d1) -> (0, 0)>
module attributes {stable_mosaic.version = 14 : i64} {
  func.func @k(%arg0: i32, %arg1: i32, %arg2: memref<1024x10x80xi32, #tpu.memory_space<hbm>>, %arg3: memref<1000000x64xf32, #tpu.memory_space<hbm>>, %arg4: memref<1024x16x64xf32, #tpu.memory_space<hbm>>, %arg5: memref<10x80xi32, #tpu.memory_space<vmem>>, %arg6: memref<10x80xi32, #tpu.memory_space<vmem>>, %arg7: memref<800x64xf32, #tpu.memory_space<vmem>>, %arg8: memref<800x64xf32, #tpu.memory_space<vmem>>, %arg9: memref<16x64xf32, #tpu.memory_space<vmem>>, %arg10: memref<!tpu.dma_semaphore, #tpu.memory_space<semaphore_mem>>, %arg11: memref<!tpu.dma_semaphore, #tpu.memory_space<semaphore_mem>>) attributes {dimension_semantics = [#tpu.dimension_semantics<core_parallel>, #tpu.dimension_semantics<subcore_parallel>], iteration_bounds = array<i64: 2, 16>, scalar_prefetch = 0 : i64, scratch_operands = 7 : i64, tpu.core_type = #tpu.core_type<sc_vector_subcore>, window_params = [{transform_indices = #map}, {transform_indices = #map1}, {transform_indices = #map}]} {
    %mul3A = arith.constant 2 : i32
    %mul3A_0 = arith.muli %arg1, %mul3A : i32
    %add3A = arith.addi %mul3A_0, %arg0 : i32
    %mul3A_1 = arith.constant 32 : i32
    %mul3A_2 = arith.muli %add3A, %mul3A_1 : i32
    %add3A_3 = arith.constant 0 : i32
    %add3A_4 = arith.addi %mul3A_2, %add3A_3 : i32
    "tpu.region"() ({
      %run_scoped3A = tpu.sem_alloc : memref<!tpu.dma_semaphore, #tpu.memory_space<semaphore_mem>>
      %dma_start3A_109 = arith.constant 0 : i32
      %dma_start3A_110 = arith.constant 0 : i32
      %dma_start3A_111 = tpu.memref_slice %arg2[%add3A_4, %dma_start3A_109, %dma_start3A_110] : memref<1024x10x80xi32, #tpu.memory_space<hbm>> -> memref<1x10x80xi32, #tpu.memory_space<hbm>>
      %dma_start3A_112 = tpu.memref_squeeze %dma_start3A_111 : memref<1x10x80xi32, #tpu.memory_space<hbm>> -> memref<10x80xi32, #tpu.memory_space<hbm>>
      %dma_start3A_113 = arith.constant 0 : i32
      %dma_start3A_114 = arith.constant 0 : i32
      %dma_start3A_115 = tpu.memref_slice %arg2[%add3A_4, %dma_start3A_113, %dma_start3A_114] : memref<1024x10x80xi32, #tpu.memory_space<hbm>> -> memref<1x10x80xi32, #tpu.memory_space<hbm>>
      %dma_start3A_116 = tpu.memref_squeeze %dma_start3A_115 : memref<1x10x80xi32, #tpu.memory_space<hbm>> -> memref<10x80xi32, #tpu.memory_space<hbm>>
      tpu.enqueue_dma source(%dma_start3A_116 : memref<10x80xi32, #tpu.memory_space<hbm>>) target(%arg5 : memref<10x80xi32, #tpu.memory_space<vmem>>) target_semaphore(%run_scoped3A : memref<!tpu.dma_semaphore, #tpu.memory_space<semaphore_mem>>)
      %dma_wait3A = arith.constant 0 : i32
      %dma_wait3A_117 = arith.constant 0 : i32
      %dma_wait3A_118 = tpu.memref_slice %arg2[%add3A_4, %dma_wait3A, %dma_wait3A_117] : memref<1024x10x80xi32, #tpu.memory_space<hbm>> -> memref<1x10x80xi32, #tpu.memory_space<hbm>>
      %dma_wait3A_119 = tpu.memref_squeeze %dma_wait3A_118 : memref<1x10x80xi32, #tpu.memory_space<hbm>> -> memref<10x80xi32, #tpu.memory_space<hbm>>
      %dma_wait3A_120 = arith.constant 0 : i32
      %dma_wait3A_121 = arith.constant 0 : i32
      %dma_wait3A_122 = tpu.memref_slice %arg2[%add3A_4, %dma_wait3A_120, %dma_wait3A_121] : memref<1024x10x80xi32, #tpu.memory_space<hbm>> -> memref<1x10x80xi32, #tpu.memory_space<hbm>>
      %dma_wait3A_123 = tpu.memref_squeeze %dma_wait3A_122 : memref<1x10x80xi32, #tpu.memory_space<hbm>> -> memref<10x80xi32, #tpu.memory_space<hbm>>
      tpu.wait_dma2 semaphore(%run_scoped3A : memref<!tpu.dma_semaphore, #tpu.memory_space<semaphore_mem>>) src(%dma_wait3A_123 : memref<10x80xi32, #tpu.memory_space<hbm>>) dst(%arg5 : memref<10x80xi32, #tpu.memory_space<vmem>>)
      tpu.yield
    }) : () -> ()
    %dma_start3A = arith.constant 0 : i32
    %dma_start3A_5 = arith.constant 0 : i32
    %dma_start3A_6 = arith.constant 0 : i32
    %dma_start3A_7 = tpu.memref_slice %arg7[%dma_start3A_5, %dma_start3A_6] : memref<800x64xf32, #tpu.memory_space<vmem>> -> memref<80x64xf32, #tpu.memory_space<vmem>>
    %dma_start3A_8 = arith.constant 0 : i32
    %dma_start3A_9 = tpu.memref_slice %arg5[%dma_start3A, %dma_start3A_8] : memref<10x80xi32, #tpu.memory_space<vmem>> -> memref<1x80xi32, #tpu.memory_space<vmem>>
    %dma_start3A_10 = tpu.memref_squeeze %dma_start3A_9 : memref<1x80xi32, #tpu.memory_space<vmem>> -> memref<80xi32, #tpu.memory_space<vmem>>
    %dma_start3A_11 = arith.constant 0 : i32
    %dma_start3A_12 = arith.constant 0 : i32
    %dma_start3A_13 = tpu.memref_slice %arg3[%dma_start3A_11, %dma_start3A_12] : memref<1000000x64xf32, #tpu.memory_space<hbm>> -> memref<1000000x64xf32, #tpu.memory_space<hbm>>
    tpu.enqueue_indirect_dma source(%dma_start3A_13 : memref<1000000x64xf32, #tpu.memory_space<hbm>>) target(%dma_start3A_7 : memref<80x64xf32, #tpu.memory_space<vmem>>) offsets(%dma_start3A_10 : memref<80xi32, #tpu.memory_space<vmem>>) semaphore(%arg10 : memref<!tpu.dma_semaphore, #tpu.memory_space<semaphore_mem>>)
    %dma_start3A_14 = arith.constant 1 : i32
    %dma_start3A_15 = arith.constant 80 : i32
    %dma_start3A_16 = arith.constant 0 : i32
    %dma_start3A_17 = tpu.memref_slice %arg7[%dma_start3A_15, %dma_start3A_16] : memref<800x64xf32, #tpu.memory_space<vmem>> -> memref<80x64xf32, #tpu.memory_space<vmem>>
    %dma_start3A_18 = arith.constant 0 : i32
    %dma_start3A_19 = tpu.memref_slice %arg5[%dma_start3A_14, %dma_start3A_18] : memref<10x80xi32, #tpu.memory_space<vmem>> -> memref<1x80xi32, #tpu.memory_space<vmem>>
    %dma_start3A_20 = tpu.memref_squeeze %dma_start3A_19 : memref<1x80xi32, #tpu.memory_space<vmem>> -> memref<80xi32, #tpu.memory_space<vmem>>
    %dma_start3A_21 = arith.constant 0 : i32
    %dma_start3A_22 = arith.constant 0 : i32
    %dma_start3A_23 = tpu.memref_slice %arg3[%dma_start3A_21, %dma_start3A_22] : memref<1000000x64xf32, #tpu.memory_space<hbm>> -> memref<1000000x64xf32, #tpu.memory_space<hbm>>
    tpu.enqueue_indirect_dma source(%dma_start3A_23 : memref<1000000x64xf32, #tpu.memory_space<hbm>>) target(%dma_start3A_17 : memref<80x64xf32, #tpu.memory_space<vmem>>) offsets(%dma_start3A_20 : memref<80xi32, #tpu.memory_space<vmem>>) semaphore(%arg10 : memref<!tpu.dma_semaphore, #tpu.memory_space<semaphore_mem>>)
    %dma_start3A_24 = arith.constant 2 : i32
    %dma_start3A_25 = arith.constant 160 : i32
    %dma_start3A_26 = arith.constant 0 : i32
    %dma_start3A_27 = tpu.memref_slice %arg7[%dma_start3A_25, %dma_start3A_26] : memref<800x64xf32, #tpu.memory_space<vmem>> -> memref<80x64xf32, #tpu.memory_space<vmem>>
    %dma_start3A_28 = arith.constant 0 : i32
    %dma_start3A_29 = tpu.memref_slice %arg5[%dma_start3A_24, %dma_start3A_28] : memref<10x80xi32, #tpu.memory_space<vmem>> -> memref<1x80xi32, #tpu.memory_space<vmem>>
    %dma_start3A_30 = tpu.memref_squeeze %dma_start3A_29 : memref<1x80xi32, #tpu.memory_space<vmem>> -> memref<80xi32, #tpu.memory_space<vmem>>
    %dma_start3A_31 = arith.constant 0 : i32
    %dma_start3A_32 = arith.constant 0 : i32
    %dma_start3A_33 = tpu.memref_slice %arg3[%dma_start3A_31, %dma_start3A_32] : memref<1000000x64xf32, #tpu.memory_space<hbm>> -> memref<1000000x64xf32, #tpu.memory_space<hbm>>
    tpu.enqueue_indirect_dma source(%dma_start3A_33 : memref<1000000x64xf32, #tpu.memory_space<hbm>>) target(%dma_start3A_27 : memref<80x64xf32, #tpu.memory_space<vmem>>) offsets(%dma_start3A_30 : memref<80xi32, #tpu.memory_space<vmem>>) semaphore(%arg10 : memref<!tpu.dma_semaphore, #tpu.memory_space<semaphore_mem>>)
    %dma_start3A_34 = arith.constant 3 : i32
    %dma_start3A_35 = arith.constant 240 : i32
    %dma_start3A_36 = arith.constant 0 : i32
    %dma_start3A_37 = tpu.memref_slice %arg7[%dma_start3A_35, %dma_start3A_36] : memref<800x64xf32, #tpu.memory_space<vmem>> -> memref<80x64xf32, #tpu.memory_space<vmem>>
    %dma_start3A_38 = arith.constant 0 : i32
    %dma_start3A_39 = tpu.memref_slice %arg5[%dma_start3A_34, %dma_start3A_38] : memref<10x80xi32, #tpu.memory_space<vmem>> -> memref<1x80xi32, #tpu.memory_space<vmem>>
    %dma_start3A_40 = tpu.memref_squeeze %dma_start3A_39 : memref<1x80xi32, #tpu.memory_space<vmem>> -> memref<80xi32, #tpu.memory_space<vmem>>
    %dma_start3A_41 = arith.constant 0 : i32
    %dma_start3A_42 = arith.constant 0 : i32
    %dma_start3A_43 = tpu.memref_slice %arg3[%dma_start3A_41, %dma_start3A_42] : memref<1000000x64xf32, #tpu.memory_space<hbm>> -> memref<1000000x64xf32, #tpu.memory_space<hbm>>
    tpu.enqueue_indirect_dma source(%dma_start3A_43 : memref<1000000x64xf32, #tpu.memory_space<hbm>>) target(%dma_start3A_37 : memref<80x64xf32, #tpu.memory_space<vmem>>) offsets(%dma_start3A_40 : memref<80xi32, #tpu.memory_space<vmem>>) semaphore(%arg10 : memref<!tpu.dma_semaphore, #tpu.memory_space<semaphore_mem>>)
    %dma_start3A_44 = arith.constant 4 : i32
    %dma_start3A_45 = arith.constant 320 : i32
    %dma_start3A_46 = arith.constant 0 : i32
    %dma_start3A_47 = tpu.memref_slice %arg7[%dma_start3A_45, %dma_start3A_46] : memref<800x64xf32, #tpu.memory_space<vmem>> -> memref<80x64xf32, #tpu.memory_space<vmem>>
    %dma_start3A_48 = arith.constant 0 : i32
    %dma_start3A_49 = tpu.memref_slice %arg5[%dma_start3A_44, %dma_start3A_48] : memref<10x80xi32, #tpu.memory_space<vmem>> -> memref<1x80xi32, #tpu.memory_space<vmem>>
    %dma_start3A_50 = tpu.memref_squeeze %dma_start3A_49 : memref<1x80xi32, #tpu.memory_space<vmem>> -> memref<80xi32, #tpu.memory_space<vmem>>
    %dma_start3A_51 = arith.constant 0 : i32
    %dma_start3A_52 = arith.constant 0 : i32
    %dma_start3A_53 = tpu.memref_slice %arg3[%dma_start3A_51, %dma_start3A_52] : memref<1000000x64xf32, #tpu.memory_space<hbm>> -> memref<1000000x64xf32, #tpu.memory_space<hbm>>
    tpu.enqueue_indirect_dma source(%dma_start3A_53 : memref<1000000x64xf32, #tpu.memory_space<hbm>>) target(%dma_start3A_47 : memref<80x64xf32, #tpu.memory_space<vmem>>) offsets(%dma_start3A_50 : memref<80xi32, #tpu.memory_space<vmem>>) semaphore(%arg10 : memref<!tpu.dma_semaphore, #tpu.memory_space<semaphore_mem>>)
    %dma_start3A_54 = arith.constant 5 : i32
    %dma_start3A_55 = arith.constant 400 : i32
    %dma_start3A_56 = arith.constant 0 : i32
    %dma_start3A_57 = tpu.memref_slice %arg7[%dma_start3A_55, %dma_start3A_56] : memref<800x64xf32, #tpu.memory_space<vmem>> -> memref<80x64xf32, #tpu.memory_space<vmem>>
    %dma_start3A_58 = arith.constant 0 : i32
    %dma_start3A_59 = tpu.memref_slice %arg5[%dma_start3A_54, %dma_start3A_58] : memref<10x80xi32, #tpu.memory_space<vmem>> -> memref<1x80xi32, #tpu.memory_space<vmem>>
    %dma_start3A_60 = tpu.memref_squeeze %dma_start3A_59 : memref<1x80xi32, #tpu.memory_space<vmem>> -> memref<80xi32, #tpu.memory_space<vmem>>
    %dma_start3A_61 = arith.constant 0 : i32
    %dma_start3A_62 = arith.constant 0 : i32
    %dma_start3A_63 = tpu.memref_slice %arg3[%dma_start3A_61, %dma_start3A_62] : memref<1000000x64xf32, #tpu.memory_space<hbm>> -> memref<1000000x64xf32, #tpu.memory_space<hbm>>
    tpu.enqueue_indirect_dma source(%dma_start3A_63 : memref<1000000x64xf32, #tpu.memory_space<hbm>>) target(%dma_start3A_57 : memref<80x64xf32, #tpu.memory_space<vmem>>) offsets(%dma_start3A_60 : memref<80xi32, #tpu.memory_space<vmem>>) semaphore(%arg10 : memref<!tpu.dma_semaphore, #tpu.memory_space<semaphore_mem>>)
    %dma_start3A_64 = arith.constant 6 : i32
    %dma_start3A_65 = arith.constant 480 : i32
    %dma_start3A_66 = arith.constant 0 : i32
    %dma_start3A_67 = tpu.memref_slice %arg7[%dma_start3A_65, %dma_start3A_66] : memref<800x64xf32, #tpu.memory_space<vmem>> -> memref<80x64xf32, #tpu.memory_space<vmem>>
    %dma_start3A_68 = arith.constant 0 : i32
    %dma_start3A_69 = tpu.memref_slice %arg5[%dma_start3A_64, %dma_start3A_68] : memref<10x80xi32, #tpu.memory_space<vmem>> -> memref<1x80xi32, #tpu.memory_space<vmem>>
    %dma_start3A_70 = tpu.memref_squeeze %dma_start3A_69 : memref<1x80xi32, #tpu.memory_space<vmem>> -> memref<80xi32, #tpu.memory_space<vmem>>
    %dma_start3A_71 = arith.constant 0 : i32
    %dma_start3A_72 = arith.constant 0 : i32
    %dma_start3A_73 = tpu.memref_slice %arg3[%dma_start3A_71, %dma_start3A_72] : memref<1000000x64xf32, #tpu.memory_space<hbm>> -> memref<1000000x64xf32, #tpu.memory_space<hbm>>
    tpu.enqueue_indirect_dma source(%dma_start3A_73 : memref<1000000x64xf32, #tpu.memory_space<hbm>>) target(%dma_start3A_67 : memref<80x64xf32, #tpu.memory_space<vmem>>) offsets(%dma_start3A_70 : memref<80xi32, #tpu.memory_space<vmem>>) semaphore(%arg10 : memref<!tpu.dma_semaphore, #tpu.memory_space<semaphore_mem>>)
    %dma_start3A_74 = arith.constant 7 : i32
    %dma_start3A_75 = arith.constant 560 : i32
    %dma_start3A_76 = arith.constant 0 : i32
    %dma_start3A_77 = tpu.memref_slice %arg7[%dma_start3A_75, %dma_start3A_76] : memref<800x64xf32, #tpu.memory_space<vmem>> -> memref<80x64xf32, #tpu.memory_space<vmem>>
    %dma_start3A_78 = arith.constant 0 : i32
    %dma_start3A_79 = tpu.memref_slice %arg5[%dma_start3A_74, %dma_start3A_78] : memref<10x80xi32, #tpu.memory_space<vmem>> -> memref<1x80xi32, #tpu.memory_space<vmem>>
    %dma_start3A_80 = tpu.memref_squeeze %dma_start3A_79 : memref<1x80xi32, #tpu.memory_space<vmem>> -> memref<80xi32, #tpu.memory_space<vmem>>
    %dma_start3A_81 = arith.constant 0 : i32
    %dma_start3A_82 = arith.constant 0 : i32
    %dma_start3A_83 = tpu.memref_slice %arg3[%dma_start3A_81, %dma_start3A_82] : memref<1000000x64xf32, #tpu.memory_space<hbm>> -> memref<1000000x64xf32, #tpu.memory_space<hbm>>
    tpu.enqueue_indirect_dma source(%dma_start3A_83 : memref<1000000x64xf32, #tpu.memory_space<hbm>>) target(%dma_start3A_77 : memref<80x64xf32, #tpu.memory_space<vmem>>) offsets(%dma_start3A_80 : memref<80xi32, #tpu.memory_space<vmem>>) semaphore(%arg10 : memref<!tpu.dma_semaphore, #tpu.memory_space<semaphore_mem>>)
    %dma_start3A_84 = arith.constant 8 : i32
    %dma_start3A_85 = arith.constant 640 : i32
    %dma_start3A_86 = arith.constant 0 : i32
    %dma_start3A_87 = tpu.memref_slice %arg7[%dma_start3A_85, %dma_start3A_86] : memref<800x64xf32, #tpu.memory_space<vmem>> -> memref<80x64xf32, #tpu.memory_space<vmem>>
    %dma_start3A_88 = arith.constant 0 : i32
    %dma_start3A_89 = tpu.memref_slice %arg5[%dma_start3A_84, %dma_start3A_88] : memref<10x80xi32, #tpu.memory_space<vmem>> -> memref<1x80xi32, #tpu.memory_space<vmem>>
    %dma_start3A_90 = tpu.memref_squeeze %dma_start3A_89 : memref<1x80xi32, #tpu.memory_space<vmem>> -> memref<80xi32, #tpu.memory_space<vmem>>
    %dma_start3A_91 = arith.constant 0 : i32
    %dma_start3A_92 = arith.constant 0 : i32
    %dma_start3A_93 = tpu.memref_slice %arg3[%dma_start3A_91, %dma_start3A_92] : memref<1000000x64xf32, #tpu.memory_space<hbm>> -> memref<1000000x64xf32, #tpu.memory_space<hbm>>
    tpu.enqueue_indirect_dma source(%dma_start3A_93 : memref<1000000x64xf32, #tpu.memory_space<hbm>>) target(%dma_start3A_87 : memref<80x64xf32, #tpu.memory_space<vmem>>) offsets(%dma_start3A_90 : memref<80xi32, #tpu.memory_space<vmem>>) semaphore(%arg10 : memref<!tpu.dma_semaphore, #tpu.memory_space<semaphore_mem>>)
    %dma_start3A_94 = arith.constant 9 : i32
    %dma_start3A_95 = arith.constant 720 : i32
    %dma_start3A_96 = arith.constant 0 : i32
    %dma_start3A_97 = tpu.memref_slice %arg7[%dma_start3A_95, %dma_start3A_96] : memref<800x64xf32, #tpu.memory_space<vmem>> -> memref<80x64xf32, #tpu.memory_space<vmem>>
    %dma_start3A_98 = arith.constant 0 : i32
    %dma_start3A_99 = tpu.memref_slice %arg5[%dma_start3A_94, %dma_start3A_98] : memref<10x80xi32, #tpu.memory_space<vmem>> -> memref<1x80xi32, #tpu.memory_space<vmem>>
    %dma_start3A_100 = tpu.memref_squeeze %dma_start3A_99 : memref<1x80xi32, #tpu.memory_space<vmem>> -> memref<80xi32, #tpu.memory_space<vmem>>
    %dma_start3A_101 = arith.constant 0 : i32
    %dma_start3A_102 = arith.constant 0 : i32
    %dma_start3A_103 = tpu.memref_slice %arg3[%dma_start3A_101, %dma_start3A_102] : memref<1000000x64xf32, #tpu.memory_space<hbm>> -> memref<1000000x64xf32, #tpu.memory_space<hbm>>
    tpu.enqueue_indirect_dma source(%dma_start3A_103 : memref<1000000x64xf32, #tpu.memory_space<hbm>>) target(%dma_start3A_97 : memref<80x64xf32, #tpu.memory_space<vmem>>) offsets(%dma_start3A_100 : memref<80xi32, #tpu.memory_space<vmem>>) semaphore(%arg10 : memref<!tpu.dma_semaphore, #tpu.memory_space<semaphore_mem>>)
    %scan3A = arith.constant 0 : i32
    %scan3A_104 = arith.constant 0 : i32
    %scan3A_105 = arith.constant 16 : i32
    %scan3A_106 = arith.addi %scan3A_104, %scan3A_105 : i32
    %scan3A_107 = arith.constant 1 : i32
    scf.for %scan3A_109 = %scan3A_104 to %scan3A_106 step %scan3A_107  : i32 {
      %mul3A_110 = arith.constant 2 : i32
      %mul3A_111 = arith.muli %mul3A_110, %scan3A_109 : i32
      %add3A_112 = arith.constant 1 : i32
      %add3A_113 = arith.addi %mul3A_111, %add3A_112 : i32
      %mul3A_114 = arith.constant 32 : i32
      %mul3A_115 = arith.muli %add3A, %mul3A_114 : i32
      %add3A_116 = arith.addi %mul3A_115, %add3A_113 : i32
      "tpu.region"() ({
        %run_scoped3A = tpu.sem_alloc : memref<!tpu.dma_semaphore, #tpu.memory_space<semaphore_mem>>
        %dma_start3A_442 = arith.constant 0 : i32
        %dma_start3A_443 = arith.constant 0 : i32
        %dma_start3A_444 = tpu.memref_slice %arg2[%add3A_116, %dma_start3A_442, %dma_start3A_443] : memref<1024x10x80xi32, #tpu.memory_space<hbm>> -> memref<1x10x80xi32, #tpu.memory_space<hbm>>
        %dma_start3A_445 = tpu.memref_squeeze %dma_start3A_444 : memref<1x10x80xi32, #tpu.memory_space<hbm>> -> memref<10x80xi32, #tpu.memory_space<hbm>>
        %dma_start3A_446 = arith.constant 0 : i32
        %dma_start3A_447 = arith.constant 0 : i32
        %dma_start3A_448 = tpu.memref_slice %arg2[%add3A_116, %dma_start3A_446, %dma_start3A_447] : memref<1024x10x80xi32, #tpu.memory_space<hbm>> -> memref<1x10x80xi32, #tpu.memory_space<hbm>>
        %dma_start3A_449 = tpu.memref_squeeze %dma_start3A_448 : memref<1x10x80xi32, #tpu.memory_space<hbm>> -> memref<10x80xi32, #tpu.memory_space<hbm>>
        tpu.enqueue_dma source(%dma_start3A_449 : memref<10x80xi32, #tpu.memory_space<hbm>>) target(%arg6 : memref<10x80xi32, #tpu.memory_space<vmem>>) target_semaphore(%run_scoped3A : memref<!tpu.dma_semaphore, #tpu.memory_space<semaphore_mem>>)
        %dma_wait3A_450 = arith.constant 0 : i32
        %dma_wait3A_451 = arith.constant 0 : i32
        %dma_wait3A_452 = tpu.memref_slice %arg2[%add3A_116, %dma_wait3A_450, %dma_wait3A_451] : memref<1024x10x80xi32, #tpu.memory_space<hbm>> -> memref<1x10x80xi32, #tpu.memory_space<hbm>>
        %dma_wait3A_453 = tpu.memref_squeeze %dma_wait3A_452 : memref<1x10x80xi32, #tpu.memory_space<hbm>> -> memref<10x80xi32, #tpu.memory_space<hbm>>
        %dma_wait3A_454 = arith.constant 0 : i32
        %dma_wait3A_455 = arith.constant 0 : i32
        %dma_wait3A_456 = tpu.memref_slice %arg2[%add3A_116, %dma_wait3A_454, %dma_wait3A_455] : memref<1024x10x80xi32, #tpu.memory_space<hbm>> -> memref<1x10x80xi32, #tpu.memory_space<hbm>>
        %dma_wait3A_457 = tpu.memref_squeeze %dma_wait3A_456 : memref<1x10x80xi32, #tpu.memory_space<hbm>> -> memref<10x80xi32, #tpu.memory_space<hbm>>
        tpu.wait_dma2 semaphore(%run_scoped3A : memref<!tpu.dma_semaphore, #tpu.memory_space<semaphore_mem>>) src(%dma_wait3A_457 : memref<10x80xi32, #tpu.memory_space<hbm>>) dst(%arg6 : memref<10x80xi32, #tpu.memory_space<vmem>>)
        tpu.yield
      }) : () -> ()
      %dma_start3A_117 = arith.constant 0 : i32
      %dma_start3A_118 = arith.constant 0 : i32
      %dma_start3A_119 = arith.constant 0 : i32
      %dma_start3A_120 = tpu.memref_slice %arg8[%dma_start3A_118, %dma_start3A_119] : memref<800x64xf32, #tpu.memory_space<vmem>> -> memref<80x64xf32, #tpu.memory_space<vmem>>
      %dma_start3A_121 = arith.constant 0 : i32
      %dma_start3A_122 = tpu.memref_slice %arg6[%dma_start3A_117, %dma_start3A_121] : memref<10x80xi32, #tpu.memory_space<vmem>> -> memref<1x80xi32, #tpu.memory_space<vmem>>
      %dma_start3A_123 = tpu.memref_squeeze %dma_start3A_122 : memref<1x80xi32, #tpu.memory_space<vmem>> -> memref<80xi32, #tpu.memory_space<vmem>>
      %dma_start3A_124 = arith.constant 0 : i32
      %dma_start3A_125 = arith.constant 0 : i32
      %dma_start3A_126 = tpu.memref_slice %arg3[%dma_start3A_124, %dma_start3A_125] : memref<1000000x64xf32, #tpu.memory_space<hbm>> -> memref<1000000x64xf32, #tpu.memory_space<hbm>>
      tpu.enqueue_indirect_dma source(%dma_start3A_126 : memref<1000000x64xf32, #tpu.memory_space<hbm>>) target(%dma_start3A_120 : memref<80x64xf32, #tpu.memory_space<vmem>>) offsets(%dma_start3A_123 : memref<80xi32, #tpu.memory_space<vmem>>) semaphore(%arg11 : memref<!tpu.dma_semaphore, #tpu.memory_space<semaphore_mem>>)
      %dma_start3A_127 = arith.constant 1 : i32
      %dma_start3A_128 = arith.constant 80 : i32
      %dma_start3A_129 = arith.constant 0 : i32
      %dma_start3A_130 = tpu.memref_slice %arg8[%dma_start3A_128, %dma_start3A_129] : memref<800x64xf32, #tpu.memory_space<vmem>> -> memref<80x64xf32, #tpu.memory_space<vmem>>
      %dma_start3A_131 = arith.constant 0 : i32
      %dma_start3A_132 = tpu.memref_slice %arg6[%dma_start3A_127, %dma_start3A_131] : memref<10x80xi32, #tpu.memory_space<vmem>> -> memref<1x80xi32, #tpu.memory_space<vmem>>
      %dma_start3A_133 = tpu.memref_squeeze %dma_start3A_132 : memref<1x80xi32, #tpu.memory_space<vmem>> -> memref<80xi32, #tpu.memory_space<vmem>>
      %dma_start3A_134 = arith.constant 0 : i32
      %dma_start3A_135 = arith.constant 0 : i32
      %dma_start3A_136 = tpu.memref_slice %arg3[%dma_start3A_134, %dma_start3A_135] : memref<1000000x64xf32, #tpu.memory_space<hbm>> -> memref<1000000x64xf32, #tpu.memory_space<hbm>>
      tpu.enqueue_indirect_dma source(%dma_start3A_136 : memref<1000000x64xf32, #tpu.memory_space<hbm>>) target(%dma_start3A_130 : memref<80x64xf32, #tpu.memory_space<vmem>>) offsets(%dma_start3A_133 : memref<80xi32, #tpu.memory_space<vmem>>) semaphore(%arg11 : memref<!tpu.dma_semaphore, #tpu.memory_space<semaphore_mem>>)
      %dma_start3A_137 = arith.constant 2 : i32
      %dma_start3A_138 = arith.constant 160 : i32
      %dma_start3A_139 = arith.constant 0 : i32
      %dma_start3A_140 = tpu.memref_slice %arg8[%dma_start3A_138, %dma_start3A_139] : memref<800x64xf32, #tpu.memory_space<vmem>> -> memref<80x64xf32, #tpu.memory_space<vmem>>
      %dma_start3A_141 = arith.constant 0 : i32
      %dma_start3A_142 = tpu.memref_slice %arg6[%dma_start3A_137, %dma_start3A_141] : memref<10x80xi32, #tpu.memory_space<vmem>> -> memref<1x80xi32, #tpu.memory_space<vmem>>
      %dma_start3A_143 = tpu.memref_squeeze %dma_start3A_142 : memref<1x80xi32, #tpu.memory_space<vmem>> -> memref<80xi32, #tpu.memory_space<vmem>>
      %dma_start3A_144 = arith.constant 0 : i32
      %dma_start3A_145 = arith.constant 0 : i32
      %dma_start3A_146 = tpu.memref_slice %arg3[%dma_start3A_144, %dma_start3A_145] : memref<1000000x64xf32, #tpu.memory_space<hbm>> -> memref<1000000x64xf32, #tpu.memory_space<hbm>>
      tpu.enqueue_indirect_dma source(%dma_start3A_146 : memref<1000000x64xf32, #tpu.memory_space<hbm>>) target(%dma_start3A_140 : memref<80x64xf32, #tpu.memory_space<vmem>>) offsets(%dma_start3A_143 : memref<80xi32, #tpu.memory_space<vmem>>) semaphore(%arg11 : memref<!tpu.dma_semaphore, #tpu.memory_space<semaphore_mem>>)
      %dma_start3A_147 = arith.constant 3 : i32
      %dma_start3A_148 = arith.constant 240 : i32
      %dma_start3A_149 = arith.constant 0 : i32
      %dma_start3A_150 = tpu.memref_slice %arg8[%dma_start3A_148, %dma_start3A_149] : memref<800x64xf32, #tpu.memory_space<vmem>> -> memref<80x64xf32, #tpu.memory_space<vmem>>
      %dma_start3A_151 = arith.constant 0 : i32
      %dma_start3A_152 = tpu.memref_slice %arg6[%dma_start3A_147, %dma_start3A_151] : memref<10x80xi32, #tpu.memory_space<vmem>> -> memref<1x80xi32, #tpu.memory_space<vmem>>
      %dma_start3A_153 = tpu.memref_squeeze %dma_start3A_152 : memref<1x80xi32, #tpu.memory_space<vmem>> -> memref<80xi32, #tpu.memory_space<vmem>>
      %dma_start3A_154 = arith.constant 0 : i32
      %dma_start3A_155 = arith.constant 0 : i32
      %dma_start3A_156 = tpu.memref_slice %arg3[%dma_start3A_154, %dma_start3A_155] : memref<1000000x64xf32, #tpu.memory_space<hbm>> -> memref<1000000x64xf32, #tpu.memory_space<hbm>>
      tpu.enqueue_indirect_dma source(%dma_start3A_156 : memref<1000000x64xf32, #tpu.memory_space<hbm>>) target(%dma_start3A_150 : memref<80x64xf32, #tpu.memory_space<vmem>>) offsets(%dma_start3A_153 : memref<80xi32, #tpu.memory_space<vmem>>) semaphore(%arg11 : memref<!tpu.dma_semaphore, #tpu.memory_space<semaphore_mem>>)
      %dma_start3A_157 = arith.constant 4 : i32
      %dma_start3A_158 = arith.constant 320 : i32
      %dma_start3A_159 = arith.constant 0 : i32
      %dma_start3A_160 = tpu.memref_slice %arg8[%dma_start3A_158, %dma_start3A_159] : memref<800x64xf32, #tpu.memory_space<vmem>> -> memref<80x64xf32, #tpu.memory_space<vmem>>
      %dma_start3A_161 = arith.constant 0 : i32
      %dma_start3A_162 = tpu.memref_slice %arg6[%dma_start3A_157, %dma_start3A_161] : memref<10x80xi32, #tpu.memory_space<vmem>> -> memref<1x80xi32, #tpu.memory_space<vmem>>
      %dma_start3A_163 = tpu.memref_squeeze %dma_start3A_162 : memref<1x80xi32, #tpu.memory_space<vmem>> -> memref<80xi32, #tpu.memory_space<vmem>>
      %dma_start3A_164 = arith.constant 0 : i32
      %dma_start3A_165 = arith.constant 0 : i32
      %dma_start3A_166 = tpu.memref_slice %arg3[%dma_start3A_164, %dma_start3A_165] : memref<1000000x64xf32, #tpu.memory_space<hbm>> -> memref<1000000x64xf32, #tpu.memory_space<hbm>>
      tpu.enqueue_indirect_dma source(%dma_start3A_166 : memref<1000000x64xf32, #tpu.memory_space<hbm>>) target(%dma_start3A_160 : memref<80x64xf32, #tpu.memory_space<vmem>>) offsets(%dma_start3A_163 : memref<80xi32, #tpu.memory_space<vmem>>) semaphore(%arg11 : memref<!tpu.dma_semaphore, #tpu.memory_space<semaphore_mem>>)
      %dma_start3A_167 = arith.constant 5 : i32
      %dma_start3A_168 = arith.constant 400 : i32
      %dma_start3A_169 = arith.constant 0 : i32
      %dma_start3A_170 = tpu.memref_slice %arg8[%dma_start3A_168, %dma_start3A_169] : memref<800x64xf32, #tpu.memory_space<vmem>> -> memref<80x64xf32, #tpu.memory_space<vmem>>
      %dma_start3A_171 = arith.constant 0 : i32
      %dma_start3A_172 = tpu.memref_slice %arg6[%dma_start3A_167, %dma_start3A_171] : memref<10x80xi32, #tpu.memory_space<vmem>> -> memref<1x80xi32, #tpu.memory_space<vmem>>
      %dma_start3A_173 = tpu.memref_squeeze %dma_start3A_172 : memref<1x80xi32, #tpu.memory_space<vmem>> -> memref<80xi32, #tpu.memory_space<vmem>>
      %dma_start3A_174 = arith.constant 0 : i32
      %dma_start3A_175 = arith.constant 0 : i32
      %dma_start3A_176 = tpu.memref_slice %arg3[%dma_start3A_174, %dma_start3A_175] : memref<1000000x64xf32, #tpu.memory_space<hbm>> -> memref<1000000x64xf32, #tpu.memory_space<hbm>>
      tpu.enqueue_indirect_dma source(%dma_start3A_176 : memref<1000000x64xf32, #tpu.memory_space<hbm>>) target(%dma_start3A_170 : memref<80x64xf32, #tpu.memory_space<vmem>>) offsets(%dma_start3A_173 : memref<80xi32, #tpu.memory_space<vmem>>) semaphore(%arg11 : memref<!tpu.dma_semaphore, #tpu.memory_space<semaphore_mem>>)
      %dma_start3A_177 = arith.constant 6 : i32
      %dma_start3A_178 = arith.constant 480 : i32
      %dma_start3A_179 = arith.constant 0 : i32
      %dma_start3A_180 = tpu.memref_slice %arg8[%dma_start3A_178, %dma_start3A_179] : memref<800x64xf32, #tpu.memory_space<vmem>> -> memref<80x64xf32, #tpu.memory_space<vmem>>
      %dma_start3A_181 = arith.constant 0 : i32
      %dma_start3A_182 = tpu.memref_slice %arg6[%dma_start3A_177, %dma_start3A_181] : memref<10x80xi32, #tpu.memory_space<vmem>> -> memref<1x80xi32, #tpu.memory_space<vmem>>
      %dma_start3A_183 = tpu.memref_squeeze %dma_start3A_182 : memref<1x80xi32, #tpu.memory_space<vmem>> -> memref<80xi32, #tpu.memory_space<vmem>>
      %dma_start3A_184 = arith.constant 0 : i32
      %dma_start3A_185 = arith.constant 0 : i32
      %dma_start3A_186 = tpu.memref_slice %arg3[%dma_start3A_184, %dma_start3A_185] : memref<1000000x64xf32, #tpu.memory_space<hbm>> -> memref<1000000x64xf32, #tpu.memory_space<hbm>>
      tpu.enqueue_indirect_dma source(%dma_start3A_186 : memref<1000000x64xf32, #tpu.memory_space<hbm>>) target(%dma_start3A_180 : memref<80x64xf32, #tpu.memory_space<vmem>>) offsets(%dma_start3A_183 : memref<80xi32, #tpu.memory_space<vmem>>) semaphore(%arg11 : memref<!tpu.dma_semaphore, #tpu.memory_space<semaphore_mem>>)
      %dma_start3A_187 = arith.constant 7 : i32
      %dma_start3A_188 = arith.constant 560 : i32
      %dma_start3A_189 = arith.constant 0 : i32
      %dma_start3A_190 = tpu.memref_slice %arg8[%dma_start3A_188, %dma_start3A_189] : memref<800x64xf32, #tpu.memory_space<vmem>> -> memref<80x64xf32, #tpu.memory_space<vmem>>
      %dma_start3A_191 = arith.constant 0 : i32
      %dma_start3A_192 = tpu.memref_slice %arg6[%dma_start3A_187, %dma_start3A_191] : memref<10x80xi32, #tpu.memory_space<vmem>> -> memref<1x80xi32, #tpu.memory_space<vmem>>
      %dma_start3A_193 = tpu.memref_squeeze %dma_start3A_192 : memref<1x80xi32, #tpu.memory_space<vmem>> -> memref<80xi32, #tpu.memory_space<vmem>>
      %dma_start3A_194 = arith.constant 0 : i32
      %dma_start3A_195 = arith.constant 0 : i32
      %dma_start3A_196 = tpu.memref_slice %arg3[%dma_start3A_194, %dma_start3A_195] : memref<1000000x64xf32, #tpu.memory_space<hbm>> -> memref<1000000x64xf32, #tpu.memory_space<hbm>>
      tpu.enqueue_indirect_dma source(%dma_start3A_196 : memref<1000000x64xf32, #tpu.memory_space<hbm>>) target(%dma_start3A_190 : memref<80x64xf32, #tpu.memory_space<vmem>>) offsets(%dma_start3A_193 : memref<80xi32, #tpu.memory_space<vmem>>) semaphore(%arg11 : memref<!tpu.dma_semaphore, #tpu.memory_space<semaphore_mem>>)
      %dma_start3A_197 = arith.constant 8 : i32
      %dma_start3A_198 = arith.constant 640 : i32
      %dma_start3A_199 = arith.constant 0 : i32
      %dma_start3A_200 = tpu.memref_slice %arg8[%dma_start3A_198, %dma_start3A_199] : memref<800x64xf32, #tpu.memory_space<vmem>> -> memref<80x64xf32, #tpu.memory_space<vmem>>
      %dma_start3A_201 = arith.constant 0 : i32
      %dma_start3A_202 = tpu.memref_slice %arg6[%dma_start3A_197, %dma_start3A_201] : memref<10x80xi32, #tpu.memory_space<vmem>> -> memref<1x80xi32, #tpu.memory_space<vmem>>
      %dma_start3A_203 = tpu.memref_squeeze %dma_start3A_202 : memref<1x80xi32, #tpu.memory_space<vmem>> -> memref<80xi32, #tpu.memory_space<vmem>>
      %dma_start3A_204 = arith.constant 0 : i32
      %dma_start3A_205 = arith.constant 0 : i32
      %dma_start3A_206 = tpu.memref_slice %arg3[%dma_start3A_204, %dma_start3A_205] : memref<1000000x64xf32, #tpu.memory_space<hbm>> -> memref<1000000x64xf32, #tpu.memory_space<hbm>>
      tpu.enqueue_indirect_dma source(%dma_start3A_206 : memref<1000000x64xf32, #tpu.memory_space<hbm>>) target(%dma_start3A_200 : memref<80x64xf32, #tpu.memory_space<vmem>>) offsets(%dma_start3A_203 : memref<80xi32, #tpu.memory_space<vmem>>) semaphore(%arg11 : memref<!tpu.dma_semaphore, #tpu.memory_space<semaphore_mem>>)
      %dma_start3A_207 = arith.constant 9 : i32
      %dma_start3A_208 = arith.constant 720 : i32
      %dma_start3A_209 = arith.constant 0 : i32
      %dma_start3A_210 = tpu.memref_slice %arg8[%dma_start3A_208, %dma_start3A_209] : memref<800x64xf32, #tpu.memory_space<vmem>> -> memref<80x64xf32, #tpu.memory_space<vmem>>
      %dma_start3A_211 = arith.constant 0 : i32
      %dma_start3A_212 = tpu.memref_slice %arg6[%dma_start3A_207, %dma_start3A_211] : memref<10x80xi32, #tpu.memory_space<vmem>> -> memref<1x80xi32, #tpu.memory_space<vmem>>
      %dma_start3A_213 = tpu.memref_squeeze %dma_start3A_212 : memref<1x80xi32, #tpu.memory_space<vmem>> -> memref<80xi32, #tpu.memory_space<vmem>>
      %dma_start3A_214 = arith.constant 0 : i32
      %dma_start3A_215 = arith.constant 0 : i32
      %dma_start3A_216 = tpu.memref_slice %arg3[%dma_start3A_214, %dma_start3A_215] : memref<1000000x64xf32, #tpu.memory_space<hbm>> -> memref<1000000x64xf32, #tpu.memory_space<hbm>>
      tpu.enqueue_indirect_dma source(%dma_start3A_216 : memref<1000000x64xf32, #tpu.memory_space<hbm>>) target(%dma_start3A_210 : memref<80x64xf32, #tpu.memory_space<vmem>>) offsets(%dma_start3A_213 : memref<80xi32, #tpu.memory_space<vmem>>) semaphore(%arg11 : memref<!tpu.dma_semaphore, #tpu.memory_space<semaphore_mem>>)
      %dma_wait3A = arith.constant 0 : i32
      %dma_wait3A_217 = arith.constant 0 : i32
      %dma_wait3A_218 = arith.constant 0 : i32
      %dma_wait3A_219 = tpu.memref_slice %arg7[%dma_wait3A_217, %dma_wait3A_218] : memref<800x64xf32, #tpu.memory_space<vmem>> -> memref<80x64xf32, #tpu.memory_space<vmem>>
      %dma_wait3A_220 = arith.constant 0 : i32
      %dma_wait3A_221 = tpu.memref_slice %arg5[%dma_wait3A, %dma_wait3A_220] : memref<10x80xi32, #tpu.memory_space<vmem>> -> memref<1x80xi32, #tpu.memory_space<vmem>>
      %dma_wait3A_222 = tpu.memref_squeeze %dma_wait3A_221 : memref<1x80xi32, #tpu.memory_space<vmem>> -> memref<80xi32, #tpu.memory_space<vmem>>
      %dma_wait3A_223 = arith.constant 0 : i32
      %dma_wait3A_224 = arith.constant 0 : i32
      %dma_wait3A_225 = tpu.memref_slice %arg3[%dma_wait3A_223, %dma_wait3A_224] : memref<1000000x64xf32, #tpu.memory_space<hbm>> -> memref<1000000x64xf32, #tpu.memory_space<hbm>>
      tpu.wait_indirect_dma semaphore(%arg10 : memref<!tpu.dma_semaphore, #tpu.memory_space<semaphore_mem>>) src(%dma_wait3A_225 : memref<1000000x64xf32, #tpu.memory_space<hbm>>) dst(%dma_wait3A_219 : memref<80x64xf32, #tpu.memory_space<vmem>>)
      %dma_wait3A_226 = arith.constant 1 : i32
      %dma_wait3A_227 = arith.constant 80 : i32
      %dma_wait3A_228 = arith.constant 0 : i32
      %dma_wait3A_229 = tpu.memref_slice %arg7[%dma_wait3A_227, %dma_wait3A_228] : memref<800x64xf32, #tpu.memory_space<vmem>> -> memref<80x64xf32, #tpu.memory_space<vmem>>
      %dma_wait3A_230 = arith.constant 0 : i32
      %dma_wait3A_231 = tpu.memref_slice %arg5[%dma_wait3A_226, %dma_wait3A_230] : memref<10x80xi32, #tpu.memory_space<vmem>> -> memref<1x80xi32, #tpu.memory_space<vmem>>
      %dma_wait3A_232 = tpu.memref_squeeze %dma_wait3A_231 : memref<1x80xi32, #tpu.memory_space<vmem>> -> memref<80xi32, #tpu.memory_space<vmem>>
      %dma_wait3A_233 = arith.constant 0 : i32
      %dma_wait3A_234 = arith.constant 0 : i32
      %dma_wait3A_235 = tpu.memref_slice %arg3[%dma_wait3A_233, %dma_wait3A_234] : memref<1000000x64xf32, #tpu.memory_space<hbm>> -> memref<1000000x64xf32, #tpu.memory_space<hbm>>
      tpu.wait_indirect_dma semaphore(%arg10 : memref<!tpu.dma_semaphore, #tpu.memory_space<semaphore_mem>>) src(%dma_wait3A_235 : memref<1000000x64xf32, #tpu.memory_space<hbm>>) dst(%dma_wait3A_229 : memref<80x64xf32, #tpu.memory_space<vmem>>)
      %dma_wait3A_236 = arith.constant 2 : i32
      %dma_wait3A_237 = arith.constant 160 : i32
      %dma_wait3A_238 = arith.constant 0 : i32
      %dma_wait3A_239 = tpu.memref_slice %arg7[%dma_wait3A_237, %dma_wait3A_238] : memref<800x64xf32, #tpu.memory_space<vmem>> -> memref<80x64xf32, #tpu.memory_space<vmem>>
      %dma_wait3A_240 = arith.constant 0 : i32
      %dma_wait3A_241 = tpu.memref_slice %arg5[%dma_wait3A_236, %dma_wait3A_240] : memref<10x80xi32, #tpu.memory_space<vmem>> -> memref<1x80xi32, #tpu.memory_space<vmem>>
      %dma_wait3A_242 = tpu.memref_squeeze %dma_wait3A_241 : memref<1x80xi32, #tpu.memory_space<vmem>> -> memref<80xi32, #tpu.memory_space<vmem>>
      %dma_wait3A_243 = arith.constant 0 : i32
      %dma_wait3A_244 = arith.constant 0 : i32
      %dma_wait3A_245 = tpu.memref_slice %arg3[%dma_wait3A_243, %dma_wait3A_244] : memref<1000000x64xf32, #tpu.memory_space<hbm>> -> memref<1000000x64xf32, #tpu.memory_space<hbm>>
      tpu.wait_indirect_dma semaphore(%arg10 : memref<!tpu.dma_semaphore, #tpu.memory_space<semaphore_mem>>) src(%dma_wait3A_245 : memref<1000000x64xf32, #tpu.memory_space<hbm>>) dst(%dma_wait3A_239 : memref<80x64xf32, #tpu.memory_space<vmem>>)
      %dma_wait3A_246 = arith.constant 3 : i32
      %dma_wait3A_247 = arith.constant 240 : i32
      %dma_wait3A_248 = arith.constant 0 : i32
      %dma_wait3A_249 = tpu.memref_slice %arg7[%dma_wait3A_247, %dma_wait3A_248] : memref<800x64xf32, #tpu.memory_space<vmem>> -> memref<80x64xf32, #tpu.memory_space<vmem>>
      %dma_wait3A_250 = arith.constant 0 : i32
      %dma_wait3A_251 = tpu.memref_slice %arg5[%dma_wait3A_246, %dma_wait3A_250] : memref<10x80xi32, #tpu.memory_space<vmem>> -> memref<1x80xi32, #tpu.memory_space<vmem>>
      %dma_wait3A_252 = tpu.memref_squeeze %dma_wait3A_251 : memref<1x80xi32, #tpu.memory_space<vmem>> -> memref<80xi32, #tpu.memory_space<vmem>>
      %dma_wait3A_253 = arith.constant 0 : i32
      %dma_wait3A_254 = arith.constant 0 : i32
      %dma_wait3A_255 = tpu.memref_slice %arg3[%dma_wait3A_253, %dma_wait3A_254] : memref<1000000x64xf32, #tpu.memory_space<hbm>> -> memref<1000000x64xf32, #tpu.memory_space<hbm>>
      tpu.wait_indirect_dma semaphore(%arg10 : memref<!tpu.dma_semaphore, #tpu.memory_space<semaphore_mem>>) src(%dma_wait3A_255 : memref<1000000x64xf32, #tpu.memory_space<hbm>>) dst(%dma_wait3A_249 : memref<80x64xf32, #tpu.memory_space<vmem>>)
      %dma_wait3A_256 = arith.constant 4 : i32
      %dma_wait3A_257 = arith.constant 320 : i32
      %dma_wait3A_258 = arith.constant 0 : i32
      %dma_wait3A_259 = tpu.memref_slice %arg7[%dma_wait3A_257, %dma_wait3A_258] : memref<800x64xf32, #tpu.memory_space<vmem>> -> memref<80x64xf32, #tpu.memory_space<vmem>>
      %dma_wait3A_260 = arith.constant 0 : i32
      %dma_wait3A_261 = tpu.memref_slice %arg5[%dma_wait3A_256, %dma_wait3A_260] : memref<10x80xi32, #tpu.memory_space<vmem>> -> memref<1x80xi32, #tpu.memory_space<vmem>>
      %dma_wait3A_262 = tpu.memref_squeeze %dma_wait3A_261 : memref<1x80xi32, #tpu.memory_space<vmem>> -> memref<80xi32, #tpu.memory_space<vmem>>
      %dma_wait3A_263 = arith.constant 0 : i32
      %dma_wait3A_264 = arith.constant 0 : i32
      %dma_wait3A_265 = tpu.memref_slice %arg3[%dma_wait3A_263, %dma_wait3A_264] : memref<1000000x64xf32, #tpu.memory_space<hbm>> -> memref<1000000x64xf32, #tpu.memory_space<hbm>>
      tpu.wait_indirect_dma semaphore(%arg10 : memref<!tpu.dma_semaphore, #tpu.memory_space<semaphore_mem>>) src(%dma_wait3A_265 : memref<1000000x64xf32, #tpu.memory_space<hbm>>) dst(%dma_wait3A_259 : memref<80x64xf32, #tpu.memory_space<vmem>>)
      %dma_wait3A_266 = arith.constant 5 : i32
      %dma_wait3A_267 = arith.constant 400 : i32
      %dma_wait3A_268 = arith.constant 0 : i32
      %dma_wait3A_269 = tpu.memref_slice %arg7[%dma_wait3A_267, %dma_wait3A_268] : memref<800x64xf32, #tpu.memory_space<vmem>> -> memref<80x64xf32, #tpu.memory_space<vmem>>
      %dma_wait3A_270 = arith.constant 0 : i32
      %dma_wait3A_271 = tpu.memref_slice %arg5[%dma_wait3A_266, %dma_wait3A_270] : memref<10x80xi32, #tpu.memory_space<vmem>> -> memref<1x80xi32, #tpu.memory_space<vmem>>
      %dma_wait3A_272 = tpu.memref_squeeze %dma_wait3A_271 : memref<1x80xi32, #tpu.memory_space<vmem>> -> memref<80xi32, #tpu.memory_space<vmem>>
      %dma_wait3A_273 = arith.constant 0 : i32
      %dma_wait3A_274 = arith.constant 0 : i32
      %dma_wait3A_275 = tpu.memref_slice %arg3[%dma_wait3A_273, %dma_wait3A_274] : memref<1000000x64xf32, #tpu.memory_space<hbm>> -> memref<1000000x64xf32, #tpu.memory_space<hbm>>
      tpu.wait_indirect_dma semaphore(%arg10 : memref<!tpu.dma_semaphore, #tpu.memory_space<semaphore_mem>>) src(%dma_wait3A_275 : memref<1000000x64xf32, #tpu.memory_space<hbm>>) dst(%dma_wait3A_269 : memref<80x64xf32, #tpu.memory_space<vmem>>)
      %dma_wait3A_276 = arith.constant 6 : i32
      %dma_wait3A_277 = arith.constant 480 : i32
      %dma_wait3A_278 = arith.constant 0 : i32
      %dma_wait3A_279 = tpu.memref_slice %arg7[%dma_wait3A_277, %dma_wait3A_278] : memref<800x64xf32, #tpu.memory_space<vmem>> -> memref<80x64xf32, #tpu.memory_space<vmem>>
      %dma_wait3A_280 = arith.constant 0 : i32
      %dma_wait3A_281 = tpu.memref_slice %arg5[%dma_wait3A_276, %dma_wait3A_280] : memref<10x80xi32, #tpu.memory_space<vmem>> -> memref<1x80xi32, #tpu.memory_space<vmem>>
      %dma_wait3A_282 = tpu.memref_squeeze %dma_wait3A_281 : memref<1x80xi32, #tpu.memory_space<vmem>> -> memref<80xi32, #tpu.memory_space<vmem>>
      %dma_wait3A_283 = arith.constant 0 : i32
      %dma_wait3A_284 = arith.constant 0 : i32
      %dma_wait3A_285 = tpu.memref_slice %arg3[%dma_wait3A_283, %dma_wait3A_284] : memref<1000000x64xf32, #tpu.memory_space<hbm>> -> memref<1000000x64xf32, #tpu.memory_space<hbm>>
      tpu.wait_indirect_dma semaphore(%arg10 : memref<!tpu.dma_semaphore, #tpu.memory_space<semaphore_mem>>) src(%dma_wait3A_285 : memref<1000000x64xf32, #tpu.memory_space<hbm>>) dst(%dma_wait3A_279 : memref<80x64xf32, #tpu.memory_space<vmem>>)
      %dma_wait3A_286 = arith.constant 7 : i32
      %dma_wait3A_287 = arith.constant 560 : i32
      %dma_wait3A_288 = arith.constant 0 : i32
      %dma_wait3A_289 = tpu.memref_slice %arg7[%dma_wait3A_287, %dma_wait3A_288] : memref<800x64xf32, #tpu.memory_space<vmem>> -> memref<80x64xf32, #tpu.memory_space<vmem>>
      %dma_wait3A_290 = arith.constant 0 : i32
      %dma_wait3A_291 = tpu.memref_slice %arg5[%dma_wait3A_286, %dma_wait3A_290] : memref<10x80xi32, #tpu.memory_space<vmem>> -> memref<1x80xi32, #tpu.memory_space<vmem>>
      %dma_wait3A_292 = tpu.memref_squeeze %dma_wait3A_291 : memref<1x80xi32, #tpu.memory_space<vmem>> -> memref<80xi32, #tpu.memory_space<vmem>>
      %dma_wait3A_293 = arith.constant 0 : i32
      %dma_wait3A_294 = arith.constant 0 : i32
      %dma_wait3A_295 = tpu.memref_slice %arg3[%dma_wait3A_293, %dma_wait3A_294] : memref<1000000x64xf32, #tpu.memory_space<hbm>> -> memref<1000000x64xf32, #tpu.memory_space<hbm>>
      tpu.wait_indirect_dma semaphore(%arg10 : memref<!tpu.dma_semaphore, #tpu.memory_space<semaphore_mem>>) src(%dma_wait3A_295 : memref<1000000x64xf32, #tpu.memory_space<hbm>>) dst(%dma_wait3A_289 : memref<80x64xf32, #tpu.memory_space<vmem>>)
      %dma_wait3A_296 = arith.constant 8 : i32
      %dma_wait3A_297 = arith.constant 640 : i32
      %dma_wait3A_298 = arith.constant 0 : i32
      %dma_wait3A_299 = tpu.memref_slice %arg7[%dma_wait3A_297, %dma_wait3A_298] : memref<800x64xf32, #tpu.memory_space<vmem>> -> memref<80x64xf32, #tpu.memory_space<vmem>>
      %dma_wait3A_300 = arith.constant 0 : i32
      %dma_wait3A_301 = tpu.memref_slice %arg5[%dma_wait3A_296, %dma_wait3A_300] : memref<10x80xi32, #tpu.memory_space<vmem>> -> memref<1x80xi32, #tpu.memory_space<vmem>>
      %dma_wait3A_302 = tpu.memref_squeeze %dma_wait3A_301 : memref<1x80xi32, #tpu.memory_space<vmem>> -> memref<80xi32, #tpu.memory_space<vmem>>
      %dma_wait3A_303 = arith.constant 0 : i32
      %dma_wait3A_304 = arith.constant 0 : i32
      %dma_wait3A_305 = tpu.memref_slice %arg3[%dma_wait3A_303, %dma_wait3A_304] : memref<1000000x64xf32, #tpu.memory_space<hbm>> -> memref<1000000x64xf32, #tpu.memory_space<hbm>>
      tpu.wait_indirect_dma semaphore(%arg10 : memref<!tpu.dma_semaphore, #tpu.memory_space<semaphore_mem>>) src(%dma_wait3A_305 : memref<1000000x64xf32, #tpu.memory_space<hbm>>) dst(%dma_wait3A_299 : memref<80x64xf32, #tpu.memory_space<vmem>>)
      %dma_wait3A_306 = arith.constant 9 : i32
      %dma_wait3A_307 = arith.constant 720 : i32
      %dma_wait3A_308 = arith.constant 0 : i32
      %dma_wait3A_309 = tpu.memref_slice %arg7[%dma_wait3A_307, %dma_wait3A_308] : memref<800x64xf32, #tpu.memory_space<vmem>> -> memref<80x64xf32, #tpu.memory_space<vmem>>
      %dma_wait3A_310 = arith.constant 0 : i32
      %dma_wait3A_311 = tpu.memref_slice %arg5[%dma_wait3A_306, %dma_wait3A_310] : memref<10x80xi32, #tpu.memory_space<vmem>> -> memref<1x80xi32, #tpu.memory_space<vmem>>
      %dma_wait3A_312 = tpu.memref_squeeze %dma_wait3A_311 : memref<1x80xi32, #tpu.memory_space<vmem>> -> memref<80xi32, #tpu.memory_space<vmem>>
      %dma_wait3A_313 = arith.constant 0 : i32
      %dma_wait3A_314 = arith.constant 0 : i32
      %dma_wait3A_315 = tpu.memref_slice %arg3[%dma_wait3A_313, %dma_wait3A_314] : memref<1000000x64xf32, #tpu.memory_space<hbm>> -> memref<1000000x64xf32, #tpu.memory_space<hbm>>
      tpu.wait_indirect_dma semaphore(%arg10 : memref<!tpu.dma_semaphore, #tpu.memory_space<semaphore_mem>>) src(%dma_wait3A_315 : memref<1000000x64xf32, #tpu.memory_space<hbm>>) dst(%dma_wait3A_309 : memref<80x64xf32, #tpu.memory_space<vmem>>)
      %mul3A_316 = arith.constant 2 : i32
      %mul3A_317 = arith.muli %mul3A_316, %scan3A_109 : i32
      %mul3A_318 = arith.constant 32 : i32
      %mul3A_319 = arith.muli %add3A, %mul3A_318 : i32
      %add3A_320 = arith.addi %mul3A_319, %mul3A_317 : i32
      %scan3A_321 = arith.constant 0 : i32
      %scan3A_322 = arith.constant 0 : i32
      %scan3A_323 = arith.constant 16 : i32
      %scan3A_324 = arith.addi %scan3A_322, %scan3A_323 : i32
      %scan3A_325 = arith.constant 1 : i32
      scf.for %scan3A_442 = %scan3A_322 to %scan3A_324 step %scan3A_325  : i32 {
        %mul3A_443 = arith.constant 50 : i32
        %mul3A_444 = arith.muli %scan3A_442, %mul3A_443 : i32
        %get3A = arith.index_cast %mul3A_444 : i32 to index
        %get3A_445 = arith.constant 0 : index
        %get3A_446 = tpu.vector_load %arg7[%get3A, %get3A_445] {strides = array<i32>} : memref<800x64xf32, #tpu.memory_space<vmem>>, vector<1x16xf32>,
        %get3A_447 = vector.shape_cast %get3A_446 : vector<1x16xf32> to vector<16xf32>
        %get3A_448 = arith.index_cast %mul3A_444 : i32 to index
        %get3A_449 = arith.constant 16 : index
        %get3A_450 = tpu.vector_load %arg7[%get3A_448, %get3A_449] {strides = array<i32>} : memref<800x64xf32, #tpu.memory_space<vmem>>, vector<1x16xf32>,
        %get3A_451 = vector.shape_cast %get3A_450 : vector<1x16xf32> to vector<16xf32>
        %get3A_452 = arith.index_cast %mul3A_444 : i32 to index
        %get3A_453 = arith.constant 32 : index
        %get3A_454 = tpu.vector_load %arg7[%get3A_452, %get3A_453] {strides = array<i32>} : memref<800x64xf32, #tpu.memory_space<vmem>>, vector<1x16xf32>,
        %get3A_455 = vector.shape_cast %get3A_454 : vector<1x16xf32> to vector<16xf32>
        %get3A_456 = arith.index_cast %mul3A_444 : i32 to index
        %get3A_457 = arith.constant 48 : index
        %get3A_458 = tpu.vector_load %arg7[%get3A_456, %get3A_457] {strides = array<i32>} : memref<800x64xf32, #tpu.memory_space<vmem>>, vector<1x16xf32>,
        %get3A_459 = vector.shape_cast %get3A_458 : vector<1x16xf32> to vector<16xf32>
        %add3A_460 = arith.constant 1 : i32
        %add3A_461 = arith.addi %mul3A_444, %add3A_460 : i32
        %get3A_462 = arith.index_cast %add3A_461 : i32 to index
        %get3A_463 = arith.constant 0 : index
        %get3A_464 = tpu.vector_load %arg7[%get3A_462, %get3A_463] {strides = array<i32>} : memref<800x64xf32, #tpu.memory_space<vmem>>, vector<1x16xf32>,
        %get3A_465 = vector.shape_cast %get3A_464 : vector<1x16xf32> to vector<16xf32>
        %add3A_466 = arith.addf %get3A_447, %get3A_465 : vector<16xf32>
        %add3A_467 = arith.constant 1 : i32
        %add3A_468 = arith.addi %mul3A_444, %add3A_467 : i32
        %get3A_469 = arith.index_cast %add3A_468 : i32 to index
        %get3A_470 = arith.constant 16 : index
        %get3A_471 = tpu.vector_load %arg7[%get3A_469, %get3A_470] {strides = array<i32>} : memref<800x64xf32, #tpu.memory_space<vmem>>, vector<1x16xf32>,
        %get3A_472 = vector.shape_cast %get3A_471 : vector<1x16xf32> to vector<16xf32>
        %add3A_473 = arith.addf %get3A_451, %get3A_472 : vector<16xf32>
        %add3A_474 = arith.constant 1 : i32
        %add3A_475 = arith.addi %mul3A_444, %add3A_474 : i32
        %get3A_476 = arith.index_cast %add3A_475 : i32 to index
        %get3A_477 = arith.constant 32 : index
        %get3A_478 = tpu.vector_load %arg7[%get3A_476, %get3A_477] {strides = array<i32>} : memref<800x64xf32, #tpu.memory_space<vmem>>, vector<1x16xf32>,
        %get3A_479 = vector.shape_cast %get3A_478 : vector<1x16xf32> to vector<16xf32>
        %add3A_480 = arith.addf %get3A_455, %get3A_479 : vector<16xf32>
        %add3A_481 = arith.constant 1 : i32
        %add3A_482 = arith.addi %mul3A_444, %add3A_481 : i32
        %get3A_483 = arith.index_cast %add3A_482 : i32 to index
        %get3A_484 = arith.constant 48 : index
        %get3A_485 = tpu.vector_load %arg7[%get3A_483, %get3A_484] {strides = array<i32>} : memref<800x64xf32, #tpu.memory_space<vmem>>, vector<1x16xf32>,
        %get3A_486 = vector.shape_cast %get3A_485 : vector<1x16xf32> to vector<16xf32>
        %add3A_487 = arith.addf %get3A_459, %get3A_486 : vector<16xf32>
        %add3A_488 = arith.constant 2 : i32
        %add3A_489 = arith.addi %mul3A_444, %add3A_488 : i32
        %get3A_490 = arith.index_cast %add3A_489 : i32 to index
        %get3A_491 = arith.constant 0 : index
        %get3A_492 = tpu.vector_load %arg7[%get3A_490, %get3A_491] {strides = array<i32>} : memref<800x64xf32, #tpu.memory_space<vmem>>, vector<1x16xf32>,
        %get3A_493 = vector.shape_cast %get3A_492 : vector<1x16xf32> to vector<16xf32>
        %add3A_494 = arith.addf %add3A_466, %get3A_493 : vector<16xf32>
        %add3A_495 = arith.constant 2 : i32
        %add3A_496 = arith.addi %mul3A_444, %add3A_495 : i32
        %get3A_497 = arith.index_cast %add3A_496 : i32 to index
        %get3A_498 = arith.constant 16 : index
        %get3A_499 = tpu.vector_load %arg7[%get3A_497, %get3A_498] {strides = array<i32>} : memref<800x64xf32, #tpu.memory_space<vmem>>, vector<1x16xf32>,
        %get3A_500 = vector.shape_cast %get3A_499 : vector<1x16xf32> to vector<16xf32>
        %add3A_501 = arith.addf %add3A_473, %get3A_500 : vector<16xf32>
        %add3A_502 = arith.constant 2 : i32
        %add3A_503 = arith.addi %mul3A_444, %add3A_502 : i32
        %get3A_504 = arith.index_cast %add3A_503 : i32 to index
        %get3A_505 = arith.constant 32 : index
        %get3A_506 = tpu.vector_load %arg7[%get3A_504, %get3A_505] {strides = array<i32>} : memref<800x64xf32, #tpu.memory_space<vmem>>, vector<1x16xf32>,
        %get3A_507 = vector.shape_cast %get3A_506 : vector<1x16xf32> to vector<16xf32>
        %add3A_508 = arith.addf %add3A_480, %get3A_507 : vector<16xf32>
        %add3A_509 = arith.constant 2 : i32
        %add3A_510 = arith.addi %mul3A_444, %add3A_509 : i32
        %get3A_511 = arith.index_cast %add3A_510 : i32 to index
        %get3A_512 = arith.constant 48 : index
        %get3A_513 = tpu.vector_load %arg7[%get3A_511, %get3A_512] {strides = array<i32>} : memref<800x64xf32, #tpu.memory_space<vmem>>, vector<1x16xf32>,
        %get3A_514 = vector.shape_cast %get3A_513 : vector<1x16xf32> to vector<16xf32>
        %add3A_515 = arith.addf %add3A_487, %get3A_514 : vector<16xf32>
        %add3A_516 = arith.constant 3 : i32
        %add3A_517 = arith.addi %mul3A_444, %add3A_516 : i32
        %get3A_518 = arith.index_cast %add3A_517 : i32 to index
        %get3A_519 = arith.constant 0 : index
        %get3A_520 = tpu.vector_load %arg7[%get3A_518, %get3A_519] {strides = array<i32>} : memref<800x64xf32, #tpu.memory_space<vmem>>, vector<1x16xf32>,
        %get3A_521 = vector.shape_cast %get3A_520 : vector<1x16xf32> to vector<16xf32>
        %add3A_522 = arith.addf %add3A_494, %get3A_521 : vector<16xf32>
        %add3A_523 = arith.constant 3 : i32
        %add3A_524 = arith.addi %mul3A_444, %add3A_523 : i32
        %get3A_525 = arith.index_cast %add3A_524 : i32 to index
        %get3A_526 = arith.constant 16 : index
        %get3A_527 = tpu.vector_load %arg7[%get3A_525, %get3A_526] {strides = array<i32>} : memref<800x64xf32, #tpu.memory_space<vmem>>, vector<1x16xf32>,
        %get3A_528 = vector.shape_cast %get3A_527 : vector<1x16xf32> to vector<16xf32>
        %add3A_529 = arith.addf %add3A_501, %get3A_528 : vector<16xf32>
        %add3A_530 = arith.constant 3 : i32
        %add3A_531 = arith.addi %mul3A_444, %add3A_530 : i32
        %get3A_532 = arith.index_cast %add3A_531 : i32 to index
        %get3A_533 = arith.constant 32 : index
        %get3A_534 = tpu.vector_load %arg7[%get3A_532, %get3A_533] {strides = array<i32>} : memref<800x64xf32, #tpu.memory_space<vmem>>, vector<1x16xf32>,
        %get3A_535 = vector.shape_cast %get3A_534 : vector<1x16xf32> to vector<16xf32>
        %add3A_536 = arith.addf %add3A_508, %get3A_535 : vector<16xf32>
        %add3A_537 = arith.constant 3 : i32
        %add3A_538 = arith.addi %mul3A_444, %add3A_537 : i32
        %get3A_539 = arith.index_cast %add3A_538 : i32 to index
        %get3A_540 = arith.constant 48 : index
        %get3A_541 = tpu.vector_load %arg7[%get3A_539, %get3A_540] {strides = array<i32>} : memref<800x64xf32, #tpu.memory_space<vmem>>, vector<1x16xf32>,
        %get3A_542 = vector.shape_cast %get3A_541 : vector<1x16xf32> to vector<16xf32>
        %add3A_543 = arith.addf %add3A_515, %get3A_542 : vector<16xf32>
        %add3A_544 = arith.constant 4 : i32
        %add3A_545 = arith.addi %mul3A_444, %add3A_544 : i32
        %get3A_546 = arith.index_cast %add3A_545 : i32 to index
        %get3A_547 = arith.constant 0 : index
        %get3A_548 = tpu.vector_load %arg7[%get3A_546, %get3A_547] {strides = array<i32>} : memref<800x64xf32, #tpu.memory_space<vmem>>, vector<1x16xf32>,
        %get3A_549 = vector.shape_cast %get3A_548 : vector<1x16xf32> to vector<16xf32>
        %add3A_550 = arith.addf %add3A_522, %get3A_549 : vector<16xf32>
        %add3A_551 = arith.constant 4 : i32
        %add3A_552 = arith.addi %mul3A_444, %add3A_551 : i32
        %get3A_553 = arith.index_cast %add3A_552 : i32 to index
        %get3A_554 = arith.constant 16 : index
        %get3A_555 = tpu.vector_load %arg7[%get3A_553, %get3A_554] {strides = array<i32>} : memref<800x64xf32, #tpu.memory_space<vmem>>, vector<1x16xf32>,
        %get3A_556 = vector.shape_cast %get3A_555 : vector<1x16xf32> to vector<16xf32>
        %add3A_557 = arith.addf %add3A_529, %get3A_556 : vector<16xf32>
        %add3A_558 = arith.constant 4 : i32
        %add3A_559 = arith.addi %mul3A_444, %add3A_558 : i32
        %get3A_560 = arith.index_cast %add3A_559 : i32 to index
        %get3A_561 = arith.constant 32 : index
        %get3A_562 = tpu.vector_load %arg7[%get3A_560, %get3A_561] {strides = array<i32>} : memref<800x64xf32, #tpu.memory_space<vmem>>, vector<1x16xf32>,
        %get3A_563 = vector.shape_cast %get3A_562 : vector<1x16xf32> to vector<16xf32>
        %add3A_564 = arith.addf %add3A_536, %get3A_563 : vector<16xf32>
        %add3A_565 = arith.constant 4 : i32
        %add3A_566 = arith.addi %mul3A_444, %add3A_565 : i32
        %get3A_567 = arith.index_cast %add3A_566 : i32 to index
        %get3A_568 = arith.constant 48 : index
        %get3A_569 = tpu.vector_load %arg7[%get3A_567, %get3A_568] {strides = array<i32>} : memref<800x64xf32, #tpu.memory_space<vmem>>, vector<1x16xf32>,
        %get3A_570 = vector.shape_cast %get3A_569 : vector<1x16xf32> to vector<16xf32>
        %add3A_571 = arith.addf %add3A_543, %get3A_570 : vector<16xf32>
        %add3A_572 = arith.constant 5 : i32
        %add3A_573 = arith.addi %mul3A_444, %add3A_572 : i32
        %get3A_574 = arith.index_cast %add3A_573 : i32 to index
        %get3A_575 = arith.constant 0 : index
        %get3A_576 = tpu.vector_load %arg7[%get3A_574, %get3A_575] {strides = array<i32>} : memref<800x64xf32, #tpu.memory_space<vmem>>, vector<1x16xf32>,
        %get3A_577 = vector.shape_cast %get3A_576 : vector<1x16xf32> to vector<16xf32>
        %add3A_578 = arith.addf %add3A_550, %get3A_577 : vector<16xf32>
        %add3A_579 = arith.constant 5 : i32
        %add3A_580 = arith.addi %mul3A_444, %add3A_579 : i32
        %get3A_581 = arith.index_cast %add3A_580 : i32 to index
        %get3A_582 = arith.constant 16 : index
        %get3A_583 = tpu.vector_load %arg7[%get3A_581, %get3A_582] {strides = array<i32>} : memref<800x64xf32, #tpu.memory_space<vmem>>, vector<1x16xf32>,
        %get3A_584 = vector.shape_cast %get3A_583 : vector<1x16xf32> to vector<16xf32>
        %add3A_585 = arith.addf %add3A_557, %get3A_584 : vector<16xf32>
        %add3A_586 = arith.constant 5 : i32
        %add3A_587 = arith.addi %mul3A_444, %add3A_586 : i32
        %get3A_588 = arith.index_cast %add3A_587 : i32 to index
        %get3A_589 = arith.constant 32 : index
        %get3A_590 = tpu.vector_load %arg7[%get3A_588, %get3A_589] {strides = array<i32>} : memref<800x64xf32, #tpu.memory_space<vmem>>, vector<1x16xf32>,
        %get3A_591 = vector.shape_cast %get3A_590 : vector<1x16xf32> to vector<16xf32>
        %add3A_592 = arith.addf %add3A_564, %get3A_591 : vector<16xf32>
        %add3A_593 = arith.constant 5 : i32
        %add3A_594 = arith.addi %mul3A_444, %add3A_593 : i32
        %get3A_595 = arith.index_cast %add3A_594 : i32 to index
        %get3A_596 = arith.constant 48 : index
        %get3A_597 = tpu.vector_load %arg7[%get3A_595, %get3A_596] {strides = array<i32>} : memref<800x64xf32, #tpu.memory_space<vmem>>, vector<1x16xf32>,
        %get3A_598 = vector.shape_cast %get3A_597 : vector<1x16xf32> to vector<16xf32>
        %add3A_599 = arith.addf %add3A_571, %get3A_598 : vector<16xf32>
        %add3A_600 = arith.constant 6 : i32
        %add3A_601 = arith.addi %mul3A_444, %add3A_600 : i32
        %get3A_602 = arith.index_cast %add3A_601 : i32 to index
        %get3A_603 = arith.constant 0 : index
        %get3A_604 = tpu.vector_load %arg7[%get3A_602, %get3A_603] {strides = array<i32>} : memref<800x64xf32, #tpu.memory_space<vmem>>, vector<1x16xf32>,
        %get3A_605 = vector.shape_cast %get3A_604 : vector<1x16xf32> to vector<16xf32>
        %add3A_606 = arith.addf %add3A_578, %get3A_605 : vector<16xf32>
        %add3A_607 = arith.constant 6 : i32
        %add3A_608 = arith.addi %mul3A_444, %add3A_607 : i32
        %get3A_609 = arith.index_cast %add3A_608 : i32 to index
        %get3A_610 = arith.constant 16 : index
        %get3A_611 = tpu.vector_load %arg7[%get3A_609, %get3A_610] {strides = array<i32>} : memref<800x64xf32, #tpu.memory_space<vmem>>, vector<1x16xf32>,
        %get3A_612 = vector.shape_cast %get3A_611 : vector<1x16xf32> to vector<16xf32>
        %add3A_613 = arith.addf %add3A_585, %get3A_612 : vector<16xf32>
        %add3A_614 = arith.constant 6 : i32
        %add3A_615 = arith.addi %mul3A_444, %add3A_614 : i32
        %get3A_616 = arith.index_cast %add3A_615 : i32 to index
        %get3A_617 = arith.constant 32 : index
        %get3A_618 = tpu.vector_load %arg7[%get3A_616, %get3A_617] {strides = array<i32>} : memref<800x64xf32, #tpu.memory_space<vmem>>, vector<1x16xf32>,
        %get3A_619 = vector.shape_cast %get3A_618 : vector<1x16xf32> to vector<16xf32>
        %add3A_620 = arith.addf %add3A_592, %get3A_619 : vector<16xf32>
        %add3A_621 = arith.constant 6 : i32
        %add3A_622 = arith.addi %mul3A_444, %add3A_621 : i32
        %get3A_623 = arith.index_cast %add3A_622 : i32 to index
        %get3A_624 = arith.constant 48 : index
        %get3A_625 = tpu.vector_load %arg7[%get3A_623, %get3A_624] {strides = array<i32>} : memref<800x64xf32, #tpu.memory_space<vmem>>, vector<1x16xf32>,
        %get3A_626 = vector.shape_cast %get3A_625 : vector<1x16xf32> to vector<16xf32>
        %add3A_627 = arith.addf %add3A_599, %get3A_626 : vector<16xf32>
        %add3A_628 = arith.constant 7 : i32
        %add3A_629 = arith.addi %mul3A_444, %add3A_628 : i32
        %get3A_630 = arith.index_cast %add3A_629 : i32 to index
        %get3A_631 = arith.constant 0 : index
        %get3A_632 = tpu.vector_load %arg7[%get3A_630, %get3A_631] {strides = array<i32>} : memref<800x64xf32, #tpu.memory_space<vmem>>, vector<1x16xf32>,
        %get3A_633 = vector.shape_cast %get3A_632 : vector<1x16xf32> to vector<16xf32>
        %add3A_634 = arith.addf %add3A_606, %get3A_633 : vector<16xf32>
        %add3A_635 = arith.constant 7 : i32
        %add3A_636 = arith.addi %mul3A_444, %add3A_635 : i32
        %get3A_637 = arith.index_cast %add3A_636 : i32 to index
        %get3A_638 = arith.constant 16 : index
        %get3A_639 = tpu.vector_load %arg7[%get3A_637, %get3A_638] {strides = array<i32>} : memref<800x64xf32, #tpu.memory_space<vmem>>, vector<1x16xf32>,
        %get3A_640 = vector.shape_cast %get3A_639 : vector<1x16xf32> to vector<16xf32>
        %add3A_641 = arith.addf %add3A_613, %get3A_640 : vector<16xf32>
        %add3A_642 = arith.constant 7 : i32
        %add3A_643 = arith.addi %mul3A_444, %add3A_642 : i32
        %get3A_644 = arith.index_cast %add3A_643 : i32 to index
        %get3A_645 = arith.constant 32 : index
        %get3A_646 = tpu.vector_load %arg7[%get3A_644, %get3A_645] {strides = array<i32>} : memref<800x64xf32, #tpu.memory_space<vmem>>, vector<1x16xf32>,
        %get3A_647 = vector.shape_cast %get3A_646 : vector<1x16xf32> to vector<16xf32>
        %add3A_648 = arith.addf %add3A_620, %get3A_647 : vector<16xf32>
        %add3A_649 = arith.constant 7 : i32
        %add3A_650 = arith.addi %mul3A_444, %add3A_649 : i32
        %get3A_651 = arith.index_cast %add3A_650 : i32 to index
        %get3A_652 = arith.constant 48 : index
        %get3A_653 = tpu.vector_load %arg7[%get3A_651, %get3A_652] {strides = array<i32>} : memref<800x64xf32, #tpu.memory_space<vmem>>, vector<1x16xf32>,
        %get3A_654 = vector.shape_cast %get3A_653 : vector<1x16xf32> to vector<16xf32>
        %add3A_655 = arith.addf %add3A_627, %get3A_654 : vector<16xf32>
        %add3A_656 = arith.constant 8 : i32
        %add3A_657 = arith.addi %mul3A_444, %add3A_656 : i32
        %get3A_658 = arith.index_cast %add3A_657 : i32 to index
        %get3A_659 = arith.constant 0 : index
        %get3A_660 = tpu.vector_load %arg7[%get3A_658, %get3A_659] {strides = array<i32>} : memref<800x64xf32, #tpu.memory_space<vmem>>, vector<1x16xf32>,
        %get3A_661 = vector.shape_cast %get3A_660 : vector<1x16xf32> to vector<16xf32>
        %add3A_662 = arith.addf %add3A_634, %get3A_661 : vector<16xf32>
        %add3A_663 = arith.constant 8 : i32
        %add3A_664 = arith.addi %mul3A_444, %add3A_663 : i32
        %get3A_665 = arith.index_cast %add3A_664 : i32 to index
        %get3A_666 = arith.constant 16 : index
        %get3A_667 = tpu.vector_load %arg7[%get3A_665, %get3A_666] {strides = array<i32>} : memref<800x64xf32, #tpu.memory_space<vmem>>, vector<1x16xf32>,
        %get3A_668 = vector.shape_cast %get3A_667 : vector<1x16xf32> to vector<16xf32>
        %add3A_669 = arith.addf %add3A_641, %get3A_668 : vector<16xf32>
        %add3A_670 = arith.constant 8 : i32
        %add3A_671 = arith.addi %mul3A_444, %add3A_670 : i32
        %get3A_672 = arith.index_cast %add3A_671 : i32 to index
        %get3A_673 = arith.constant 32 : index
        %get3A_674 = tpu.vector_load %arg7[%get3A_672, %get3A_673] {strides = array<i32>} : memref<800x64xf32, #tpu.memory_space<vmem>>, vector<1x16xf32>,
        %get3A_675 = vector.shape_cast %get3A_674 : vector<1x16xf32> to vector<16xf32>
        %add3A_676 = arith.addf %add3A_648, %get3A_675 : vector<16xf32>
        %add3A_677 = arith.constant 8 : i32
        %add3A_678 = arith.addi %mul3A_444, %add3A_677 : i32
        %get3A_679 = arith.index_cast %add3A_678 : i32 to index
        %get3A_680 = arith.constant 48 : index
        %get3A_681 = tpu.vector_load %arg7[%get3A_679, %get3A_680] {strides = array<i32>} : memref<800x64xf32, #tpu.memory_space<vmem>>, vector<1x16xf32>,
        %get3A_682 = vector.shape_cast %get3A_681 : vector<1x16xf32> to vector<16xf32>
        %add3A_683 = arith.addf %add3A_655, %get3A_682 : vector<16xf32>
        %add3A_684 = arith.constant 9 : i32
        %add3A_685 = arith.addi %mul3A_444, %add3A_684 : i32
        %get3A_686 = arith.index_cast %add3A_685 : i32 to index
        %get3A_687 = arith.constant 0 : index
        %get3A_688 = tpu.vector_load %arg7[%get3A_686, %get3A_687] {strides = array<i32>} : memref<800x64xf32, #tpu.memory_space<vmem>>, vector<1x16xf32>,
        %get3A_689 = vector.shape_cast %get3A_688 : vector<1x16xf32> to vector<16xf32>
        %add3A_690 = arith.addf %add3A_662, %get3A_689 : vector<16xf32>
        %add3A_691 = arith.constant 9 : i32
        %add3A_692 = arith.addi %mul3A_444, %add3A_691 : i32
        %get3A_693 = arith.index_cast %add3A_692 : i32 to index
        %get3A_694 = arith.constant 16 : index
        %get3A_695 = tpu.vector_load %arg7[%get3A_693, %get3A_694] {strides = array<i32>} : memref<800x64xf32, #tpu.memory_space<vmem>>, vector<1x16xf32>,
        %get3A_696 = vector.shape_cast %get3A_695 : vector<1x16xf32> to vector<16xf32>
        %add3A_697 = arith.addf %add3A_669, %get3A_696 : vector<16xf32>
        %add3A_698 = arith.constant 9 : i32
        %add3A_699 = arith.addi %mul3A_444, %add3A_698 : i32
        %get3A_700 = arith.index_cast %add3A_699 : i32 to index
        %get3A_701 = arith.constant 32 : index
        %get3A_702 = tpu.vector_load %arg7[%get3A_700, %get3A_701] {strides = array<i32>} : memref<800x64xf32, #tpu.memory_space<vmem>>, vector<1x16xf32>,
        %get3A_703 = vector.shape_cast %get3A_702 : vector<1x16xf32> to vector<16xf32>
        %add3A_704 = arith.addf %add3A_676, %get3A_703 : vector<16xf32>
        %add3A_705 = arith.constant 9 : i32
        %add3A_706 = arith.addi %mul3A_444, %add3A_705 : i32
        %get3A_707 = arith.index_cast %add3A_706 : i32 to index
        %get3A_708 = arith.constant 48 : index
        %get3A_709 = tpu.vector_load %arg7[%get3A_707, %get3A_708] {strides = array<i32>} : memref<800x64xf32, #tpu.memory_space<vmem>>, vector<1x16xf32>,
        %get3A_710 = vector.shape_cast %get3A_709 : vector<1x16xf32> to vector<16xf32>
        %add3A_711 = arith.addf %add3A_683, %get3A_710 : vector<16xf32>
        %add3A_712 = arith.constant 10 : i32
        %add3A_713 = arith.addi %mul3A_444, %add3A_712 : i32
        %get3A_714 = arith.index_cast %add3A_713 : i32 to index
        %get3A_715 = arith.constant 0 : index
        %get3A_716 = tpu.vector_load %arg7[%get3A_714, %get3A_715] {strides = array<i32>} : memref<800x64xf32, #tpu.memory_space<vmem>>, vector<1x16xf32>,
        %get3A_717 = vector.shape_cast %get3A_716 : vector<1x16xf32> to vector<16xf32>
        %add3A_718 = arith.addf %add3A_690, %get3A_717 : vector<16xf32>
        %add3A_719 = arith.constant 10 : i32
        %add3A_720 = arith.addi %mul3A_444, %add3A_719 : i32
        %get3A_721 = arith.index_cast %add3A_720 : i32 to index
        %get3A_722 = arith.constant 16 : index
        %get3A_723 = tpu.vector_load %arg7[%get3A_721, %get3A_722] {strides = array<i32>} : memref<800x64xf32, #tpu.memory_space<vmem>>, vector<1x16xf32>,
        %get3A_724 = vector.shape_cast %get3A_723 : vector<1x16xf32> to vector<16xf32>
        %add3A_725 = arith.addf %add3A_697, %get3A_724 : vector<16xf32>
        %add3A_726 = arith.constant 10 : i32
        %add3A_727 = arith.addi %mul3A_444, %add3A_726 : i32
        %get3A_728 = arith.index_cast %add3A_727 : i32 to index
        %get3A_729 = arith.constant 32 : index
        %get3A_730 = tpu.vector_load %arg7[%get3A_728, %get3A_729] {strides = array<i32>} : memref<800x64xf32, #tpu.memory_space<vmem>>, vector<1x16xf32>,
        %get3A_731 = vector.shape_cast %get3A_730 : vector<1x16xf32> to vector<16xf32>
        %add3A_732 = arith.addf %add3A_704, %get3A_731 : vector<16xf32>
        %add3A_733 = arith.constant 10 : i32
        %add3A_734 = arith.addi %mul3A_444, %add3A_733 : i32
        %get3A_735 = arith.index_cast %add3A_734 : i32 to index
        %get3A_736 = arith.constant 48 : index
        %get3A_737 = tpu.vector_load %arg7[%get3A_735, %get3A_736] {strides = array<i32>} : memref<800x64xf32, #tpu.memory_space<vmem>>, vector<1x16xf32>,
        %get3A_738 = vector.shape_cast %get3A_737 : vector<1x16xf32> to vector<16xf32>
        %add3A_739 = arith.addf %add3A_711, %get3A_738 : vector<16xf32>
        %add3A_740 = arith.constant 11 : i32
        %add3A_741 = arith.addi %mul3A_444, %add3A_740 : i32
        %get3A_742 = arith.index_cast %add3A_741 : i32 to index
        %get3A_743 = arith.constant 0 : index
        %get3A_744 = tpu.vector_load %arg7[%get3A_742, %get3A_743] {strides = array<i32>} : memref<800x64xf32, #tpu.memory_space<vmem>>, vector<1x16xf32>,
        %get3A_745 = vector.shape_cast %get3A_744 : vector<1x16xf32> to vector<16xf32>
        %add3A_746 = arith.addf %add3A_718, %get3A_745 : vector<16xf32>
        %add3A_747 = arith.constant 11 : i32
        %add3A_748 = arith.addi %mul3A_444, %add3A_747 : i32
        %get3A_749 = arith.index_cast %add3A_748 : i32 to index
        %get3A_750 = arith.constant 16 : index
        %get3A_751 = tpu.vector_load %arg7[%get3A_749, %get3A_750] {strides = array<i32>} : memref<800x64xf32, #tpu.memory_space<vmem>>, vector<1x16xf32>,
        %get3A_752 = vector.shape_cast %get3A_751 : vector<1x16xf32> to vector<16xf32>
        %add3A_753 = arith.addf %add3A_725, %get3A_752 : vector<16xf32>
        %add3A_754 = arith.constant 11 : i32
        %add3A_755 = arith.addi %mul3A_444, %add3A_754 : i32
        %get3A_756 = arith.index_cast %add3A_755 : i32 to index
        %get3A_757 = arith.constant 32 : index
        %get3A_758 = tpu.vector_load %arg7[%get3A_756, %get3A_757] {strides = array<i32>} : memref<800x64xf32, #tpu.memory_space<vmem>>, vector<1x16xf32>,
        %get3A_759 = vector.shape_cast %get3A_758 : vector<1x16xf32> to vector<16xf32>
        %add3A_760 = arith.addf %add3A_732, %get3A_759 : vector<16xf32>
        %add3A_761 = arith.constant 11 : i32
        %add3A_762 = arith.addi %mul3A_444, %add3A_761 : i32
        %get3A_763 = arith.index_cast %add3A_762 : i32 to index
        %get3A_764 = arith.constant 48 : index
        %get3A_765 = tpu.vector_load %arg7[%get3A_763, %get3A_764] {strides = array<i32>} : memref<800x64xf32, #tpu.memory_space<vmem>>, vector<1x16xf32>,
        %get3A_766 = vector.shape_cast %get3A_765 : vector<1x16xf32> to vector<16xf32>
        %add3A_767 = arith.addf %add3A_739, %get3A_766 : vector<16xf32>
        %add3A_768 = arith.constant 12 : i32
        %add3A_769 = arith.addi %mul3A_444, %add3A_768 : i32
        %get3A_770 = arith.index_cast %add3A_769 : i32 to index
        %get3A_771 = arith.constant 0 : index
        %get3A_772 = tpu.vector_load %arg7[%get3A_770, %get3A_771] {strides = array<i32>} : memref<800x64xf32, #tpu.memory_space<vmem>>, vector<1x16xf32>,
        %get3A_773 = vector.shape_cast %get3A_772 : vector<1x16xf32> to vector<16xf32>
        %add3A_774 = arith.addf %add3A_746, %get3A_773 : vector<16xf32>
        %add3A_775 = arith.constant 12 : i32
        %add3A_776 = arith.addi %mul3A_444, %add3A_775 : i32
        %get3A_777 = arith.index_cast %add3A_776 : i32 to index
        %get3A_778 = arith.constant 16 : index
        %get3A_779 = tpu.vector_load %arg7[%get3A_777, %get3A_778] {strides = array<i32>} : memref<800x64xf32, #tpu.memory_space<vmem>>, vector<1x16xf32>,
        %get3A_780 = vector.shape_cast %get3A_779 : vector<1x16xf32> to vector<16xf32>
        %add3A_781 = arith.addf %add3A_753, %get3A_780 : vector<16xf32>
        %add3A_782 = arith.constant 12 : i32
        %add3A_783 = arith.addi %mul3A_444, %add3A_782 : i32
        %get3A_784 = arith.index_cast %add3A_783 : i32 to index
        %get3A_785 = arith.constant 32 : index
        %get3A_786 = tpu.vector_load %arg7[%get3A_784, %get3A_785] {strides = array<i32>} : memref<800x64xf32, #tpu.memory_space<vmem>>, vector<1x16xf32>,
        %get3A_787 = vector.shape_cast %get3A_786 : vector<1x16xf32> to vector<16xf32>
        %add3A_788 = arith.addf %add3A_760, %get3A_787 : vector<16xf32>
        %add3A_789 = arith.constant 12 : i32
        %add3A_790 = arith.addi %mul3A_444, %add3A_789 : i32
        %get3A_791 = arith.index_cast %add3A_790 : i32 to index
        %get3A_792 = arith.constant 48 : index
        %get3A_793 = tpu.vector_load %arg7[%get3A_791, %get3A_792] {strides = array<i32>} : memref<800x64xf32, #tpu.memory_space<vmem>>, vector<1x16xf32>,
        %get3A_794 = vector.shape_cast %get3A_793 : vector<1x16xf32> to vector<16xf32>
        %add3A_795 = arith.addf %add3A_767, %get3A_794 : vector<16xf32>
        %add3A_796 = arith.constant 13 : i32
        %add3A_797 = arith.addi %mul3A_444, %add3A_796 : i32
        %get3A_798 = arith.index_cast %add3A_797 : i32 to index
        %get3A_799 = arith.constant 0 : index
        %get3A_800 = tpu.vector_load %arg7[%get3A_798, %get3A_799] {strides = array<i32>} : memref<800x64xf32, #tpu.memory_space<vmem>>, vector<1x16xf32>,
        %get3A_801 = vector.shape_cast %get3A_800 : vector<1x16xf32> to vector<16xf32>
        %add3A_802 = arith.addf %add3A_774, %get3A_801 : vector<16xf32>
        %add3A_803 = arith.constant 13 : i32
        %add3A_804 = arith.addi %mul3A_444, %add3A_803 : i32
        %get3A_805 = arith.index_cast %add3A_804 : i32 to index
        %get3A_806 = arith.constant 16 : index
        %get3A_807 = tpu.vector_load %arg7[%get3A_805, %get3A_806] {strides = array<i32>} : memref<800x64xf32, #tpu.memory_space<vmem>>, vector<1x16xf32>,
        %get3A_808 = vector.shape_cast %get3A_807 : vector<1x16xf32> to vector<16xf32>
        %add3A_809 = arith.addf %add3A_781, %get3A_808 : vector<16xf32>
        %add3A_810 = arith.constant 13 : i32
        %add3A_811 = arith.addi %mul3A_444, %add3A_810 : i32
        %get3A_812 = arith.index_cast %add3A_811 : i32 to index
        %get3A_813 = arith.constant 32 : index
        %get3A_814 = tpu.vector_load %arg7[%get3A_812, %get3A_813] {strides = array<i32>} : memref<800x64xf32, #tpu.memory_space<vmem>>, vector<1x16xf32>,
        %get3A_815 = vector.shape_cast %get3A_814 : vector<1x16xf32> to vector<16xf32>
        %add3A_816 = arith.addf %add3A_788, %get3A_815 : vector<16xf32>
        %add3A_817 = arith.constant 13 : i32
        %add3A_818 = arith.addi %mul3A_444, %add3A_817 : i32
        %get3A_819 = arith.index_cast %add3A_818 : i32 to index
        %get3A_820 = arith.constant 48 : index
        %get3A_821 = tpu.vector_load %arg7[%get3A_819, %get3A_820] {strides = array<i32>} : memref<800x64xf32, #tpu.memory_space<vmem>>, vector<1x16xf32>,
        %get3A_822 = vector.shape_cast %get3A_821 : vector<1x16xf32> to vector<16xf32>
        %add3A_823 = arith.addf %add3A_795, %get3A_822 : vector<16xf32>
        %add3A_824 = arith.constant 14 : i32
        %add3A_825 = arith.addi %mul3A_444, %add3A_824 : i32
        %get3A_826 = arith.index_cast %add3A_825 : i32 to index
        %get3A_827 = arith.constant 0 : index
        %get3A_828 = tpu.vector_load %arg7[%get3A_826, %get3A_827] {strides = array<i32>} : memref<800x64xf32, #tpu.memory_space<vmem>>, vector<1x16xf32>,
        %get3A_829 = vector.shape_cast %get3A_828 : vector<1x16xf32> to vector<16xf32>
        %add3A_830 = arith.addf %add3A_802, %get3A_829 : vector<16xf32>
        %add3A_831 = arith.constant 14 : i32
        %add3A_832 = arith.addi %mul3A_444, %add3A_831 : i32
        %get3A_833 = arith.index_cast %add3A_832 : i32 to index
        %get3A_834 = arith.constant 16 : index
        %get3A_835 = tpu.vector_load %arg7[%get3A_833, %get3A_834] {strides = array<i32>} : memref<800x64xf32, #tpu.memory_space<vmem>>, vector<1x16xf32>,
        %get3A_836 = vector.shape_cast %get3A_835 : vector<1x16xf32> to vector<16xf32>
        %add3A_837 = arith.addf %add3A_809, %get3A_836 : vector<16xf32>
        %add3A_838 = arith.constant 14 : i32
        %add3A_839 = arith.addi %mul3A_444, %add3A_838 : i32
        %get3A_840 = arith.index_cast %add3A_839 : i32 to index
        %get3A_841 = arith.constant 32 : index
        %get3A_842 = tpu.vector_load %arg7[%get3A_840, %get3A_841] {strides = array<i32>} : memref<800x64xf32, #tpu.memory_space<vmem>>, vector<1x16xf32>,
        %get3A_843 = vector.shape_cast %get3A_842 : vector<1x16xf32> to vector<16xf32>
        %add3A_844 = arith.addf %add3A_816, %get3A_843 : vector<16xf32>
        %add3A_845 = arith.constant 14 : i32
        %add3A_846 = arith.addi %mul3A_444, %add3A_845 : i32
        %get3A_847 = arith.index_cast %add3A_846 : i32 to index
        %get3A_848 = arith.constant 48 : index
        %get3A_849 = tpu.vector_load %arg7[%get3A_847, %get3A_848] {strides = array<i32>} : memref<800x64xf32, #tpu.memory_space<vmem>>, vector<1x16xf32>,
        %get3A_850 = vector.shape_cast %get3A_849 : vector<1x16xf32> to vector<16xf32>
        %add3A_851 = arith.addf %add3A_823, %get3A_850 : vector<16xf32>
        %add3A_852 = arith.constant 15 : i32
        %add3A_853 = arith.addi %mul3A_444, %add3A_852 : i32
        %get3A_854 = arith.index_cast %add3A_853 : i32 to index
        %get3A_855 = arith.constant 0 : index
        %get3A_856 = tpu.vector_load %arg7[%get3A_854, %get3A_855] {strides = array<i32>} : memref<800x64xf32, #tpu.memory_space<vmem>>, vector<1x16xf32>,
        %get3A_857 = vector.shape_cast %get3A_856 : vector<1x16xf32> to vector<16xf32>
        %add3A_858 = arith.addf %add3A_830, %get3A_857 : vector<16xf32>
        %add3A_859 = arith.constant 15 : i32
        %add3A_860 = arith.addi %mul3A_444, %add3A_859 : i32
        %get3A_861 = arith.index_cast %add3A_860 : i32 to index
        %get3A_862 = arith.constant 16 : index
        %get3A_863 = tpu.vector_load %arg7[%get3A_861, %get3A_862] {strides = array<i32>} : memref<800x64xf32, #tpu.memory_space<vmem>>, vector<1x16xf32>,
        %get3A_864 = vector.shape_cast %get3A_863 : vector<1x16xf32> to vector<16xf32>
        %add3A_865 = arith.addf %add3A_837, %get3A_864 : vector<16xf32>
        %add3A_866 = arith.constant 15 : i32
        %add3A_867 = arith.addi %mul3A_444, %add3A_866 : i32
        %get3A_868 = arith.index_cast %add3A_867 : i32 to index
        %get3A_869 = arith.constant 32 : index
        %get3A_870 = tpu.vector_load %arg7[%get3A_868, %get3A_869] {strides = array<i32>} : memref<800x64xf32, #tpu.memory_space<vmem>>, vector<1x16xf32>,
        %get3A_871 = vector.shape_cast %get3A_870 : vector<1x16xf32> to vector<16xf32>
        %add3A_872 = arith.addf %add3A_844, %get3A_871 : vector<16xf32>
        %add3A_873 = arith.constant 15 : i32
        %add3A_874 = arith.addi %mul3A_444, %add3A_873 : i32
        %get3A_875 = arith.index_cast %add3A_874 : i32 to index
        %get3A_876 = arith.constant 48 : index
        %get3A_877 = tpu.vector_load %arg7[%get3A_875, %get3A_876] {strides = array<i32>} : memref<800x64xf32, #tpu.memory_space<vmem>>, vector<1x16xf32>,
        %get3A_878 = vector.shape_cast %get3A_877 : vector<1x16xf32> to vector<16xf32>
        %add3A_879 = arith.addf %add3A_851, %get3A_878 : vector<16xf32>
        %add3A_880 = arith.constant 16 : i32
        %add3A_881 = arith.addi %mul3A_444, %add3A_880 : i32
        %get3A_882 = arith.index_cast %add3A_881 : i32 to index
        %get3A_883 = arith.constant 0 : index
        %get3A_884 = tpu.vector_load %arg7[%get3A_882, %get3A_883] {strides = array<i32>} : memref<800x64xf32, #tpu.memory_space<vmem>>, vector<1x16xf32>,
        %get3A_885 = vector.shape_cast %get3A_884 : vector<1x16xf32> to vector<16xf32>
        %add3A_886 = arith.addf %add3A_858, %get3A_885 : vector<16xf32>
        %add3A_887 = arith.constant 16 : i32
        %add3A_888 = arith.addi %mul3A_444, %add3A_887 : i32
        %get3A_889 = arith.index_cast %add3A_888 : i32 to index
        %get3A_890 = arith.constant 16 : index
        %get3A_891 = tpu.vector_load %arg7[%get3A_889, %get3A_890] {strides = array<i32>} : memref<800x64xf32, #tpu.memory_space<vmem>>, vector<1x16xf32>,
        %get3A_892 = vector.shape_cast %get3A_891 : vector<1x16xf32> to vector<16xf32>
        %add3A_893 = arith.addf %add3A_865, %get3A_892 : vector<16xf32>
        %add3A_894 = arith.constant 16 : i32
        %add3A_895 = arith.addi %mul3A_444, %add3A_894 : i32
        %get3A_896 = arith.index_cast %add3A_895 : i32 to index
        %get3A_897 = arith.constant 32 : index
        %get3A_898 = tpu.vector_load %arg7[%get3A_896, %get3A_897] {strides = array<i32>} : memref<800x64xf32, #tpu.memory_space<vmem>>, vector<1x16xf32>,
        %get3A_899 = vector.shape_cast %get3A_898 : vector<1x16xf32> to vector<16xf32>
        %add3A_900 = arith.addf %add3A_872, %get3A_899 : vector<16xf32>
        %add3A_901 = arith.constant 16 : i32
        %add3A_902 = arith.addi %mul3A_444, %add3A_901 : i32
        %get3A_903 = arith.index_cast %add3A_902 : i32 to index
        %get3A_904 = arith.constant 48 : index
        %get3A_905 = tpu.vector_load %arg7[%get3A_903, %get3A_904] {strides = array<i32>} : memref<800x64xf32, #tpu.memory_space<vmem>>, vector<1x16xf32>,
        %get3A_906 = vector.shape_cast %get3A_905 : vector<1x16xf32> to vector<16xf32>
        %add3A_907 = arith.addf %add3A_879, %get3A_906 : vector<16xf32>
        %add3A_908 = arith.constant 17 : i32
        %add3A_909 = arith.addi %mul3A_444, %add3A_908 : i32
        %get3A_910 = arith.index_cast %add3A_909 : i32 to index
        %get3A_911 = arith.constant 0 : index
        %get3A_912 = tpu.vector_load %arg7[%get3A_910, %get3A_911] {strides = array<i32>} : memref<800x64xf32, #tpu.memory_space<vmem>>, vector<1x16xf32>,
        %get3A_913 = vector.shape_cast %get3A_912 : vector<1x16xf32> to vector<16xf32>
        %add3A_914 = arith.addf %add3A_886, %get3A_913 : vector<16xf32>
        %add3A_915 = arith.constant 17 : i32
        %add3A_916 = arith.addi %mul3A_444, %add3A_915 : i32
        %get3A_917 = arith.index_cast %add3A_916 : i32 to index
        %get3A_918 = arith.constant 16 : index
        %get3A_919 = tpu.vector_load %arg7[%get3A_917, %get3A_918] {strides = array<i32>} : memref<800x64xf32, #tpu.memory_space<vmem>>, vector<1x16xf32>,
        %get3A_920 = vector.shape_cast %get3A_919 : vector<1x16xf32> to vector<16xf32>
        %add3A_921 = arith.addf %add3A_893, %get3A_920 : vector<16xf32>
        %add3A_922 = arith.constant 17 : i32
        %add3A_923 = arith.addi %mul3A_444, %add3A_922 : i32
        %get3A_924 = arith.index_cast %add3A_923 : i32 to index
        %get3A_925 = arith.constant 32 : index
        %get3A_926 = tpu.vector_load %arg7[%get3A_924, %get3A_925] {strides = array<i32>} : memref<800x64xf32, #tpu.memory_space<vmem>>, vector<1x16xf32>,
        %get3A_927 = vector.shape_cast %get3A_926 : vector<1x16xf32> to vector<16xf32>
        %add3A_928 = arith.addf %add3A_900, %get3A_927 : vector<16xf32>
        %add3A_929 = arith.constant 17 : i32
        %add3A_930 = arith.addi %mul3A_444, %add3A_929 : i32
        %get3A_931 = arith.index_cast %add3A_930 : i32 to index
        %get3A_932 = arith.constant 48 : index
        %get3A_933 = tpu.vector_load %arg7[%get3A_931, %get3A_932] {strides = array<i32>} : memref<800x64xf32, #tpu.memory_space<vmem>>, vector<1x16xf32>,
        %get3A_934 = vector.shape_cast %get3A_933 : vector<1x16xf32> to vector<16xf32>
        %add3A_935 = arith.addf %add3A_907, %get3A_934 : vector<16xf32>
        %add3A_936 = arith.constant 18 : i32
        %add3A_937 = arith.addi %mul3A_444, %add3A_936 : i32
        %get3A_938 = arith.index_cast %add3A_937 : i32 to index
        %get3A_939 = arith.constant 0 : index
        %get3A_940 = tpu.vector_load %arg7[%get3A_938, %get3A_939] {strides = array<i32>} : memref<800x64xf32, #tpu.memory_space<vmem>>, vector<1x16xf32>,
        %get3A_941 = vector.shape_cast %get3A_940 : vector<1x16xf32> to vector<16xf32>
        %add3A_942 = arith.addf %add3A_914, %get3A_941 : vector<16xf32>
        %add3A_943 = arith.constant 18 : i32
        %add3A_944 = arith.addi %mul3A_444, %add3A_943 : i32
        %get3A_945 = arith.index_cast %add3A_944 : i32 to index
        %get3A_946 = arith.constant 16 : index
        %get3A_947 = tpu.vector_load %arg7[%get3A_945, %get3A_946] {strides = array<i32>} : memref<800x64xf32, #tpu.memory_space<vmem>>, vector<1x16xf32>,
        %get3A_948 = vector.shape_cast %get3A_947 : vector<1x16xf32> to vector<16xf32>
        %add3A_949 = arith.addf %add3A_921, %get3A_948 : vector<16xf32>
        %add3A_950 = arith.constant 18 : i32
        %add3A_951 = arith.addi %mul3A_444, %add3A_950 : i32
        %get3A_952 = arith.index_cast %add3A_951 : i32 to index
        %get3A_953 = arith.constant 32 : index
        %get3A_954 = tpu.vector_load %arg7[%get3A_952, %get3A_953] {strides = array<i32>} : memref<800x64xf32, #tpu.memory_space<vmem>>, vector<1x16xf32>,
        %get3A_955 = vector.shape_cast %get3A_954 : vector<1x16xf32> to vector<16xf32>
        %add3A_956 = arith.addf %add3A_928, %get3A_955 : vector<16xf32>
        %add3A_957 = arith.constant 18 : i32
        %add3A_958 = arith.addi %mul3A_444, %add3A_957 : i32
        %get3A_959 = arith.index_cast %add3A_958 : i32 to index
        %get3A_960 = arith.constant 48 : index
        %get3A_961 = tpu.vector_load %arg7[%get3A_959, %get3A_960] {strides = array<i32>} : memref<800x64xf32, #tpu.memory_space<vmem>>, vector<1x16xf32>,
        %get3A_962 = vector.shape_cast %get3A_961 : vector<1x16xf32> to vector<16xf32>
        %add3A_963 = arith.addf %add3A_935, %get3A_962 : vector<16xf32>
        %add3A_964 = arith.constant 19 : i32
        %add3A_965 = arith.addi %mul3A_444, %add3A_964 : i32
        %get3A_966 = arith.index_cast %add3A_965 : i32 to index
        %get3A_967 = arith.constant 0 : index
        %get3A_968 = tpu.vector_load %arg7[%get3A_966, %get3A_967] {strides = array<i32>} : memref<800x64xf32, #tpu.memory_space<vmem>>, vector<1x16xf32>,
        %get3A_969 = vector.shape_cast %get3A_968 : vector<1x16xf32> to vector<16xf32>
        %add3A_970 = arith.addf %add3A_942, %get3A_969 : vector<16xf32>
        %add3A_971 = arith.constant 19 : i32
        %add3A_972 = arith.addi %mul3A_444, %add3A_971 : i32
        %get3A_973 = arith.index_cast %add3A_972 : i32 to index
        %get3A_974 = arith.constant 16 : index
        %get3A_975 = tpu.vector_load %arg7[%get3A_973, %get3A_974] {strides = array<i32>} : memref<800x64xf32, #tpu.memory_space<vmem>>, vector<1x16xf32>,
        %get3A_976 = vector.shape_cast %get3A_975 : vector<1x16xf32> to vector<16xf32>
        %add3A_977 = arith.addf %add3A_949, %get3A_976 : vector<16xf32>
        %add3A_978 = arith.constant 19 : i32
        %add3A_979 = arith.addi %mul3A_444, %add3A_978 : i32
        %get3A_980 = arith.index_cast %add3A_979 : i32 to index
        %get3A_981 = arith.constant 32 : index
        %get3A_982 = tpu.vector_load %arg7[%get3A_980, %get3A_981] {strides = array<i32>} : memref<800x64xf32, #tpu.memory_space<vmem>>, vector<1x16xf32>,
        %get3A_983 = vector.shape_cast %get3A_982 : vector<1x16xf32> to vector<16xf32>
        %add3A_984 = arith.addf %add3A_956, %get3A_983 : vector<16xf32>
        %add3A_985 = arith.constant 19 : i32
        %add3A_986 = arith.addi %mul3A_444, %add3A_985 : i32
        %get3A_987 = arith.index_cast %add3A_986 : i32 to index
        %get3A_988 = arith.constant 48 : index
        %get3A_989 = tpu.vector_load %arg7[%get3A_987, %get3A_988] {strides = array<i32>} : memref<800x64xf32, #tpu.memory_space<vmem>>, vector<1x16xf32>,
        %get3A_990 = vector.shape_cast %get3A_989 : vector<1x16xf32> to vector<16xf32>
        %add3A_991 = arith.addf %add3A_963, %get3A_990 : vector<16xf32>
        %add3A_992 = arith.constant 20 : i32
        %add3A_993 = arith.addi %mul3A_444, %add3A_992 : i32
        %get3A_994 = arith.index_cast %add3A_993 : i32 to index
        %get3A_995 = arith.constant 0 : index
        %get3A_996 = tpu.vector_load %arg7[%get3A_994, %get3A_995] {strides = array<i32>} : memref<800x64xf32, #tpu.memory_space<vmem>>, vector<1x16xf32>,
        %get3A_997 = vector.shape_cast %get3A_996 : vector<1x16xf32> to vector<16xf32>
        %add3A_998 = arith.addf %add3A_970, %get3A_997 : vector<16xf32>
        %add3A_999 = arith.constant 20 : i32
        %add3A_1000 = arith.addi %mul3A_444, %add3A_999 : i32
        %get3A_1001 = arith.index_cast %add3A_1000 : i32 to index
        %get3A_1002 = arith.constant 16 : index
        %get3A_1003 = tpu.vector_load %arg7[%get3A_1001, %get3A_1002] {strides = array<i32>} : memref<800x64xf32, #tpu.memory_space<vmem>>, vector<1x16xf32>,
        %get3A_1004 = vector.shape_cast %get3A_1003 : vector<1x16xf32> to vector<16xf32>
        %add3A_1005 = arith.addf %add3A_977, %get3A_1004 : vector<16xf32>
        %add3A_1006 = arith.constant 20 : i32
        %add3A_1007 = arith.addi %mul3A_444, %add3A_1006 : i32
        %get3A_1008 = arith.index_cast %add3A_1007 : i32 to index
        %get3A_1009 = arith.constant 32 : index
        %get3A_1010 = tpu.vector_load %arg7[%get3A_1008, %get3A_1009] {strides = array<i32>} : memref<800x64xf32, #tpu.memory_space<vmem>>, vector<1x16xf32>,
        %get3A_1011 = vector.shape_cast %get3A_1010 : vector<1x16xf32> to vector<16xf32>
        %add3A_1012 = arith.addf %add3A_984, %get3A_1011 : vector<16xf32>
        %add3A_1013 = arith.constant 20 : i32
        %add3A_1014 = arith.addi %mul3A_444, %add3A_1013 : i32
        %get3A_1015 = arith.index_cast %add3A_1014 : i32 to index
        %get3A_1016 = arith.constant 48 : index
        %get3A_1017 = tpu.vector_load %arg7[%get3A_1015, %get3A_1016] {strides = array<i32>} : memref<800x64xf32, #tpu.memory_space<vmem>>, vector<1x16xf32>,
        %get3A_1018 = vector.shape_cast %get3A_1017 : vector<1x16xf32> to vector<16xf32>
        %add3A_1019 = arith.addf %add3A_991, %get3A_1018 : vector<16xf32>
        %add3A_1020 = arith.constant 21 : i32
        %add3A_1021 = arith.addi %mul3A_444, %add3A_1020 : i32
        %get3A_1022 = arith.index_cast %add3A_1021 : i32 to index
        %get3A_1023 = arith.constant 0 : index
        %get3A_1024 = tpu.vector_load %arg7[%get3A_1022, %get3A_1023] {strides = array<i32>} : memref<800x64xf32, #tpu.memory_space<vmem>>, vector<1x16xf32>,
        %get3A_1025 = vector.shape_cast %get3A_1024 : vector<1x16xf32> to vector<16xf32>
        %add3A_1026 = arith.addf %add3A_998, %get3A_1025 : vector<16xf32>
        %add3A_1027 = arith.constant 21 : i32
        %add3A_1028 = arith.addi %mul3A_444, %add3A_1027 : i32
        %get3A_1029 = arith.index_cast %add3A_1028 : i32 to index
        %get3A_1030 = arith.constant 16 : index
        %get3A_1031 = tpu.vector_load %arg7[%get3A_1029, %get3A_1030] {strides = array<i32>} : memref<800x64xf32, #tpu.memory_space<vmem>>, vector<1x16xf32>,
        %get3A_1032 = vector.shape_cast %get3A_1031 : vector<1x16xf32> to vector<16xf32>
        %add3A_1033 = arith.addf %add3A_1005, %get3A_1032 : vector<16xf32>
        %add3A_1034 = arith.constant 21 : i32
        %add3A_1035 = arith.addi %mul3A_444, %add3A_1034 : i32
        %get3A_1036 = arith.index_cast %add3A_1035 : i32 to index
        %get3A_1037 = arith.constant 32 : index
        %get3A_1038 = tpu.vector_load %arg7[%get3A_1036, %get3A_1037] {strides = array<i32>} : memref<800x64xf32, #tpu.memory_space<vmem>>, vector<1x16xf32>,
        %get3A_1039 = vector.shape_cast %get3A_1038 : vector<1x16xf32> to vector<16xf32>
        %add3A_1040 = arith.addf %add3A_1012, %get3A_1039 : vector<16xf32>
        %add3A_1041 = arith.constant 21 : i32
        %add3A_1042 = arith.addi %mul3A_444, %add3A_1041 : i32
        %get3A_1043 = arith.index_cast %add3A_1042 : i32 to index
        %get3A_1044 = arith.constant 48 : index
        %get3A_1045 = tpu.vector_load %arg7[%get3A_1043, %get3A_1044] {strides = array<i32>} : memref<800x64xf32, #tpu.memory_space<vmem>>, vector<1x16xf32>,
        %get3A_1046 = vector.shape_cast %get3A_1045 : vector<1x16xf32> to vector<16xf32>
        %add3A_1047 = arith.addf %add3A_1019, %get3A_1046 : vector<16xf32>
        %add3A_1048 = arith.constant 22 : i32
        %add3A_1049 = arith.addi %mul3A_444, %add3A_1048 : i32
        %get3A_1050 = arith.index_cast %add3A_1049 : i32 to index
        %get3A_1051 = arith.constant 0 : index
        %get3A_1052 = tpu.vector_load %arg7[%get3A_1050, %get3A_1051] {strides = array<i32>} : memref<800x64xf32, #tpu.memory_space<vmem>>, vector<1x16xf32>,
        %get3A_1053 = vector.shape_cast %get3A_1052 : vector<1x16xf32> to vector<16xf32>
        %add3A_1054 = arith.addf %add3A_1026, %get3A_1053 : vector<16xf32>
        %add3A_1055 = arith.constant 22 : i32
        %add3A_1056 = arith.addi %mul3A_444, %add3A_1055 : i32
        %get3A_1057 = arith.index_cast %add3A_1056 : i32 to index
        %get3A_1058 = arith.constant 16 : index
        %get3A_1059 = tpu.vector_load %arg7[%get3A_1057, %get3A_1058] {strides = array<i32>} : memref<800x64xf32, #tpu.memory_space<vmem>>, vector<1x16xf32>,
        %get3A_1060 = vector.shape_cast %get3A_1059 : vector<1x16xf32> to vector<16xf32>
        %add3A_1061 = arith.addf %add3A_1033, %get3A_1060 : vector<16xf32>
        %add3A_1062 = arith.constant 22 : i32
        %add3A_1063 = arith.addi %mul3A_444, %add3A_1062 : i32
        %get3A_1064 = arith.index_cast %add3A_1063 : i32 to index
        %get3A_1065 = arith.constant 32 : index
        %get3A_1066 = tpu.vector_load %arg7[%get3A_1064, %get3A_1065] {strides = array<i32>} : memref<800x64xf32, #tpu.memory_space<vmem>>, vector<1x16xf32>,
        %get3A_1067 = vector.shape_cast %get3A_1066 : vector<1x16xf32> to vector<16xf32>
        %add3A_1068 = arith.addf %add3A_1040, %get3A_1067 : vector<16xf32>
        %add3A_1069 = arith.constant 22 : i32
        %add3A_1070 = arith.addi %mul3A_444, %add3A_1069 : i32
        %get3A_1071 = arith.index_cast %add3A_1070 : i32 to index
        %get3A_1072 = arith.constant 48 : index
        %get3A_1073 = tpu.vector_load %arg7[%get3A_1071, %get3A_1072] {strides = array<i32>} : memref<800x64xf32, #tpu.memory_space<vmem>>, vector<1x16xf32>,
        %get3A_1074 = vector.shape_cast %get3A_1073 : vector<1x16xf32> to vector<16xf32>
        %add3A_1075 = arith.addf %add3A_1047, %get3A_1074 : vector<16xf32>
        %add3A_1076 = arith.constant 23 : i32
        %add3A_1077 = arith.addi %mul3A_444, %add3A_1076 : i32
        %get3A_1078 = arith.index_cast %add3A_1077 : i32 to index
        %get3A_1079 = arith.constant 0 : index
        %get3A_1080 = tpu.vector_load %arg7[%get3A_1078, %get3A_1079] {strides = array<i32>} : memref<800x64xf32, #tpu.memory_space<vmem>>, vector<1x16xf32>,
        %get3A_1081 = vector.shape_cast %get3A_1080 : vector<1x16xf32> to vector<16xf32>
        %add3A_1082 = arith.addf %add3A_1054, %get3A_1081 : vector<16xf32>
        %add3A_1083 = arith.constant 23 : i32
        %add3A_1084 = arith.addi %mul3A_444, %add3A_1083 : i32
        %get3A_1085 = arith.index_cast %add3A_1084 : i32 to index
        %get3A_1086 = arith.constant 16 : index
        %get3A_1087 = tpu.vector_load %arg7[%get3A_1085, %get3A_1086] {strides = array<i32>} : memref<800x64xf32, #tpu.memory_space<vmem>>, vector<1x16xf32>,
        %get3A_1088 = vector.shape_cast %get3A_1087 : vector<1x16xf32> to vector<16xf32>
        %add3A_1089 = arith.addf %add3A_1061, %get3A_1088 : vector<16xf32>
        %add3A_1090 = arith.constant 23 : i32
        %add3A_1091 = arith.addi %mul3A_444, %add3A_1090 : i32
        %get3A_1092 = arith.index_cast %add3A_1091 : i32 to index
        %get3A_1093 = arith.constant 32 : index
        %get3A_1094 = tpu.vector_load %arg7[%get3A_1092, %get3A_1093] {strides = array<i32>} : memref<800x64xf32, #tpu.memory_space<vmem>>, vector<1x16xf32>,
        %get3A_1095 = vector.shape_cast %get3A_1094 : vector<1x16xf32> to vector<16xf32>
        %add3A_1096 = arith.addf %add3A_1068, %get3A_1095 : vector<16xf32>
        %add3A_1097 = arith.constant 23 : i32
        %add3A_1098 = arith.addi %mul3A_444, %add3A_1097 : i32
        %get3A_1099 = arith.index_cast %add3A_1098 : i32 to index
        %get3A_1100 = arith.constant 48 : index
        %get3A_1101 = tpu.vector_load %arg7[%get3A_1099, %get3A_1100] {strides = array<i32>} : memref<800x64xf32, #tpu.memory_space<vmem>>, vector<1x16xf32>,
        %get3A_1102 = vector.shape_cast %get3A_1101 : vector<1x16xf32> to vector<16xf32>
        %add3A_1103 = arith.addf %add3A_1075, %get3A_1102 : vector<16xf32>
        %add3A_1104 = arith.constant 24 : i32
        %add3A_1105 = arith.addi %mul3A_444, %add3A_1104 : i32
        %get3A_1106 = arith.index_cast %add3A_1105 : i32 to index
        %get3A_1107 = arith.constant 0 : index
        %get3A_1108 = tpu.vector_load %arg7[%get3A_1106, %get3A_1107] {strides = array<i32>} : memref<800x64xf32, #tpu.memory_space<vmem>>, vector<1x16xf32>,
        %get3A_1109 = vector.shape_cast %get3A_1108 : vector<1x16xf32> to vector<16xf32>
        %add3A_1110 = arith.addf %add3A_1082, %get3A_1109 : vector<16xf32>
        %add3A_1111 = arith.constant 24 : i32
        %add3A_1112 = arith.addi %mul3A_444, %add3A_1111 : i32
        %get3A_1113 = arith.index_cast %add3A_1112 : i32 to index
        %get3A_1114 = arith.constant 16 : index
        %get3A_1115 = tpu.vector_load %arg7[%get3A_1113, %get3A_1114] {strides = array<i32>} : memref<800x64xf32, #tpu.memory_space<vmem>>, vector<1x16xf32>,
        %get3A_1116 = vector.shape_cast %get3A_1115 : vector<1x16xf32> to vector<16xf32>
        %add3A_1117 = arith.addf %add3A_1089, %get3A_1116 : vector<16xf32>
        %add3A_1118 = arith.constant 24 : i32
        %add3A_1119 = arith.addi %mul3A_444, %add3A_1118 : i32
        %get3A_1120 = arith.index_cast %add3A_1119 : i32 to index
        %get3A_1121 = arith.constant 32 : index
        %get3A_1122 = tpu.vector_load %arg7[%get3A_1120, %get3A_1121] {strides = array<i32>} : memref<800x64xf32, #tpu.memory_space<vmem>>, vector<1x16xf32>,
        %get3A_1123 = vector.shape_cast %get3A_1122 : vector<1x16xf32> to vector<16xf32>
        %add3A_1124 = arith.addf %add3A_1096, %get3A_1123 : vector<16xf32>
        %add3A_1125 = arith.constant 24 : i32
        %add3A_1126 = arith.addi %mul3A_444, %add3A_1125 : i32
        %get3A_1127 = arith.index_cast %add3A_1126 : i32 to index
        %get3A_1128 = arith.constant 48 : index
        %get3A_1129 = tpu.vector_load %arg7[%get3A_1127, %get3A_1128] {strides = array<i32>} : memref<800x64xf32, #tpu.memory_space<vmem>>, vector<1x16xf32>,
        %get3A_1130 = vector.shape_cast %get3A_1129 : vector<1x16xf32> to vector<16xf32>
        %add3A_1131 = arith.addf %add3A_1103, %get3A_1130 : vector<16xf32>
        %add3A_1132 = arith.constant 25 : i32
        %add3A_1133 = arith.addi %mul3A_444, %add3A_1132 : i32
        %get3A_1134 = arith.index_cast %add3A_1133 : i32 to index
        %get3A_1135 = arith.constant 0 : index
        %get3A_1136 = tpu.vector_load %arg7[%get3A_1134, %get3A_1135] {strides = array<i32>} : memref<800x64xf32, #tpu.memory_space<vmem>>, vector<1x16xf32>,
        %get3A_1137 = vector.shape_cast %get3A_1136 : vector<1x16xf32> to vector<16xf32>
        %add3A_1138 = arith.addf %add3A_1110, %get3A_1137 : vector<16xf32>
        %add3A_1139 = arith.constant 25 : i32
        %add3A_1140 = arith.addi %mul3A_444, %add3A_1139 : i32
        %get3A_1141 = arith.index_cast %add3A_1140 : i32 to index
        %get3A_1142 = arith.constant 16 : index
        %get3A_1143 = tpu.vector_load %arg7[%get3A_1141, %get3A_1142] {strides = array<i32>} : memref<800x64xf32, #tpu.memory_space<vmem>>, vector<1x16xf32>,
        %get3A_1144 = vector.shape_cast %get3A_1143 : vector<1x16xf32> to vector<16xf32>
        %add3A_1145 = arith.addf %add3A_1117, %get3A_1144 : vector<16xf32>
        %add3A_1146 = arith.constant 25 : i32
        %add3A_1147 = arith.addi %mul3A_444, %add3A_1146 : i32
        %get3A_1148 = arith.index_cast %add3A_1147 : i32 to index
        %get3A_1149 = arith.constant 32 : index
        %get3A_1150 = tpu.vector_load %arg7[%get3A_1148, %get3A_1149] {strides = array<i32>} : memref<800x64xf32, #tpu.memory_space<vmem>>, vector<1x16xf32>,
        %get3A_1151 = vector.shape_cast %get3A_1150 : vector<1x16xf32> to vector<16xf32>
        %add3A_1152 = arith.addf %add3A_1124, %get3A_1151 : vector<16xf32>
        %add3A_1153 = arith.constant 25 : i32
        %add3A_1154 = arith.addi %mul3A_444, %add3A_1153 : i32
        %get3A_1155 = arith.index_cast %add3A_1154 : i32 to index
        %get3A_1156 = arith.constant 48 : index
        %get3A_1157 = tpu.vector_load %arg7[%get3A_1155, %get3A_1156] {strides = array<i32>} : memref<800x64xf32, #tpu.memory_space<vmem>>, vector<1x16xf32>,
        %get3A_1158 = vector.shape_cast %get3A_1157 : vector<1x16xf32> to vector<16xf32>
        %add3A_1159 = arith.addf %add3A_1131, %get3A_1158 : vector<16xf32>
        %add3A_1160 = arith.constant 26 : i32
        %add3A_1161 = arith.addi %mul3A_444, %add3A_1160 : i32
        %get3A_1162 = arith.index_cast %add3A_1161 : i32 to index
        %get3A_1163 = arith.constant 0 : index
        %get3A_1164 = tpu.vector_load %arg7[%get3A_1162, %get3A_1163] {strides = array<i32>} : memref<800x64xf32, #tpu.memory_space<vmem>>, vector<1x16xf32>,
        %get3A_1165 = vector.shape_cast %get3A_1164 : vector<1x16xf32> to vector<16xf32>
        %add3A_1166 = arith.addf %add3A_1138, %get3A_1165 : vector<16xf32>
        %add3A_1167 = arith.constant 26 : i32
        %add3A_1168 = arith.addi %mul3A_444, %add3A_1167 : i32
        %get3A_1169 = arith.index_cast %add3A_1168 : i32 to index
        %get3A_1170 = arith.constant 16 : index
        %get3A_1171 = tpu.vector_load %arg7[%get3A_1169, %get3A_1170] {strides = array<i32>} : memref<800x64xf32, #tpu.memory_space<vmem>>, vector<1x16xf32>,
        %get3A_1172 = vector.shape_cast %get3A_1171 : vector<1x16xf32> to vector<16xf32>
        %add3A_1173 = arith.addf %add3A_1145, %get3A_1172 : vector<16xf32>
        %add3A_1174 = arith.constant 26 : i32
        %add3A_1175 = arith.addi %mul3A_444, %add3A_1174 : i32
        %get3A_1176 = arith.index_cast %add3A_1175 : i32 to index
        %get3A_1177 = arith.constant 32 : index
        %get3A_1178 = tpu.vector_load %arg7[%get3A_1176, %get3A_1177] {strides = array<i32>} : memref<800x64xf32, #tpu.memory_space<vmem>>, vector<1x16xf32>,
        %get3A_1179 = vector.shape_cast %get3A_1178 : vector<1x16xf32> to vector<16xf32>
        %add3A_1180 = arith.addf %add3A_1152, %get3A_1179 : vector<16xf32>
        %add3A_1181 = arith.constant 26 : i32
        %add3A_1182 = arith.addi %mul3A_444, %add3A_1181 : i32
        %get3A_1183 = arith.index_cast %add3A_1182 : i32 to index
        %get3A_1184 = arith.constant 48 : index
        %get3A_1185 = tpu.vector_load %arg7[%get3A_1183, %get3A_1184] {strides = array<i32>} : memref<800x64xf32, #tpu.memory_space<vmem>>, vector<1x16xf32>,
        %get3A_1186 = vector.shape_cast %get3A_1185 : vector<1x16xf32> to vector<16xf32>
        %add3A_1187 = arith.addf %add3A_1159, %get3A_1186 : vector<16xf32>
        %add3A_1188 = arith.constant 27 : i32
        %add3A_1189 = arith.addi %mul3A_444, %add3A_1188 : i32
        %get3A_1190 = arith.index_cast %add3A_1189 : i32 to index
        %get3A_1191 = arith.constant 0 : index
        %get3A_1192 = tpu.vector_load %arg7[%get3A_1190, %get3A_1191] {strides = array<i32>} : memref<800x64xf32, #tpu.memory_space<vmem>>, vector<1x16xf32>,
        %get3A_1193 = vector.shape_cast %get3A_1192 : vector<1x16xf32> to vector<16xf32>
        %add3A_1194 = arith.addf %add3A_1166, %get3A_1193 : vector<16xf32>
        %add3A_1195 = arith.constant 27 : i32
        %add3A_1196 = arith.addi %mul3A_444, %add3A_1195 : i32
        %get3A_1197 = arith.index_cast %add3A_1196 : i32 to index
        %get3A_1198 = arith.constant 16 : index
        %get3A_1199 = tpu.vector_load %arg7[%get3A_1197, %get3A_1198] {strides = array<i32>} : memref<800x64xf32, #tpu.memory_space<vmem>>, vector<1x16xf32>,
        %get3A_1200 = vector.shape_cast %get3A_1199 : vector<1x16xf32> to vector<16xf32>
        %add3A_1201 = arith.addf %add3A_1173, %get3A_1200 : vector<16xf32>
        %add3A_1202 = arith.constant 27 : i32
        %add3A_1203 = arith.addi %mul3A_444, %add3A_1202 : i32
        %get3A_1204 = arith.index_cast %add3A_1203 : i32 to index
        %get3A_1205 = arith.constant 32 : index
        %get3A_1206 = tpu.vector_load %arg7[%get3A_1204, %get3A_1205] {strides = array<i32>} : memref<800x64xf32, #tpu.memory_space<vmem>>, vector<1x16xf32>,
        %get3A_1207 = vector.shape_cast %get3A_1206 : vector<1x16xf32> to vector<16xf32>
        %add3A_1208 = arith.addf %add3A_1180, %get3A_1207 : vector<16xf32>
        %add3A_1209 = arith.constant 27 : i32
        %add3A_1210 = arith.addi %mul3A_444, %add3A_1209 : i32
        %get3A_1211 = arith.index_cast %add3A_1210 : i32 to index
        %get3A_1212 = arith.constant 48 : index
        %get3A_1213 = tpu.vector_load %arg7[%get3A_1211, %get3A_1212] {strides = array<i32>} : memref<800x64xf32, #tpu.memory_space<vmem>>, vector<1x16xf32>,
        %get3A_1214 = vector.shape_cast %get3A_1213 : vector<1x16xf32> to vector<16xf32>
        %add3A_1215 = arith.addf %add3A_1187, %get3A_1214 : vector<16xf32>
        %add3A_1216 = arith.constant 28 : i32
        %add3A_1217 = arith.addi %mul3A_444, %add3A_1216 : i32
        %get3A_1218 = arith.index_cast %add3A_1217 : i32 to index
        %get3A_1219 = arith.constant 0 : index
        %get3A_1220 = tpu.vector_load %arg7[%get3A_1218, %get3A_1219] {strides = array<i32>} : memref<800x64xf32, #tpu.memory_space<vmem>>, vector<1x16xf32>,
        %get3A_1221 = vector.shape_cast %get3A_1220 : vector<1x16xf32> to vector<16xf32>
        %add3A_1222 = arith.addf %add3A_1194, %get3A_1221 : vector<16xf32>
        %add3A_1223 = arith.constant 28 : i32
        %add3A_1224 = arith.addi %mul3A_444, %add3A_1223 : i32
        %get3A_1225 = arith.index_cast %add3A_1224 : i32 to index
        %get3A_1226 = arith.constant 16 : index
        %get3A_1227 = tpu.vector_load %arg7[%get3A_1225, %get3A_1226] {strides = array<i32>} : memref<800x64xf32, #tpu.memory_space<vmem>>, vector<1x16xf32>,
        %get3A_1228 = vector.shape_cast %get3A_1227 : vector<1x16xf32> to vector<16xf32>
        %add3A_1229 = arith.addf %add3A_1201, %get3A_1228 : vector<16xf32>
        %add3A_1230 = arith.constant 28 : i32
        %add3A_1231 = arith.addi %mul3A_444, %add3A_1230 : i32
        %get3A_1232 = arith.index_cast %add3A_1231 : i32 to index
        %get3A_1233 = arith.constant 32 : index
        %get3A_1234 = tpu.vector_load %arg7[%get3A_1232, %get3A_1233] {strides = array<i32>} : memref<800x64xf32, #tpu.memory_space<vmem>>, vector<1x16xf32>,
        %get3A_1235 = vector.shape_cast %get3A_1234 : vector<1x16xf32> to vector<16xf32>
        %add3A_1236 = arith.addf %add3A_1208, %get3A_1235 : vector<16xf32>
        %add3A_1237 = arith.constant 28 : i32
        %add3A_1238 = arith.addi %mul3A_444, %add3A_1237 : i32
        %get3A_1239 = arith.index_cast %add3A_1238 : i32 to index
        %get3A_1240 = arith.constant 48 : index
        %get3A_1241 = tpu.vector_load %arg7[%get3A_1239, %get3A_1240] {strides = array<i32>} : memref<800x64xf32, #tpu.memory_space<vmem>>, vector<1x16xf32>,
        %get3A_1242 = vector.shape_cast %get3A_1241 : vector<1x16xf32> to vector<16xf32>
        %add3A_1243 = arith.addf %add3A_1215, %get3A_1242 : vector<16xf32>
        %add3A_1244 = arith.constant 29 : i32
        %add3A_1245 = arith.addi %mul3A_444, %add3A_1244 : i32
        %get3A_1246 = arith.index_cast %add3A_1245 : i32 to index
        %get3A_1247 = arith.constant 0 : index
        %get3A_1248 = tpu.vector_load %arg7[%get3A_1246, %get3A_1247] {strides = array<i32>} : memref<800x64xf32, #tpu.memory_space<vmem>>, vector<1x16xf32>,
        %get3A_1249 = vector.shape_cast %get3A_1248 : vector<1x16xf32> to vector<16xf32>
        %add3A_1250 = arith.addf %add3A_1222, %get3A_1249 : vector<16xf32>
        %add3A_1251 = arith.constant 29 : i32
        %add3A_1252 = arith.addi %mul3A_444, %add3A_1251 : i32
        %get3A_1253 = arith.index_cast %add3A_1252 : i32 to index
        %get3A_1254 = arith.constant 16 : index
        %get3A_1255 = tpu.vector_load %arg7[%get3A_1253, %get3A_1254] {strides = array<i32>} : memref<800x64xf32, #tpu.memory_space<vmem>>, vector<1x16xf32>,
        %get3A_1256 = vector.shape_cast %get3A_1255 : vector<1x16xf32> to vector<16xf32>
        %add3A_1257 = arith.addf %add3A_1229, %get3A_1256 : vector<16xf32>
        %add3A_1258 = arith.constant 29 : i32
        %add3A_1259 = arith.addi %mul3A_444, %add3A_1258 : i32
        %get3A_1260 = arith.index_cast %add3A_1259 : i32 to index
        %get3A_1261 = arith.constant 32 : index
        %get3A_1262 = tpu.vector_load %arg7[%get3A_1260, %get3A_1261] {strides = array<i32>} : memref<800x64xf32, #tpu.memory_space<vmem>>, vector<1x16xf32>,
        %get3A_1263 = vector.shape_cast %get3A_1262 : vector<1x16xf32> to vector<16xf32>
        %add3A_1264 = arith.addf %add3A_1236, %get3A_1263 : vector<16xf32>
        %add3A_1265 = arith.constant 29 : i32
        %add3A_1266 = arith.addi %mul3A_444, %add3A_1265 : i32
        %get3A_1267 = arith.index_cast %add3A_1266 : i32 to index
        %get3A_1268 = arith.constant 48 : index
        %get3A_1269 = tpu.vector_load %arg7[%get3A_1267, %get3A_1268] {strides = array<i32>} : memref<800x64xf32, #tpu.memory_space<vmem>>, vector<1x16xf32>,
        %get3A_1270 = vector.shape_cast %get3A_1269 : vector<1x16xf32> to vector<16xf32>
        %add3A_1271 = arith.addf %add3A_1243, %get3A_1270 : vector<16xf32>
        %add3A_1272 = arith.constant 30 : i32
        %add3A_1273 = arith.addi %mul3A_444, %add3A_1272 : i32
        %get3A_1274 = arith.index_cast %add3A_1273 : i32 to index
        %get3A_1275 = arith.constant 0 : index
        %get3A_1276 = tpu.vector_load %arg7[%get3A_1274, %get3A_1275] {strides = array<i32>} : memref<800x64xf32, #tpu.memory_space<vmem>>, vector<1x16xf32>,
        %get3A_1277 = vector.shape_cast %get3A_1276 : vector<1x16xf32> to vector<16xf32>
        %add3A_1278 = arith.addf %add3A_1250, %get3A_1277 : vector<16xf32>
        %add3A_1279 = arith.constant 30 : i32
        %add3A_1280 = arith.addi %mul3A_444, %add3A_1279 : i32
        %get3A_1281 = arith.index_cast %add3A_1280 : i32 to index
        %get3A_1282 = arith.constant 16 : index
        %get3A_1283 = tpu.vector_load %arg7[%get3A_1281, %get3A_1282] {strides = array<i32>} : memref<800x64xf32, #tpu.memory_space<vmem>>, vector<1x16xf32>,
        %get3A_1284 = vector.shape_cast %get3A_1283 : vector<1x16xf32> to vector<16xf32>
        %add3A_1285 = arith.addf %add3A_1257, %get3A_1284 : vector<16xf32>
        %add3A_1286 = arith.constant 30 : i32
        %add3A_1287 = arith.addi %mul3A_444, %add3A_1286 : i32
        %get3A_1288 = arith.index_cast %add3A_1287 : i32 to index
        %get3A_1289 = arith.constant 32 : index
        %get3A_1290 = tpu.vector_load %arg7[%get3A_1288, %get3A_1289] {strides = array<i32>} : memref<800x64xf32, #tpu.memory_space<vmem>>, vector<1x16xf32>,
        %get3A_1291 = vector.shape_cast %get3A_1290 : vector<1x16xf32> to vector<16xf32>
        %add3A_1292 = arith.addf %add3A_1264, %get3A_1291 : vector<16xf32>
        %add3A_1293 = arith.constant 30 : i32
        %add3A_1294 = arith.addi %mul3A_444, %add3A_1293 : i32
        %get3A_1295 = arith.index_cast %add3A_1294 : i32 to index
        %get3A_1296 = arith.constant 48 : index
        %get3A_1297 = tpu.vector_load %arg7[%get3A_1295, %get3A_1296] {strides = array<i32>} : memref<800x64xf32, #tpu.memory_space<vmem>>, vector<1x16xf32>,
        %get3A_1298 = vector.shape_cast %get3A_1297 : vector<1x16xf32> to vector<16xf32>
        %add3A_1299 = arith.addf %add3A_1271, %get3A_1298 : vector<16xf32>
        %add3A_1300 = arith.constant 31 : i32
        %add3A_1301 = arith.addi %mul3A_444, %add3A_1300 : i32
        %get3A_1302 = arith.index_cast %add3A_1301 : i32 to index
        %get3A_1303 = arith.constant 0 : index
        %get3A_1304 = tpu.vector_load %arg7[%get3A_1302, %get3A_1303] {strides = array<i32>} : memref<800x64xf32, #tpu.memory_space<vmem>>, vector<1x16xf32>,
        %get3A_1305 = vector.shape_cast %get3A_1304 : vector<1x16xf32> to vector<16xf32>
        %add3A_1306 = arith.addf %add3A_1278, %get3A_1305 : vector<16xf32>
        %add3A_1307 = arith.constant 31 : i32
        %add3A_1308 = arith.addi %mul3A_444, %add3A_1307 : i32
        %get3A_1309 = arith.index_cast %add3A_1308 : i32 to index
        %get3A_1310 = arith.constant 16 : index
        %get3A_1311 = tpu.vector_load %arg7[%get3A_1309, %get3A_1310] {strides = array<i32>} : memref<800x64xf32, #tpu.memory_space<vmem>>, vector<1x16xf32>,
        %get3A_1312 = vector.shape_cast %get3A_1311 : vector<1x16xf32> to vector<16xf32>
        %add3A_1313 = arith.addf %add3A_1285, %get3A_1312 : vector<16xf32>
        %add3A_1314 = arith.constant 31 : i32
        %add3A_1315 = arith.addi %mul3A_444, %add3A_1314 : i32
        %get3A_1316 = arith.index_cast %add3A_1315 : i32 to index
        %get3A_1317 = arith.constant 32 : index
        %get3A_1318 = tpu.vector_load %arg7[%get3A_1316, %get3A_1317] {strides = array<i32>} : memref<800x64xf32, #tpu.memory_space<vmem>>, vector<1x16xf32>,
        %get3A_1319 = vector.shape_cast %get3A_1318 : vector<1x16xf32> to vector<16xf32>
        %add3A_1320 = arith.addf %add3A_1292, %get3A_1319 : vector<16xf32>
        %add3A_1321 = arith.constant 31 : i32
        %add3A_1322 = arith.addi %mul3A_444, %add3A_1321 : i32
        %get3A_1323 = arith.index_cast %add3A_1322 : i32 to index
        %get3A_1324 = arith.constant 48 : index
        %get3A_1325 = tpu.vector_load %arg7[%get3A_1323, %get3A_1324] {strides = array<i32>} : memref<800x64xf32, #tpu.memory_space<vmem>>, vector<1x16xf32>,
        %get3A_1326 = vector.shape_cast %get3A_1325 : vector<1x16xf32> to vector<16xf32>
        %add3A_1327 = arith.addf %add3A_1299, %get3A_1326 : vector<16xf32>
        %add3A_1328 = arith.constant 32 : i32
        %add3A_1329 = arith.addi %mul3A_444, %add3A_1328 : i32
        %get3A_1330 = arith.index_cast %add3A_1329 : i32 to index
        %get3A_1331 = arith.constant 0 : index
        %get3A_1332 = tpu.vector_load %arg7[%get3A_1330, %get3A_1331] {strides = array<i32>} : memref<800x64xf32, #tpu.memory_space<vmem>>, vector<1x16xf32>,
        %get3A_1333 = vector.shape_cast %get3A_1332 : vector<1x16xf32> to vector<16xf32>
        %add3A_1334 = arith.addf %add3A_1306, %get3A_1333 : vector<16xf32>
        %add3A_1335 = arith.constant 32 : i32
        %add3A_1336 = arith.addi %mul3A_444, %add3A_1335 : i32
        %get3A_1337 = arith.index_cast %add3A_1336 : i32 to index
        %get3A_1338 = arith.constant 16 : index
        %get3A_1339 = tpu.vector_load %arg7[%get3A_1337, %get3A_1338] {strides = array<i32>} : memref<800x64xf32, #tpu.memory_space<vmem>>, vector<1x16xf32>,
        %get3A_1340 = vector.shape_cast %get3A_1339 : vector<1x16xf32> to vector<16xf32>
        %add3A_1341 = arith.addf %add3A_1313, %get3A_1340 : vector<16xf32>
        %add3A_1342 = arith.constant 32 : i32
        %add3A_1343 = arith.addi %mul3A_444, %add3A_1342 : i32
        %get3A_1344 = arith.index_cast %add3A_1343 : i32 to index
        %get3A_1345 = arith.constant 32 : index
        %get3A_1346 = tpu.vector_load %arg7[%get3A_1344, %get3A_1345] {strides = array<i32>} : memref<800x64xf32, #tpu.memory_space<vmem>>, vector<1x16xf32>,
        %get3A_1347 = vector.shape_cast %get3A_1346 : vector<1x16xf32> to vector<16xf32>
        %add3A_1348 = arith.addf %add3A_1320, %get3A_1347 : vector<16xf32>
        %add3A_1349 = arith.constant 32 : i32
        %add3A_1350 = arith.addi %mul3A_444, %add3A_1349 : i32
        %get3A_1351 = arith.index_cast %add3A_1350 : i32 to index
        %get3A_1352 = arith.constant 48 : index
        %get3A_1353 = tpu.vector_load %arg7[%get3A_1351, %get3A_1352] {strides = array<i32>} : memref<800x64xf32, #tpu.memory_space<vmem>>, vector<1x16xf32>,
        %get3A_1354 = vector.shape_cast %get3A_1353 : vector<1x16xf32> to vector<16xf32>
        %add3A_1355 = arith.addf %add3A_1327, %get3A_1354 : vector<16xf32>
        %add3A_1356 = arith.constant 33 : i32
        %add3A_1357 = arith.addi %mul3A_444, %add3A_1356 : i32
        %get3A_1358 = arith.index_cast %add3A_1357 : i32 to index
        %get3A_1359 = arith.constant 0 : index
        %get3A_1360 = tpu.vector_load %arg7[%get3A_1358, %get3A_1359] {strides = array<i32>} : memref<800x64xf32, #tpu.memory_space<vmem>>, vector<1x16xf32>,
        %get3A_1361 = vector.shape_cast %get3A_1360 : vector<1x16xf32> to vector<16xf32>
        %add3A_1362 = arith.addf %add3A_1334, %get3A_1361 : vector<16xf32>
        %add3A_1363 = arith.constant 33 : i32
        %add3A_1364 = arith.addi %mul3A_444, %add3A_1363 : i32
        %get3A_1365 = arith.index_cast %add3A_1364 : i32 to index
        %get3A_1366 = arith.constant 16 : index
        %get3A_1367 = tpu.vector_load %arg7[%get3A_1365, %get3A_1366] {strides = array<i32>} : memref<800x64xf32, #tpu.memory_space<vmem>>, vector<1x16xf32>,
        %get3A_1368 = vector.shape_cast %get3A_1367 : vector<1x16xf32> to vector<16xf32>
        %add3A_1369 = arith.addf %add3A_1341, %get3A_1368 : vector<16xf32>
        %add3A_1370 = arith.constant 33 : i32
        %add3A_1371 = arith.addi %mul3A_444, %add3A_1370 : i32
        %get3A_1372 = arith.index_cast %add3A_1371 : i32 to index
        %get3A_1373 = arith.constant 32 : index
        %get3A_1374 = tpu.vector_load %arg7[%get3A_1372, %get3A_1373] {strides = array<i32>} : memref<800x64xf32, #tpu.memory_space<vmem>>, vector<1x16xf32>,
        %get3A_1375 = vector.shape_cast %get3A_1374 : vector<1x16xf32> to vector<16xf32>
        %add3A_1376 = arith.addf %add3A_1348, %get3A_1375 : vector<16xf32>
        %add3A_1377 = arith.constant 33 : i32
        %add3A_1378 = arith.addi %mul3A_444, %add3A_1377 : i32
        %get3A_1379 = arith.index_cast %add3A_1378 : i32 to index
        %get3A_1380 = arith.constant 48 : index
        %get3A_1381 = tpu.vector_load %arg7[%get3A_1379, %get3A_1380] {strides = array<i32>} : memref<800x64xf32, #tpu.memory_space<vmem>>, vector<1x16xf32>,
        %get3A_1382 = vector.shape_cast %get3A_1381 : vector<1x16xf32> to vector<16xf32>
        %add3A_1383 = arith.addf %add3A_1355, %get3A_1382 : vector<16xf32>
        %add3A_1384 = arith.constant 34 : i32
        %add3A_1385 = arith.addi %mul3A_444, %add3A_1384 : i32
        %get3A_1386 = arith.index_cast %add3A_1385 : i32 to index
        %get3A_1387 = arith.constant 0 : index
        %get3A_1388 = tpu.vector_load %arg7[%get3A_1386, %get3A_1387] {strides = array<i32>} : memref<800x64xf32, #tpu.memory_space<vmem>>, vector<1x16xf32>,
        %get3A_1389 = vector.shape_cast %get3A_1388 : vector<1x16xf32> to vector<16xf32>
        %add3A_1390 = arith.addf %add3A_1362, %get3A_1389 : vector<16xf32>
        %add3A_1391 = arith.constant 34 : i32
        %add3A_1392 = arith.addi %mul3A_444, %add3A_1391 : i32
        %get3A_1393 = arith.index_cast %add3A_1392 : i32 to index
        %get3A_1394 = arith.constant 16 : index
        %get3A_1395 = tpu.vector_load %arg7[%get3A_1393, %get3A_1394] {strides = array<i32>} : memref<800x64xf32, #tpu.memory_space<vmem>>, vector<1x16xf32>,
        %get3A_1396 = vector.shape_cast %get3A_1395 : vector<1x16xf32> to vector<16xf32>
        %add3A_1397 = arith.addf %add3A_1369, %get3A_1396 : vector<16xf32>
        %add3A_1398 = arith.constant 34 : i32
        %add3A_1399 = arith.addi %mul3A_444, %add3A_1398 : i32
        %get3A_1400 = arith.index_cast %add3A_1399 : i32 to index
        %get3A_1401 = arith.constant 32 : index
        %get3A_1402 = tpu.vector_load %arg7[%get3A_1400, %get3A_1401] {strides = array<i32>} : memref<800x64xf32, #tpu.memory_space<vmem>>, vector<1x16xf32>,
        %get3A_1403 = vector.shape_cast %get3A_1402 : vector<1x16xf32> to vector<16xf32>
        %add3A_1404 = arith.addf %add3A_1376, %get3A_1403 : vector<16xf32>
        %add3A_1405 = arith.constant 34 : i32
        %add3A_1406 = arith.addi %mul3A_444, %add3A_1405 : i32
        %get3A_1407 = arith.index_cast %add3A_1406 : i32 to index
        %get3A_1408 = arith.constant 48 : index
        %get3A_1409 = tpu.vector_load %arg7[%get3A_1407, %get3A_1408] {strides = array<i32>} : memref<800x64xf32, #tpu.memory_space<vmem>>, vector<1x16xf32>,
        %get3A_1410 = vector.shape_cast %get3A_1409 : vector<1x16xf32> to vector<16xf32>
        %add3A_1411 = arith.addf %add3A_1383, %get3A_1410 : vector<16xf32>
        %add3A_1412 = arith.constant 35 : i32
        %add3A_1413 = arith.addi %mul3A_444, %add3A_1412 : i32
        %get3A_1414 = arith.index_cast %add3A_1413 : i32 to index
        %get3A_1415 = arith.constant 0 : index
        %get3A_1416 = tpu.vector_load %arg7[%get3A_1414, %get3A_1415] {strides = array<i32>} : memref<800x64xf32, #tpu.memory_space<vmem>>, vector<1x16xf32>,
        %get3A_1417 = vector.shape_cast %get3A_1416 : vector<1x16xf32> to vector<16xf32>
        %add3A_1418 = arith.addf %add3A_1390, %get3A_1417 : vector<16xf32>
        %add3A_1419 = arith.constant 35 : i32
        %add3A_1420 = arith.addi %mul3A_444, %add3A_1419 : i32
        %get3A_1421 = arith.index_cast %add3A_1420 : i32 to index
        %get3A_1422 = arith.constant 16 : index
        %get3A_1423 = tpu.vector_load %arg7[%get3A_1421, %get3A_1422] {strides = array<i32>} : memref<800x64xf32, #tpu.memory_space<vmem>>, vector<1x16xf32>,
        %get3A_1424 = vector.shape_cast %get3A_1423 : vector<1x16xf32> to vector<16xf32>
        %add3A_1425 = arith.addf %add3A_1397, %get3A_1424 : vector<16xf32>
        %add3A_1426 = arith.constant 35 : i32
        %add3A_1427 = arith.addi %mul3A_444, %add3A_1426 : i32
        %get3A_1428 = arith.index_cast %add3A_1427 : i32 to index
        %get3A_1429 = arith.constant 32 : index
        %get3A_1430 = tpu.vector_load %arg7[%get3A_1428, %get3A_1429] {strides = array<i32>} : memref<800x64xf32, #tpu.memory_space<vmem>>, vector<1x16xf32>,
        %get3A_1431 = vector.shape_cast %get3A_1430 : vector<1x16xf32> to vector<16xf32>
        %add3A_1432 = arith.addf %add3A_1404, %get3A_1431 : vector<16xf32>
        %add3A_1433 = arith.constant 35 : i32
        %add3A_1434 = arith.addi %mul3A_444, %add3A_1433 : i32
        %get3A_1435 = arith.index_cast %add3A_1434 : i32 to index
        %get3A_1436 = arith.constant 48 : index
        %get3A_1437 = tpu.vector_load %arg7[%get3A_1435, %get3A_1436] {strides = array<i32>} : memref<800x64xf32, #tpu.memory_space<vmem>>, vector<1x16xf32>,
        %get3A_1438 = vector.shape_cast %get3A_1437 : vector<1x16xf32> to vector<16xf32>
        %add3A_1439 = arith.addf %add3A_1411, %get3A_1438 : vector<16xf32>
        %add3A_1440 = arith.constant 36 : i32
        %add3A_1441 = arith.addi %mul3A_444, %add3A_1440 : i32
        %get3A_1442 = arith.index_cast %add3A_1441 : i32 to index
        %get3A_1443 = arith.constant 0 : index
        %get3A_1444 = tpu.vector_load %arg7[%get3A_1442, %get3A_1443] {strides = array<i32>} : memref<800x64xf32, #tpu.memory_space<vmem>>, vector<1x16xf32>,
        %get3A_1445 = vector.shape_cast %get3A_1444 : vector<1x16xf32> to vector<16xf32>
        %add3A_1446 = arith.addf %add3A_1418, %get3A_1445 : vector<16xf32>
        %add3A_1447 = arith.constant 36 : i32
        %add3A_1448 = arith.addi %mul3A_444, %add3A_1447 : i32
        %get3A_1449 = arith.index_cast %add3A_1448 : i32 to index
        %get3A_1450 = arith.constant 16 : index
        %get3A_1451 = tpu.vector_load %arg7[%get3A_1449, %get3A_1450] {strides = array<i32>} : memref<800x64xf32, #tpu.memory_space<vmem>>, vector<1x16xf32>,
        %get3A_1452 = vector.shape_cast %get3A_1451 : vector<1x16xf32> to vector<16xf32>
        %add3A_1453 = arith.addf %add3A_1425, %get3A_1452 : vector<16xf32>
        %add3A_1454 = arith.constant 36 : i32
        %add3A_1455 = arith.addi %mul3A_444, %add3A_1454 : i32
        %get3A_1456 = arith.index_cast %add3A_1455 : i32 to index
        %get3A_1457 = arith.constant 32 : index
        %get3A_1458 = tpu.vector_load %arg7[%get3A_1456, %get3A_1457] {strides = array<i32>} : memref<800x64xf32, #tpu.memory_space<vmem>>, vector<1x16xf32>,
        %get3A_1459 = vector.shape_cast %get3A_1458 : vector<1x16xf32> to vector<16xf32>
        %add3A_1460 = arith.addf %add3A_1432, %get3A_1459 : vector<16xf32>
        %add3A_1461 = arith.constant 36 : i32
        %add3A_1462 = arith.addi %mul3A_444, %add3A_1461 : i32
        %get3A_1463 = arith.index_cast %add3A_1462 : i32 to index
        %get3A_1464 = arith.constant 48 : index
        %get3A_1465 = tpu.vector_load %arg7[%get3A_1463, %get3A_1464] {strides = array<i32>} : memref<800x64xf32, #tpu.memory_space<vmem>>, vector<1x16xf32>,
        %get3A_1466 = vector.shape_cast %get3A_1465 : vector<1x16xf32> to vector<16xf32>
        %add3A_1467 = arith.addf %add3A_1439, %get3A_1466 : vector<16xf32>
        %add3A_1468 = arith.constant 37 : i32
        %add3A_1469 = arith.addi %mul3A_444, %add3A_1468 : i32
        %get3A_1470 = arith.index_cast %add3A_1469 : i32 to index
        %get3A_1471 = arith.constant 0 : index
        %get3A_1472 = tpu.vector_load %arg7[%get3A_1470, %get3A_1471] {strides = array<i32>} : memref<800x64xf32, #tpu.memory_space<vmem>>, vector<1x16xf32>,
        %get3A_1473 = vector.shape_cast %get3A_1472 : vector<1x16xf32> to vector<16xf32>
        %add3A_1474 = arith.addf %add3A_1446, %get3A_1473 : vector<16xf32>
        %add3A_1475 = arith.constant 37 : i32
        %add3A_1476 = arith.addi %mul3A_444, %add3A_1475 : i32
        %get3A_1477 = arith.index_cast %add3A_1476 : i32 to index
        %get3A_1478 = arith.constant 16 : index
        %get3A_1479 = tpu.vector_load %arg7[%get3A_1477, %get3A_1478] {strides = array<i32>} : memref<800x64xf32, #tpu.memory_space<vmem>>, vector<1x16xf32>,
        %get3A_1480 = vector.shape_cast %get3A_1479 : vector<1x16xf32> to vector<16xf32>
        %add3A_1481 = arith.addf %add3A_1453, %get3A_1480 : vector<16xf32>
        %add3A_1482 = arith.constant 37 : i32
        %add3A_1483 = arith.addi %mul3A_444, %add3A_1482 : i32
        %get3A_1484 = arith.index_cast %add3A_1483 : i32 to index
        %get3A_1485 = arith.constant 32 : index
        %get3A_1486 = tpu.vector_load %arg7[%get3A_1484, %get3A_1485] {strides = array<i32>} : memref<800x64xf32, #tpu.memory_space<vmem>>, vector<1x16xf32>,
        %get3A_1487 = vector.shape_cast %get3A_1486 : vector<1x16xf32> to vector<16xf32>
        %add3A_1488 = arith.addf %add3A_1460, %get3A_1487 : vector<16xf32>
        %add3A_1489 = arith.constant 37 : i32
        %add3A_1490 = arith.addi %mul3A_444, %add3A_1489 : i32
        %get3A_1491 = arith.index_cast %add3A_1490 : i32 to index
        %get3A_1492 = arith.constant 48 : index
        %get3A_1493 = tpu.vector_load %arg7[%get3A_1491, %get3A_1492] {strides = array<i32>} : memref<800x64xf32, #tpu.memory_space<vmem>>, vector<1x16xf32>,
        %get3A_1494 = vector.shape_cast %get3A_1493 : vector<1x16xf32> to vector<16xf32>
        %add3A_1495 = arith.addf %add3A_1467, %get3A_1494 : vector<16xf32>
        %add3A_1496 = arith.constant 38 : i32
        %add3A_1497 = arith.addi %mul3A_444, %add3A_1496 : i32
        %get3A_1498 = arith.index_cast %add3A_1497 : i32 to index
        %get3A_1499 = arith.constant 0 : index
        %get3A_1500 = tpu.vector_load %arg7[%get3A_1498, %get3A_1499] {strides = array<i32>} : memref<800x64xf32, #tpu.memory_space<vmem>>, vector<1x16xf32>,
        %get3A_1501 = vector.shape_cast %get3A_1500 : vector<1x16xf32> to vector<16xf32>
        %add3A_1502 = arith.addf %add3A_1474, %get3A_1501 : vector<16xf32>
        %add3A_1503 = arith.constant 38 : i32
        %add3A_1504 = arith.addi %mul3A_444, %add3A_1503 : i32
        %get3A_1505 = arith.index_cast %add3A_1504 : i32 to index
        %get3A_1506 = arith.constant 16 : index
        %get3A_1507 = tpu.vector_load %arg7[%get3A_1505, %get3A_1506] {strides = array<i32>} : memref<800x64xf32, #tpu.memory_space<vmem>>, vector<1x16xf32>,
        %get3A_1508 = vector.shape_cast %get3A_1507 : vector<1x16xf32> to vector<16xf32>
        %add3A_1509 = arith.addf %add3A_1481, %get3A_1508 : vector<16xf32>
        %add3A_1510 = arith.constant 38 : i32
        %add3A_1511 = arith.addi %mul3A_444, %add3A_1510 : i32
        %get3A_1512 = arith.index_cast %add3A_1511 : i32 to index
        %get3A_1513 = arith.constant 32 : index
        %get3A_1514 = tpu.vector_load %arg7[%get3A_1512, %get3A_1513] {strides = array<i32>} : memref<800x64xf32, #tpu.memory_space<vmem>>, vector<1x16xf32>,
        %get3A_1515 = vector.shape_cast %get3A_1514 : vector<1x16xf32> to vector<16xf32>
        %add3A_1516 = arith.addf %add3A_1488, %get3A_1515 : vector<16xf32>
        %add3A_1517 = arith.constant 38 : i32
        %add3A_1518 = arith.addi %mul3A_444, %add3A_1517 : i32
        %get3A_1519 = arith.index_cast %add3A_1518 : i32 to index
        %get3A_1520 = arith.constant 48 : index
        %get3A_1521 = tpu.vector_load %arg7[%get3A_1519, %get3A_1520] {strides = array<i32>} : memref<800x64xf32, #tpu.memory_space<vmem>>, vector<1x16xf32>,
        %get3A_1522 = vector.shape_cast %get3A_1521 : vector<1x16xf32> to vector<16xf32>
        %add3A_1523 = arith.addf %add3A_1495, %get3A_1522 : vector<16xf32>
        %add3A_1524 = arith.constant 39 : i32
        %add3A_1525 = arith.addi %mul3A_444, %add3A_1524 : i32
        %get3A_1526 = arith.index_cast %add3A_1525 : i32 to index
        %get3A_1527 = arith.constant 0 : index
        %get3A_1528 = tpu.vector_load %arg7[%get3A_1526, %get3A_1527] {strides = array<i32>} : memref<800x64xf32, #tpu.memory_space<vmem>>, vector<1x16xf32>,
        %get3A_1529 = vector.shape_cast %get3A_1528 : vector<1x16xf32> to vector<16xf32>
        %add3A_1530 = arith.addf %add3A_1502, %get3A_1529 : vector<16xf32>
        %add3A_1531 = arith.constant 39 : i32
        %add3A_1532 = arith.addi %mul3A_444, %add3A_1531 : i32
        %get3A_1533 = arith.index_cast %add3A_1532 : i32 to index
        %get3A_1534 = arith.constant 16 : index
        %get3A_1535 = tpu.vector_load %arg7[%get3A_1533, %get3A_1534] {strides = array<i32>} : memref<800x64xf32, #tpu.memory_space<vmem>>, vector<1x16xf32>,
        %get3A_1536 = vector.shape_cast %get3A_1535 : vector<1x16xf32> to vector<16xf32>
        %add3A_1537 = arith.addf %add3A_1509, %get3A_1536 : vector<16xf32>
        %add3A_1538 = arith.constant 39 : i32
        %add3A_1539 = arith.addi %mul3A_444, %add3A_1538 : i32
        %get3A_1540 = arith.index_cast %add3A_1539 : i32 to index
        %get3A_1541 = arith.constant 32 : index
        %get3A_1542 = tpu.vector_load %arg7[%get3A_1540, %get3A_1541] {strides = array<i32>} : memref<800x64xf32, #tpu.memory_space<vmem>>, vector<1x16xf32>,
        %get3A_1543 = vector.shape_cast %get3A_1542 : vector<1x16xf32> to vector<16xf32>
        %add3A_1544 = arith.addf %add3A_1516, %get3A_1543 : vector<16xf32>
        %add3A_1545 = arith.constant 39 : i32
        %add3A_1546 = arith.addi %mul3A_444, %add3A_1545 : i32
        %get3A_1547 = arith.index_cast %add3A_1546 : i32 to index
        %get3A_1548 = arith.constant 48 : index
        %get3A_1549 = tpu.vector_load %arg7[%get3A_1547, %get3A_1548] {strides = array<i32>} : memref<800x64xf32, #tpu.memory_space<vmem>>, vector<1x16xf32>,
        %get3A_1550 = vector.shape_cast %get3A_1549 : vector<1x16xf32> to vector<16xf32>
        %add3A_1551 = arith.addf %add3A_1523, %get3A_1550 : vector<16xf32>
        %add3A_1552 = arith.constant 40 : i32
        %add3A_1553 = arith.addi %mul3A_444, %add3A_1552 : i32
        %get3A_1554 = arith.index_cast %add3A_1553 : i32 to index
        %get3A_1555 = arith.constant 0 : index
        %get3A_1556 = tpu.vector_load %arg7[%get3A_1554, %get3A_1555] {strides = array<i32>} : memref<800x64xf32, #tpu.memory_space<vmem>>, vector<1x16xf32>,
        %get3A_1557 = vector.shape_cast %get3A_1556 : vector<1x16xf32> to vector<16xf32>
        %add3A_1558 = arith.addf %add3A_1530, %get3A_1557 : vector<16xf32>
        %add3A_1559 = arith.constant 40 : i32
        %add3A_1560 = arith.addi %mul3A_444, %add3A_1559 : i32
        %get3A_1561 = arith.index_cast %add3A_1560 : i32 to index
        %get3A_1562 = arith.constant 16 : index
        %get3A_1563 = tpu.vector_load %arg7[%get3A_1561, %get3A_1562] {strides = array<i32>} : memref<800x64xf32, #tpu.memory_space<vmem>>, vector<1x16xf32>,
        %get3A_1564 = vector.shape_cast %get3A_1563 : vector<1x16xf32> to vector<16xf32>
        %add3A_1565 = arith.addf %add3A_1537, %get3A_1564 : vector<16xf32>
        %add3A_1566 = arith.constant 40 : i32
        %add3A_1567 = arith.addi %mul3A_444, %add3A_1566 : i32
        %get3A_1568 = arith.index_cast %add3A_1567 : i32 to index
        %get3A_1569 = arith.constant 32 : index
        %get3A_1570 = tpu.vector_load %arg7[%get3A_1568, %get3A_1569] {strides = array<i32>} : memref<800x64xf32, #tpu.memory_space<vmem>>, vector<1x16xf32>,
        %get3A_1571 = vector.shape_cast %get3A_1570 : vector<1x16xf32> to vector<16xf32>
        %add3A_1572 = arith.addf %add3A_1544, %get3A_1571 : vector<16xf32>
        %add3A_1573 = arith.constant 40 : i32
        %add3A_1574 = arith.addi %mul3A_444, %add3A_1573 : i32
        %get3A_1575 = arith.index_cast %add3A_1574 : i32 to index
        %get3A_1576 = arith.constant 48 : index
        %get3A_1577 = tpu.vector_load %arg7[%get3A_1575, %get3A_1576] {strides = array<i32>} : memref<800x64xf32, #tpu.memory_space<vmem>>, vector<1x16xf32>,
        %get3A_1578 = vector.shape_cast %get3A_1577 : vector<1x16xf32> to vector<16xf32>
        %add3A_1579 = arith.addf %add3A_1551, %get3A_1578 : vector<16xf32>
        %add3A_1580 = arith.constant 41 : i32
        %add3A_1581 = arith.addi %mul3A_444, %add3A_1580 : i32
        %get3A_1582 = arith.index_cast %add3A_1581 : i32 to index
        %get3A_1583 = arith.constant 0 : index
        %get3A_1584 = tpu.vector_load %arg7[%get3A_1582, %get3A_1583] {strides = array<i32>} : memref<800x64xf32, #tpu.memory_space<vmem>>, vector<1x16xf32>,
        %get3A_1585 = vector.shape_cast %get3A_1584 : vector<1x16xf32> to vector<16xf32>
        %add3A_1586 = arith.addf %add3A_1558, %get3A_1585 : vector<16xf32>
        %add3A_1587 = arith.constant 41 : i32
        %add3A_1588 = arith.addi %mul3A_444, %add3A_1587 : i32
        %get3A_1589 = arith.index_cast %add3A_1588 : i32 to index
        %get3A_1590 = arith.constant 16 : index
        %get3A_1591 = tpu.vector_load %arg7[%get3A_1589, %get3A_1590] {strides = array<i32>} : memref<800x64xf32, #tpu.memory_space<vmem>>, vector<1x16xf32>,
        %get3A_1592 = vector.shape_cast %get3A_1591 : vector<1x16xf32> to vector<16xf32>
        %add3A_1593 = arith.addf %add3A_1565, %get3A_1592 : vector<16xf32>
        %add3A_1594 = arith.constant 41 : i32
        %add3A_1595 = arith.addi %mul3A_444, %add3A_1594 : i32
        %get3A_1596 = arith.index_cast %add3A_1595 : i32 to index
        %get3A_1597 = arith.constant 32 : index
        %get3A_1598 = tpu.vector_load %arg7[%get3A_1596, %get3A_1597] {strides = array<i32>} : memref<800x64xf32, #tpu.memory_space<vmem>>, vector<1x16xf32>,
        %get3A_1599 = vector.shape_cast %get3A_1598 : vector<1x16xf32> to vector<16xf32>
        %add3A_1600 = arith.addf %add3A_1572, %get3A_1599 : vector<16xf32>
        %add3A_1601 = arith.constant 41 : i32
        %add3A_1602 = arith.addi %mul3A_444, %add3A_1601 : i32
        %get3A_1603 = arith.index_cast %add3A_1602 : i32 to index
        %get3A_1604 = arith.constant 48 : index
        %get3A_1605 = tpu.vector_load %arg7[%get3A_1603, %get3A_1604] {strides = array<i32>} : memref<800x64xf32, #tpu.memory_space<vmem>>, vector<1x16xf32>,
        %get3A_1606 = vector.shape_cast %get3A_1605 : vector<1x16xf32> to vector<16xf32>
        %add3A_1607 = arith.addf %add3A_1579, %get3A_1606 : vector<16xf32>
        %add3A_1608 = arith.constant 42 : i32
        %add3A_1609 = arith.addi %mul3A_444, %add3A_1608 : i32
        %get3A_1610 = arith.index_cast %add3A_1609 : i32 to index
        %get3A_1611 = arith.constant 0 : index
        %get3A_1612 = tpu.vector_load %arg7[%get3A_1610, %get3A_1611] {strides = array<i32>} : memref<800x64xf32, #tpu.memory_space<vmem>>, vector<1x16xf32>,
        %get3A_1613 = vector.shape_cast %get3A_1612 : vector<1x16xf32> to vector<16xf32>
        %add3A_1614 = arith.addf %add3A_1586, %get3A_1613 : vector<16xf32>
        %add3A_1615 = arith.constant 42 : i32
        %add3A_1616 = arith.addi %mul3A_444, %add3A_1615 : i32
        %get3A_1617 = arith.index_cast %add3A_1616 : i32 to index
        %get3A_1618 = arith.constant 16 : index
        %get3A_1619 = tpu.vector_load %arg7[%get3A_1617, %get3A_1618] {strides = array<i32>} : memref<800x64xf32, #tpu.memory_space<vmem>>, vector<1x16xf32>,
        %get3A_1620 = vector.shape_cast %get3A_1619 : vector<1x16xf32> to vector<16xf32>
        %add3A_1621 = arith.addf %add3A_1593, %get3A_1620 : vector<16xf32>
        %add3A_1622 = arith.constant 42 : i32
        %add3A_1623 = arith.addi %mul3A_444, %add3A_1622 : i32
        %get3A_1624 = arith.index_cast %add3A_1623 : i32 to index
        %get3A_1625 = arith.constant 32 : index
        %get3A_1626 = tpu.vector_load %arg7[%get3A_1624, %get3A_1625] {strides = array<i32>} : memref<800x64xf32, #tpu.memory_space<vmem>>, vector<1x16xf32>,
        %get3A_1627 = vector.shape_cast %get3A_1626 : vector<1x16xf32> to vector<16xf32>
        %add3A_1628 = arith.addf %add3A_1600, %get3A_1627 : vector<16xf32>
        %add3A_1629 = arith.constant 42 : i32
        %add3A_1630 = arith.addi %mul3A_444, %add3A_1629 : i32
        %get3A_1631 = arith.index_cast %add3A_1630 : i32 to index
        %get3A_1632 = arith.constant 48 : index
        %get3A_1633 = tpu.vector_load %arg7[%get3A_1631, %get3A_1632] {strides = array<i32>} : memref<800x64xf32, #tpu.memory_space<vmem>>, vector<1x16xf32>,
        %get3A_1634 = vector.shape_cast %get3A_1633 : vector<1x16xf32> to vector<16xf32>
        %add3A_1635 = arith.addf %add3A_1607, %get3A_1634 : vector<16xf32>
        %add3A_1636 = arith.constant 43 : i32
        %add3A_1637 = arith.addi %mul3A_444, %add3A_1636 : i32
        %get3A_1638 = arith.index_cast %add3A_1637 : i32 to index
        %get3A_1639 = arith.constant 0 : index
        %get3A_1640 = tpu.vector_load %arg7[%get3A_1638, %get3A_1639] {strides = array<i32>} : memref<800x64xf32, #tpu.memory_space<vmem>>, vector<1x16xf32>,
        %get3A_1641 = vector.shape_cast %get3A_1640 : vector<1x16xf32> to vector<16xf32>
        %add3A_1642 = arith.addf %add3A_1614, %get3A_1641 : vector<16xf32>
        %add3A_1643 = arith.constant 43 : i32
        %add3A_1644 = arith.addi %mul3A_444, %add3A_1643 : i32
        %get3A_1645 = arith.index_cast %add3A_1644 : i32 to index
        %get3A_1646 = arith.constant 16 : index
        %get3A_1647 = tpu.vector_load %arg7[%get3A_1645, %get3A_1646] {strides = array<i32>} : memref<800x64xf32, #tpu.memory_space<vmem>>, vector<1x16xf32>,
        %get3A_1648 = vector.shape_cast %get3A_1647 : vector<1x16xf32> to vector<16xf32>
        %add3A_1649 = arith.addf %add3A_1621, %get3A_1648 : vector<16xf32>
        %add3A_1650 = arith.constant 43 : i32
        %add3A_1651 = arith.addi %mul3A_444, %add3A_1650 : i32
        %get3A_1652 = arith.index_cast %add3A_1651 : i32 to index
        %get3A_1653 = arith.constant 32 : index
        %get3A_1654 = tpu.vector_load %arg7[%get3A_1652, %get3A_1653] {strides = array<i32>} : memref<800x64xf32, #tpu.memory_space<vmem>>, vector<1x16xf32>,
        %get3A_1655 = vector.shape_cast %get3A_1654 : vector<1x16xf32> to vector<16xf32>
        %add3A_1656 = arith.addf %add3A_1628, %get3A_1655 : vector<16xf32>
        %add3A_1657 = arith.constant 43 : i32
        %add3A_1658 = arith.addi %mul3A_444, %add3A_1657 : i32
        %get3A_1659 = arith.index_cast %add3A_1658 : i32 to index
        %get3A_1660 = arith.constant 48 : index
        %get3A_1661 = tpu.vector_load %arg7[%get3A_1659, %get3A_1660] {strides = array<i32>} : memref<800x64xf32, #tpu.memory_space<vmem>>, vector<1x16xf32>,
        %get3A_1662 = vector.shape_cast %get3A_1661 : vector<1x16xf32> to vector<16xf32>
        %add3A_1663 = arith.addf %add3A_1635, %get3A_1662 : vector<16xf32>
        %add3A_1664 = arith.constant 44 : i32
        %add3A_1665 = arith.addi %mul3A_444, %add3A_1664 : i32
        %get3A_1666 = arith.index_cast %add3A_1665 : i32 to index
        %get3A_1667 = arith.constant 0 : index
        %get3A_1668 = tpu.vector_load %arg7[%get3A_1666, %get3A_1667] {strides = array<i32>} : memref<800x64xf32, #tpu.memory_space<vmem>>, vector<1x16xf32>,
        %get3A_1669 = vector.shape_cast %get3A_1668 : vector<1x16xf32> to vector<16xf32>
        %add3A_1670 = arith.addf %add3A_1642, %get3A_1669 : vector<16xf32>
        %add3A_1671 = arith.constant 44 : i32
        %add3A_1672 = arith.addi %mul3A_444, %add3A_1671 : i32
        %get3A_1673 = arith.index_cast %add3A_1672 : i32 to index
        %get3A_1674 = arith.constant 16 : index
        %get3A_1675 = tpu.vector_load %arg7[%get3A_1673, %get3A_1674] {strides = array<i32>} : memref<800x64xf32, #tpu.memory_space<vmem>>, vector<1x16xf32>,
        %get3A_1676 = vector.shape_cast %get3A_1675 : vector<1x16xf32> to vector<16xf32>
        %add3A_1677 = arith.addf %add3A_1649, %get3A_1676 : vector<16xf32>
        %add3A_1678 = arith.constant 44 : i32
        %add3A_1679 = arith.addi %mul3A_444, %add3A_1678 : i32
        %get3A_1680 = arith.index_cast %add3A_1679 : i32 to index
        %get3A_1681 = arith.constant 32 : index
        %get3A_1682 = tpu.vector_load %arg7[%get3A_1680, %get3A_1681] {strides = array<i32>} : memref<800x64xf32, #tpu.memory_space<vmem>>, vector<1x16xf32>,
        %get3A_1683 = vector.shape_cast %get3A_1682 : vector<1x16xf32> to vector<16xf32>
        %add3A_1684 = arith.addf %add3A_1656, %get3A_1683 : vector<16xf32>
        %add3A_1685 = arith.constant 44 : i32
        %add3A_1686 = arith.addi %mul3A_444, %add3A_1685 : i32
        %get3A_1687 = arith.index_cast %add3A_1686 : i32 to index
        %get3A_1688 = arith.constant 48 : index
        %get3A_1689 = tpu.vector_load %arg7[%get3A_1687, %get3A_1688] {strides = array<i32>} : memref<800x64xf32, #tpu.memory_space<vmem>>, vector<1x16xf32>,
        %get3A_1690 = vector.shape_cast %get3A_1689 : vector<1x16xf32> to vector<16xf32>
        %add3A_1691 = arith.addf %add3A_1663, %get3A_1690 : vector<16xf32>
        %add3A_1692 = arith.constant 45 : i32
        %add3A_1693 = arith.addi %mul3A_444, %add3A_1692 : i32
        %get3A_1694 = arith.index_cast %add3A_1693 : i32 to index
        %get3A_1695 = arith.constant 0 : index
        %get3A_1696 = tpu.vector_load %arg7[%get3A_1694, %get3A_1695] {strides = array<i32>} : memref<800x64xf32, #tpu.memory_space<vmem>>, vector<1x16xf32>,
        %get3A_1697 = vector.shape_cast %get3A_1696 : vector<1x16xf32> to vector<16xf32>
        %add3A_1698 = arith.addf %add3A_1670, %get3A_1697 : vector<16xf32>
        %add3A_1699 = arith.constant 45 : i32
        %add3A_1700 = arith.addi %mul3A_444, %add3A_1699 : i32
        %get3A_1701 = arith.index_cast %add3A_1700 : i32 to index
        %get3A_1702 = arith.constant 16 : index
        %get3A_1703 = tpu.vector_load %arg7[%get3A_1701, %get3A_1702] {strides = array<i32>} : memref<800x64xf32, #tpu.memory_space<vmem>>, vector<1x16xf32>,
        %get3A_1704 = vector.shape_cast %get3A_1703 : vector<1x16xf32> to vector<16xf32>
        %add3A_1705 = arith.addf %add3A_1677, %get3A_1704 : vector<16xf32>
        %add3A_1706 = arith.constant 45 : i32
        %add3A_1707 = arith.addi %mul3A_444, %add3A_1706 : i32
        %get3A_1708 = arith.index_cast %add3A_1707 : i32 to index
        %get3A_1709 = arith.constant 32 : index
        %get3A_1710 = tpu.vector_load %arg7[%get3A_1708, %get3A_1709] {strides = array<i32>} : memref<800x64xf32, #tpu.memory_space<vmem>>, vector<1x16xf32>,
        %get3A_1711 = vector.shape_cast %get3A_1710 : vector<1x16xf32> to vector<16xf32>
        %add3A_1712 = arith.addf %add3A_1684, %get3A_1711 : vector<16xf32>
        %add3A_1713 = arith.constant 45 : i32
        %add3A_1714 = arith.addi %mul3A_444, %add3A_1713 : i32
        %get3A_1715 = arith.index_cast %add3A_1714 : i32 to index
        %get3A_1716 = arith.constant 48 : index
        %get3A_1717 = tpu.vector_load %arg7[%get3A_1715, %get3A_1716] {strides = array<i32>} : memref<800x64xf32, #tpu.memory_space<vmem>>, vector<1x16xf32>,
        %get3A_1718 = vector.shape_cast %get3A_1717 : vector<1x16xf32> to vector<16xf32>
        %add3A_1719 = arith.addf %add3A_1691, %get3A_1718 : vector<16xf32>
        %add3A_1720 = arith.constant 46 : i32
        %add3A_1721 = arith.addi %mul3A_444, %add3A_1720 : i32
        %get3A_1722 = arith.index_cast %add3A_1721 : i32 to index
        %get3A_1723 = arith.constant 0 : index
        %get3A_1724 = tpu.vector_load %arg7[%get3A_1722, %get3A_1723] {strides = array<i32>} : memref<800x64xf32, #tpu.memory_space<vmem>>, vector<1x16xf32>,
        %get3A_1725 = vector.shape_cast %get3A_1724 : vector<1x16xf32> to vector<16xf32>
        %add3A_1726 = arith.addf %add3A_1698, %get3A_1725 : vector<16xf32>
        %add3A_1727 = arith.constant 46 : i32
        %add3A_1728 = arith.addi %mul3A_444, %add3A_1727 : i32
        %get3A_1729 = arith.index_cast %add3A_1728 : i32 to index
        %get3A_1730 = arith.constant 16 : index
        %get3A_1731 = tpu.vector_load %arg7[%get3A_1729, %get3A_1730] {strides = array<i32>} : memref<800x64xf32, #tpu.memory_space<vmem>>, vector<1x16xf32>,
        %get3A_1732 = vector.shape_cast %get3A_1731 : vector<1x16xf32> to vector<16xf32>
        %add3A_1733 = arith.addf %add3A_1705, %get3A_1732 : vector<16xf32>
        %add3A_1734 = arith.constant 46 : i32
        %add3A_1735 = arith.addi %mul3A_444, %add3A_1734 : i32
        %get3A_1736 = arith.index_cast %add3A_1735 : i32 to index
        %get3A_1737 = arith.constant 32 : index
        %get3A_1738 = tpu.vector_load %arg7[%get3A_1736, %get3A_1737] {strides = array<i32>} : memref<800x64xf32, #tpu.memory_space<vmem>>, vector<1x16xf32>,
        %get3A_1739 = vector.shape_cast %get3A_1738 : vector<1x16xf32> to vector<16xf32>
        %add3A_1740 = arith.addf %add3A_1712, %get3A_1739 : vector<16xf32>
        %add3A_1741 = arith.constant 46 : i32
        %add3A_1742 = arith.addi %mul3A_444, %add3A_1741 : i32
        %get3A_1743 = arith.index_cast %add3A_1742 : i32 to index
        %get3A_1744 = arith.constant 48 : index
        %get3A_1745 = tpu.vector_load %arg7[%get3A_1743, %get3A_1744] {strides = array<i32>} : memref<800x64xf32, #tpu.memory_space<vmem>>, vector<1x16xf32>,
        %get3A_1746 = vector.shape_cast %get3A_1745 : vector<1x16xf32> to vector<16xf32>
        %add3A_1747 = arith.addf %add3A_1719, %get3A_1746 : vector<16xf32>
        %add3A_1748 = arith.constant 47 : i32
        %add3A_1749 = arith.addi %mul3A_444, %add3A_1748 : i32
        %get3A_1750 = arith.index_cast %add3A_1749 : i32 to index
        %get3A_1751 = arith.constant 0 : index
        %get3A_1752 = tpu.vector_load %arg7[%get3A_1750, %get3A_1751] {strides = array<i32>} : memref<800x64xf32, #tpu.memory_space<vmem>>, vector<1x16xf32>,
        %get3A_1753 = vector.shape_cast %get3A_1752 : vector<1x16xf32> to vector<16xf32>
        %add3A_1754 = arith.addf %add3A_1726, %get3A_1753 : vector<16xf32>
        %add3A_1755 = arith.constant 47 : i32
        %add3A_1756 = arith.addi %mul3A_444, %add3A_1755 : i32
        %get3A_1757 = arith.index_cast %add3A_1756 : i32 to index
        %get3A_1758 = arith.constant 16 : index
        %get3A_1759 = tpu.vector_load %arg7[%get3A_1757, %get3A_1758] {strides = array<i32>} : memref<800x64xf32, #tpu.memory_space<vmem>>, vector<1x16xf32>,
        %get3A_1760 = vector.shape_cast %get3A_1759 : vector<1x16xf32> to vector<16xf32>
        %add3A_1761 = arith.addf %add3A_1733, %get3A_1760 : vector<16xf32>
        %add3A_1762 = arith.constant 47 : i32
        %add3A_1763 = arith.addi %mul3A_444, %add3A_1762 : i32
        %get3A_1764 = arith.index_cast %add3A_1763 : i32 to index
        %get3A_1765 = arith.constant 32 : index
        %get3A_1766 = tpu.vector_load %arg7[%get3A_1764, %get3A_1765] {strides = array<i32>} : memref<800x64xf32, #tpu.memory_space<vmem>>, vector<1x16xf32>,
        %get3A_1767 = vector.shape_cast %get3A_1766 : vector<1x16xf32> to vector<16xf32>
        %add3A_1768 = arith.addf %add3A_1740, %get3A_1767 : vector<16xf32>
        %add3A_1769 = arith.constant 47 : i32
        %add3A_1770 = arith.addi %mul3A_444, %add3A_1769 : i32
        %get3A_1771 = arith.index_cast %add3A_1770 : i32 to index
        %get3A_1772 = arith.constant 48 : index
        %get3A_1773 = tpu.vector_load %arg7[%get3A_1771, %get3A_1772] {strides = array<i32>} : memref<800x64xf32, #tpu.memory_space<vmem>>, vector<1x16xf32>,
        %get3A_1774 = vector.shape_cast %get3A_1773 : vector<1x16xf32> to vector<16xf32>
        %add3A_1775 = arith.addf %add3A_1747, %get3A_1774 : vector<16xf32>
        %add3A_1776 = arith.constant 48 : i32
        %add3A_1777 = arith.addi %mul3A_444, %add3A_1776 : i32
        %get3A_1778 = arith.index_cast %add3A_1777 : i32 to index
        %get3A_1779 = arith.constant 0 : index
        %get3A_1780 = tpu.vector_load %arg7[%get3A_1778, %get3A_1779] {strides = array<i32>} : memref<800x64xf32, #tpu.memory_space<vmem>>, vector<1x16xf32>,
        %get3A_1781 = vector.shape_cast %get3A_1780 : vector<1x16xf32> to vector<16xf32>
        %add3A_1782 = arith.addf %add3A_1754, %get3A_1781 : vector<16xf32>
        %add3A_1783 = arith.constant 48 : i32
        %add3A_1784 = arith.addi %mul3A_444, %add3A_1783 : i32
        %get3A_1785 = arith.index_cast %add3A_1784 : i32 to index
        %get3A_1786 = arith.constant 16 : index
        %get3A_1787 = tpu.vector_load %arg7[%get3A_1785, %get3A_1786] {strides = array<i32>} : memref<800x64xf32, #tpu.memory_space<vmem>>, vector<1x16xf32>,
        %get3A_1788 = vector.shape_cast %get3A_1787 : vector<1x16xf32> to vector<16xf32>
        %add3A_1789 = arith.addf %add3A_1761, %get3A_1788 : vector<16xf32>
        %add3A_1790 = arith.constant 48 : i32
        %add3A_1791 = arith.addi %mul3A_444, %add3A_1790 : i32
        %get3A_1792 = arith.index_cast %add3A_1791 : i32 to index
        %get3A_1793 = arith.constant 32 : index
        %get3A_1794 = tpu.vector_load %arg7[%get3A_1792, %get3A_1793] {strides = array<i32>} : memref<800x64xf32, #tpu.memory_space<vmem>>, vector<1x16xf32>,
        %get3A_1795 = vector.shape_cast %get3A_1794 : vector<1x16xf32> to vector<16xf32>
        %add3A_1796 = arith.addf %add3A_1768, %get3A_1795 : vector<16xf32>
        %add3A_1797 = arith.constant 48 : i32
        %add3A_1798 = arith.addi %mul3A_444, %add3A_1797 : i32
        %get3A_1799 = arith.index_cast %add3A_1798 : i32 to index
        %get3A_1800 = arith.constant 48 : index
        %get3A_1801 = tpu.vector_load %arg7[%get3A_1799, %get3A_1800] {strides = array<i32>} : memref<800x64xf32, #tpu.memory_space<vmem>>, vector<1x16xf32>,
        %get3A_1802 = vector.shape_cast %get3A_1801 : vector<1x16xf32> to vector<16xf32>
        %add3A_1803 = arith.addf %add3A_1775, %get3A_1802 : vector<16xf32>
        %add3A_1804 = arith.constant 49 : i32
        %add3A_1805 = arith.addi %mul3A_444, %add3A_1804 : i32
        %get3A_1806 = arith.index_cast %add3A_1805 : i32 to index
        %get3A_1807 = arith.constant 0 : index
        %get3A_1808 = tpu.vector_load %arg7[%get3A_1806, %get3A_1807] {strides = array<i32>} : memref<800x64xf32, #tpu.memory_space<vmem>>, vector<1x16xf32>,
        %get3A_1809 = vector.shape_cast %get3A_1808 : vector<1x16xf32> to vector<16xf32>
        %add3A_1810 = arith.addf %add3A_1782, %get3A_1809 : vector<16xf32>
        %add3A_1811 = arith.constant 49 : i32
        %add3A_1812 = arith.addi %mul3A_444, %add3A_1811 : i32
        %get3A_1813 = arith.index_cast %add3A_1812 : i32 to index
        %get3A_1814 = arith.constant 16 : index
        %get3A_1815 = tpu.vector_load %arg7[%get3A_1813, %get3A_1814] {strides = array<i32>} : memref<800x64xf32, #tpu.memory_space<vmem>>, vector<1x16xf32>,
        %get3A_1816 = vector.shape_cast %get3A_1815 : vector<1x16xf32> to vector<16xf32>
        %add3A_1817 = arith.addf %add3A_1789, %get3A_1816 : vector<16xf32>
        %add3A_1818 = arith.constant 49 : i32
        %add3A_1819 = arith.addi %mul3A_444, %add3A_1818 : i32
        %get3A_1820 = arith.index_cast %add3A_1819 : i32 to index
        %get3A_1821 = arith.constant 32 : index
        %get3A_1822 = tpu.vector_load %arg7[%get3A_1820, %get3A_1821] {strides = array<i32>} : memref<800x64xf32, #tpu.memory_space<vmem>>, vector<1x16xf32>,
        %get3A_1823 = vector.shape_cast %get3A_1822 : vector<1x16xf32> to vector<16xf32>
        %add3A_1824 = arith.addf %add3A_1796, %get3A_1823 : vector<16xf32>
        %add3A_1825 = arith.constant 49 : i32
        %add3A_1826 = arith.addi %mul3A_444, %add3A_1825 : i32
        %get3A_1827 = arith.index_cast %add3A_1826 : i32 to index
        %get3A_1828 = arith.constant 48 : index
        %get3A_1829 = tpu.vector_load %arg7[%get3A_1827, %get3A_1828] {strides = array<i32>} : memref<800x64xf32, #tpu.memory_space<vmem>>, vector<1x16xf32>,
        %get3A_1830 = vector.shape_cast %get3A_1829 : vector<1x16xf32> to vector<16xf32>
        %add3A_1831 = arith.addf %add3A_1803, %get3A_1830 : vector<16xf32>
        %swap3A = arith.index_cast %scan3A_442 : i32 to index
        %swap3A_1832 = arith.constant 0 : index
        %swap3A_1833 = tpu.vector_load %arg9[%swap3A, %swap3A_1832] {strides = array<i32>} : memref<16x64xf32, #tpu.memory_space<vmem>>, vector<1x16xf32>,
        %swap3A_1834 = vector.shape_cast %swap3A_1833 : vector<1x16xf32> to vector<16xf32>
        %swap3A_1835 = vector.shape_cast %add3A_1810 : vector<16xf32> to vector<1x16xf32>
        tpu.vector_store %arg9[%swap3A, %swap3A_1832], %swap3A_1835 {strides = array<i32>} : memref<16x64xf32, #tpu.memory_space<vmem>>, vector<1x16xf32>,
        %swap3A_1836 = arith.index_cast %scan3A_442 : i32 to index
        %swap3A_1837 = arith.constant 16 : index
        %swap3A_1838 = tpu.vector_load %arg9[%swap3A_1836, %swap3A_1837] {strides = array<i32>} : memref<16x64xf32, #tpu.memory_space<vmem>>, vector<1x16xf32>,
        %swap3A_1839 = vector.shape_cast %swap3A_1838 : vector<1x16xf32> to vector<16xf32>
        %swap3A_1840 = vector.shape_cast %add3A_1817 : vector<16xf32> to vector<1x16xf32>
        tpu.vector_store %arg9[%swap3A_1836, %swap3A_1837], %swap3A_1840 {strides = array<i32>} : memref<16x64xf32, #tpu.memory_space<vmem>>, vector<1x16xf32>,
        %swap3A_1841 = arith.index_cast %scan3A_442 : i32 to index
        %swap3A_1842 = arith.constant 32 : index
        %swap3A_1843 = tpu.vector_load %arg9[%swap3A_1841, %swap3A_1842] {strides = array<i32>} : memref<16x64xf32, #tpu.memory_space<vmem>>, vector<1x16xf32>,
        %swap3A_1844 = vector.shape_cast %swap3A_1843 : vector<1x16xf32> to vector<16xf32>
        %swap3A_1845 = vector.shape_cast %add3A_1824 : vector<16xf32> to vector<1x16xf32>
        tpu.vector_store %arg9[%swap3A_1841, %swap3A_1842], %swap3A_1845 {strides = array<i32>} : memref<16x64xf32, #tpu.memory_space<vmem>>, vector<1x16xf32>,
        %swap3A_1846 = arith.index_cast %scan3A_442 : i32 to index
        %swap3A_1847 = arith.constant 48 : index
        %swap3A_1848 = tpu.vector_load %arg9[%swap3A_1846, %swap3A_1847] {strides = array<i32>} : memref<16x64xf32, #tpu.memory_space<vmem>>, vector<1x16xf32>,
        %swap3A_1849 = vector.shape_cast %swap3A_1848 : vector<1x16xf32> to vector<16xf32>
        %swap3A_1850 = vector.shape_cast %add3A_1831 : vector<16xf32> to vector<1x16xf32>
        tpu.vector_store %arg9[%swap3A_1846, %swap3A_1847], %swap3A_1850 {strides = array<i32>} : memref<16x64xf32, #tpu.memory_space<vmem>>, vector<1x16xf32>,
      }
      %scan3A_326 = arith.constant 16 : i32
      "tpu.region"() ({
        %run_scoped3A = tpu.sem_alloc : memref<!tpu.dma_semaphore, #tpu.memory_space<semaphore_mem>>
        %dma_start3A_442 = arith.constant 0 : i32
        %dma_start3A_443 = arith.constant 0 : i32
        %dma_start3A_444 = tpu.memref_slice %arg4[%add3A_320, %dma_start3A_442, %dma_start3A_443] : memref<1024x16x64xf32, #tpu.memory_space<hbm>> -> memref<1x16x64xf32, #tpu.memory_space<hbm>>
        %dma_start3A_445 = tpu.memref_squeeze %dma_start3A_444 : memref<1x16x64xf32, #tpu.memory_space<hbm>> -> memref<16x64xf32, #tpu.memory_space<hbm>>
        %dma_start3A_446 = arith.constant 0 : i32
        %dma_start3A_447 = arith.constant 0 : i32
        %dma_start3A_448 = tpu.memref_slice %arg4[%add3A_320, %dma_start3A_446, %dma_start3A_447] : memref<1024x16x64xf32, #tpu.memory_space<hbm>> -> memref<1x16x64xf32, #tpu.memory_space<hbm>>
        %dma_start3A_449 = tpu.memref_squeeze %dma_start3A_448 : memref<1x16x64xf32, #tpu.memory_space<hbm>> -> memref<16x64xf32, #tpu.memory_space<hbm>>
        tpu.enqueue_dma source(%arg9 : memref<16x64xf32, #tpu.memory_space<vmem>>) target(%dma_start3A_449 : memref<16x64xf32, #tpu.memory_space<hbm>>) target_semaphore(%run_scoped3A : memref<!tpu.dma_semaphore, #tpu.memory_space<semaphore_mem>>)
        %dma_wait3A_450 = arith.constant 0 : i32
        %dma_wait3A_451 = arith.constant 0 : i32
        %dma_wait3A_452 = tpu.memref_slice %arg4[%add3A_320, %dma_wait3A_450, %dma_wait3A_451] : memref<1024x16x64xf32, #tpu.memory_space<hbm>> -> memref<1x16x64xf32, #tpu.memory_space<hbm>>
        %dma_wait3A_453 = tpu.memref_squeeze %dma_wait3A_452 : memref<1x16x64xf32, #tpu.memory_space<hbm>> -> memref<16x64xf32, #tpu.memory_space<hbm>>
        %dma_wait3A_454 = arith.constant 0 : i32
        %dma_wait3A_455 = arith.constant 0 : i32
        %dma_wait3A_456 = tpu.memref_slice %arg4[%add3A_320, %dma_wait3A_454, %dma_wait3A_455] : memref<1024x16x64xf32, #tpu.memory_space<hbm>> -> memref<1x16x64xf32, #tpu.memory_space<hbm>>
        %dma_wait3A_457 = tpu.memref_squeeze %dma_wait3A_456 : memref<1x16x64xf32, #tpu.memory_space<hbm>> -> memref<16x64xf32, #tpu.memory_space<hbm>>
        tpu.wait_dma2 semaphore(%run_scoped3A : memref<!tpu.dma_semaphore, #tpu.memory_space<semaphore_mem>>) src(%arg9 : memref<16x64xf32, #tpu.memory_space<vmem>>) dst(%dma_wait3A_457 : memref<16x64xf32, #tpu.memory_space<hbm>>)
        tpu.yield
      }) : () -> ()
      %lt3A = arith.constant 15 : i32
      %lt3A_327 = arith.cmpi slt, %scan3A_109, %lt3A : i32
      %convert_element_type3A = arith.extui %lt3A_327 : i1 to i32
      %cond3A = arith.constant 0 : i32
      %cond3A_328 = arith.cmpi ne, %convert_element_type3A, %cond3A : i32
      scf.if %cond3A_328 {
        %mul3A_442 = arith.constant 2 : i32
        %mul3A_443 = arith.muli %mul3A_442, %scan3A_109 : i32
        %add3A_444 = arith.constant 2 : i32
        %add3A_445 = arith.addi %mul3A_443, %add3A_444 : i32
        %mul3A_446 = arith.constant 32 : i32
        %mul3A_447 = arith.muli %add3A, %mul3A_446 : i32
        %add3A_448 = arith.addi %mul3A_447, %add3A_445 : i32
        "tpu.region"() ({
          %run_scoped3A = tpu.sem_alloc : memref<!tpu.dma_semaphore, #tpu.memory_space<semaphore_mem>>
          %dma_start3A_549 = arith.constant 0 : i32
          %dma_start3A_550 = arith.constant 0 : i32
          %dma_start3A_551 = tpu.memref_slice %arg2[%add3A_448, %dma_start3A_549, %dma_start3A_550] : memref<1024x10x80xi32, #tpu.memory_space<hbm>> -> memref<1x10x80xi32, #tpu.memory_space<hbm>>
          %dma_start3A_552 = tpu.memref_squeeze %dma_start3A_551 : memref<1x10x80xi32, #tpu.memory_space<hbm>> -> memref<10x80xi32, #tpu.memory_space<hbm>>
          %dma_start3A_553 = arith.constant 0 : i32
          %dma_start3A_554 = arith.constant 0 : i32
          %dma_start3A_555 = tpu.memref_slice %arg2[%add3A_448, %dma_start3A_553, %dma_start3A_554] : memref<1024x10x80xi32, #tpu.memory_space<hbm>> -> memref<1x10x80xi32, #tpu.memory_space<hbm>>
          %dma_start3A_556 = tpu.memref_squeeze %dma_start3A_555 : memref<1x10x80xi32, #tpu.memory_space<hbm>> -> memref<10x80xi32, #tpu.memory_space<hbm>>
          tpu.enqueue_dma source(%dma_start3A_556 : memref<10x80xi32, #tpu.memory_space<hbm>>) target(%arg5 : memref<10x80xi32, #tpu.memory_space<vmem>>) target_semaphore(%run_scoped3A : memref<!tpu.dma_semaphore, #tpu.memory_space<semaphore_mem>>)
          %dma_wait3A_557 = arith.constant 0 : i32
          %dma_wait3A_558 = arith.constant 0 : i32
          %dma_wait3A_559 = tpu.memref_slice %arg2[%add3A_448, %dma_wait3A_557, %dma_wait3A_558] : memref<1024x10x80xi32, #tpu.memory_space<hbm>> -> memref<1x10x80xi32, #tpu.memory_space<hbm>>
          %dma_wait3A_560 = tpu.memref_squeeze %dma_wait3A_559 : memref<1x10x80xi32, #tpu.memory_space<hbm>> -> memref<10x80xi32, #tpu.memory_space<hbm>>
          %dma_wait3A_561 = arith.constant 0 : i32
          %dma_wait3A_562 = arith.constant 0 : i32
          %dma_wait3A_563 = tpu.memref_slice %arg2[%add3A_448, %dma_wait3A_561, %dma_wait3A_562] : memref<1024x10x80xi32, #tpu.memory_space<hbm>> -> memref<1x10x80xi32, #tpu.memory_space<hbm>>
          %dma_wait3A_564 = tpu.memref_squeeze %dma_wait3A_563 : memref<1x10x80xi32, #tpu.memory_space<hbm>> -> memref<10x80xi32, #tpu.memory_space<hbm>>
          tpu.wait_dma2 semaphore(%run_scoped3A : memref<!tpu.dma_semaphore, #tpu.memory_space<semaphore_mem>>) src(%dma_wait3A_564 : memref<10x80xi32, #tpu.memory_space<hbm>>) dst(%arg5 : memref<10x80xi32, #tpu.memory_space<vmem>>)
          tpu.yield
        }) : () -> ()
        %dma_start3A_449 = arith.constant 0 : i32
        %dma_start3A_450 = arith.constant 0 : i32
        %dma_start3A_451 = arith.constant 0 : i32
        %dma_start3A_452 = tpu.memref_slice %arg7[%dma_start3A_450, %dma_start3A_451] : memref<800x64xf32, #tpu.memory_space<vmem>> -> memref<80x64xf32, #tpu.memory_space<vmem>>
        %dma_start3A_453 = arith.constant 0 : i32
        %dma_start3A_454 = tpu.memref_slice %arg5[%dma_start3A_449, %dma_start3A_453] : memref<10x80xi32, #tpu.memory_space<vmem>> -> memref<1x80xi32, #tpu.memory_space<vmem>>
        %dma_start3A_455 = tpu.memref_squeeze %dma_start3A_454 : memref<1x80xi32, #tpu.memory_space<vmem>> -> memref<80xi32, #tpu.memory_space<vmem>>
        %dma_start3A_456 = arith.constant 0 : i32
        %dma_start3A_457 = arith.constant 0 : i32
        %dma_start3A_458 = tpu.memref_slice %arg3[%dma_start3A_456, %dma_start3A_457] : memref<1000000x64xf32, #tpu.memory_space<hbm>> -> memref<1000000x64xf32, #tpu.memory_space<hbm>>
        tpu.enqueue_indirect_dma source(%dma_start3A_458 : memref<1000000x64xf32, #tpu.memory_space<hbm>>) target(%dma_start3A_452 : memref<80x64xf32, #tpu.memory_space<vmem>>) offsets(%dma_start3A_455 : memref<80xi32, #tpu.memory_space<vmem>>) semaphore(%arg10 : memref<!tpu.dma_semaphore, #tpu.memory_space<semaphore_mem>>)
        %dma_start3A_459 = arith.constant 1 : i32
        %dma_start3A_460 = arith.constant 80 : i32
        %dma_start3A_461 = arith.constant 0 : i32
        %dma_start3A_462 = tpu.memref_slice %arg7[%dma_start3A_460, %dma_start3A_461] : memref<800x64xf32, #tpu.memory_space<vmem>> -> memref<80x64xf32, #tpu.memory_space<vmem>>
        %dma_start3A_463 = arith.constant 0 : i32
        %dma_start3A_464 = tpu.memref_slice %arg5[%dma_start3A_459, %dma_start3A_463] : memref<10x80xi32, #tpu.memory_space<vmem>> -> memref<1x80xi32, #tpu.memory_space<vmem>>
        %dma_start3A_465 = tpu.memref_squeeze %dma_start3A_464 : memref<1x80xi32, #tpu.memory_space<vmem>> -> memref<80xi32, #tpu.memory_space<vmem>>
        %dma_start3A_466 = arith.constant 0 : i32
        %dma_start3A_467 = arith.constant 0 : i32
        %dma_start3A_468 = tpu.memref_slice %arg3[%dma_start3A_466, %dma_start3A_467] : memref<1000000x64xf32, #tpu.memory_space<hbm>> -> memref<1000000x64xf32, #tpu.memory_space<hbm>>
        tpu.enqueue_indirect_dma source(%dma_start3A_468 : memref<1000000x64xf32, #tpu.memory_space<hbm>>) target(%dma_start3A_462 : memref<80x64xf32, #tpu.memory_space<vmem>>) offsets(%dma_start3A_465 : memref<80xi32, #tpu.memory_space<vmem>>) semaphore(%arg10 : memref<!tpu.dma_semaphore, #tpu.memory_space<semaphore_mem>>)
        %dma_start3A_469 = arith.constant 2 : i32
        %dma_start3A_470 = arith.constant 160 : i32
        %dma_start3A_471 = arith.constant 0 : i32
        %dma_start3A_472 = tpu.memref_slice %arg7[%dma_start3A_470, %dma_start3A_471] : memref<800x64xf32, #tpu.memory_space<vmem>> -> memref<80x64xf32, #tpu.memory_space<vmem>>
        %dma_start3A_473 = arith.constant 0 : i32
        %dma_start3A_474 = tpu.memref_slice %arg5[%dma_start3A_469, %dma_start3A_473] : memref<10x80xi32, #tpu.memory_space<vmem>> -> memref<1x80xi32, #tpu.memory_space<vmem>>
        %dma_start3A_475 = tpu.memref_squeeze %dma_start3A_474 : memref<1x80xi32, #tpu.memory_space<vmem>> -> memref<80xi32, #tpu.memory_space<vmem>>
        %dma_start3A_476 = arith.constant 0 : i32
        %dma_start3A_477 = arith.constant 0 : i32
        %dma_start3A_478 = tpu.memref_slice %arg3[%dma_start3A_476, %dma_start3A_477] : memref<1000000x64xf32, #tpu.memory_space<hbm>> -> memref<1000000x64xf32, #tpu.memory_space<hbm>>
        tpu.enqueue_indirect_dma source(%dma_start3A_478 : memref<1000000x64xf32, #tpu.memory_space<hbm>>) target(%dma_start3A_472 : memref<80x64xf32, #tpu.memory_space<vmem>>) offsets(%dma_start3A_475 : memref<80xi32, #tpu.memory_space<vmem>>) semaphore(%arg10 : memref<!tpu.dma_semaphore, #tpu.memory_space<semaphore_mem>>)
        %dma_start3A_479 = arith.constant 3 : i32
        %dma_start3A_480 = arith.constant 240 : i32
        %dma_start3A_481 = arith.constant 0 : i32
        %dma_start3A_482 = tpu.memref_slice %arg7[%dma_start3A_480, %dma_start3A_481] : memref<800x64xf32, #tpu.memory_space<vmem>> -> memref<80x64xf32, #tpu.memory_space<vmem>>
        %dma_start3A_483 = arith.constant 0 : i32
        %dma_start3A_484 = tpu.memref_slice %arg5[%dma_start3A_479, %dma_start3A_483] : memref<10x80xi32, #tpu.memory_space<vmem>> -> memref<1x80xi32, #tpu.memory_space<vmem>>
        %dma_start3A_485 = tpu.memref_squeeze %dma_start3A_484 : memref<1x80xi32, #tpu.memory_space<vmem>> -> memref<80xi32, #tpu.memory_space<vmem>>
        %dma_start3A_486 = arith.constant 0 : i32
        %dma_start3A_487 = arith.constant 0 : i32
        %dma_start3A_488 = tpu.memref_slice %arg3[%dma_start3A_486, %dma_start3A_487] : memref<1000000x64xf32, #tpu.memory_space<hbm>> -> memref<1000000x64xf32, #tpu.memory_space<hbm>>
        tpu.enqueue_indirect_dma source(%dma_start3A_488 : memref<1000000x64xf32, #tpu.memory_space<hbm>>) target(%dma_start3A_482 : memref<80x64xf32, #tpu.memory_space<vmem>>) offsets(%dma_start3A_485 : memref<80xi32, #tpu.memory_space<vmem>>) semaphore(%arg10 : memref<!tpu.dma_semaphore, #tpu.memory_space<semaphore_mem>>)
        %dma_start3A_489 = arith.constant 4 : i32
        %dma_start3A_490 = arith.constant 320 : i32
        %dma_start3A_491 = arith.constant 0 : i32
        %dma_start3A_492 = tpu.memref_slice %arg7[%dma_start3A_490, %dma_start3A_491] : memref<800x64xf32, #tpu.memory_space<vmem>> -> memref<80x64xf32, #tpu.memory_space<vmem>>
        %dma_start3A_493 = arith.constant 0 : i32
        %dma_start3A_494 = tpu.memref_slice %arg5[%dma_start3A_489, %dma_start3A_493] : memref<10x80xi32, #tpu.memory_space<vmem>> -> memref<1x80xi32, #tpu.memory_space<vmem>>
        %dma_start3A_495 = tpu.memref_squeeze %dma_start3A_494 : memref<1x80xi32, #tpu.memory_space<vmem>> -> memref<80xi32, #tpu.memory_space<vmem>>
        %dma_start3A_496 = arith.constant 0 : i32
        %dma_start3A_497 = arith.constant 0 : i32
        %dma_start3A_498 = tpu.memref_slice %arg3[%dma_start3A_496, %dma_start3A_497] : memref<1000000x64xf32, #tpu.memory_space<hbm>> -> memref<1000000x64xf32, #tpu.memory_space<hbm>>
        tpu.enqueue_indirect_dma source(%dma_start3A_498 : memref<1000000x64xf32, #tpu.memory_space<hbm>>) target(%dma_start3A_492 : memref<80x64xf32, #tpu.memory_space<vmem>>) offsets(%dma_start3A_495 : memref<80xi32, #tpu.memory_space<vmem>>) semaphore(%arg10 : memref<!tpu.dma_semaphore, #tpu.memory_space<semaphore_mem>>)
        %dma_start3A_499 = arith.constant 5 : i32
        %dma_start3A_500 = arith.constant 400 : i32
        %dma_start3A_501 = arith.constant 0 : i32
        %dma_start3A_502 = tpu.memref_slice %arg7[%dma_start3A_500, %dma_start3A_501] : memref<800x64xf32, #tpu.memory_space<vmem>> -> memref<80x64xf32, #tpu.memory_space<vmem>>
        %dma_start3A_503 = arith.constant 0 : i32
        %dma_start3A_504 = tpu.memref_slice %arg5[%dma_start3A_499, %dma_start3A_503] : memref<10x80xi32, #tpu.memory_space<vmem>> -> memref<1x80xi32, #tpu.memory_space<vmem>>
        %dma_start3A_505 = tpu.memref_squeeze %dma_start3A_504 : memref<1x80xi32, #tpu.memory_space<vmem>> -> memref<80xi32, #tpu.memory_space<vmem>>
        %dma_start3A_506 = arith.constant 0 : i32
        %dma_start3A_507 = arith.constant 0 : i32
        %dma_start3A_508 = tpu.memref_slice %arg3[%dma_start3A_506, %dma_start3A_507] : memref<1000000x64xf32, #tpu.memory_space<hbm>> -> memref<1000000x64xf32, #tpu.memory_space<hbm>>
        tpu.enqueue_indirect_dma source(%dma_start3A_508 : memref<1000000x64xf32, #tpu.memory_space<hbm>>) target(%dma_start3A_502 : memref<80x64xf32, #tpu.memory_space<vmem>>) offsets(%dma_start3A_505 : memref<80xi32, #tpu.memory_space<vmem>>) semaphore(%arg10 : memref<!tpu.dma_semaphore, #tpu.memory_space<semaphore_mem>>)
        %dma_start3A_509 = arith.constant 6 : i32
        %dma_start3A_510 = arith.constant 480 : i32
        %dma_start3A_511 = arith.constant 0 : i32
        %dma_start3A_512 = tpu.memref_slice %arg7[%dma_start3A_510, %dma_start3A_511] : memref<800x64xf32, #tpu.memory_space<vmem>> -> memref<80x64xf32, #tpu.memory_space<vmem>>
        %dma_start3A_513 = arith.constant 0 : i32
        %dma_start3A_514 = tpu.memref_slice %arg5[%dma_start3A_509, %dma_start3A_513] : memref<10x80xi32, #tpu.memory_space<vmem>> -> memref<1x80xi32, #tpu.memory_space<vmem>>
        %dma_start3A_515 = tpu.memref_squeeze %dma_start3A_514 : memref<1x80xi32, #tpu.memory_space<vmem>> -> memref<80xi32, #tpu.memory_space<vmem>>
        %dma_start3A_516 = arith.constant 0 : i32
        %dma_start3A_517 = arith.constant 0 : i32
        %dma_start3A_518 = tpu.memref_slice %arg3[%dma_start3A_516, %dma_start3A_517] : memref<1000000x64xf32, #tpu.memory_space<hbm>> -> memref<1000000x64xf32, #tpu.memory_space<hbm>>
        tpu.enqueue_indirect_dma source(%dma_start3A_518 : memref<1000000x64xf32, #tpu.memory_space<hbm>>) target(%dma_start3A_512 : memref<80x64xf32, #tpu.memory_space<vmem>>) offsets(%dma_start3A_515 : memref<80xi32, #tpu.memory_space<vmem>>) semaphore(%arg10 : memref<!tpu.dma_semaphore, #tpu.memory_space<semaphore_mem>>)
        %dma_start3A_519 = arith.constant 7 : i32
        %dma_start3A_520 = arith.constant 560 : i32
        %dma_start3A_521 = arith.constant 0 : i32
        %dma_start3A_522 = tpu.memref_slice %arg7[%dma_start3A_520, %dma_start3A_521] : memref<800x64xf32, #tpu.memory_space<vmem>> -> memref<80x64xf32, #tpu.memory_space<vmem>>
        %dma_start3A_523 = arith.constant 0 : i32
        %dma_start3A_524 = tpu.memref_slice %arg5[%dma_start3A_519, %dma_start3A_523] : memref<10x80xi32, #tpu.memory_space<vmem>> -> memref<1x80xi32, #tpu.memory_space<vmem>>
        %dma_start3A_525 = tpu.memref_squeeze %dma_start3A_524 : memref<1x80xi32, #tpu.memory_space<vmem>> -> memref<80xi32, #tpu.memory_space<vmem>>
        %dma_start3A_526 = arith.constant 0 : i32
        %dma_start3A_527 = arith.constant 0 : i32
        %dma_start3A_528 = tpu.memref_slice %arg3[%dma_start3A_526, %dma_start3A_527] : memref<1000000x64xf32, #tpu.memory_space<hbm>> -> memref<1000000x64xf32, #tpu.memory_space<hbm>>
        tpu.enqueue_indirect_dma source(%dma_start3A_528 : memref<1000000x64xf32, #tpu.memory_space<hbm>>) target(%dma_start3A_522 : memref<80x64xf32, #tpu.memory_space<vmem>>) offsets(%dma_start3A_525 : memref<80xi32, #tpu.memory_space<vmem>>) semaphore(%arg10 : memref<!tpu.dma_semaphore, #tpu.memory_space<semaphore_mem>>)
        %dma_start3A_529 = arith.constant 8 : i32
        %dma_start3A_530 = arith.constant 640 : i32
        %dma_start3A_531 = arith.constant 0 : i32
        %dma_start3A_532 = tpu.memref_slice %arg7[%dma_start3A_530, %dma_start3A_531] : memref<800x64xf32, #tpu.memory_space<vmem>> -> memref<80x64xf32, #tpu.memory_space<vmem>>
        %dma_start3A_533 = arith.constant 0 : i32
        %dma_start3A_534 = tpu.memref_slice %arg5[%dma_start3A_529, %dma_start3A_533] : memref<10x80xi32, #tpu.memory_space<vmem>> -> memref<1x80xi32, #tpu.memory_space<vmem>>
        %dma_start3A_535 = tpu.memref_squeeze %dma_start3A_534 : memref<1x80xi32, #tpu.memory_space<vmem>> -> memref<80xi32, #tpu.memory_space<vmem>>
        %dma_start3A_536 = arith.constant 0 : i32
        %dma_start3A_537 = arith.constant 0 : i32
        %dma_start3A_538 = tpu.memref_slice %arg3[%dma_start3A_536, %dma_start3A_537] : memref<1000000x64xf32, #tpu.memory_space<hbm>> -> memref<1000000x64xf32, #tpu.memory_space<hbm>>
        tpu.enqueue_indirect_dma source(%dma_start3A_538 : memref<1000000x64xf32, #tpu.memory_space<hbm>>) target(%dma_start3A_532 : memref<80x64xf32, #tpu.memory_space<vmem>>) offsets(%dma_start3A_535 : memref<80xi32, #tpu.memory_space<vmem>>) semaphore(%arg10 : memref<!tpu.dma_semaphore, #tpu.memory_space<semaphore_mem>>)
        %dma_start3A_539 = arith.constant 9 : i32
        %dma_start3A_540 = arith.constant 720 : i32
        %dma_start3A_541 = arith.constant 0 : i32
        %dma_start3A_542 = tpu.memref_slice %arg7[%dma_start3A_540, %dma_start3A_541] : memref<800x64xf32, #tpu.memory_space<vmem>> -> memref<80x64xf32, #tpu.memory_space<vmem>>
        %dma_start3A_543 = arith.constant 0 : i32
        %dma_start3A_544 = tpu.memref_slice %arg5[%dma_start3A_539, %dma_start3A_543] : memref<10x80xi32, #tpu.memory_space<vmem>> -> memref<1x80xi32, #tpu.memory_space<vmem>>
        %dma_start3A_545 = tpu.memref_squeeze %dma_start3A_544 : memref<1x80xi32, #tpu.memory_space<vmem>> -> memref<80xi32, #tpu.memory_space<vmem>>
        %dma_start3A_546 = arith.constant 0 : i32
        %dma_start3A_547 = arith.constant 0 : i32
        %dma_start3A_548 = tpu.memref_slice %arg3[%dma_start3A_546, %dma_start3A_547] : memref<1000000x64xf32, #tpu.memory_space<hbm>> -> memref<1000000x64xf32, #tpu.memory_space<hbm>>
        tpu.enqueue_indirect_dma source(%dma_start3A_548 : memref<1000000x64xf32, #tpu.memory_space<hbm>>) target(%dma_start3A_542 : memref<80x64xf32, #tpu.memory_space<vmem>>) offsets(%dma_start3A_545 : memref<80xi32, #tpu.memory_space<vmem>>) semaphore(%arg10 : memref<!tpu.dma_semaphore, #tpu.memory_space<semaphore_mem>>)
      } else {
      }
      %dma_wait3A_329 = arith.constant 0 : i32
      %dma_wait3A_330 = arith.constant 0 : i32
      %dma_wait3A_331 = arith.constant 0 : i32
      %dma_wait3A_332 = tpu.memref_slice %arg8[%dma_wait3A_330, %dma_wait3A_331] : memref<800x64xf32, #tpu.memory_space<vmem>> -> memref<80x64xf32, #tpu.memory_space<vmem>>
      %dma_wait3A_333 = arith.constant 0 : i32
      %dma_wait3A_334 = tpu.memref_slice %arg6[%dma_wait3A_329, %dma_wait3A_333] : memref<10x80xi32, #tpu.memory_space<vmem>> -> memref<1x80xi32, #tpu.memory_space<vmem>>
      %dma_wait3A_335 = tpu.memref_squeeze %dma_wait3A_334 : memref<1x80xi32, #tpu.memory_space<vmem>> -> memref<80xi32, #tpu.memory_space<vmem>>
      %dma_wait3A_336 = arith.constant 0 : i32
      %dma_wait3A_337 = arith.constant 0 : i32
      %dma_wait3A_338 = tpu.memref_slice %arg3[%dma_wait3A_336, %dma_wait3A_337] : memref<1000000x64xf32, #tpu.memory_space<hbm>> -> memref<1000000x64xf32, #tpu.memory_space<hbm>>
      tpu.wait_indirect_dma semaphore(%arg11 : memref<!tpu.dma_semaphore, #tpu.memory_space<semaphore_mem>>) src(%dma_wait3A_338 : memref<1000000x64xf32, #tpu.memory_space<hbm>>) dst(%dma_wait3A_332 : memref<80x64xf32, #tpu.memory_space<vmem>>)
      %dma_wait3A_339 = arith.constant 1 : i32
      %dma_wait3A_340 = arith.constant 80 : i32
      %dma_wait3A_341 = arith.constant 0 : i32
      %dma_wait3A_342 = tpu.memref_slice %arg8[%dma_wait3A_340, %dma_wait3A_341] : memref<800x64xf32, #tpu.memory_space<vmem>> -> memref<80x64xf32, #tpu.memory_space<vmem>>
      %dma_wait3A_343 = arith.constant 0 : i32
      %dma_wait3A_344 = tpu.memref_slice %arg6[%dma_wait3A_339, %dma_wait3A_343] : memref<10x80xi32, #tpu.memory_space<vmem>> -> memref<1x80xi32, #tpu.memory_space<vmem>>
      %dma_wait3A_345 = tpu.memref_squeeze %dma_wait3A_344 : memref<1x80xi32, #tpu.memory_space<vmem>> -> memref<80xi32, #tpu.memory_space<vmem>>
      %dma_wait3A_346 = arith.constant 0 : i32
      %dma_wait3A_347 = arith.constant 0 : i32
      %dma_wait3A_348 = tpu.memref_slice %arg3[%dma_wait3A_346, %dma_wait3A_347] : memref<1000000x64xf32, #tpu.memory_space<hbm>> -> memref<1000000x64xf32, #tpu.memory_space<hbm>>
      tpu.wait_indirect_dma semaphore(%arg11 : memref<!tpu.dma_semaphore, #tpu.memory_space<semaphore_mem>>) src(%dma_wait3A_348 : memref<1000000x64xf32, #tpu.memory_space<hbm>>) dst(%dma_wait3A_342 : memref<80x64xf32, #tpu.memory_space<vmem>>)
      %dma_wait3A_349 = arith.constant 2 : i32
      %dma_wait3A_350 = arith.constant 160 : i32
      %dma_wait3A_351 = arith.constant 0 : i32
      %dma_wait3A_352 = tpu.memref_slice %arg8[%dma_wait3A_350, %dma_wait3A_351] : memref<800x64xf32, #tpu.memory_space<vmem>> -> memref<80x64xf32, #tpu.memory_space<vmem>>
      %dma_wait3A_353 = arith.constant 0 : i32
      %dma_wait3A_354 = tpu.memref_slice %arg6[%dma_wait3A_349, %dma_wait3A_353] : memref<10x80xi32, #tpu.memory_space<vmem>> -> memref<1x80xi32, #tpu.memory_space<vmem>>
      %dma_wait3A_355 = tpu.memref_squeeze %dma_wait3A_354 : memref<1x80xi32, #tpu.memory_space<vmem>> -> memref<80xi32, #tpu.memory_space<vmem>>
      %dma_wait3A_356 = arith.constant 0 : i32
      %dma_wait3A_357 = arith.constant 0 : i32
      %dma_wait3A_358 = tpu.memref_slice %arg3[%dma_wait3A_356, %dma_wait3A_357] : memref<1000000x64xf32, #tpu.memory_space<hbm>> -> memref<1000000x64xf32, #tpu.memory_space<hbm>>
      tpu.wait_indirect_dma semaphore(%arg11 : memref<!tpu.dma_semaphore, #tpu.memory_space<semaphore_mem>>) src(%dma_wait3A_358 : memref<1000000x64xf32, #tpu.memory_space<hbm>>) dst(%dma_wait3A_352 : memref<80x64xf32, #tpu.memory_space<vmem>>)
      %dma_wait3A_359 = arith.constant 3 : i32
      %dma_wait3A_360 = arith.constant 240 : i32
      %dma_wait3A_361 = arith.constant 0 : i32
      %dma_wait3A_362 = tpu.memref_slice %arg8[%dma_wait3A_360, %dma_wait3A_361] : memref<800x64xf32, #tpu.memory_space<vmem>> -> memref<80x64xf32, #tpu.memory_space<vmem>>
      %dma_wait3A_363 = arith.constant 0 : i32
      %dma_wait3A_364 = tpu.memref_slice %arg6[%dma_wait3A_359, %dma_wait3A_363] : memref<10x80xi32, #tpu.memory_space<vmem>> -> memref<1x80xi32, #tpu.memory_space<vmem>>
      %dma_wait3A_365 = tpu.memref_squeeze %dma_wait3A_364 : memref<1x80xi32, #tpu.memory_space<vmem>> -> memref<80xi32, #tpu.memory_space<vmem>>
      %dma_wait3A_366 = arith.constant 0 : i32
      %dma_wait3A_367 = arith.constant 0 : i32
      %dma_wait3A_368 = tpu.memref_slice %arg3[%dma_wait3A_366, %dma_wait3A_367] : memref<1000000x64xf32, #tpu.memory_space<hbm>> -> memref<1000000x64xf32, #tpu.memory_space<hbm>>
      tpu.wait_indirect_dma semaphore(%arg11 : memref<!tpu.dma_semaphore, #tpu.memory_space<semaphore_mem>>) src(%dma_wait3A_368 : memref<1000000x64xf32, #tpu.memory_space<hbm>>) dst(%dma_wait3A_362 : memref<80x64xf32, #tpu.memory_space<vmem>>)
      %dma_wait3A_369 = arith.constant 4 : i32
      %dma_wait3A_370 = arith.constant 320 : i32
      %dma_wait3A_371 = arith.constant 0 : i32
      %dma_wait3A_372 = tpu.memref_slice %arg8[%dma_wait3A_370, %dma_wait3A_371] : memref<800x64xf32, #tpu.memory_space<vmem>> -> memref<80x64xf32, #tpu.memory_space<vmem>>
      %dma_wait3A_373 = arith.constant 0 : i32
      %dma_wait3A_374 = tpu.memref_slice %arg6[%dma_wait3A_369, %dma_wait3A_373] : memref<10x80xi32, #tpu.memory_space<vmem>> -> memref<1x80xi32, #tpu.memory_space<vmem>>
      %dma_wait3A_375 = tpu.memref_squeeze %dma_wait3A_374 : memref<1x80xi32, #tpu.memory_space<vmem>> -> memref<80xi32, #tpu.memory_space<vmem>>
      %dma_wait3A_376 = arith.constant 0 : i32
      %dma_wait3A_377 = arith.constant 0 : i32
      %dma_wait3A_378 = tpu.memref_slice %arg3[%dma_wait3A_376, %dma_wait3A_377] : memref<1000000x64xf32, #tpu.memory_space<hbm>> -> memref<1000000x64xf32, #tpu.memory_space<hbm>>
      tpu.wait_indirect_dma semaphore(%arg11 : memref<!tpu.dma_semaphore, #tpu.memory_space<semaphore_mem>>) src(%dma_wait3A_378 : memref<1000000x64xf32, #tpu.memory_space<hbm>>) dst(%dma_wait3A_372 : memref<80x64xf32, #tpu.memory_space<vmem>>)
      %dma_wait3A_379 = arith.constant 5 : i32
      %dma_wait3A_380 = arith.constant 400 : i32
      %dma_wait3A_381 = arith.constant 0 : i32
      %dma_wait3A_382 = tpu.memref_slice %arg8[%dma_wait3A_380, %dma_wait3A_381] : memref<800x64xf32, #tpu.memory_space<vmem>> -> memref<80x64xf32, #tpu.memory_space<vmem>>
      %dma_wait3A_383 = arith.constant 0 : i32
      %dma_wait3A_384 = tpu.memref_slice %arg6[%dma_wait3A_379, %dma_wait3A_383] : memref<10x80xi32, #tpu.memory_space<vmem>> -> memref<1x80xi32, #tpu.memory_space<vmem>>
      %dma_wait3A_385 = tpu.memref_squeeze %dma_wait3A_384 : memref<1x80xi32, #tpu.memory_space<vmem>> -> memref<80xi32, #tpu.memory_space<vmem>>
      %dma_wait3A_386 = arith.constant 0 : i32
      %dma_wait3A_387 = arith.constant 0 : i32
      %dma_wait3A_388 = tpu.memref_slice %arg3[%dma_wait3A_386, %dma_wait3A_387] : memref<1000000x64xf32, #tpu.memory_space<hbm>> -> memref<1000000x64xf32, #tpu.memory_space<hbm>>
      tpu.wait_indirect_dma semaphore(%arg11 : memref<!tpu.dma_semaphore, #tpu.memory_space<semaphore_mem>>) src(%dma_wait3A_388 : memref<1000000x64xf32, #tpu.memory_space<hbm>>) dst(%dma_wait3A_382 : memref<80x64xf32, #tpu.memory_space<vmem>>)
      %dma_wait3A_389 = arith.constant 6 : i32
      %dma_wait3A_390 = arith.constant 480 : i32
      %dma_wait3A_391 = arith.constant 0 : i32
      %dma_wait3A_392 = tpu.memref_slice %arg8[%dma_wait3A_390, %dma_wait3A_391] : memref<800x64xf32, #tpu.memory_space<vmem>> -> memref<80x64xf32, #tpu.memory_space<vmem>>
      %dma_wait3A_393 = arith.constant 0 : i32
      %dma_wait3A_394 = tpu.memref_slice %arg6[%dma_wait3A_389, %dma_wait3A_393] : memref<10x80xi32, #tpu.memory_space<vmem>> -> memref<1x80xi32, #tpu.memory_space<vmem>>
      %dma_wait3A_395 = tpu.memref_squeeze %dma_wait3A_394 : memref<1x80xi32, #tpu.memory_space<vmem>> -> memref<80xi32, #tpu.memory_space<vmem>>
      %dma_wait3A_396 = arith.constant 0 : i32
      %dma_wait3A_397 = arith.constant 0 : i32
      %dma_wait3A_398 = tpu.memref_slice %arg3[%dma_wait3A_396, %dma_wait3A_397] : memref<1000000x64xf32, #tpu.memory_space<hbm>> -> memref<1000000x64xf32, #tpu.memory_space<hbm>>
      tpu.wait_indirect_dma semaphore(%arg11 : memref<!tpu.dma_semaphore, #tpu.memory_space<semaphore_mem>>) src(%dma_wait3A_398 : memref<1000000x64xf32, #tpu.memory_space<hbm>>) dst(%dma_wait3A_392 : memref<80x64xf32, #tpu.memory_space<vmem>>)
      %dma_wait3A_399 = arith.constant 7 : i32
      %dma_wait3A_400 = arith.constant 560 : i32
      %dma_wait3A_401 = arith.constant 0 : i32
      %dma_wait3A_402 = tpu.memref_slice %arg8[%dma_wait3A_400, %dma_wait3A_401] : memref<800x64xf32, #tpu.memory_space<vmem>> -> memref<80x64xf32, #tpu.memory_space<vmem>>
      %dma_wait3A_403 = arith.constant 0 : i32
      %dma_wait3A_404 = tpu.memref_slice %arg6[%dma_wait3A_399, %dma_wait3A_403] : memref<10x80xi32, #tpu.memory_space<vmem>> -> memref<1x80xi32, #tpu.memory_space<vmem>>
      %dma_wait3A_405 = tpu.memref_squeeze %dma_wait3A_404 : memref<1x80xi32, #tpu.memory_space<vmem>> -> memref<80xi32, #tpu.memory_space<vmem>>
      %dma_wait3A_406 = arith.constant 0 : i32
      %dma_wait3A_407 = arith.constant 0 : i32
      %dma_wait3A_408 = tpu.memref_slice %arg3[%dma_wait3A_406, %dma_wait3A_407] : memref<1000000x64xf32, #tpu.memory_space<hbm>> -> memref<1000000x64xf32, #tpu.memory_space<hbm>>
      tpu.wait_indirect_dma semaphore(%arg11 : memref<!tpu.dma_semaphore, #tpu.memory_space<semaphore_mem>>) src(%dma_wait3A_408 : memref<1000000x64xf32, #tpu.memory_space<hbm>>) dst(%dma_wait3A_402 : memref<80x64xf32, #tpu.memory_space<vmem>>)
      %dma_wait3A_409 = arith.constant 8 : i32
      %dma_wait3A_410 = arith.constant 640 : i32
      %dma_wait3A_411 = arith.constant 0 : i32
      %dma_wait3A_412 = tpu.memref_slice %arg8[%dma_wait3A_410, %dma_wait3A_411] : memref<800x64xf32, #tpu.memory_space<vmem>> -> memref<80x64xf32, #tpu.memory_space<vmem>>
      %dma_wait3A_413 = arith.constant 0 : i32
      %dma_wait3A_414 = tpu.memref_slice %arg6[%dma_wait3A_409, %dma_wait3A_413] : memref<10x80xi32, #tpu.memory_space<vmem>> -> memref<1x80xi32, #tpu.memory_space<vmem>>
      %dma_wait3A_415 = tpu.memref_squeeze %dma_wait3A_414 : memref<1x80xi32, #tpu.memory_space<vmem>> -> memref<80xi32, #tpu.memory_space<vmem>>
      %dma_wait3A_416 = arith.constant 0 : i32
      %dma_wait3A_417 = arith.constant 0 : i32
      %dma_wait3A_418 = tpu.memref_slice %arg3[%dma_wait3A_416, %dma_wait3A_417] : memref<1000000x64xf32, #tpu.memory_space<hbm>> -> memref<1000000x64xf32, #tpu.memory_space<hbm>>
      tpu.wait_indirect_dma semaphore(%arg11 : memref<!tpu.dma_semaphore, #tpu.memory_space<semaphore_mem>>) src(%dma_wait3A_418 : memref<1000000x64xf32, #tpu.memory_space<hbm>>) dst(%dma_wait3A_412 : memref<80x64xf32, #tpu.memory_space<vmem>>)
      %dma_wait3A_419 = arith.constant 9 : i32
      %dma_wait3A_420 = arith.constant 720 : i32
      %dma_wait3A_421 = arith.constant 0 : i32
      %dma_wait3A_422 = tpu.memref_slice %arg8[%dma_wait3A_420, %dma_wait3A_421] : memref<800x64xf32, #tpu.memory_space<vmem>> -> memref<80x64xf32, #tpu.memory_space<vmem>>
      %dma_wait3A_423 = arith.constant 0 : i32
      %dma_wait3A_424 = tpu.memref_slice %arg6[%dma_wait3A_419, %dma_wait3A_423] : memref<10x80xi32, #tpu.memory_space<vmem>> -> memref<1x80xi32, #tpu.memory_space<vmem>>
      %dma_wait3A_425 = tpu.memref_squeeze %dma_wait3A_424 : memref<1x80xi32, #tpu.memory_space<vmem>> -> memref<80xi32, #tpu.memory_space<vmem>>
      %dma_wait3A_426 = arith.constant 0 : i32
      %dma_wait3A_427 = arith.constant 0 : i32
      %dma_wait3A_428 = tpu.memref_slice %arg3[%dma_wait3A_426, %dma_wait3A_427] : memref<1000000x64xf32, #tpu.memory_space<hbm>> -> memref<1000000x64xf32, #tpu.memory_space<hbm>>
      tpu.wait_indirect_dma semaphore(%arg11 : memref<!tpu.dma_semaphore, #tpu.memory_space<semaphore_mem>>) src(%dma_wait3A_428 : memref<1000000x64xf32, #tpu.memory_space<hbm>>) dst(%dma_wait3A_422 : memref<80x64xf32, #tpu.memory_space<vmem>>)
      %mul3A_429 = arith.constant 2 : i32
      %mul3A_430 = arith.muli %mul3A_429, %scan3A_109 : i32
      %add3A_431 = arith.constant 1 : i32
      %add3A_432 = arith.addi %mul3A_430, %add3A_431 : i32
      %mul3A_433 = arith.constant 32 : i32
      %mul3A_434 = arith.muli %add3A, %mul3A_433 : i32
      %add3A_435 = arith.addi %mul3A_434, %add3A_432 : i32
      %scan3A_436 = arith.constant 0 : i32
      %scan3A_437 = arith.constant 0 : i32
      %scan3A_438 = arith.constant 16 : i32
      %scan3A_439 = arith.addi %scan3A_437, %scan3A_438 : i32
      %scan3A_440 = arith.constant 1 : i32
      scf.for %scan3A_442 = %scan3A_437 to %scan3A_439 step %scan3A_440  : i32 {
        %mul3A_443 = arith.constant 50 : i32
        %mul3A_444 = arith.muli %scan3A_442, %mul3A_443 : i32
        %get3A = arith.index_cast %mul3A_444 : i32 to index
        %get3A_445 = arith.constant 0 : index
        %get3A_446 = tpu.vector_load %arg8[%get3A, %get3A_445] {strides = array<i32>} : memref<800x64xf32, #tpu.memory_space<vmem>>, vector<1x16xf32>,
        %get3A_447 = vector.shape_cast %get3A_446 : vector<1x16xf32> to vector<16xf32>
        %get3A_448 = arith.index_cast %mul3A_444 : i32 to index
        %get3A_449 = arith.constant 16 : index
        %get3A_450 = tpu.vector_load %arg8[%get3A_448, %get3A_449] {strides = array<i32>} : memref<800x64xf32, #tpu.memory_space<vmem>>, vector<1x16xf32>,
        %get3A_451 = vector.shape_cast %get3A_450 : vector<1x16xf32> to vector<16xf32>
        %get3A_452 = arith.index_cast %mul3A_444 : i32 to index
        %get3A_453 = arith.constant 32 : index
        %get3A_454 = tpu.vector_load %arg8[%get3A_452, %get3A_453] {strides = array<i32>} : memref<800x64xf32, #tpu.memory_space<vmem>>, vector<1x16xf32>,
        %get3A_455 = vector.shape_cast %get3A_454 : vector<1x16xf32> to vector<16xf32>
        %get3A_456 = arith.index_cast %mul3A_444 : i32 to index
        %get3A_457 = arith.constant 48 : index
        %get3A_458 = tpu.vector_load %arg8[%get3A_456, %get3A_457] {strides = array<i32>} : memref<800x64xf32, #tpu.memory_space<vmem>>, vector<1x16xf32>,
        %get3A_459 = vector.shape_cast %get3A_458 : vector<1x16xf32> to vector<16xf32>
        %add3A_460 = arith.constant 1 : i32
        %add3A_461 = arith.addi %mul3A_444, %add3A_460 : i32
        %get3A_462 = arith.index_cast %add3A_461 : i32 to index
        %get3A_463 = arith.constant 0 : index
        %get3A_464 = tpu.vector_load %arg8[%get3A_462, %get3A_463] {strides = array<i32>} : memref<800x64xf32, #tpu.memory_space<vmem>>, vector<1x16xf32>,
        %get3A_465 = vector.shape_cast %get3A_464 : vector<1x16xf32> to vector<16xf32>
        %add3A_466 = arith.addf %get3A_447, %get3A_465 : vector<16xf32>
        %add3A_467 = arith.constant 1 : i32
        %add3A_468 = arith.addi %mul3A_444, %add3A_467 : i32
        %get3A_469 = arith.index_cast %add3A_468 : i32 to index
        %get3A_470 = arith.constant 16 : index
        %get3A_471 = tpu.vector_load %arg8[%get3A_469, %get3A_470] {strides = array<i32>} : memref<800x64xf32, #tpu.memory_space<vmem>>, vector<1x16xf32>,
        %get3A_472 = vector.shape_cast %get3A_471 : vector<1x16xf32> to vector<16xf32>
        %add3A_473 = arith.addf %get3A_451, %get3A_472 : vector<16xf32>
        %add3A_474 = arith.constant 1 : i32
        %add3A_475 = arith.addi %mul3A_444, %add3A_474 : i32
        %get3A_476 = arith.index_cast %add3A_475 : i32 to index
        %get3A_477 = arith.constant 32 : index
        %get3A_478 = tpu.vector_load %arg8[%get3A_476, %get3A_477] {strides = array<i32>} : memref<800x64xf32, #tpu.memory_space<vmem>>, vector<1x16xf32>,
        %get3A_479 = vector.shape_cast %get3A_478 : vector<1x16xf32> to vector<16xf32>
        %add3A_480 = arith.addf %get3A_455, %get3A_479 : vector<16xf32>
        %add3A_481 = arith.constant 1 : i32
        %add3A_482 = arith.addi %mul3A_444, %add3A_481 : i32
        %get3A_483 = arith.index_cast %add3A_482 : i32 to index
        %get3A_484 = arith.constant 48 : index
        %get3A_485 = tpu.vector_load %arg8[%get3A_483, %get3A_484] {strides = array<i32>} : memref<800x64xf32, #tpu.memory_space<vmem>>, vector<1x16xf32>,
        %get3A_486 = vector.shape_cast %get3A_485 : vector<1x16xf32> to vector<16xf32>
        %add3A_487 = arith.addf %get3A_459, %get3A_486 : vector<16xf32>
        %add3A_488 = arith.constant 2 : i32
        %add3A_489 = arith.addi %mul3A_444, %add3A_488 : i32
        %get3A_490 = arith.index_cast %add3A_489 : i32 to index
        %get3A_491 = arith.constant 0 : index
        %get3A_492 = tpu.vector_load %arg8[%get3A_490, %get3A_491] {strides = array<i32>} : memref<800x64xf32, #tpu.memory_space<vmem>>, vector<1x16xf32>,
        %get3A_493 = vector.shape_cast %get3A_492 : vector<1x16xf32> to vector<16xf32>
        %add3A_494 = arith.addf %add3A_466, %get3A_493 : vector<16xf32>
        %add3A_495 = arith.constant 2 : i32
        %add3A_496 = arith.addi %mul3A_444, %add3A_495 : i32
        %get3A_497 = arith.index_cast %add3A_496 : i32 to index
        %get3A_498 = arith.constant 16 : index
        %get3A_499 = tpu.vector_load %arg8[%get3A_497, %get3A_498] {strides = array<i32>} : memref<800x64xf32, #tpu.memory_space<vmem>>, vector<1x16xf32>,
        %get3A_500 = vector.shape_cast %get3A_499 : vector<1x16xf32> to vector<16xf32>
        %add3A_501 = arith.addf %add3A_473, %get3A_500 : vector<16xf32>
        %add3A_502 = arith.constant 2 : i32
        %add3A_503 = arith.addi %mul3A_444, %add3A_502 : i32
        %get3A_504 = arith.index_cast %add3A_503 : i32 to index
        %get3A_505 = arith.constant 32 : index
        %get3A_506 = tpu.vector_load %arg8[%get3A_504, %get3A_505] {strides = array<i32>} : memref<800x64xf32, #tpu.memory_space<vmem>>, vector<1x16xf32>,
        %get3A_507 = vector.shape_cast %get3A_506 : vector<1x16xf32> to vector<16xf32>
        %add3A_508 = arith.addf %add3A_480, %get3A_507 : vector<16xf32>
        %add3A_509 = arith.constant 2 : i32
        %add3A_510 = arith.addi %mul3A_444, %add3A_509 : i32
        %get3A_511 = arith.index_cast %add3A_510 : i32 to index
        %get3A_512 = arith.constant 48 : index
        %get3A_513 = tpu.vector_load %arg8[%get3A_511, %get3A_512] {strides = array<i32>} : memref<800x64xf32, #tpu.memory_space<vmem>>, vector<1x16xf32>,
        %get3A_514 = vector.shape_cast %get3A_513 : vector<1x16xf32> to vector<16xf32>
        %add3A_515 = arith.addf %add3A_487, %get3A_514 : vector<16xf32>
        %add3A_516 = arith.constant 3 : i32
        %add3A_517 = arith.addi %mul3A_444, %add3A_516 : i32
        %get3A_518 = arith.index_cast %add3A_517 : i32 to index
        %get3A_519 = arith.constant 0 : index
        %get3A_520 = tpu.vector_load %arg8[%get3A_518, %get3A_519] {strides = array<i32>} : memref<800x64xf32, #tpu.memory_space<vmem>>, vector<1x16xf32>,
        %get3A_521 = vector.shape_cast %get3A_520 : vector<1x16xf32> to vector<16xf32>
        %add3A_522 = arith.addf %add3A_494, %get3A_521 : vector<16xf32>
        %add3A_523 = arith.constant 3 : i32
        %add3A_524 = arith.addi %mul3A_444, %add3A_523 : i32
        %get3A_525 = arith.index_cast %add3A_524 : i32 to index
        %get3A_526 = arith.constant 16 : index
        %get3A_527 = tpu.vector_load %arg8[%get3A_525, %get3A_526] {strides = array<i32>} : memref<800x64xf32, #tpu.memory_space<vmem>>, vector<1x16xf32>,
        %get3A_528 = vector.shape_cast %get3A_527 : vector<1x16xf32> to vector<16xf32>
        %add3A_529 = arith.addf %add3A_501, %get3A_528 : vector<16xf32>
        %add3A_530 = arith.constant 3 : i32
        %add3A_531 = arith.addi %mul3A_444, %add3A_530 : i32
        %get3A_532 = arith.index_cast %add3A_531 : i32 to index
        %get3A_533 = arith.constant 32 : index
        %get3A_534 = tpu.vector_load %arg8[%get3A_532, %get3A_533] {strides = array<i32>} : memref<800x64xf32, #tpu.memory_space<vmem>>, vector<1x16xf32>,
        %get3A_535 = vector.shape_cast %get3A_534 : vector<1x16xf32> to vector<16xf32>
        %add3A_536 = arith.addf %add3A_508, %get3A_535 : vector<16xf32>
        %add3A_537 = arith.constant 3 : i32
        %add3A_538 = arith.addi %mul3A_444, %add3A_537 : i32
        %get3A_539 = arith.index_cast %add3A_538 : i32 to index
        %get3A_540 = arith.constant 48 : index
        %get3A_541 = tpu.vector_load %arg8[%get3A_539, %get3A_540] {strides = array<i32>} : memref<800x64xf32, #tpu.memory_space<vmem>>, vector<1x16xf32>,
        %get3A_542 = vector.shape_cast %get3A_541 : vector<1x16xf32> to vector<16xf32>
        %add3A_543 = arith.addf %add3A_515, %get3A_542 : vector<16xf32>
        %add3A_544 = arith.constant 4 : i32
        %add3A_545 = arith.addi %mul3A_444, %add3A_544 : i32
        %get3A_546 = arith.index_cast %add3A_545 : i32 to index
        %get3A_547 = arith.constant 0 : index
        %get3A_548 = tpu.vector_load %arg8[%get3A_546, %get3A_547] {strides = array<i32>} : memref<800x64xf32, #tpu.memory_space<vmem>>, vector<1x16xf32>,
        %get3A_549 = vector.shape_cast %get3A_548 : vector<1x16xf32> to vector<16xf32>
        %add3A_550 = arith.addf %add3A_522, %get3A_549 : vector<16xf32>
        %add3A_551 = arith.constant 4 : i32
        %add3A_552 = arith.addi %mul3A_444, %add3A_551 : i32
        %get3A_553 = arith.index_cast %add3A_552 : i32 to index
        %get3A_554 = arith.constant 16 : index
        %get3A_555 = tpu.vector_load %arg8[%get3A_553, %get3A_554] {strides = array<i32>} : memref<800x64xf32, #tpu.memory_space<vmem>>, vector<1x16xf32>,
        %get3A_556 = vector.shape_cast %get3A_555 : vector<1x16xf32> to vector<16xf32>
        %add3A_557 = arith.addf %add3A_529, %get3A_556 : vector<16xf32>
        %add3A_558 = arith.constant 4 : i32
        %add3A_559 = arith.addi %mul3A_444, %add3A_558 : i32
        %get3A_560 = arith.index_cast %add3A_559 : i32 to index
        %get3A_561 = arith.constant 32 : index
        %get3A_562 = tpu.vector_load %arg8[%get3A_560, %get3A_561] {strides = array<i32>} : memref<800x64xf32, #tpu.memory_space<vmem>>, vector<1x16xf32>,
        %get3A_563 = vector.shape_cast %get3A_562 : vector<1x16xf32> to vector<16xf32>
        %add3A_564 = arith.addf %add3A_536, %get3A_563 : vector<16xf32>
        %add3A_565 = arith.constant 4 : i32
        %add3A_566 = arith.addi %mul3A_444, %add3A_565 : i32
        %get3A_567 = arith.index_cast %add3A_566 : i32 to index
        %get3A_568 = arith.constant 48 : index
        %get3A_569 = tpu.vector_load %arg8[%get3A_567, %get3A_568] {strides = array<i32>} : memref<800x64xf32, #tpu.memory_space<vmem>>, vector<1x16xf32>,
        %get3A_570 = vector.shape_cast %get3A_569 : vector<1x16xf32> to vector<16xf32>
        %add3A_571 = arith.addf %add3A_543, %get3A_570 : vector<16xf32>
        %add3A_572 = arith.constant 5 : i32
        %add3A_573 = arith.addi %mul3A_444, %add3A_572 : i32
        %get3A_574 = arith.index_cast %add3A_573 : i32 to index
        %get3A_575 = arith.constant 0 : index
        %get3A_576 = tpu.vector_load %arg8[%get3A_574, %get3A_575] {strides = array<i32>} : memref<800x64xf32, #tpu.memory_space<vmem>>, vector<1x16xf32>,
        %get3A_577 = vector.shape_cast %get3A_576 : vector<1x16xf32> to vector<16xf32>
        %add3A_578 = arith.addf %add3A_550, %get3A_577 : vector<16xf32>
        %add3A_579 = arith.constant 5 : i32
        %add3A_580 = arith.addi %mul3A_444, %add3A_579 : i32
        %get3A_581 = arith.index_cast %add3A_580 : i32 to index
        %get3A_582 = arith.constant 16 : index
        %get3A_583 = tpu.vector_load %arg8[%get3A_581, %get3A_582] {strides = array<i32>} : memref<800x64xf32, #tpu.memory_space<vmem>>, vector<1x16xf32>,
        %get3A_584 = vector.shape_cast %get3A_583 : vector<1x16xf32> to vector<16xf32>
        %add3A_585 = arith.addf %add3A_557, %get3A_584 : vector<16xf32>
        %add3A_586 = arith.constant 5 : i32
        %add3A_587 = arith.addi %mul3A_444, %add3A_586 : i32
        %get3A_588 = arith.index_cast %add3A_587 : i32 to index
        %get3A_589 = arith.constant 32 : index
        %get3A_590 = tpu.vector_load %arg8[%get3A_588, %get3A_589] {strides = array<i32>} : memref<800x64xf32, #tpu.memory_space<vmem>>, vector<1x16xf32>,
        %get3A_591 = vector.shape_cast %get3A_590 : vector<1x16xf32> to vector<16xf32>
        %add3A_592 = arith.addf %add3A_564, %get3A_591 : vector<16xf32>
        %add3A_593 = arith.constant 5 : i32
        %add3A_594 = arith.addi %mul3A_444, %add3A_593 : i32
        %get3A_595 = arith.index_cast %add3A_594 : i32 to index
        %get3A_596 = arith.constant 48 : index
        %get3A_597 = tpu.vector_load %arg8[%get3A_595, %get3A_596] {strides = array<i32>} : memref<800x64xf32, #tpu.memory_space<vmem>>, vector<1x16xf32>,
        %get3A_598 = vector.shape_cast %get3A_597 : vector<1x16xf32> to vector<16xf32>
        %add3A_599 = arith.addf %add3A_571, %get3A_598 : vector<16xf32>
        %add3A_600 = arith.constant 6 : i32
        %add3A_601 = arith.addi %mul3A_444, %add3A_600 : i32
        %get3A_602 = arith.index_cast %add3A_601 : i32 to index
        %get3A_603 = arith.constant 0 : index
        %get3A_604 = tpu.vector_load %arg8[%get3A_602, %get3A_603] {strides = array<i32>} : memref<800x64xf32, #tpu.memory_space<vmem>>, vector<1x16xf32>,
        %get3A_605 = vector.shape_cast %get3A_604 : vector<1x16xf32> to vector<16xf32>
        %add3A_606 = arith.addf %add3A_578, %get3A_605 : vector<16xf32>
        %add3A_607 = arith.constant 6 : i32
        %add3A_608 = arith.addi %mul3A_444, %add3A_607 : i32
        %get3A_609 = arith.index_cast %add3A_608 : i32 to index
        %get3A_610 = arith.constant 16 : index
        %get3A_611 = tpu.vector_load %arg8[%get3A_609, %get3A_610] {strides = array<i32>} : memref<800x64xf32, #tpu.memory_space<vmem>>, vector<1x16xf32>,
        %get3A_612 = vector.shape_cast %get3A_611 : vector<1x16xf32> to vector<16xf32>
        %add3A_613 = arith.addf %add3A_585, %get3A_612 : vector<16xf32>
        %add3A_614 = arith.constant 6 : i32
        %add3A_615 = arith.addi %mul3A_444, %add3A_614 : i32
        %get3A_616 = arith.index_cast %add3A_615 : i32 to index
        %get3A_617 = arith.constant 32 : index
        %get3A_618 = tpu.vector_load %arg8[%get3A_616, %get3A_617] {strides = array<i32>} : memref<800x64xf32, #tpu.memory_space<vmem>>, vector<1x16xf32>,
        %get3A_619 = vector.shape_cast %get3A_618 : vector<1x16xf32> to vector<16xf32>
        %add3A_620 = arith.addf %add3A_592, %get3A_619 : vector<16xf32>
        %add3A_621 = arith.constant 6 : i32
        %add3A_622 = arith.addi %mul3A_444, %add3A_621 : i32
        %get3A_623 = arith.index_cast %add3A_622 : i32 to index
        %get3A_624 = arith.constant 48 : index
        %get3A_625 = tpu.vector_load %arg8[%get3A_623, %get3A_624] {strides = array<i32>} : memref<800x64xf32, #tpu.memory_space<vmem>>, vector<1x16xf32>,
        %get3A_626 = vector.shape_cast %get3A_625 : vector<1x16xf32> to vector<16xf32>
        %add3A_627 = arith.addf %add3A_599, %get3A_626 : vector<16xf32>
        %add3A_628 = arith.constant 7 : i32
        %add3A_629 = arith.addi %mul3A_444, %add3A_628 : i32
        %get3A_630 = arith.index_cast %add3A_629 : i32 to index
        %get3A_631 = arith.constant 0 : index
        %get3A_632 = tpu.vector_load %arg8[%get3A_630, %get3A_631] {strides = array<i32>} : memref<800x64xf32, #tpu.memory_space<vmem>>, vector<1x16xf32>,
        %get3A_633 = vector.shape_cast %get3A_632 : vector<1x16xf32> to vector<16xf32>
        %add3A_634 = arith.addf %add3A_606, %get3A_633 : vector<16xf32>
        %add3A_635 = arith.constant 7 : i32
        %add3A_636 = arith.addi %mul3A_444, %add3A_635 : i32
        %get3A_637 = arith.index_cast %add3A_636 : i32 to index
        %get3A_638 = arith.constant 16 : index
        %get3A_639 = tpu.vector_load %arg8[%get3A_637, %get3A_638] {strides = array<i32>} : memref<800x64xf32, #tpu.memory_space<vmem>>, vector<1x16xf32>,
        %get3A_640 = vector.shape_cast %get3A_639 : vector<1x16xf32> to vector<16xf32>
        %add3A_641 = arith.addf %add3A_613, %get3A_640 : vector<16xf32>
        %add3A_642 = arith.constant 7 : i32
        %add3A_643 = arith.addi %mul3A_444, %add3A_642 : i32
        %get3A_644 = arith.index_cast %add3A_643 : i32 to index
        %get3A_645 = arith.constant 32 : index
        %get3A_646 = tpu.vector_load %arg8[%get3A_644, %get3A_645] {strides = array<i32>} : memref<800x64xf32, #tpu.memory_space<vmem>>, vector<1x16xf32>,
        %get3A_647 = vector.shape_cast %get3A_646 : vector<1x16xf32> to vector<16xf32>
        %add3A_648 = arith.addf %add3A_620, %get3A_647 : vector<16xf32>
        %add3A_649 = arith.constant 7 : i32
        %add3A_650 = arith.addi %mul3A_444, %add3A_649 : i32
        %get3A_651 = arith.index_cast %add3A_650 : i32 to index
        %get3A_652 = arith.constant 48 : index
        %get3A_653 = tpu.vector_load %arg8[%get3A_651, %get3A_652] {strides = array<i32>} : memref<800x64xf32, #tpu.memory_space<vmem>>, vector<1x16xf32>,
        %get3A_654 = vector.shape_cast %get3A_653 : vector<1x16xf32> to vector<16xf32>
        %add3A_655 = arith.addf %add3A_627, %get3A_654 : vector<16xf32>
        %add3A_656 = arith.constant 8 : i32
        %add3A_657 = arith.addi %mul3A_444, %add3A_656 : i32
        %get3A_658 = arith.index_cast %add3A_657 : i32 to index
        %get3A_659 = arith.constant 0 : index
        %get3A_660 = tpu.vector_load %arg8[%get3A_658, %get3A_659] {strides = array<i32>} : memref<800x64xf32, #tpu.memory_space<vmem>>, vector<1x16xf32>,
        %get3A_661 = vector.shape_cast %get3A_660 : vector<1x16xf32> to vector<16xf32>
        %add3A_662 = arith.addf %add3A_634, %get3A_661 : vector<16xf32>
        %add3A_663 = arith.constant 8 : i32
        %add3A_664 = arith.addi %mul3A_444, %add3A_663 : i32
        %get3A_665 = arith.index_cast %add3A_664 : i32 to index
        %get3A_666 = arith.constant 16 : index
        %get3A_667 = tpu.vector_load %arg8[%get3A_665, %get3A_666] {strides = array<i32>} : memref<800x64xf32, #tpu.memory_space<vmem>>, vector<1x16xf32>,
        %get3A_668 = vector.shape_cast %get3A_667 : vector<1x16xf32> to vector<16xf32>
        %add3A_669 = arith.addf %add3A_641, %get3A_668 : vector<16xf32>
        %add3A_670 = arith.constant 8 : i32
        %add3A_671 = arith.addi %mul3A_444, %add3A_670 : i32
        %get3A_672 = arith.index_cast %add3A_671 : i32 to index
        %get3A_673 = arith.constant 32 : index
        %get3A_674 = tpu.vector_load %arg8[%get3A_672, %get3A_673] {strides = array<i32>} : memref<800x64xf32, #tpu.memory_space<vmem>>, vector<1x16xf32>,
        %get3A_675 = vector.shape_cast %get3A_674 : vector<1x16xf32> to vector<16xf32>
        %add3A_676 = arith.addf %add3A_648, %get3A_675 : vector<16xf32>
        %add3A_677 = arith.constant 8 : i32
        %add3A_678 = arith.addi %mul3A_444, %add3A_677 : i32
        %get3A_679 = arith.index_cast %add3A_678 : i32 to index
        %get3A_680 = arith.constant 48 : index
        %get3A_681 = tpu.vector_load %arg8[%get3A_679, %get3A_680] {strides = array<i32>} : memref<800x64xf32, #tpu.memory_space<vmem>>, vector<1x16xf32>,
        %get3A_682 = vector.shape_cast %get3A_681 : vector<1x16xf32> to vector<16xf32>
        %add3A_683 = arith.addf %add3A_655, %get3A_682 : vector<16xf32>
        %add3A_684 = arith.constant 9 : i32
        %add3A_685 = arith.addi %mul3A_444, %add3A_684 : i32
        %get3A_686 = arith.index_cast %add3A_685 : i32 to index
        %get3A_687 = arith.constant 0 : index
        %get3A_688 = tpu.vector_load %arg8[%get3A_686, %get3A_687] {strides = array<i32>} : memref<800x64xf32, #tpu.memory_space<vmem>>, vector<1x16xf32>,
        %get3A_689 = vector.shape_cast %get3A_688 : vector<1x16xf32> to vector<16xf32>
        %add3A_690 = arith.addf %add3A_662, %get3A_689 : vector<16xf32>
        %add3A_691 = arith.constant 9 : i32
        %add3A_692 = arith.addi %mul3A_444, %add3A_691 : i32
        %get3A_693 = arith.index_cast %add3A_692 : i32 to index
        %get3A_694 = arith.constant 16 : index
        %get3A_695 = tpu.vector_load %arg8[%get3A_693, %get3A_694] {strides = array<i32>} : memref<800x64xf32, #tpu.memory_space<vmem>>, vector<1x16xf32>,
        %get3A_696 = vector.shape_cast %get3A_695 : vector<1x16xf32> to vector<16xf32>
        %add3A_697 = arith.addf %add3A_669, %get3A_696 : vector<16xf32>
        %add3A_698 = arith.constant 9 : i32
        %add3A_699 = arith.addi %mul3A_444, %add3A_698 : i32
        %get3A_700 = arith.index_cast %add3A_699 : i32 to index
        %get3A_701 = arith.constant 32 : index
        %get3A_702 = tpu.vector_load %arg8[%get3A_700, %get3A_701] {strides = array<i32>} : memref<800x64xf32, #tpu.memory_space<vmem>>, vector<1x16xf32>,
        %get3A_703 = vector.shape_cast %get3A_702 : vector<1x16xf32> to vector<16xf32>
        %add3A_704 = arith.addf %add3A_676, %get3A_703 : vector<16xf32>
        %add3A_705 = arith.constant 9 : i32
        %add3A_706 = arith.addi %mul3A_444, %add3A_705 : i32
        %get3A_707 = arith.index_cast %add3A_706 : i32 to index
        %get3A_708 = arith.constant 48 : index
        %get3A_709 = tpu.vector_load %arg8[%get3A_707, %get3A_708] {strides = array<i32>} : memref<800x64xf32, #tpu.memory_space<vmem>>, vector<1x16xf32>,
        %get3A_710 = vector.shape_cast %get3A_709 : vector<1x16xf32> to vector<16xf32>
        %add3A_711 = arith.addf %add3A_683, %get3A_710 : vector<16xf32>
        %add3A_712 = arith.constant 10 : i32
        %add3A_713 = arith.addi %mul3A_444, %add3A_712 : i32
        %get3A_714 = arith.index_cast %add3A_713 : i32 to index
        %get3A_715 = arith.constant 0 : index
        %get3A_716 = tpu.vector_load %arg8[%get3A_714, %get3A_715] {strides = array<i32>} : memref<800x64xf32, #tpu.memory_space<vmem>>, vector<1x16xf32>,
        %get3A_717 = vector.shape_cast %get3A_716 : vector<1x16xf32> to vector<16xf32>
        %add3A_718 = arith.addf %add3A_690, %get3A_717 : vector<16xf32>
        %add3A_719 = arith.constant 10 : i32
        %add3A_720 = arith.addi %mul3A_444, %add3A_719 : i32
        %get3A_721 = arith.index_cast %add3A_720 : i32 to index
        %get3A_722 = arith.constant 16 : index
        %get3A_723 = tpu.vector_load %arg8[%get3A_721, %get3A_722] {strides = array<i32>} : memref<800x64xf32, #tpu.memory_space<vmem>>, vector<1x16xf32>,
        %get3A_724 = vector.shape_cast %get3A_723 : vector<1x16xf32> to vector<16xf32>
        %add3A_725 = arith.addf %add3A_697, %get3A_724 : vector<16xf32>
        %add3A_726 = arith.constant 10 : i32
        %add3A_727 = arith.addi %mul3A_444, %add3A_726 : i32
        %get3A_728 = arith.index_cast %add3A_727 : i32 to index
        %get3A_729 = arith.constant 32 : index
        %get3A_730 = tpu.vector_load %arg8[%get3A_728, %get3A_729] {strides = array<i32>} : memref<800x64xf32, #tpu.memory_space<vmem>>, vector<1x16xf32>,
        %get3A_731 = vector.shape_cast %get3A_730 : vector<1x16xf32> to vector<16xf32>
        %add3A_732 = arith.addf %add3A_704, %get3A_731 : vector<16xf32>
        %add3A_733 = arith.constant 10 : i32
        %add3A_734 = arith.addi %mul3A_444, %add3A_733 : i32
        %get3A_735 = arith.index_cast %add3A_734 : i32 to index
        %get3A_736 = arith.constant 48 : index
        %get3A_737 = tpu.vector_load %arg8[%get3A_735, %get3A_736] {strides = array<i32>} : memref<800x64xf32, #tpu.memory_space<vmem>>, vector<1x16xf32>,
        %get3A_738 = vector.shape_cast %get3A_737 : vector<1x16xf32> to vector<16xf32>
        %add3A_739 = arith.addf %add3A_711, %get3A_738 : vector<16xf32>
        %add3A_740 = arith.constant 11 : i32
        %add3A_741 = arith.addi %mul3A_444, %add3A_740 : i32
        %get3A_742 = arith.index_cast %add3A_741 : i32 to index
        %get3A_743 = arith.constant 0 : index
        %get3A_744 = tpu.vector_load %arg8[%get3A_742, %get3A_743] {strides = array<i32>} : memref<800x64xf32, #tpu.memory_space<vmem>>, vector<1x16xf32>,
        %get3A_745 = vector.shape_cast %get3A_744 : vector<1x16xf32> to vector<16xf32>
        %add3A_746 = arith.addf %add3A_718, %get3A_745 : vector<16xf32>
        %add3A_747 = arith.constant 11 : i32
        %add3A_748 = arith.addi %mul3A_444, %add3A_747 : i32
        %get3A_749 = arith.index_cast %add3A_748 : i32 to index
        %get3A_750 = arith.constant 16 : index
        %get3A_751 = tpu.vector_load %arg8[%get3A_749, %get3A_750] {strides = array<i32>} : memref<800x64xf32, #tpu.memory_space<vmem>>, vector<1x16xf32>,
        %get3A_752 = vector.shape_cast %get3A_751 : vector<1x16xf32> to vector<16xf32>
        %add3A_753 = arith.addf %add3A_725, %get3A_752 : vector<16xf32>
        %add3A_754 = arith.constant 11 : i32
        %add3A_755 = arith.addi %mul3A_444, %add3A_754 : i32
        %get3A_756 = arith.index_cast %add3A_755 : i32 to index
        %get3A_757 = arith.constant 32 : index
        %get3A_758 = tpu.vector_load %arg8[%get3A_756, %get3A_757] {strides = array<i32>} : memref<800x64xf32, #tpu.memory_space<vmem>>, vector<1x16xf32>,
        %get3A_759 = vector.shape_cast %get3A_758 : vector<1x16xf32> to vector<16xf32>
        %add3A_760 = arith.addf %add3A_732, %get3A_759 : vector<16xf32>
        %add3A_761 = arith.constant 11 : i32
        %add3A_762 = arith.addi %mul3A_444, %add3A_761 : i32
        %get3A_763 = arith.index_cast %add3A_762 : i32 to index
        %get3A_764 = arith.constant 48 : index
        %get3A_765 = tpu.vector_load %arg8[%get3A_763, %get3A_764] {strides = array<i32>} : memref<800x64xf32, #tpu.memory_space<vmem>>, vector<1x16xf32>,
        %get3A_766 = vector.shape_cast %get3A_765 : vector<1x16xf32> to vector<16xf32>
        %add3A_767 = arith.addf %add3A_739, %get3A_766 : vector<16xf32>
        %add3A_768 = arith.constant 12 : i32
        %add3A_769 = arith.addi %mul3A_444, %add3A_768 : i32
        %get3A_770 = arith.index_cast %add3A_769 : i32 to index
        %get3A_771 = arith.constant 0 : index
        %get3A_772 = tpu.vector_load %arg8[%get3A_770, %get3A_771] {strides = array<i32>} : memref<800x64xf32, #tpu.memory_space<vmem>>, vector<1x16xf32>,
        %get3A_773 = vector.shape_cast %get3A_772 : vector<1x16xf32> to vector<16xf32>
        %add3A_774 = arith.addf %add3A_746, %get3A_773 : vector<16xf32>
        %add3A_775 = arith.constant 12 : i32
        %add3A_776 = arith.addi %mul3A_444, %add3A_775 : i32
        %get3A_777 = arith.index_cast %add3A_776 : i32 to index
        %get3A_778 = arith.constant 16 : index
        %get3A_779 = tpu.vector_load %arg8[%get3A_777, %get3A_778] {strides = array<i32>} : memref<800x64xf32, #tpu.memory_space<vmem>>, vector<1x16xf32>,
        %get3A_780 = vector.shape_cast %get3A_779 : vector<1x16xf32> to vector<16xf32>
        %add3A_781 = arith.addf %add3A_753, %get3A_780 : vector<16xf32>
        %add3A_782 = arith.constant 12 : i32
        %add3A_783 = arith.addi %mul3A_444, %add3A_782 : i32
        %get3A_784 = arith.index_cast %add3A_783 : i32 to index
        %get3A_785 = arith.constant 32 : index
        %get3A_786 = tpu.vector_load %arg8[%get3A_784, %get3A_785] {strides = array<i32>} : memref<800x64xf32, #tpu.memory_space<vmem>>, vector<1x16xf32>,
        %get3A_787 = vector.shape_cast %get3A_786 : vector<1x16xf32> to vector<16xf32>
        %add3A_788 = arith.addf %add3A_760, %get3A_787 : vector<16xf32>
        %add3A_789 = arith.constant 12 : i32
        %add3A_790 = arith.addi %mul3A_444, %add3A_789 : i32
        %get3A_791 = arith.index_cast %add3A_790 : i32 to index
        %get3A_792 = arith.constant 48 : index
        %get3A_793 = tpu.vector_load %arg8[%get3A_791, %get3A_792] {strides = array<i32>} : memref<800x64xf32, #tpu.memory_space<vmem>>, vector<1x16xf32>,
        %get3A_794 = vector.shape_cast %get3A_793 : vector<1x16xf32> to vector<16xf32>
        %add3A_795 = arith.addf %add3A_767, %get3A_794 : vector<16xf32>
        %add3A_796 = arith.constant 13 : i32
        %add3A_797 = arith.addi %mul3A_444, %add3A_796 : i32
        %get3A_798 = arith.index_cast %add3A_797 : i32 to index
        %get3A_799 = arith.constant 0 : index
        %get3A_800 = tpu.vector_load %arg8[%get3A_798, %get3A_799] {strides = array<i32>} : memref<800x64xf32, #tpu.memory_space<vmem>>, vector<1x16xf32>,
        %get3A_801 = vector.shape_cast %get3A_800 : vector<1x16xf32> to vector<16xf32>
        %add3A_802 = arith.addf %add3A_774, %get3A_801 : vector<16xf32>
        %add3A_803 = arith.constant 13 : i32
        %add3A_804 = arith.addi %mul3A_444, %add3A_803 : i32
        %get3A_805 = arith.index_cast %add3A_804 : i32 to index
        %get3A_806 = arith.constant 16 : index
        %get3A_807 = tpu.vector_load %arg8[%get3A_805, %get3A_806] {strides = array<i32>} : memref<800x64xf32, #tpu.memory_space<vmem>>, vector<1x16xf32>,
        %get3A_808 = vector.shape_cast %get3A_807 : vector<1x16xf32> to vector<16xf32>
        %add3A_809 = arith.addf %add3A_781, %get3A_808 : vector<16xf32>
        %add3A_810 = arith.constant 13 : i32
        %add3A_811 = arith.addi %mul3A_444, %add3A_810 : i32
        %get3A_812 = arith.index_cast %add3A_811 : i32 to index
        %get3A_813 = arith.constant 32 : index
        %get3A_814 = tpu.vector_load %arg8[%get3A_812, %get3A_813] {strides = array<i32>} : memref<800x64xf32, #tpu.memory_space<vmem>>, vector<1x16xf32>,
        %get3A_815 = vector.shape_cast %get3A_814 : vector<1x16xf32> to vector<16xf32>
        %add3A_816 = arith.addf %add3A_788, %get3A_815 : vector<16xf32>
        %add3A_817 = arith.constant 13 : i32
        %add3A_818 = arith.addi %mul3A_444, %add3A_817 : i32
        %get3A_819 = arith.index_cast %add3A_818 : i32 to index
        %get3A_820 = arith.constant 48 : index
        %get3A_821 = tpu.vector_load %arg8[%get3A_819, %get3A_820] {strides = array<i32>} : memref<800x64xf32, #tpu.memory_space<vmem>>, vector<1x16xf32>,
        %get3A_822 = vector.shape_cast %get3A_821 : vector<1x16xf32> to vector<16xf32>
        %add3A_823 = arith.addf %add3A_795, %get3A_822 : vector<16xf32>
        %add3A_824 = arith.constant 14 : i32
        %add3A_825 = arith.addi %mul3A_444, %add3A_824 : i32
        %get3A_826 = arith.index_cast %add3A_825 : i32 to index
        %get3A_827 = arith.constant 0 : index
        %get3A_828 = tpu.vector_load %arg8[%get3A_826, %get3A_827] {strides = array<i32>} : memref<800x64xf32, #tpu.memory_space<vmem>>, vector<1x16xf32>,
        %get3A_829 = vector.shape_cast %get3A_828 : vector<1x16xf32> to vector<16xf32>
        %add3A_830 = arith.addf %add3A_802, %get3A_829 : vector<16xf32>
        %add3A_831 = arith.constant 14 : i32
        %add3A_832 = arith.addi %mul3A_444, %add3A_831 : i32
        %get3A_833 = arith.index_cast %add3A_832 : i32 to index
        %get3A_834 = arith.constant 16 : index
        %get3A_835 = tpu.vector_load %arg8[%get3A_833, %get3A_834] {strides = array<i32>} : memref<800x64xf32, #tpu.memory_space<vmem>>, vector<1x16xf32>,
        %get3A_836 = vector.shape_cast %get3A_835 : vector<1x16xf32> to vector<16xf32>
        %add3A_837 = arith.addf %add3A_809, %get3A_836 : vector<16xf32>
        %add3A_838 = arith.constant 14 : i32
        %add3A_839 = arith.addi %mul3A_444, %add3A_838 : i32
        %get3A_840 = arith.index_cast %add3A_839 : i32 to index
        %get3A_841 = arith.constant 32 : index
        %get3A_842 = tpu.vector_load %arg8[%get3A_840, %get3A_841] {strides = array<i32>} : memref<800x64xf32, #tpu.memory_space<vmem>>, vector<1x16xf32>,
        %get3A_843 = vector.shape_cast %get3A_842 : vector<1x16xf32> to vector<16xf32>
        %add3A_844 = arith.addf %add3A_816, %get3A_843 : vector<16xf32>
        %add3A_845 = arith.constant 14 : i32
        %add3A_846 = arith.addi %mul3A_444, %add3A_845 : i32
        %get3A_847 = arith.index_cast %add3A_846 : i32 to index
        %get3A_848 = arith.constant 48 : index
        %get3A_849 = tpu.vector_load %arg8[%get3A_847, %get3A_848] {strides = array<i32>} : memref<800x64xf32, #tpu.memory_space<vmem>>, vector<1x16xf32>,
        %get3A_850 = vector.shape_cast %get3A_849 : vector<1x16xf32> to vector<16xf32>
        %add3A_851 = arith.addf %add3A_823, %get3A_850 : vector<16xf32>
        %add3A_852 = arith.constant 15 : i32
        %add3A_853 = arith.addi %mul3A_444, %add3A_852 : i32
        %get3A_854 = arith.index_cast %add3A_853 : i32 to index
        %get3A_855 = arith.constant 0 : index
        %get3A_856 = tpu.vector_load %arg8[%get3A_854, %get3A_855] {strides = array<i32>} : memref<800x64xf32, #tpu.memory_space<vmem>>, vector<1x16xf32>,
        %get3A_857 = vector.shape_cast %get3A_856 : vector<1x16xf32> to vector<16xf32>
        %add3A_858 = arith.addf %add3A_830, %get3A_857 : vector<16xf32>
        %add3A_859 = arith.constant 15 : i32
        %add3A_860 = arith.addi %mul3A_444, %add3A_859 : i32
        %get3A_861 = arith.index_cast %add3A_860 : i32 to index
        %get3A_862 = arith.constant 16 : index
        %get3A_863 = tpu.vector_load %arg8[%get3A_861, %get3A_862] {strides = array<i32>} : memref<800x64xf32, #tpu.memory_space<vmem>>, vector<1x16xf32>,
        %get3A_864 = vector.shape_cast %get3A_863 : vector<1x16xf32> to vector<16xf32>
        %add3A_865 = arith.addf %add3A_837, %get3A_864 : vector<16xf32>
        %add3A_866 = arith.constant 15 : i32
        %add3A_867 = arith.addi %mul3A_444, %add3A_866 : i32
        %get3A_868 = arith.index_cast %add3A_867 : i32 to index
        %get3A_869 = arith.constant 32 : index
        %get3A_870 = tpu.vector_load %arg8[%get3A_868, %get3A_869] {strides = array<i32>} : memref<800x64xf32, #tpu.memory_space<vmem>>, vector<1x16xf32>,
        %get3A_871 = vector.shape_cast %get3A_870 : vector<1x16xf32> to vector<16xf32>
        %add3A_872 = arith.addf %add3A_844, %get3A_871 : vector<16xf32>
        %add3A_873 = arith.constant 15 : i32
        %add3A_874 = arith.addi %mul3A_444, %add3A_873 : i32
        %get3A_875 = arith.index_cast %add3A_874 : i32 to index
        %get3A_876 = arith.constant 48 : index
        %get3A_877 = tpu.vector_load %arg8[%get3A_875, %get3A_876] {strides = array<i32>} : memref<800x64xf32, #tpu.memory_space<vmem>>, vector<1x16xf32>,
        %get3A_878 = vector.shape_cast %get3A_877 : vector<1x16xf32> to vector<16xf32>
        %add3A_879 = arith.addf %add3A_851, %get3A_878 : vector<16xf32>
        %add3A_880 = arith.constant 16 : i32
        %add3A_881 = arith.addi %mul3A_444, %add3A_880 : i32
        %get3A_882 = arith.index_cast %add3A_881 : i32 to index
        %get3A_883 = arith.constant 0 : index
        %get3A_884 = tpu.vector_load %arg8[%get3A_882, %get3A_883] {strides = array<i32>} : memref<800x64xf32, #tpu.memory_space<vmem>>, vector<1x16xf32>,
        %get3A_885 = vector.shape_cast %get3A_884 : vector<1x16xf32> to vector<16xf32>
        %add3A_886 = arith.addf %add3A_858, %get3A_885 : vector<16xf32>
        %add3A_887 = arith.constant 16 : i32
        %add3A_888 = arith.addi %mul3A_444, %add3A_887 : i32
        %get3A_889 = arith.index_cast %add3A_888 : i32 to index
        %get3A_890 = arith.constant 16 : index
        %get3A_891 = tpu.vector_load %arg8[%get3A_889, %get3A_890] {strides = array<i32>} : memref<800x64xf32, #tpu.memory_space<vmem>>, vector<1x16xf32>,
        %get3A_892 = vector.shape_cast %get3A_891 : vector<1x16xf32> to vector<16xf32>
        %add3A_893 = arith.addf %add3A_865, %get3A_892 : vector<16xf32>
        %add3A_894 = arith.constant 16 : i32
        %add3A_895 = arith.addi %mul3A_444, %add3A_894 : i32
        %get3A_896 = arith.index_cast %add3A_895 : i32 to index
        %get3A_897 = arith.constant 32 : index
        %get3A_898 = tpu.vector_load %arg8[%get3A_896, %get3A_897] {strides = array<i32>} : memref<800x64xf32, #tpu.memory_space<vmem>>, vector<1x16xf32>,
        %get3A_899 = vector.shape_cast %get3A_898 : vector<1x16xf32> to vector<16xf32>
        %add3A_900 = arith.addf %add3A_872, %get3A_899 : vector<16xf32>
        %add3A_901 = arith.constant 16 : i32
        %add3A_902 = arith.addi %mul3A_444, %add3A_901 : i32
        %get3A_903 = arith.index_cast %add3A_902 : i32 to index
        %get3A_904 = arith.constant 48 : index
        %get3A_905 = tpu.vector_load %arg8[%get3A_903, %get3A_904] {strides = array<i32>} : memref<800x64xf32, #tpu.memory_space<vmem>>, vector<1x16xf32>,
        %get3A_906 = vector.shape_cast %get3A_905 : vector<1x16xf32> to vector<16xf32>
        %add3A_907 = arith.addf %add3A_879, %get3A_906 : vector<16xf32>
        %add3A_908 = arith.constant 17 : i32
        %add3A_909 = arith.addi %mul3A_444, %add3A_908 : i32
        %get3A_910 = arith.index_cast %add3A_909 : i32 to index
        %get3A_911 = arith.constant 0 : index
        %get3A_912 = tpu.vector_load %arg8[%get3A_910, %get3A_911] {strides = array<i32>} : memref<800x64xf32, #tpu.memory_space<vmem>>, vector<1x16xf32>,
        %get3A_913 = vector.shape_cast %get3A_912 : vector<1x16xf32> to vector<16xf32>
        %add3A_914 = arith.addf %add3A_886, %get3A_913 : vector<16xf32>
        %add3A_915 = arith.constant 17 : i32
        %add3A_916 = arith.addi %mul3A_444, %add3A_915 : i32
        %get3A_917 = arith.index_cast %add3A_916 : i32 to index
        %get3A_918 = arith.constant 16 : index
        %get3A_919 = tpu.vector_load %arg8[%get3A_917, %get3A_918] {strides = array<i32>} : memref<800x64xf32, #tpu.memory_space<vmem>>, vector<1x16xf32>,
        %get3A_920 = vector.shape_cast %get3A_919 : vector<1x16xf32> to vector<16xf32>
        %add3A_921 = arith.addf %add3A_893, %get3A_920 : vector<16xf32>
        %add3A_922 = arith.constant 17 : i32
        %add3A_923 = arith.addi %mul3A_444, %add3A_922 : i32
        %get3A_924 = arith.index_cast %add3A_923 : i32 to index
        %get3A_925 = arith.constant 32 : index
        %get3A_926 = tpu.vector_load %arg8[%get3A_924, %get3A_925] {strides = array<i32>} : memref<800x64xf32, #tpu.memory_space<vmem>>, vector<1x16xf32>,
        %get3A_927 = vector.shape_cast %get3A_926 : vector<1x16xf32> to vector<16xf32>
        %add3A_928 = arith.addf %add3A_900, %get3A_927 : vector<16xf32>
        %add3A_929 = arith.constant 17 : i32
        %add3A_930 = arith.addi %mul3A_444, %add3A_929 : i32
        %get3A_931 = arith.index_cast %add3A_930 : i32 to index
        %get3A_932 = arith.constant 48 : index
        %get3A_933 = tpu.vector_load %arg8[%get3A_931, %get3A_932] {strides = array<i32>} : memref<800x64xf32, #tpu.memory_space<vmem>>, vector<1x16xf32>,
        %get3A_934 = vector.shape_cast %get3A_933 : vector<1x16xf32> to vector<16xf32>
        %add3A_935 = arith.addf %add3A_907, %get3A_934 : vector<16xf32>
        %add3A_936 = arith.constant 18 : i32
        %add3A_937 = arith.addi %mul3A_444, %add3A_936 : i32
        %get3A_938 = arith.index_cast %add3A_937 : i32 to index
        %get3A_939 = arith.constant 0 : index
        %get3A_940 = tpu.vector_load %arg8[%get3A_938, %get3A_939] {strides = array<i32>} : memref<800x64xf32, #tpu.memory_space<vmem>>, vector<1x16xf32>,
        %get3A_941 = vector.shape_cast %get3A_940 : vector<1x16xf32> to vector<16xf32>
        %add3A_942 = arith.addf %add3A_914, %get3A_941 : vector<16xf32>
        %add3A_943 = arith.constant 18 : i32
        %add3A_944 = arith.addi %mul3A_444, %add3A_943 : i32
        %get3A_945 = arith.index_cast %add3A_944 : i32 to index
        %get3A_946 = arith.constant 16 : index
        %get3A_947 = tpu.vector_load %arg8[%get3A_945, %get3A_946] {strides = array<i32>} : memref<800x64xf32, #tpu.memory_space<vmem>>, vector<1x16xf32>,
        %get3A_948 = vector.shape_cast %get3A_947 : vector<1x16xf32> to vector<16xf32>
        %add3A_949 = arith.addf %add3A_921, %get3A_948 : vector<16xf32>
        %add3A_950 = arith.constant 18 : i32
        %add3A_951 = arith.addi %mul3A_444, %add3A_950 : i32
        %get3A_952 = arith.index_cast %add3A_951 : i32 to index
        %get3A_953 = arith.constant 32 : index
        %get3A_954 = tpu.vector_load %arg8[%get3A_952, %get3A_953] {strides = array<i32>} : memref<800x64xf32, #tpu.memory_space<vmem>>, vector<1x16xf32>,
        %get3A_955 = vector.shape_cast %get3A_954 : vector<1x16xf32> to vector<16xf32>
        %add3A_956 = arith.addf %add3A_928, %get3A_955 : vector<16xf32>
        %add3A_957 = arith.constant 18 : i32
        %add3A_958 = arith.addi %mul3A_444, %add3A_957 : i32
        %get3A_959 = arith.index_cast %add3A_958 : i32 to index
        %get3A_960 = arith.constant 48 : index
        %get3A_961 = tpu.vector_load %arg8[%get3A_959, %get3A_960] {strides = array<i32>} : memref<800x64xf32, #tpu.memory_space<vmem>>, vector<1x16xf32>,
        %get3A_962 = vector.shape_cast %get3A_961 : vector<1x16xf32> to vector<16xf32>
        %add3A_963 = arith.addf %add3A_935, %get3A_962 : vector<16xf32>
        %add3A_964 = arith.constant 19 : i32
        %add3A_965 = arith.addi %mul3A_444, %add3A_964 : i32
        %get3A_966 = arith.index_cast %add3A_965 : i32 to index
        %get3A_967 = arith.constant 0 : index
        %get3A_968 = tpu.vector_load %arg8[%get3A_966, %get3A_967] {strides = array<i32>} : memref<800x64xf32, #tpu.memory_space<vmem>>, vector<1x16xf32>,
        %get3A_969 = vector.shape_cast %get3A_968 : vector<1x16xf32> to vector<16xf32>
        %add3A_970 = arith.addf %add3A_942, %get3A_969 : vector<16xf32>
        %add3A_971 = arith.constant 19 : i32
        %add3A_972 = arith.addi %mul3A_444, %add3A_971 : i32
        %get3A_973 = arith.index_cast %add3A_972 : i32 to index
        %get3A_974 = arith.constant 16 : index
        %get3A_975 = tpu.vector_load %arg8[%get3A_973, %get3A_974] {strides = array<i32>} : memref<800x64xf32, #tpu.memory_space<vmem>>, vector<1x16xf32>,
        %get3A_976 = vector.shape_cast %get3A_975 : vector<1x16xf32> to vector<16xf32>
        %add3A_977 = arith.addf %add3A_949, %get3A_976 : vector<16xf32>
        %add3A_978 = arith.constant 19 : i32
        %add3A_979 = arith.addi %mul3A_444, %add3A_978 : i32
        %get3A_980 = arith.index_cast %add3A_979 : i32 to index
        %get3A_981 = arith.constant 32 : index
        %get3A_982 = tpu.vector_load %arg8[%get3A_980, %get3A_981] {strides = array<i32>} : memref<800x64xf32, #tpu.memory_space<vmem>>, vector<1x16xf32>,
        %get3A_983 = vector.shape_cast %get3A_982 : vector<1x16xf32> to vector<16xf32>
        %add3A_984 = arith.addf %add3A_956, %get3A_983 : vector<16xf32>
        %add3A_985 = arith.constant 19 : i32
        %add3A_986 = arith.addi %mul3A_444, %add3A_985 : i32
        %get3A_987 = arith.index_cast %add3A_986 : i32 to index
        %get3A_988 = arith.constant 48 : index
        %get3A_989 = tpu.vector_load %arg8[%get3A_987, %get3A_988] {strides = array<i32>} : memref<800x64xf32, #tpu.memory_space<vmem>>, vector<1x16xf32>,
        %get3A_990 = vector.shape_cast %get3A_989 : vector<1x16xf32> to vector<16xf32>
        %add3A_991 = arith.addf %add3A_963, %get3A_990 : vector<16xf32>
        %add3A_992 = arith.constant 20 : i32
        %add3A_993 = arith.addi %mul3A_444, %add3A_992 : i32
        %get3A_994 = arith.index_cast %add3A_993 : i32 to index
        %get3A_995 = arith.constant 0 : index
        %get3A_996 = tpu.vector_load %arg8[%get3A_994, %get3A_995] {strides = array<i32>} : memref<800x64xf32, #tpu.memory_space<vmem>>, vector<1x16xf32>,
        %get3A_997 = vector.shape_cast %get3A_996 : vector<1x16xf32> to vector<16xf32>
        %add3A_998 = arith.addf %add3A_970, %get3A_997 : vector<16xf32>
        %add3A_999 = arith.constant 20 : i32
        %add3A_1000 = arith.addi %mul3A_444, %add3A_999 : i32
        %get3A_1001 = arith.index_cast %add3A_1000 : i32 to index
        %get3A_1002 = arith.constant 16 : index
        %get3A_1003 = tpu.vector_load %arg8[%get3A_1001, %get3A_1002] {strides = array<i32>} : memref<800x64xf32, #tpu.memory_space<vmem>>, vector<1x16xf32>,
        %get3A_1004 = vector.shape_cast %get3A_1003 : vector<1x16xf32> to vector<16xf32>
        %add3A_1005 = arith.addf %add3A_977, %get3A_1004 : vector<16xf32>
        %add3A_1006 = arith.constant 20 : i32
        %add3A_1007 = arith.addi %mul3A_444, %add3A_1006 : i32
        %get3A_1008 = arith.index_cast %add3A_1007 : i32 to index
        %get3A_1009 = arith.constant 32 : index
        %get3A_1010 = tpu.vector_load %arg8[%get3A_1008, %get3A_1009] {strides = array<i32>} : memref<800x64xf32, #tpu.memory_space<vmem>>, vector<1x16xf32>,
        %get3A_1011 = vector.shape_cast %get3A_1010 : vector<1x16xf32> to vector<16xf32>
        %add3A_1012 = arith.addf %add3A_984, %get3A_1011 : vector<16xf32>
        %add3A_1013 = arith.constant 20 : i32
        %add3A_1014 = arith.addi %mul3A_444, %add3A_1013 : i32
        %get3A_1015 = arith.index_cast %add3A_1014 : i32 to index
        %get3A_1016 = arith.constant 48 : index
        %get3A_1017 = tpu.vector_load %arg8[%get3A_1015, %get3A_1016] {strides = array<i32>} : memref<800x64xf32, #tpu.memory_space<vmem>>, vector<1x16xf32>,
        %get3A_1018 = vector.shape_cast %get3A_1017 : vector<1x16xf32> to vector<16xf32>
        %add3A_1019 = arith.addf %add3A_991, %get3A_1018 : vector<16xf32>
        %add3A_1020 = arith.constant 21 : i32
        %add3A_1021 = arith.addi %mul3A_444, %add3A_1020 : i32
        %get3A_1022 = arith.index_cast %add3A_1021 : i32 to index
        %get3A_1023 = arith.constant 0 : index
        %get3A_1024 = tpu.vector_load %arg8[%get3A_1022, %get3A_1023] {strides = array<i32>} : memref<800x64xf32, #tpu.memory_space<vmem>>, vector<1x16xf32>,
        %get3A_1025 = vector.shape_cast %get3A_1024 : vector<1x16xf32> to vector<16xf32>
        %add3A_1026 = arith.addf %add3A_998, %get3A_1025 : vector<16xf32>
        %add3A_1027 = arith.constant 21 : i32
        %add3A_1028 = arith.addi %mul3A_444, %add3A_1027 : i32
        %get3A_1029 = arith.index_cast %add3A_1028 : i32 to index
        %get3A_1030 = arith.constant 16 : index
        %get3A_1031 = tpu.vector_load %arg8[%get3A_1029, %get3A_1030] {strides = array<i32>} : memref<800x64xf32, #tpu.memory_space<vmem>>, vector<1x16xf32>,
        %get3A_1032 = vector.shape_cast %get3A_1031 : vector<1x16xf32> to vector<16xf32>
        %add3A_1033 = arith.addf %add3A_1005, %get3A_1032 : vector<16xf32>
        %add3A_1034 = arith.constant 21 : i32
        %add3A_1035 = arith.addi %mul3A_444, %add3A_1034 : i32
        %get3A_1036 = arith.index_cast %add3A_1035 : i32 to index
        %get3A_1037 = arith.constant 32 : index
        %get3A_1038 = tpu.vector_load %arg8[%get3A_1036, %get3A_1037] {strides = array<i32>} : memref<800x64xf32, #tpu.memory_space<vmem>>, vector<1x16xf32>,
        %get3A_1039 = vector.shape_cast %get3A_1038 : vector<1x16xf32> to vector<16xf32>
        %add3A_1040 = arith.addf %add3A_1012, %get3A_1039 : vector<16xf32>
        %add3A_1041 = arith.constant 21 : i32
        %add3A_1042 = arith.addi %mul3A_444, %add3A_1041 : i32
        %get3A_1043 = arith.index_cast %add3A_1042 : i32 to index
        %get3A_1044 = arith.constant 48 : index
        %get3A_1045 = tpu.vector_load %arg8[%get3A_1043, %get3A_1044] {strides = array<i32>} : memref<800x64xf32, #tpu.memory_space<vmem>>, vector<1x16xf32>,
        %get3A_1046 = vector.shape_cast %get3A_1045 : vector<1x16xf32> to vector<16xf32>
        %add3A_1047 = arith.addf %add3A_1019, %get3A_1046 : vector<16xf32>
        %add3A_1048 = arith.constant 22 : i32
        %add3A_1049 = arith.addi %mul3A_444, %add3A_1048 : i32
        %get3A_1050 = arith.index_cast %add3A_1049 : i32 to index
        %get3A_1051 = arith.constant 0 : index
        %get3A_1052 = tpu.vector_load %arg8[%get3A_1050, %get3A_1051] {strides = array<i32>} : memref<800x64xf32, #tpu.memory_space<vmem>>, vector<1x16xf32>,
        %get3A_1053 = vector.shape_cast %get3A_1052 : vector<1x16xf32> to vector<16xf32>
        %add3A_1054 = arith.addf %add3A_1026, %get3A_1053 : vector<16xf32>
        %add3A_1055 = arith.constant 22 : i32
        %add3A_1056 = arith.addi %mul3A_444, %add3A_1055 : i32
        %get3A_1057 = arith.index_cast %add3A_1056 : i32 to index
        %get3A_1058 = arith.constant 16 : index
        %get3A_1059 = tpu.vector_load %arg8[%get3A_1057, %get3A_1058] {strides = array<i32>} : memref<800x64xf32, #tpu.memory_space<vmem>>, vector<1x16xf32>,
        %get3A_1060 = vector.shape_cast %get3A_1059 : vector<1x16xf32> to vector<16xf32>
        %add3A_1061 = arith.addf %add3A_1033, %get3A_1060 : vector<16xf32>
        %add3A_1062 = arith.constant 22 : i32
        %add3A_1063 = arith.addi %mul3A_444, %add3A_1062 : i32
        %get3A_1064 = arith.index_cast %add3A_1063 : i32 to index
        %get3A_1065 = arith.constant 32 : index
        %get3A_1066 = tpu.vector_load %arg8[%get3A_1064, %get3A_1065] {strides = array<i32>} : memref<800x64xf32, #tpu.memory_space<vmem>>, vector<1x16xf32>,
        %get3A_1067 = vector.shape_cast %get3A_1066 : vector<1x16xf32> to vector<16xf32>
        %add3A_1068 = arith.addf %add3A_1040, %get3A_1067 : vector<16xf32>
        %add3A_1069 = arith.constant 22 : i32
        %add3A_1070 = arith.addi %mul3A_444, %add3A_1069 : i32
        %get3A_1071 = arith.index_cast %add3A_1070 : i32 to index
        %get3A_1072 = arith.constant 48 : index
        %get3A_1073 = tpu.vector_load %arg8[%get3A_1071, %get3A_1072] {strides = array<i32>} : memref<800x64xf32, #tpu.memory_space<vmem>>, vector<1x16xf32>,
        %get3A_1074 = vector.shape_cast %get3A_1073 : vector<1x16xf32> to vector<16xf32>
        %add3A_1075 = arith.addf %add3A_1047, %get3A_1074 : vector<16xf32>
        %add3A_1076 = arith.constant 23 : i32
        %add3A_1077 = arith.addi %mul3A_444, %add3A_1076 : i32
        %get3A_1078 = arith.index_cast %add3A_1077 : i32 to index
        %get3A_1079 = arith.constant 0 : index
        %get3A_1080 = tpu.vector_load %arg8[%get3A_1078, %get3A_1079] {strides = array<i32>} : memref<800x64xf32, #tpu.memory_space<vmem>>, vector<1x16xf32>,
        %get3A_1081 = vector.shape_cast %get3A_1080 : vector<1x16xf32> to vector<16xf32>
        %add3A_1082 = arith.addf %add3A_1054, %get3A_1081 : vector<16xf32>
        %add3A_1083 = arith.constant 23 : i32
        %add3A_1084 = arith.addi %mul3A_444, %add3A_1083 : i32
        %get3A_1085 = arith.index_cast %add3A_1084 : i32 to index
        %get3A_1086 = arith.constant 16 : index
        %get3A_1087 = tpu.vector_load %arg8[%get3A_1085, %get3A_1086] {strides = array<i32>} : memref<800x64xf32, #tpu.memory_space<vmem>>, vector<1x16xf32>,
        %get3A_1088 = vector.shape_cast %get3A_1087 : vector<1x16xf32> to vector<16xf32>
        %add3A_1089 = arith.addf %add3A_1061, %get3A_1088 : vector<16xf32>
        %add3A_1090 = arith.constant 23 : i32
        %add3A_1091 = arith.addi %mul3A_444, %add3A_1090 : i32
        %get3A_1092 = arith.index_cast %add3A_1091 : i32 to index
        %get3A_1093 = arith.constant 32 : index
        %get3A_1094 = tpu.vector_load %arg8[%get3A_1092, %get3A_1093] {strides = array<i32>} : memref<800x64xf32, #tpu.memory_space<vmem>>, vector<1x16xf32>,
        %get3A_1095 = vector.shape_cast %get3A_1094 : vector<1x16xf32> to vector<16xf32>
        %add3A_1096 = arith.addf %add3A_1068, %get3A_1095 : vector<16xf32>
        %add3A_1097 = arith.constant 23 : i32
        %add3A_1098 = arith.addi %mul3A_444, %add3A_1097 : i32
        %get3A_1099 = arith.index_cast %add3A_1098 : i32 to index
        %get3A_1100 = arith.constant 48 : index
        %get3A_1101 = tpu.vector_load %arg8[%get3A_1099, %get3A_1100] {strides = array<i32>} : memref<800x64xf32, #tpu.memory_space<vmem>>, vector<1x16xf32>,
        %get3A_1102 = vector.shape_cast %get3A_1101 : vector<1x16xf32> to vector<16xf32>
        %add3A_1103 = arith.addf %add3A_1075, %get3A_1102 : vector<16xf32>
        %add3A_1104 = arith.constant 24 : i32
        %add3A_1105 = arith.addi %mul3A_444, %add3A_1104 : i32
        %get3A_1106 = arith.index_cast %add3A_1105 : i32 to index
        %get3A_1107 = arith.constant 0 : index
        %get3A_1108 = tpu.vector_load %arg8[%get3A_1106, %get3A_1107] {strides = array<i32>} : memref<800x64xf32, #tpu.memory_space<vmem>>, vector<1x16xf32>,
        %get3A_1109 = vector.shape_cast %get3A_1108 : vector<1x16xf32> to vector<16xf32>
        %add3A_1110 = arith.addf %add3A_1082, %get3A_1109 : vector<16xf32>
        %add3A_1111 = arith.constant 24 : i32
        %add3A_1112 = arith.addi %mul3A_444, %add3A_1111 : i32
        %get3A_1113 = arith.index_cast %add3A_1112 : i32 to index
        %get3A_1114 = arith.constant 16 : index
        %get3A_1115 = tpu.vector_load %arg8[%get3A_1113, %get3A_1114] {strides = array<i32>} : memref<800x64xf32, #tpu.memory_space<vmem>>, vector<1x16xf32>,
        %get3A_1116 = vector.shape_cast %get3A_1115 : vector<1x16xf32> to vector<16xf32>
        %add3A_1117 = arith.addf %add3A_1089, %get3A_1116 : vector<16xf32>
        %add3A_1118 = arith.constant 24 : i32
        %add3A_1119 = arith.addi %mul3A_444, %add3A_1118 : i32
        %get3A_1120 = arith.index_cast %add3A_1119 : i32 to index
        %get3A_1121 = arith.constant 32 : index
        %get3A_1122 = tpu.vector_load %arg8[%get3A_1120, %get3A_1121] {strides = array<i32>} : memref<800x64xf32, #tpu.memory_space<vmem>>, vector<1x16xf32>,
        %get3A_1123 = vector.shape_cast %get3A_1122 : vector<1x16xf32> to vector<16xf32>
        %add3A_1124 = arith.addf %add3A_1096, %get3A_1123 : vector<16xf32>
        %add3A_1125 = arith.constant 24 : i32
        %add3A_1126 = arith.addi %mul3A_444, %add3A_1125 : i32
        %get3A_1127 = arith.index_cast %add3A_1126 : i32 to index
        %get3A_1128 = arith.constant 48 : index
        %get3A_1129 = tpu.vector_load %arg8[%get3A_1127, %get3A_1128] {strides = array<i32>} : memref<800x64xf32, #tpu.memory_space<vmem>>, vector<1x16xf32>,
        %get3A_1130 = vector.shape_cast %get3A_1129 : vector<1x16xf32> to vector<16xf32>
        %add3A_1131 = arith.addf %add3A_1103, %get3A_1130 : vector<16xf32>
        %add3A_1132 = arith.constant 25 : i32
        %add3A_1133 = arith.addi %mul3A_444, %add3A_1132 : i32
        %get3A_1134 = arith.index_cast %add3A_1133 : i32 to index
        %get3A_1135 = arith.constant 0 : index
        %get3A_1136 = tpu.vector_load %arg8[%get3A_1134, %get3A_1135] {strides = array<i32>} : memref<800x64xf32, #tpu.memory_space<vmem>>, vector<1x16xf32>,
        %get3A_1137 = vector.shape_cast %get3A_1136 : vector<1x16xf32> to vector<16xf32>
        %add3A_1138 = arith.addf %add3A_1110, %get3A_1137 : vector<16xf32>
        %add3A_1139 = arith.constant 25 : i32
        %add3A_1140 = arith.addi %mul3A_444, %add3A_1139 : i32
        %get3A_1141 = arith.index_cast %add3A_1140 : i32 to index
        %get3A_1142 = arith.constant 16 : index
        %get3A_1143 = tpu.vector_load %arg8[%get3A_1141, %get3A_1142] {strides = array<i32>} : memref<800x64xf32, #tpu.memory_space<vmem>>, vector<1x16xf32>,
        %get3A_1144 = vector.shape_cast %get3A_1143 : vector<1x16xf32> to vector<16xf32>
        %add3A_1145 = arith.addf %add3A_1117, %get3A_1144 : vector<16xf32>
        %add3A_1146 = arith.constant 25 : i32
        %add3A_1147 = arith.addi %mul3A_444, %add3A_1146 : i32
        %get3A_1148 = arith.index_cast %add3A_1147 : i32 to index
        %get3A_1149 = arith.constant 32 : index
        %get3A_1150 = tpu.vector_load %arg8[%get3A_1148, %get3A_1149] {strides = array<i32>} : memref<800x64xf32, #tpu.memory_space<vmem>>, vector<1x16xf32>,
        %get3A_1151 = vector.shape_cast %get3A_1150 : vector<1x16xf32> to vector<16xf32>
        %add3A_1152 = arith.addf %add3A_1124, %get3A_1151 : vector<16xf32>
        %add3A_1153 = arith.constant 25 : i32
        %add3A_1154 = arith.addi %mul3A_444, %add3A_1153 : i32
        %get3A_1155 = arith.index_cast %add3A_1154 : i32 to index
        %get3A_1156 = arith.constant 48 : index
        %get3A_1157 = tpu.vector_load %arg8[%get3A_1155, %get3A_1156] {strides = array<i32>} : memref<800x64xf32, #tpu.memory_space<vmem>>, vector<1x16xf32>,
        %get3A_1158 = vector.shape_cast %get3A_1157 : vector<1x16xf32> to vector<16xf32>
        %add3A_1159 = arith.addf %add3A_1131, %get3A_1158 : vector<16xf32>
        %add3A_1160 = arith.constant 26 : i32
        %add3A_1161 = arith.addi %mul3A_444, %add3A_1160 : i32
        %get3A_1162 = arith.index_cast %add3A_1161 : i32 to index
        %get3A_1163 = arith.constant 0 : index
        %get3A_1164 = tpu.vector_load %arg8[%get3A_1162, %get3A_1163] {strides = array<i32>} : memref<800x64xf32, #tpu.memory_space<vmem>>, vector<1x16xf32>,
        %get3A_1165 = vector.shape_cast %get3A_1164 : vector<1x16xf32> to vector<16xf32>
        %add3A_1166 = arith.addf %add3A_1138, %get3A_1165 : vector<16xf32>
        %add3A_1167 = arith.constant 26 : i32
        %add3A_1168 = arith.addi %mul3A_444, %add3A_1167 : i32
        %get3A_1169 = arith.index_cast %add3A_1168 : i32 to index
        %get3A_1170 = arith.constant 16 : index
        %get3A_1171 = tpu.vector_load %arg8[%get3A_1169, %get3A_1170] {strides = array<i32>} : memref<800x64xf32, #tpu.memory_space<vmem>>, vector<1x16xf32>,
        %get3A_1172 = vector.shape_cast %get3A_1171 : vector<1x16xf32> to vector<16xf32>
        %add3A_1173 = arith.addf %add3A_1145, %get3A_1172 : vector<16xf32>
        %add3A_1174 = arith.constant 26 : i32
        %add3A_1175 = arith.addi %mul3A_444, %add3A_1174 : i32
        %get3A_1176 = arith.index_cast %add3A_1175 : i32 to index
        %get3A_1177 = arith.constant 32 : index
        %get3A_1178 = tpu.vector_load %arg8[%get3A_1176, %get3A_1177] {strides = array<i32>} : memref<800x64xf32, #tpu.memory_space<vmem>>, vector<1x16xf32>,
        %get3A_1179 = vector.shape_cast %get3A_1178 : vector<1x16xf32> to vector<16xf32>
        %add3A_1180 = arith.addf %add3A_1152, %get3A_1179 : vector<16xf32>
        %add3A_1181 = arith.constant 26 : i32
        %add3A_1182 = arith.addi %mul3A_444, %add3A_1181 : i32
        %get3A_1183 = arith.index_cast %add3A_1182 : i32 to index
        %get3A_1184 = arith.constant 48 : index
        %get3A_1185 = tpu.vector_load %arg8[%get3A_1183, %get3A_1184] {strides = array<i32>} : memref<800x64xf32, #tpu.memory_space<vmem>>, vector<1x16xf32>,
        %get3A_1186 = vector.shape_cast %get3A_1185 : vector<1x16xf32> to vector<16xf32>
        %add3A_1187 = arith.addf %add3A_1159, %get3A_1186 : vector<16xf32>
        %add3A_1188 = arith.constant 27 : i32
        %add3A_1189 = arith.addi %mul3A_444, %add3A_1188 : i32
        %get3A_1190 = arith.index_cast %add3A_1189 : i32 to index
        %get3A_1191 = arith.constant 0 : index
        %get3A_1192 = tpu.vector_load %arg8[%get3A_1190, %get3A_1191] {strides = array<i32>} : memref<800x64xf32, #tpu.memory_space<vmem>>, vector<1x16xf32>,
        %get3A_1193 = vector.shape_cast %get3A_1192 : vector<1x16xf32> to vector<16xf32>
        %add3A_1194 = arith.addf %add3A_1166, %get3A_1193 : vector<16xf32>
        %add3A_1195 = arith.constant 27 : i32
        %add3A_1196 = arith.addi %mul3A_444, %add3A_1195 : i32
        %get3A_1197 = arith.index_cast %add3A_1196 : i32 to index
        %get3A_1198 = arith.constant 16 : index
        %get3A_1199 = tpu.vector_load %arg8[%get3A_1197, %get3A_1198] {strides = array<i32>} : memref<800x64xf32, #tpu.memory_space<vmem>>, vector<1x16xf32>,
        %get3A_1200 = vector.shape_cast %get3A_1199 : vector<1x16xf32> to vector<16xf32>
        %add3A_1201 = arith.addf %add3A_1173, %get3A_1200 : vector<16xf32>
        %add3A_1202 = arith.constant 27 : i32
        %add3A_1203 = arith.addi %mul3A_444, %add3A_1202 : i32
        %get3A_1204 = arith.index_cast %add3A_1203 : i32 to index
        %get3A_1205 = arith.constant 32 : index
        %get3A_1206 = tpu.vector_load %arg8[%get3A_1204, %get3A_1205] {strides = array<i32>} : memref<800x64xf32, #tpu.memory_space<vmem>>, vector<1x16xf32>,
        %get3A_1207 = vector.shape_cast %get3A_1206 : vector<1x16xf32> to vector<16xf32>
        %add3A_1208 = arith.addf %add3A_1180, %get3A_1207 : vector<16xf32>
        %add3A_1209 = arith.constant 27 : i32
        %add3A_1210 = arith.addi %mul3A_444, %add3A_1209 : i32
        %get3A_1211 = arith.index_cast %add3A_1210 : i32 to index
        %get3A_1212 = arith.constant 48 : index
        %get3A_1213 = tpu.vector_load %arg8[%get3A_1211, %get3A_1212] {strides = array<i32>} : memref<800x64xf32, #tpu.memory_space<vmem>>, vector<1x16xf32>,
        %get3A_1214 = vector.shape_cast %get3A_1213 : vector<1x16xf32> to vector<16xf32>
        %add3A_1215 = arith.addf %add3A_1187, %get3A_1214 : vector<16xf32>
        %add3A_1216 = arith.constant 28 : i32
        %add3A_1217 = arith.addi %mul3A_444, %add3A_1216 : i32
        %get3A_1218 = arith.index_cast %add3A_1217 : i32 to index
        %get3A_1219 = arith.constant 0 : index
        %get3A_1220 = tpu.vector_load %arg8[%get3A_1218, %get3A_1219] {strides = array<i32>} : memref<800x64xf32, #tpu.memory_space<vmem>>, vector<1x16xf32>,
        %get3A_1221 = vector.shape_cast %get3A_1220 : vector<1x16xf32> to vector<16xf32>
        %add3A_1222 = arith.addf %add3A_1194, %get3A_1221 : vector<16xf32>
        %add3A_1223 = arith.constant 28 : i32
        %add3A_1224 = arith.addi %mul3A_444, %add3A_1223 : i32
        %get3A_1225 = arith.index_cast %add3A_1224 : i32 to index
        %get3A_1226 = arith.constant 16 : index
        %get3A_1227 = tpu.vector_load %arg8[%get3A_1225, %get3A_1226] {strides = array<i32>} : memref<800x64xf32, #tpu.memory_space<vmem>>, vector<1x16xf32>,
        %get3A_1228 = vector.shape_cast %get3A_1227 : vector<1x16xf32> to vector<16xf32>
        %add3A_1229 = arith.addf %add3A_1201, %get3A_1228 : vector<16xf32>
        %add3A_1230 = arith.constant 28 : i32
        %add3A_1231 = arith.addi %mul3A_444, %add3A_1230 : i32
        %get3A_1232 = arith.index_cast %add3A_1231 : i32 to index
        %get3A_1233 = arith.constant 32 : index
        %get3A_1234 = tpu.vector_load %arg8[%get3A_1232, %get3A_1233] {strides = array<i32>} : memref<800x64xf32, #tpu.memory_space<vmem>>, vector<1x16xf32>,
        %get3A_1235 = vector.shape_cast %get3A_1234 : vector<1x16xf32> to vector<16xf32>
        %add3A_1236 = arith.addf %add3A_1208, %get3A_1235 : vector<16xf32>
        %add3A_1237 = arith.constant 28 : i32
        %add3A_1238 = arith.addi %mul3A_444, %add3A_1237 : i32
        %get3A_1239 = arith.index_cast %add3A_1238 : i32 to index
        %get3A_1240 = arith.constant 48 : index
        %get3A_1241 = tpu.vector_load %arg8[%get3A_1239, %get3A_1240] {strides = array<i32>} : memref<800x64xf32, #tpu.memory_space<vmem>>, vector<1x16xf32>,
        %get3A_1242 = vector.shape_cast %get3A_1241 : vector<1x16xf32> to vector<16xf32>
        %add3A_1243 = arith.addf %add3A_1215, %get3A_1242 : vector<16xf32>
        %add3A_1244 = arith.constant 29 : i32
        %add3A_1245 = arith.addi %mul3A_444, %add3A_1244 : i32
        %get3A_1246 = arith.index_cast %add3A_1245 : i32 to index
        %get3A_1247 = arith.constant 0 : index
        %get3A_1248 = tpu.vector_load %arg8[%get3A_1246, %get3A_1247] {strides = array<i32>} : memref<800x64xf32, #tpu.memory_space<vmem>>, vector<1x16xf32>,
        %get3A_1249 = vector.shape_cast %get3A_1248 : vector<1x16xf32> to vector<16xf32>
        %add3A_1250 = arith.addf %add3A_1222, %get3A_1249 : vector<16xf32>
        %add3A_1251 = arith.constant 29 : i32
        %add3A_1252 = arith.addi %mul3A_444, %add3A_1251 : i32
        %get3A_1253 = arith.index_cast %add3A_1252 : i32 to index
        %get3A_1254 = arith.constant 16 : index
        %get3A_1255 = tpu.vector_load %arg8[%get3A_1253, %get3A_1254] {strides = array<i32>} : memref<800x64xf32, #tpu.memory_space<vmem>>, vector<1x16xf32>,
        %get3A_1256 = vector.shape_cast %get3A_1255 : vector<1x16xf32> to vector<16xf32>
        %add3A_1257 = arith.addf %add3A_1229, %get3A_1256 : vector<16xf32>
        %add3A_1258 = arith.constant 29 : i32
        %add3A_1259 = arith.addi %mul3A_444, %add3A_1258 : i32
        %get3A_1260 = arith.index_cast %add3A_1259 : i32 to index
        %get3A_1261 = arith.constant 32 : index
        %get3A_1262 = tpu.vector_load %arg8[%get3A_1260, %get3A_1261] {strides = array<i32>} : memref<800x64xf32, #tpu.memory_space<vmem>>, vector<1x16xf32>,
        %get3A_1263 = vector.shape_cast %get3A_1262 : vector<1x16xf32> to vector<16xf32>
        %add3A_1264 = arith.addf %add3A_1236, %get3A_1263 : vector<16xf32>
        %add3A_1265 = arith.constant 29 : i32
        %add3A_1266 = arith.addi %mul3A_444, %add3A_1265 : i32
        %get3A_1267 = arith.index_cast %add3A_1266 : i32 to index
        %get3A_1268 = arith.constant 48 : index
        %get3A_1269 = tpu.vector_load %arg8[%get3A_1267, %get3A_1268] {strides = array<i32>} : memref<800x64xf32, #tpu.memory_space<vmem>>, vector<1x16xf32>,
        %get3A_1270 = vector.shape_cast %get3A_1269 : vector<1x16xf32> to vector<16xf32>
        %add3A_1271 = arith.addf %add3A_1243, %get3A_1270 : vector<16xf32>
        %add3A_1272 = arith.constant 30 : i32
        %add3A_1273 = arith.addi %mul3A_444, %add3A_1272 : i32
        %get3A_1274 = arith.index_cast %add3A_1273 : i32 to index
        %get3A_1275 = arith.constant 0 : index
        %get3A_1276 = tpu.vector_load %arg8[%get3A_1274, %get3A_1275] {strides = array<i32>} : memref<800x64xf32, #tpu.memory_space<vmem>>, vector<1x16xf32>,
        %get3A_1277 = vector.shape_cast %get3A_1276 : vector<1x16xf32> to vector<16xf32>
        %add3A_1278 = arith.addf %add3A_1250, %get3A_1277 : vector<16xf32>
        %add3A_1279 = arith.constant 30 : i32
        %add3A_1280 = arith.addi %mul3A_444, %add3A_1279 : i32
        %get3A_1281 = arith.index_cast %add3A_1280 : i32 to index
        %get3A_1282 = arith.constant 16 : index
        %get3A_1283 = tpu.vector_load %arg8[%get3A_1281, %get3A_1282] {strides = array<i32>} : memref<800x64xf32, #tpu.memory_space<vmem>>, vector<1x16xf32>,
        %get3A_1284 = vector.shape_cast %get3A_1283 : vector<1x16xf32> to vector<16xf32>
        %add3A_1285 = arith.addf %add3A_1257, %get3A_1284 : vector<16xf32>
        %add3A_1286 = arith.constant 30 : i32
        %add3A_1287 = arith.addi %mul3A_444, %add3A_1286 : i32
        %get3A_1288 = arith.index_cast %add3A_1287 : i32 to index
        %get3A_1289 = arith.constant 32 : index
        %get3A_1290 = tpu.vector_load %arg8[%get3A_1288, %get3A_1289] {strides = array<i32>} : memref<800x64xf32, #tpu.memory_space<vmem>>, vector<1x16xf32>,
        %get3A_1291 = vector.shape_cast %get3A_1290 : vector<1x16xf32> to vector<16xf32>
        %add3A_1292 = arith.addf %add3A_1264, %get3A_1291 : vector<16xf32>
        %add3A_1293 = arith.constant 30 : i32
        %add3A_1294 = arith.addi %mul3A_444, %add3A_1293 : i32
        %get3A_1295 = arith.index_cast %add3A_1294 : i32 to index
        %get3A_1296 = arith.constant 48 : index
        %get3A_1297 = tpu.vector_load %arg8[%get3A_1295, %get3A_1296] {strides = array<i32>} : memref<800x64xf32, #tpu.memory_space<vmem>>, vector<1x16xf32>,
        %get3A_1298 = vector.shape_cast %get3A_1297 : vector<1x16xf32> to vector<16xf32>
        %add3A_1299 = arith.addf %add3A_1271, %get3A_1298 : vector<16xf32>
        %add3A_1300 = arith.constant 31 : i32
        %add3A_1301 = arith.addi %mul3A_444, %add3A_1300 : i32
        %get3A_1302 = arith.index_cast %add3A_1301 : i32 to index
        %get3A_1303 = arith.constant 0 : index
        %get3A_1304 = tpu.vector_load %arg8[%get3A_1302, %get3A_1303] {strides = array<i32>} : memref<800x64xf32, #tpu.memory_space<vmem>>, vector<1x16xf32>,
        %get3A_1305 = vector.shape_cast %get3A_1304 : vector<1x16xf32> to vector<16xf32>
        %add3A_1306 = arith.addf %add3A_1278, %get3A_1305 : vector<16xf32>
        %add3A_1307 = arith.constant 31 : i32
        %add3A_1308 = arith.addi %mul3A_444, %add3A_1307 : i32
        %get3A_1309 = arith.index_cast %add3A_1308 : i32 to index
        %get3A_1310 = arith.constant 16 : index
        %get3A_1311 = tpu.vector_load %arg8[%get3A_1309, %get3A_1310] {strides = array<i32>} : memref<800x64xf32, #tpu.memory_space<vmem>>, vector<1x16xf32>,
        %get3A_1312 = vector.shape_cast %get3A_1311 : vector<1x16xf32> to vector<16xf32>
        %add3A_1313 = arith.addf %add3A_1285, %get3A_1312 : vector<16xf32>
        %add3A_1314 = arith.constant 31 : i32
        %add3A_1315 = arith.addi %mul3A_444, %add3A_1314 : i32
        %get3A_1316 = arith.index_cast %add3A_1315 : i32 to index
        %get3A_1317 = arith.constant 32 : index
        %get3A_1318 = tpu.vector_load %arg8[%get3A_1316, %get3A_1317] {strides = array<i32>} : memref<800x64xf32, #tpu.memory_space<vmem>>, vector<1x16xf32>,
        %get3A_1319 = vector.shape_cast %get3A_1318 : vector<1x16xf32> to vector<16xf32>
        %add3A_1320 = arith.addf %add3A_1292, %get3A_1319 : vector<16xf32>
        %add3A_1321 = arith.constant 31 : i32
        %add3A_1322 = arith.addi %mul3A_444, %add3A_1321 : i32
        %get3A_1323 = arith.index_cast %add3A_1322 : i32 to index
        %get3A_1324 = arith.constant 48 : index
        %get3A_1325 = tpu.vector_load %arg8[%get3A_1323, %get3A_1324] {strides = array<i32>} : memref<800x64xf32, #tpu.memory_space<vmem>>, vector<1x16xf32>,
        %get3A_1326 = vector.shape_cast %get3A_1325 : vector<1x16xf32> to vector<16xf32>
        %add3A_1327 = arith.addf %add3A_1299, %get3A_1326 : vector<16xf32>
        %add3A_1328 = arith.constant 32 : i32
        %add3A_1329 = arith.addi %mul3A_444, %add3A_1328 : i32
        %get3A_1330 = arith.index_cast %add3A_1329 : i32 to index
        %get3A_1331 = arith.constant 0 : index
        %get3A_1332 = tpu.vector_load %arg8[%get3A_1330, %get3A_1331] {strides = array<i32>} : memref<800x64xf32, #tpu.memory_space<vmem>>, vector<1x16xf32>,
        %get3A_1333 = vector.shape_cast %get3A_1332 : vector<1x16xf32> to vector<16xf32>
        %add3A_1334 = arith.addf %add3A_1306, %get3A_1333 : vector<16xf32>
        %add3A_1335 = arith.constant 32 : i32
        %add3A_1336 = arith.addi %mul3A_444, %add3A_1335 : i32
        %get3A_1337 = arith.index_cast %add3A_1336 : i32 to index
        %get3A_1338 = arith.constant 16 : index
        %get3A_1339 = tpu.vector_load %arg8[%get3A_1337, %get3A_1338] {strides = array<i32>} : memref<800x64xf32, #tpu.memory_space<vmem>>, vector<1x16xf32>,
        %get3A_1340 = vector.shape_cast %get3A_1339 : vector<1x16xf32> to vector<16xf32>
        %add3A_1341 = arith.addf %add3A_1313, %get3A_1340 : vector<16xf32>
        %add3A_1342 = arith.constant 32 : i32
        %add3A_1343 = arith.addi %mul3A_444, %add3A_1342 : i32
        %get3A_1344 = arith.index_cast %add3A_1343 : i32 to index
        %get3A_1345 = arith.constant 32 : index
        %get3A_1346 = tpu.vector_load %arg8[%get3A_1344, %get3A_1345] {strides = array<i32>} : memref<800x64xf32, #tpu.memory_space<vmem>>, vector<1x16xf32>,
        %get3A_1347 = vector.shape_cast %get3A_1346 : vector<1x16xf32> to vector<16xf32>
        %add3A_1348 = arith.addf %add3A_1320, %get3A_1347 : vector<16xf32>
        %add3A_1349 = arith.constant 32 : i32
        %add3A_1350 = arith.addi %mul3A_444, %add3A_1349 : i32
        %get3A_1351 = arith.index_cast %add3A_1350 : i32 to index
        %get3A_1352 = arith.constant 48 : index
        %get3A_1353 = tpu.vector_load %arg8[%get3A_1351, %get3A_1352] {strides = array<i32>} : memref<800x64xf32, #tpu.memory_space<vmem>>, vector<1x16xf32>,
        %get3A_1354 = vector.shape_cast %get3A_1353 : vector<1x16xf32> to vector<16xf32>
        %add3A_1355 = arith.addf %add3A_1327, %get3A_1354 : vector<16xf32>
        %add3A_1356 = arith.constant 33 : i32
        %add3A_1357 = arith.addi %mul3A_444, %add3A_1356 : i32
        %get3A_1358 = arith.index_cast %add3A_1357 : i32 to index
        %get3A_1359 = arith.constant 0 : index
        %get3A_1360 = tpu.vector_load %arg8[%get3A_1358, %get3A_1359] {strides = array<i32>} : memref<800x64xf32, #tpu.memory_space<vmem>>, vector<1x16xf32>,
        %get3A_1361 = vector.shape_cast %get3A_1360 : vector<1x16xf32> to vector<16xf32>
        %add3A_1362 = arith.addf %add3A_1334, %get3A_1361 : vector<16xf32>
        %add3A_1363 = arith.constant 33 : i32
        %add3A_1364 = arith.addi %mul3A_444, %add3A_1363 : i32
        %get3A_1365 = arith.index_cast %add3A_1364 : i32 to index
        %get3A_1366 = arith.constant 16 : index
        %get3A_1367 = tpu.vector_load %arg8[%get3A_1365, %get3A_1366] {strides = array<i32>} : memref<800x64xf32, #tpu.memory_space<vmem>>, vector<1x16xf32>,
        %get3A_1368 = vector.shape_cast %get3A_1367 : vector<1x16xf32> to vector<16xf32>
        %add3A_1369 = arith.addf %add3A_1341, %get3A_1368 : vector<16xf32>
        %add3A_1370 = arith.constant 33 : i32
        %add3A_1371 = arith.addi %mul3A_444, %add3A_1370 : i32
        %get3A_1372 = arith.index_cast %add3A_1371 : i32 to index
        %get3A_1373 = arith.constant 32 : index
        %get3A_1374 = tpu.vector_load %arg8[%get3A_1372, %get3A_1373] {strides = array<i32>} : memref<800x64xf32, #tpu.memory_space<vmem>>, vector<1x16xf32>,
        %get3A_1375 = vector.shape_cast %get3A_1374 : vector<1x16xf32> to vector<16xf32>
        %add3A_1376 = arith.addf %add3A_1348, %get3A_1375 : vector<16xf32>
        %add3A_1377 = arith.constant 33 : i32
        %add3A_1378 = arith.addi %mul3A_444, %add3A_1377 : i32
        %get3A_1379 = arith.index_cast %add3A_1378 : i32 to index
        %get3A_1380 = arith.constant 48 : index
        %get3A_1381 = tpu.vector_load %arg8[%get3A_1379, %get3A_1380] {strides = array<i32>} : memref<800x64xf32, #tpu.memory_space<vmem>>, vector<1x16xf32>,
        %get3A_1382 = vector.shape_cast %get3A_1381 : vector<1x16xf32> to vector<16xf32>
        %add3A_1383 = arith.addf %add3A_1355, %get3A_1382 : vector<16xf32>
        %add3A_1384 = arith.constant 34 : i32
        %add3A_1385 = arith.addi %mul3A_444, %add3A_1384 : i32
        %get3A_1386 = arith.index_cast %add3A_1385 : i32 to index
        %get3A_1387 = arith.constant 0 : index
        %get3A_1388 = tpu.vector_load %arg8[%get3A_1386, %get3A_1387] {strides = array<i32>} : memref<800x64xf32, #tpu.memory_space<vmem>>, vector<1x16xf32>,
        %get3A_1389 = vector.shape_cast %get3A_1388 : vector<1x16xf32> to vector<16xf32>
        %add3A_1390 = arith.addf %add3A_1362, %get3A_1389 : vector<16xf32>
        %add3A_1391 = arith.constant 34 : i32
        %add3A_1392 = arith.addi %mul3A_444, %add3A_1391 : i32
        %get3A_1393 = arith.index_cast %add3A_1392 : i32 to index
        %get3A_1394 = arith.constant 16 : index
        %get3A_1395 = tpu.vector_load %arg8[%get3A_1393, %get3A_1394] {strides = array<i32>} : memref<800x64xf32, #tpu.memory_space<vmem>>, vector<1x16xf32>,
        %get3A_1396 = vector.shape_cast %get3A_1395 : vector<1x16xf32> to vector<16xf32>
        %add3A_1397 = arith.addf %add3A_1369, %get3A_1396 : vector<16xf32>
        %add3A_1398 = arith.constant 34 : i32
        %add3A_1399 = arith.addi %mul3A_444, %add3A_1398 : i32
        %get3A_1400 = arith.index_cast %add3A_1399 : i32 to index
        %get3A_1401 = arith.constant 32 : index
        %get3A_1402 = tpu.vector_load %arg8[%get3A_1400, %get3A_1401] {strides = array<i32>} : memref<800x64xf32, #tpu.memory_space<vmem>>, vector<1x16xf32>,
        %get3A_1403 = vector.shape_cast %get3A_1402 : vector<1x16xf32> to vector<16xf32>
        %add3A_1404 = arith.addf %add3A_1376, %get3A_1403 : vector<16xf32>
        %add3A_1405 = arith.constant 34 : i32
        %add3A_1406 = arith.addi %mul3A_444, %add3A_1405 : i32
        %get3A_1407 = arith.index_cast %add3A_1406 : i32 to index
        %get3A_1408 = arith.constant 48 : index
        %get3A_1409 = tpu.vector_load %arg8[%get3A_1407, %get3A_1408] {strides = array<i32>} : memref<800x64xf32, #tpu.memory_space<vmem>>, vector<1x16xf32>,
        %get3A_1410 = vector.shape_cast %get3A_1409 : vector<1x16xf32> to vector<16xf32>
        %add3A_1411 = arith.addf %add3A_1383, %get3A_1410 : vector<16xf32>
        %add3A_1412 = arith.constant 35 : i32
        %add3A_1413 = arith.addi %mul3A_444, %add3A_1412 : i32
        %get3A_1414 = arith.index_cast %add3A_1413 : i32 to index
        %get3A_1415 = arith.constant 0 : index
        %get3A_1416 = tpu.vector_load %arg8[%get3A_1414, %get3A_1415] {strides = array<i32>} : memref<800x64xf32, #tpu.memory_space<vmem>>, vector<1x16xf32>,
        %get3A_1417 = vector.shape_cast %get3A_1416 : vector<1x16xf32> to vector<16xf32>
        %add3A_1418 = arith.addf %add3A_1390, %get3A_1417 : vector<16xf32>
        %add3A_1419 = arith.constant 35 : i32
        %add3A_1420 = arith.addi %mul3A_444, %add3A_1419 : i32
        %get3A_1421 = arith.index_cast %add3A_1420 : i32 to index
        %get3A_1422 = arith.constant 16 : index
        %get3A_1423 = tpu.vector_load %arg8[%get3A_1421, %get3A_1422] {strides = array<i32>} : memref<800x64xf32, #tpu.memory_space<vmem>>, vector<1x16xf32>,
        %get3A_1424 = vector.shape_cast %get3A_1423 : vector<1x16xf32> to vector<16xf32>
        %add3A_1425 = arith.addf %add3A_1397, %get3A_1424 : vector<16xf32>
        %add3A_1426 = arith.constant 35 : i32
        %add3A_1427 = arith.addi %mul3A_444, %add3A_1426 : i32
        %get3A_1428 = arith.index_cast %add3A_1427 : i32 to index
        %get3A_1429 = arith.constant 32 : index
        %get3A_1430 = tpu.vector_load %arg8[%get3A_1428, %get3A_1429] {strides = array<i32>} : memref<800x64xf32, #tpu.memory_space<vmem>>, vector<1x16xf32>,
        %get3A_1431 = vector.shape_cast %get3A_1430 : vector<1x16xf32> to vector<16xf32>
        %add3A_1432 = arith.addf %add3A_1404, %get3A_1431 : vector<16xf32>
        %add3A_1433 = arith.constant 35 : i32
        %add3A_1434 = arith.addi %mul3A_444, %add3A_1433 : i32
        %get3A_1435 = arith.index_cast %add3A_1434 : i32 to index
        %get3A_1436 = arith.constant 48 : index
        %get3A_1437 = tpu.vector_load %arg8[%get3A_1435, %get3A_1436] {strides = array<i32>} : memref<800x64xf32, #tpu.memory_space<vmem>>, vector<1x16xf32>,
        %get3A_1438 = vector.shape_cast %get3A_1437 : vector<1x16xf32> to vector<16xf32>
        %add3A_1439 = arith.addf %add3A_1411, %get3A_1438 : vector<16xf32>
        %add3A_1440 = arith.constant 36 : i32
        %add3A_1441 = arith.addi %mul3A_444, %add3A_1440 : i32
        %get3A_1442 = arith.index_cast %add3A_1441 : i32 to index
        %get3A_1443 = arith.constant 0 : index
        %get3A_1444 = tpu.vector_load %arg8[%get3A_1442, %get3A_1443] {strides = array<i32>} : memref<800x64xf32, #tpu.memory_space<vmem>>, vector<1x16xf32>,
        %get3A_1445 = vector.shape_cast %get3A_1444 : vector<1x16xf32> to vector<16xf32>
        %add3A_1446 = arith.addf %add3A_1418, %get3A_1445 : vector<16xf32>
        %add3A_1447 = arith.constant 36 : i32
        %add3A_1448 = arith.addi %mul3A_444, %add3A_1447 : i32
        %get3A_1449 = arith.index_cast %add3A_1448 : i32 to index
        %get3A_1450 = arith.constant 16 : index
        %get3A_1451 = tpu.vector_load %arg8[%get3A_1449, %get3A_1450] {strides = array<i32>} : memref<800x64xf32, #tpu.memory_space<vmem>>, vector<1x16xf32>,
        %get3A_1452 = vector.shape_cast %get3A_1451 : vector<1x16xf32> to vector<16xf32>
        %add3A_1453 = arith.addf %add3A_1425, %get3A_1452 : vector<16xf32>
        %add3A_1454 = arith.constant 36 : i32
        %add3A_1455 = arith.addi %mul3A_444, %add3A_1454 : i32
        %get3A_1456 = arith.index_cast %add3A_1455 : i32 to index
        %get3A_1457 = arith.constant 32 : index
        %get3A_1458 = tpu.vector_load %arg8[%get3A_1456, %get3A_1457] {strides = array<i32>} : memref<800x64xf32, #tpu.memory_space<vmem>>, vector<1x16xf32>,
        %get3A_1459 = vector.shape_cast %get3A_1458 : vector<1x16xf32> to vector<16xf32>
        %add3A_1460 = arith.addf %add3A_1432, %get3A_1459 : vector<16xf32>
        %add3A_1461 = arith.constant 36 : i32
        %add3A_1462 = arith.addi %mul3A_444, %add3A_1461 : i32
        %get3A_1463 = arith.index_cast %add3A_1462 : i32 to index
        %get3A_1464 = arith.constant 48 : index
        %get3A_1465 = tpu.vector_load %arg8[%get3A_1463, %get3A_1464] {strides = array<i32>} : memref<800x64xf32, #tpu.memory_space<vmem>>, vector<1x16xf32>,
        %get3A_1466 = vector.shape_cast %get3A_1465 : vector<1x16xf32> to vector<16xf32>
        %add3A_1467 = arith.addf %add3A_1439, %get3A_1466 : vector<16xf32>
        %add3A_1468 = arith.constant 37 : i32
        %add3A_1469 = arith.addi %mul3A_444, %add3A_1468 : i32
        %get3A_1470 = arith.index_cast %add3A_1469 : i32 to index
        %get3A_1471 = arith.constant 0 : index
        %get3A_1472 = tpu.vector_load %arg8[%get3A_1470, %get3A_1471] {strides = array<i32>} : memref<800x64xf32, #tpu.memory_space<vmem>>, vector<1x16xf32>,
        %get3A_1473 = vector.shape_cast %get3A_1472 : vector<1x16xf32> to vector<16xf32>
        %add3A_1474 = arith.addf %add3A_1446, %get3A_1473 : vector<16xf32>
        %add3A_1475 = arith.constant 37 : i32
        %add3A_1476 = arith.addi %mul3A_444, %add3A_1475 : i32
        %get3A_1477 = arith.index_cast %add3A_1476 : i32 to index
        %get3A_1478 = arith.constant 16 : index
        %get3A_1479 = tpu.vector_load %arg8[%get3A_1477, %get3A_1478] {strides = array<i32>} : memref<800x64xf32, #tpu.memory_space<vmem>>, vector<1x16xf32>,
        %get3A_1480 = vector.shape_cast %get3A_1479 : vector<1x16xf32> to vector<16xf32>
        %add3A_1481 = arith.addf %add3A_1453, %get3A_1480 : vector<16xf32>
        %add3A_1482 = arith.constant 37 : i32
        %add3A_1483 = arith.addi %mul3A_444, %add3A_1482 : i32
        %get3A_1484 = arith.index_cast %add3A_1483 : i32 to index
        %get3A_1485 = arith.constant 32 : index
        %get3A_1486 = tpu.vector_load %arg8[%get3A_1484, %get3A_1485] {strides = array<i32>} : memref<800x64xf32, #tpu.memory_space<vmem>>, vector<1x16xf32>,
        %get3A_1487 = vector.shape_cast %get3A_1486 : vector<1x16xf32> to vector<16xf32>
        %add3A_1488 = arith.addf %add3A_1460, %get3A_1487 : vector<16xf32>
        %add3A_1489 = arith.constant 37 : i32
        %add3A_1490 = arith.addi %mul3A_444, %add3A_1489 : i32
        %get3A_1491 = arith.index_cast %add3A_1490 : i32 to index
        %get3A_1492 = arith.constant 48 : index
        %get3A_1493 = tpu.vector_load %arg8[%get3A_1491, %get3A_1492] {strides = array<i32>} : memref<800x64xf32, #tpu.memory_space<vmem>>, vector<1x16xf32>,
        %get3A_1494 = vector.shape_cast %get3A_1493 : vector<1x16xf32> to vector<16xf32>
        %add3A_1495 = arith.addf %add3A_1467, %get3A_1494 : vector<16xf32>
        %add3A_1496 = arith.constant 38 : i32
        %add3A_1497 = arith.addi %mul3A_444, %add3A_1496 : i32
        %get3A_1498 = arith.index_cast %add3A_1497 : i32 to index
        %get3A_1499 = arith.constant 0 : index
        %get3A_1500 = tpu.vector_load %arg8[%get3A_1498, %get3A_1499] {strides = array<i32>} : memref<800x64xf32, #tpu.memory_space<vmem>>, vector<1x16xf32>,
        %get3A_1501 = vector.shape_cast %get3A_1500 : vector<1x16xf32> to vector<16xf32>
        %add3A_1502 = arith.addf %add3A_1474, %get3A_1501 : vector<16xf32>
        %add3A_1503 = arith.constant 38 : i32
        %add3A_1504 = arith.addi %mul3A_444, %add3A_1503 : i32
        %get3A_1505 = arith.index_cast %add3A_1504 : i32 to index
        %get3A_1506 = arith.constant 16 : index
        %get3A_1507 = tpu.vector_load %arg8[%get3A_1505, %get3A_1506] {strides = array<i32>} : memref<800x64xf32, #tpu.memory_space<vmem>>, vector<1x16xf32>,
        %get3A_1508 = vector.shape_cast %get3A_1507 : vector<1x16xf32> to vector<16xf32>
        %add3A_1509 = arith.addf %add3A_1481, %get3A_1508 : vector<16xf32>
        %add3A_1510 = arith.constant 38 : i32
        %add3A_1511 = arith.addi %mul3A_444, %add3A_1510 : i32
        %get3A_1512 = arith.index_cast %add3A_1511 : i32 to index
        %get3A_1513 = arith.constant 32 : index
        %get3A_1514 = tpu.vector_load %arg8[%get3A_1512, %get3A_1513] {strides = array<i32>} : memref<800x64xf32, #tpu.memory_space<vmem>>, vector<1x16xf32>,
        %get3A_1515 = vector.shape_cast %get3A_1514 : vector<1x16xf32> to vector<16xf32>
        %add3A_1516 = arith.addf %add3A_1488, %get3A_1515 : vector<16xf32>
        %add3A_1517 = arith.constant 38 : i32
        %add3A_1518 = arith.addi %mul3A_444, %add3A_1517 : i32
        %get3A_1519 = arith.index_cast %add3A_1518 : i32 to index
        %get3A_1520 = arith.constant 48 : index
        %get3A_1521 = tpu.vector_load %arg8[%get3A_1519, %get3A_1520] {strides = array<i32>} : memref<800x64xf32, #tpu.memory_space<vmem>>, vector<1x16xf32>,
        %get3A_1522 = vector.shape_cast %get3A_1521 : vector<1x16xf32> to vector<16xf32>
        %add3A_1523 = arith.addf %add3A_1495, %get3A_1522 : vector<16xf32>
        %add3A_1524 = arith.constant 39 : i32
        %add3A_1525 = arith.addi %mul3A_444, %add3A_1524 : i32
        %get3A_1526 = arith.index_cast %add3A_1525 : i32 to index
        %get3A_1527 = arith.constant 0 : index
        %get3A_1528 = tpu.vector_load %arg8[%get3A_1526, %get3A_1527] {strides = array<i32>} : memref<800x64xf32, #tpu.memory_space<vmem>>, vector<1x16xf32>,
        %get3A_1529 = vector.shape_cast %get3A_1528 : vector<1x16xf32> to vector<16xf32>
        %add3A_1530 = arith.addf %add3A_1502, %get3A_1529 : vector<16xf32>
        %add3A_1531 = arith.constant 39 : i32
        %add3A_1532 = arith.addi %mul3A_444, %add3A_1531 : i32
        %get3A_1533 = arith.index_cast %add3A_1532 : i32 to index
        %get3A_1534 = arith.constant 16 : index
        %get3A_1535 = tpu.vector_load %arg8[%get3A_1533, %get3A_1534] {strides = array<i32>} : memref<800x64xf32, #tpu.memory_space<vmem>>, vector<1x16xf32>,
        %get3A_1536 = vector.shape_cast %get3A_1535 : vector<1x16xf32> to vector<16xf32>
        %add3A_1537 = arith.addf %add3A_1509, %get3A_1536 : vector<16xf32>
        %add3A_1538 = arith.constant 39 : i32
        %add3A_1539 = arith.addi %mul3A_444, %add3A_1538 : i32
        %get3A_1540 = arith.index_cast %add3A_1539 : i32 to index
        %get3A_1541 = arith.constant 32 : index
        %get3A_1542 = tpu.vector_load %arg8[%get3A_1540, %get3A_1541] {strides = array<i32>} : memref<800x64xf32, #tpu.memory_space<vmem>>, vector<1x16xf32>,
        %get3A_1543 = vector.shape_cast %get3A_1542 : vector<1x16xf32> to vector<16xf32>
        %add3A_1544 = arith.addf %add3A_1516, %get3A_1543 : vector<16xf32>
        %add3A_1545 = arith.constant 39 : i32
        %add3A_1546 = arith.addi %mul3A_444, %add3A_1545 : i32
        %get3A_1547 = arith.index_cast %add3A_1546 : i32 to index
        %get3A_1548 = arith.constant 48 : index
        %get3A_1549 = tpu.vector_load %arg8[%get3A_1547, %get3A_1548] {strides = array<i32>} : memref<800x64xf32, #tpu.memory_space<vmem>>, vector<1x16xf32>,
        %get3A_1550 = vector.shape_cast %get3A_1549 : vector<1x16xf32> to vector<16xf32>
        %add3A_1551 = arith.addf %add3A_1523, %get3A_1550 : vector<16xf32>
        %add3A_1552 = arith.constant 40 : i32
        %add3A_1553 = arith.addi %mul3A_444, %add3A_1552 : i32
        %get3A_1554 = arith.index_cast %add3A_1553 : i32 to index
        %get3A_1555 = arith.constant 0 : index
        %get3A_1556 = tpu.vector_load %arg8[%get3A_1554, %get3A_1555] {strides = array<i32>} : memref<800x64xf32, #tpu.memory_space<vmem>>, vector<1x16xf32>,
        %get3A_1557 = vector.shape_cast %get3A_1556 : vector<1x16xf32> to vector<16xf32>
        %add3A_1558 = arith.addf %add3A_1530, %get3A_1557 : vector<16xf32>
        %add3A_1559 = arith.constant 40 : i32
        %add3A_1560 = arith.addi %mul3A_444, %add3A_1559 : i32
        %get3A_1561 = arith.index_cast %add3A_1560 : i32 to index
        %get3A_1562 = arith.constant 16 : index
        %get3A_1563 = tpu.vector_load %arg8[%get3A_1561, %get3A_1562] {strides = array<i32>} : memref<800x64xf32, #tpu.memory_space<vmem>>, vector<1x16xf32>,
        %get3A_1564 = vector.shape_cast %get3A_1563 : vector<1x16xf32> to vector<16xf32>
        %add3A_1565 = arith.addf %add3A_1537, %get3A_1564 : vector<16xf32>
        %add3A_1566 = arith.constant 40 : i32
        %add3A_1567 = arith.addi %mul3A_444, %add3A_1566 : i32
        %get3A_1568 = arith.index_cast %add3A_1567 : i32 to index
        %get3A_1569 = arith.constant 32 : index
        %get3A_1570 = tpu.vector_load %arg8[%get3A_1568, %get3A_1569] {strides = array<i32>} : memref<800x64xf32, #tpu.memory_space<vmem>>, vector<1x16xf32>,
        %get3A_1571 = vector.shape_cast %get3A_1570 : vector<1x16xf32> to vector<16xf32>
        %add3A_1572 = arith.addf %add3A_1544, %get3A_1571 : vector<16xf32>
        %add3A_1573 = arith.constant 40 : i32
        %add3A_1574 = arith.addi %mul3A_444, %add3A_1573 : i32
        %get3A_1575 = arith.index_cast %add3A_1574 : i32 to index
        %get3A_1576 = arith.constant 48 : index
        %get3A_1577 = tpu.vector_load %arg8[%get3A_1575, %get3A_1576] {strides = array<i32>} : memref<800x64xf32, #tpu.memory_space<vmem>>, vector<1x16xf32>,
        %get3A_1578 = vector.shape_cast %get3A_1577 : vector<1x16xf32> to vector<16xf32>
        %add3A_1579 = arith.addf %add3A_1551, %get3A_1578 : vector<16xf32>
        %add3A_1580 = arith.constant 41 : i32
        %add3A_1581 = arith.addi %mul3A_444, %add3A_1580 : i32
        %get3A_1582 = arith.index_cast %add3A_1581 : i32 to index
        %get3A_1583 = arith.constant 0 : index
        %get3A_1584 = tpu.vector_load %arg8[%get3A_1582, %get3A_1583] {strides = array<i32>} : memref<800x64xf32, #tpu.memory_space<vmem>>, vector<1x16xf32>,
        %get3A_1585 = vector.shape_cast %get3A_1584 : vector<1x16xf32> to vector<16xf32>
        %add3A_1586 = arith.addf %add3A_1558, %get3A_1585 : vector<16xf32>
        %add3A_1587 = arith.constant 41 : i32
        %add3A_1588 = arith.addi %mul3A_444, %add3A_1587 : i32
        %get3A_1589 = arith.index_cast %add3A_1588 : i32 to index
        %get3A_1590 = arith.constant 16 : index
        %get3A_1591 = tpu.vector_load %arg8[%get3A_1589, %get3A_1590] {strides = array<i32>} : memref<800x64xf32, #tpu.memory_space<vmem>>, vector<1x16xf32>,
        %get3A_1592 = vector.shape_cast %get3A_1591 : vector<1x16xf32> to vector<16xf32>
        %add3A_1593 = arith.addf %add3A_1565, %get3A_1592 : vector<16xf32>
        %add3A_1594 = arith.constant 41 : i32
        %add3A_1595 = arith.addi %mul3A_444, %add3A_1594 : i32
        %get3A_1596 = arith.index_cast %add3A_1595 : i32 to index
        %get3A_1597 = arith.constant 32 : index
        %get3A_1598 = tpu.vector_load %arg8[%get3A_1596, %get3A_1597] {strides = array<i32>} : memref<800x64xf32, #tpu.memory_space<vmem>>, vector<1x16xf32>,
        %get3A_1599 = vector.shape_cast %get3A_1598 : vector<1x16xf32> to vector<16xf32>
        %add3A_1600 = arith.addf %add3A_1572, %get3A_1599 : vector<16xf32>
        %add3A_1601 = arith.constant 41 : i32
        %add3A_1602 = arith.addi %mul3A_444, %add3A_1601 : i32
        %get3A_1603 = arith.index_cast %add3A_1602 : i32 to index
        %get3A_1604 = arith.constant 48 : index
        %get3A_1605 = tpu.vector_load %arg8[%get3A_1603, %get3A_1604] {strides = array<i32>} : memref<800x64xf32, #tpu.memory_space<vmem>>, vector<1x16xf32>,
        %get3A_1606 = vector.shape_cast %get3A_1605 : vector<1x16xf32> to vector<16xf32>
        %add3A_1607 = arith.addf %add3A_1579, %get3A_1606 : vector<16xf32>
        %add3A_1608 = arith.constant 42 : i32
        %add3A_1609 = arith.addi %mul3A_444, %add3A_1608 : i32
        %get3A_1610 = arith.index_cast %add3A_1609 : i32 to index
        %get3A_1611 = arith.constant 0 : index
        %get3A_1612 = tpu.vector_load %arg8[%get3A_1610, %get3A_1611] {strides = array<i32>} : memref<800x64xf32, #tpu.memory_space<vmem>>, vector<1x16xf32>,
        %get3A_1613 = vector.shape_cast %get3A_1612 : vector<1x16xf32> to vector<16xf32>
        %add3A_1614 = arith.addf %add3A_1586, %get3A_1613 : vector<16xf32>
        %add3A_1615 = arith.constant 42 : i32
        %add3A_1616 = arith.addi %mul3A_444, %add3A_1615 : i32
        %get3A_1617 = arith.index_cast %add3A_1616 : i32 to index
        %get3A_1618 = arith.constant 16 : index
        %get3A_1619 = tpu.vector_load %arg8[%get3A_1617, %get3A_1618] {strides = array<i32>} : memref<800x64xf32, #tpu.memory_space<vmem>>, vector<1x16xf32>,
        %get3A_1620 = vector.shape_cast %get3A_1619 : vector<1x16xf32> to vector<16xf32>
        %add3A_1621 = arith.addf %add3A_1593, %get3A_1620 : vector<16xf32>
        %add3A_1622 = arith.constant 42 : i32
        %add3A_1623 = arith.addi %mul3A_444, %add3A_1622 : i32
        %get3A_1624 = arith.index_cast %add3A_1623 : i32 to index
        %get3A_1625 = arith.constant 32 : index
        %get3A_1626 = tpu.vector_load %arg8[%get3A_1624, %get3A_1625] {strides = array<i32>} : memref<800x64xf32, #tpu.memory_space<vmem>>, vector<1x16xf32>,
        %get3A_1627 = vector.shape_cast %get3A_1626 : vector<1x16xf32> to vector<16xf32>
        %add3A_1628 = arith.addf %add3A_1600, %get3A_1627 : vector<16xf32>
        %add3A_1629 = arith.constant 42 : i32
        %add3A_1630 = arith.addi %mul3A_444, %add3A_1629 : i32
        %get3A_1631 = arith.index_cast %add3A_1630 : i32 to index
        %get3A_1632 = arith.constant 48 : index
        %get3A_1633 = tpu.vector_load %arg8[%get3A_1631, %get3A_1632] {strides = array<i32>} : memref<800x64xf32, #tpu.memory_space<vmem>>, vector<1x16xf32>,
        %get3A_1634 = vector.shape_cast %get3A_1633 : vector<1x16xf32> to vector<16xf32>
        %add3A_1635 = arith.addf %add3A_1607, %get3A_1634 : vector<16xf32>
        %add3A_1636 = arith.constant 43 : i32
        %add3A_1637 = arith.addi %mul3A_444, %add3A_1636 : i32
        %get3A_1638 = arith.index_cast %add3A_1637 : i32 to index
        %get3A_1639 = arith.constant 0 : index
        %get3A_1640 = tpu.vector_load %arg8[%get3A_1638, %get3A_1639] {strides = array<i32>} : memref<800x64xf32, #tpu.memory_space<vmem>>, vector<1x16xf32>,
        %get3A_1641 = vector.shape_cast %get3A_1640 : vector<1x16xf32> to vector<16xf32>
        %add3A_1642 = arith.addf %add3A_1614, %get3A_1641 : vector<16xf32>
        %add3A_1643 = arith.constant 43 : i32
        %add3A_1644 = arith.addi %mul3A_444, %add3A_1643 : i32
        %get3A_1645 = arith.index_cast %add3A_1644 : i32 to index
        %get3A_1646 = arith.constant 16 : index
        %get3A_1647 = tpu.vector_load %arg8[%get3A_1645, %get3A_1646] {strides = array<i32>} : memref<800x64xf32, #tpu.memory_space<vmem>>, vector<1x16xf32>,
        %get3A_1648 = vector.shape_cast %get3A_1647 : vector<1x16xf32> to vector<16xf32>
        %add3A_1649 = arith.addf %add3A_1621, %get3A_1648 : vector<16xf32>
        %add3A_1650 = arith.constant 43 : i32
        %add3A_1651 = arith.addi %mul3A_444, %add3A_1650 : i32
        %get3A_1652 = arith.index_cast %add3A_1651 : i32 to index
        %get3A_1653 = arith.constant 32 : index
        %get3A_1654 = tpu.vector_load %arg8[%get3A_1652, %get3A_1653] {strides = array<i32>} : memref<800x64xf32, #tpu.memory_space<vmem>>, vector<1x16xf32>,
        %get3A_1655 = vector.shape_cast %get3A_1654 : vector<1x16xf32> to vector<16xf32>
        %add3A_1656 = arith.addf %add3A_1628, %get3A_1655 : vector<16xf32>
        %add3A_1657 = arith.constant 43 : i32
        %add3A_1658 = arith.addi %mul3A_444, %add3A_1657 : i32
        %get3A_1659 = arith.index_cast %add3A_1658 : i32 to index
        %get3A_1660 = arith.constant 48 : index
        %get3A_1661 = tpu.vector_load %arg8[%get3A_1659, %get3A_1660] {strides = array<i32>} : memref<800x64xf32, #tpu.memory_space<vmem>>, vector<1x16xf32>,
        %get3A_1662 = vector.shape_cast %get3A_1661 : vector<1x16xf32> to vector<16xf32>
        %add3A_1663 = arith.addf %add3A_1635, %get3A_1662 : vector<16xf32>
        %add3A_1664 = arith.constant 44 : i32
        %add3A_1665 = arith.addi %mul3A_444, %add3A_1664 : i32
        %get3A_1666 = arith.index_cast %add3A_1665 : i32 to index
        %get3A_1667 = arith.constant 0 : index
        %get3A_1668 = tpu.vector_load %arg8[%get3A_1666, %get3A_1667] {strides = array<i32>} : memref<800x64xf32, #tpu.memory_space<vmem>>, vector<1x16xf32>,
        %get3A_1669 = vector.shape_cast %get3A_1668 : vector<1x16xf32> to vector<16xf32>
        %add3A_1670 = arith.addf %add3A_1642, %get3A_1669 : vector<16xf32>
        %add3A_1671 = arith.constant 44 : i32
        %add3A_1672 = arith.addi %mul3A_444, %add3A_1671 : i32
        %get3A_1673 = arith.index_cast %add3A_1672 : i32 to index
        %get3A_1674 = arith.constant 16 : index
        %get3A_1675 = tpu.vector_load %arg8[%get3A_1673, %get3A_1674] {strides = array<i32>} : memref<800x64xf32, #tpu.memory_space<vmem>>, vector<1x16xf32>,
        %get3A_1676 = vector.shape_cast %get3A_1675 : vector<1x16xf32> to vector<16xf32>
        %add3A_1677 = arith.addf %add3A_1649, %get3A_1676 : vector<16xf32>
        %add3A_1678 = arith.constant 44 : i32
        %add3A_1679 = arith.addi %mul3A_444, %add3A_1678 : i32
        %get3A_1680 = arith.index_cast %add3A_1679 : i32 to index
        %get3A_1681 = arith.constant 32 : index
        %get3A_1682 = tpu.vector_load %arg8[%get3A_1680, %get3A_1681] {strides = array<i32>} : memref<800x64xf32, #tpu.memory_space<vmem>>, vector<1x16xf32>,
        %get3A_1683 = vector.shape_cast %get3A_1682 : vector<1x16xf32> to vector<16xf32>
        %add3A_1684 = arith.addf %add3A_1656, %get3A_1683 : vector<16xf32>
        %add3A_1685 = arith.constant 44 : i32
        %add3A_1686 = arith.addi %mul3A_444, %add3A_1685 : i32
        %get3A_1687 = arith.index_cast %add3A_1686 : i32 to index
        %get3A_1688 = arith.constant 48 : index
        %get3A_1689 = tpu.vector_load %arg8[%get3A_1687, %get3A_1688] {strides = array<i32>} : memref<800x64xf32, #tpu.memory_space<vmem>>, vector<1x16xf32>,
        %get3A_1690 = vector.shape_cast %get3A_1689 : vector<1x16xf32> to vector<16xf32>
        %add3A_1691 = arith.addf %add3A_1663, %get3A_1690 : vector<16xf32>
        %add3A_1692 = arith.constant 45 : i32
        %add3A_1693 = arith.addi %mul3A_444, %add3A_1692 : i32
        %get3A_1694 = arith.index_cast %add3A_1693 : i32 to index
        %get3A_1695 = arith.constant 0 : index
        %get3A_1696 = tpu.vector_load %arg8[%get3A_1694, %get3A_1695] {strides = array<i32>} : memref<800x64xf32, #tpu.memory_space<vmem>>, vector<1x16xf32>,
        %get3A_1697 = vector.shape_cast %get3A_1696 : vector<1x16xf32> to vector<16xf32>
        %add3A_1698 = arith.addf %add3A_1670, %get3A_1697 : vector<16xf32>
        %add3A_1699 = arith.constant 45 : i32
        %add3A_1700 = arith.addi %mul3A_444, %add3A_1699 : i32
        %get3A_1701 = arith.index_cast %add3A_1700 : i32 to index
        %get3A_1702 = arith.constant 16 : index
        %get3A_1703 = tpu.vector_load %arg8[%get3A_1701, %get3A_1702] {strides = array<i32>} : memref<800x64xf32, #tpu.memory_space<vmem>>, vector<1x16xf32>,
        %get3A_1704 = vector.shape_cast %get3A_1703 : vector<1x16xf32> to vector<16xf32>
        %add3A_1705 = arith.addf %add3A_1677, %get3A_1704 : vector<16xf32>
        %add3A_1706 = arith.constant 45 : i32
        %add3A_1707 = arith.addi %mul3A_444, %add3A_1706 : i32
        %get3A_1708 = arith.index_cast %add3A_1707 : i32 to index
        %get3A_1709 = arith.constant 32 : index
        %get3A_1710 = tpu.vector_load %arg8[%get3A_1708, %get3A_1709] {strides = array<i32>} : memref<800x64xf32, #tpu.memory_space<vmem>>, vector<1x16xf32>,
        %get3A_1711 = vector.shape_cast %get3A_1710 : vector<1x16xf32> to vector<16xf32>
        %add3A_1712 = arith.addf %add3A_1684, %get3A_1711 : vector<16xf32>
        %add3A_1713 = arith.constant 45 : i32
        %add3A_1714 = arith.addi %mul3A_444, %add3A_1713 : i32
        %get3A_1715 = arith.index_cast %add3A_1714 : i32 to index
        %get3A_1716 = arith.constant 48 : index
        %get3A_1717 = tpu.vector_load %arg8[%get3A_1715, %get3A_1716] {strides = array<i32>} : memref<800x64xf32, #tpu.memory_space<vmem>>, vector<1x16xf32>,
        %get3A_1718 = vector.shape_cast %get3A_1717 : vector<1x16xf32> to vector<16xf32>
        %add3A_1719 = arith.addf %add3A_1691, %get3A_1718 : vector<16xf32>
        %add3A_1720 = arith.constant 46 : i32
        %add3A_1721 = arith.addi %mul3A_444, %add3A_1720 : i32
        %get3A_1722 = arith.index_cast %add3A_1721 : i32 to index
        %get3A_1723 = arith.constant 0 : index
        %get3A_1724 = tpu.vector_load %arg8[%get3A_1722, %get3A_1723] {strides = array<i32>} : memref<800x64xf32, #tpu.memory_space<vmem>>, vector<1x16xf32>,
        %get3A_1725 = vector.shape_cast %get3A_1724 : vector<1x16xf32> to vector<16xf32>
        %add3A_1726 = arith.addf %add3A_1698, %get3A_1725 : vector<16xf32>
        %add3A_1727 = arith.constant 46 : i32
        %add3A_1728 = arith.addi %mul3A_444, %add3A_1727 : i32
        %get3A_1729 = arith.index_cast %add3A_1728 : i32 to index
        %get3A_1730 = arith.constant 16 : index
        %get3A_1731 = tpu.vector_load %arg8[%get3A_1729, %get3A_1730] {strides = array<i32>} : memref<800x64xf32, #tpu.memory_space<vmem>>, vector<1x16xf32>,
        %get3A_1732 = vector.shape_cast %get3A_1731 : vector<1x16xf32> to vector<16xf32>
        %add3A_1733 = arith.addf %add3A_1705, %get3A_1732 : vector<16xf32>
        %add3A_1734 = arith.constant 46 : i32
        %add3A_1735 = arith.addi %mul3A_444, %add3A_1734 : i32
        %get3A_1736 = arith.index_cast %add3A_1735 : i32 to index
        %get3A_1737 = arith.constant 32 : index
        %get3A_1738 = tpu.vector_load %arg8[%get3A_1736, %get3A_1737] {strides = array<i32>} : memref<800x64xf32, #tpu.memory_space<vmem>>, vector<1x16xf32>,
        %get3A_1739 = vector.shape_cast %get3A_1738 : vector<1x16xf32> to vector<16xf32>
        %add3A_1740 = arith.addf %add3A_1712, %get3A_1739 : vector<16xf32>
        %add3A_1741 = arith.constant 46 : i32
        %add3A_1742 = arith.addi %mul3A_444, %add3A_1741 : i32
        %get3A_1743 = arith.index_cast %add3A_1742 : i32 to index
        %get3A_1744 = arith.constant 48 : index
        %get3A_1745 = tpu.vector_load %arg8[%get3A_1743, %get3A_1744] {strides = array<i32>} : memref<800x64xf32, #tpu.memory_space<vmem>>, vector<1x16xf32>,
        %get3A_1746 = vector.shape_cast %get3A_1745 : vector<1x16xf32> to vector<16xf32>
        %add3A_1747 = arith.addf %add3A_1719, %get3A_1746 : vector<16xf32>
        %add3A_1748 = arith.constant 47 : i32
        %add3A_1749 = arith.addi %mul3A_444, %add3A_1748 : i32
        %get3A_1750 = arith.index_cast %add3A_1749 : i32 to index
        %get3A_1751 = arith.constant 0 : index
        %get3A_1752 = tpu.vector_load %arg8[%get3A_1750, %get3A_1751] {strides = array<i32>} : memref<800x64xf32, #tpu.memory_space<vmem>>, vector<1x16xf32>,
        %get3A_1753 = vector.shape_cast %get3A_1752 : vector<1x16xf32> to vector<16xf32>
        %add3A_1754 = arith.addf %add3A_1726, %get3A_1753 : vector<16xf32>
        %add3A_1755 = arith.constant 47 : i32
        %add3A_1756 = arith.addi %mul3A_444, %add3A_1755 : i32
        %get3A_1757 = arith.index_cast %add3A_1756 : i32 to index
        %get3A_1758 = arith.constant 16 : index
        %get3A_1759 = tpu.vector_load %arg8[%get3A_1757, %get3A_1758] {strides = array<i32>} : memref<800x64xf32, #tpu.memory_space<vmem>>, vector<1x16xf32>,
        %get3A_1760 = vector.shape_cast %get3A_1759 : vector<1x16xf32> to vector<16xf32>
        %add3A_1761 = arith.addf %add3A_1733, %get3A_1760 : vector<16xf32>
        %add3A_1762 = arith.constant 47 : i32
        %add3A_1763 = arith.addi %mul3A_444, %add3A_1762 : i32
        %get3A_1764 = arith.index_cast %add3A_1763 : i32 to index
        %get3A_1765 = arith.constant 32 : index
        %get3A_1766 = tpu.vector_load %arg8[%get3A_1764, %get3A_1765] {strides = array<i32>} : memref<800x64xf32, #tpu.memory_space<vmem>>, vector<1x16xf32>,
        %get3A_1767 = vector.shape_cast %get3A_1766 : vector<1x16xf32> to vector<16xf32>
        %add3A_1768 = arith.addf %add3A_1740, %get3A_1767 : vector<16xf32>
        %add3A_1769 = arith.constant 47 : i32
        %add3A_1770 = arith.addi %mul3A_444, %add3A_1769 : i32
        %get3A_1771 = arith.index_cast %add3A_1770 : i32 to index
        %get3A_1772 = arith.constant 48 : index
        %get3A_1773 = tpu.vector_load %arg8[%get3A_1771, %get3A_1772] {strides = array<i32>} : memref<800x64xf32, #tpu.memory_space<vmem>>, vector<1x16xf32>,
        %get3A_1774 = vector.shape_cast %get3A_1773 : vector<1x16xf32> to vector<16xf32>
        %add3A_1775 = arith.addf %add3A_1747, %get3A_1774 : vector<16xf32>
        %add3A_1776 = arith.constant 48 : i32
        %add3A_1777 = arith.addi %mul3A_444, %add3A_1776 : i32
        %get3A_1778 = arith.index_cast %add3A_1777 : i32 to index
        %get3A_1779 = arith.constant 0 : index
        %get3A_1780 = tpu.vector_load %arg8[%get3A_1778, %get3A_1779] {strides = array<i32>} : memref<800x64xf32, #tpu.memory_space<vmem>>, vector<1x16xf32>,
        %get3A_1781 = vector.shape_cast %get3A_1780 : vector<1x16xf32> to vector<16xf32>
        %add3A_1782 = arith.addf %add3A_1754, %get3A_1781 : vector<16xf32>
        %add3A_1783 = arith.constant 48 : i32
        %add3A_1784 = arith.addi %mul3A_444, %add3A_1783 : i32
        %get3A_1785 = arith.index_cast %add3A_1784 : i32 to index
        %get3A_1786 = arith.constant 16 : index
        %get3A_1787 = tpu.vector_load %arg8[%get3A_1785, %get3A_1786] {strides = array<i32>} : memref<800x64xf32, #tpu.memory_space<vmem>>, vector<1x16xf32>,
        %get3A_1788 = vector.shape_cast %get3A_1787 : vector<1x16xf32> to vector<16xf32>
        %add3A_1789 = arith.addf %add3A_1761, %get3A_1788 : vector<16xf32>
        %add3A_1790 = arith.constant 48 : i32
        %add3A_1791 = arith.addi %mul3A_444, %add3A_1790 : i32
        %get3A_1792 = arith.index_cast %add3A_1791 : i32 to index
        %get3A_1793 = arith.constant 32 : index
        %get3A_1794 = tpu.vector_load %arg8[%get3A_1792, %get3A_1793] {strides = array<i32>} : memref<800x64xf32, #tpu.memory_space<vmem>>, vector<1x16xf32>,
        %get3A_1795 = vector.shape_cast %get3A_1794 : vector<1x16xf32> to vector<16xf32>
        %add3A_1796 = arith.addf %add3A_1768, %get3A_1795 : vector<16xf32>
        %add3A_1797 = arith.constant 48 : i32
        %add3A_1798 = arith.addi %mul3A_444, %add3A_1797 : i32
        %get3A_1799 = arith.index_cast %add3A_1798 : i32 to index
        %get3A_1800 = arith.constant 48 : index
        %get3A_1801 = tpu.vector_load %arg8[%get3A_1799, %get3A_1800] {strides = array<i32>} : memref<800x64xf32, #tpu.memory_space<vmem>>, vector<1x16xf32>,
        %get3A_1802 = vector.shape_cast %get3A_1801 : vector<1x16xf32> to vector<16xf32>
        %add3A_1803 = arith.addf %add3A_1775, %get3A_1802 : vector<16xf32>
        %add3A_1804 = arith.constant 49 : i32
        %add3A_1805 = arith.addi %mul3A_444, %add3A_1804 : i32
        %get3A_1806 = arith.index_cast %add3A_1805 : i32 to index
        %get3A_1807 = arith.constant 0 : index
        %get3A_1808 = tpu.vector_load %arg8[%get3A_1806, %get3A_1807] {strides = array<i32>} : memref<800x64xf32, #tpu.memory_space<vmem>>, vector<1x16xf32>,
        %get3A_1809 = vector.shape_cast %get3A_1808 : vector<1x16xf32> to vector<16xf32>
        %add3A_1810 = arith.addf %add3A_1782, %get3A_1809 : vector<16xf32>
        %add3A_1811 = arith.constant 49 : i32
        %add3A_1812 = arith.addi %mul3A_444, %add3A_1811 : i32
        %get3A_1813 = arith.index_cast %add3A_1812 : i32 to index
        %get3A_1814 = arith.constant 16 : index
        %get3A_1815 = tpu.vector_load %arg8[%get3A_1813, %get3A_1814] {strides = array<i32>} : memref<800x64xf32, #tpu.memory_space<vmem>>, vector<1x16xf32>,
        %get3A_1816 = vector.shape_cast %get3A_1815 : vector<1x16xf32> to vector<16xf32>
        %add3A_1817 = arith.addf %add3A_1789, %get3A_1816 : vector<16xf32>
        %add3A_1818 = arith.constant 49 : i32
        %add3A_1819 = arith.addi %mul3A_444, %add3A_1818 : i32
        %get3A_1820 = arith.index_cast %add3A_1819 : i32 to index
        %get3A_1821 = arith.constant 32 : index
        %get3A_1822 = tpu.vector_load %arg8[%get3A_1820, %get3A_1821] {strides = array<i32>} : memref<800x64xf32, #tpu.memory_space<vmem>>, vector<1x16xf32>,
        %get3A_1823 = vector.shape_cast %get3A_1822 : vector<1x16xf32> to vector<16xf32>
        %add3A_1824 = arith.addf %add3A_1796, %get3A_1823 : vector<16xf32>
        %add3A_1825 = arith.constant 49 : i32
        %add3A_1826 = arith.addi %mul3A_444, %add3A_1825 : i32
        %get3A_1827 = arith.index_cast %add3A_1826 : i32 to index
        %get3A_1828 = arith.constant 48 : index
        %get3A_1829 = tpu.vector_load %arg8[%get3A_1827, %get3A_1828] {strides = array<i32>} : memref<800x64xf32, #tpu.memory_space<vmem>>, vector<1x16xf32>,
        %get3A_1830 = vector.shape_cast %get3A_1829 : vector<1x16xf32> to vector<16xf32>
        %add3A_1831 = arith.addf %add3A_1803, %get3A_1830 : vector<16xf32>
        %swap3A = arith.index_cast %scan3A_442 : i32 to index
        %swap3A_1832 = arith.constant 0 : index
        %swap3A_1833 = tpu.vector_load %arg9[%swap3A, %swap3A_1832] {strides = array<i32>} : memref<16x64xf32, #tpu.memory_space<vmem>>, vector<1x16xf32>,
        %swap3A_1834 = vector.shape_cast %swap3A_1833 : vector<1x16xf32> to vector<16xf32>
        %swap3A_1835 = vector.shape_cast %add3A_1810 : vector<16xf32> to vector<1x16xf32>
        tpu.vector_store %arg9[%swap3A, %swap3A_1832], %swap3A_1835 {strides = array<i32>} : memref<16x64xf32, #tpu.memory_space<vmem>>, vector<1x16xf32>,
        %swap3A_1836 = arith.index_cast %scan3A_442 : i32 to index
        %swap3A_1837 = arith.constant 16 : index
        %swap3A_1838 = tpu.vector_load %arg9[%swap3A_1836, %swap3A_1837] {strides = array<i32>} : memref<16x64xf32, #tpu.memory_space<vmem>>, vector<1x16xf32>,
        %swap3A_1839 = vector.shape_cast %swap3A_1838 : vector<1x16xf32> to vector<16xf32>
        %swap3A_1840 = vector.shape_cast %add3A_1817 : vector<16xf32> to vector<1x16xf32>
        tpu.vector_store %arg9[%swap3A_1836, %swap3A_1837], %swap3A_1840 {strides = array<i32>} : memref<16x64xf32, #tpu.memory_space<vmem>>, vector<1x16xf32>,
        %swap3A_1841 = arith.index_cast %scan3A_442 : i32 to index
        %swap3A_1842 = arith.constant 32 : index
        %swap3A_1843 = tpu.vector_load %arg9[%swap3A_1841, %swap3A_1842] {strides = array<i32>} : memref<16x64xf32, #tpu.memory_space<vmem>>, vector<1x16xf32>,
        %swap3A_1844 = vector.shape_cast %swap3A_1843 : vector<1x16xf32> to vector<16xf32>
        %swap3A_1845 = vector.shape_cast %add3A_1824 : vector<16xf32> to vector<1x16xf32>
        tpu.vector_store %arg9[%swap3A_1841, %swap3A_1842], %swap3A_1845 {strides = array<i32>} : memref<16x64xf32, #tpu.memory_space<vmem>>, vector<1x16xf32>,
        %swap3A_1846 = arith.index_cast %scan3A_442 : i32 to index
        %swap3A_1847 = arith.constant 48 : index
        %swap3A_1848 = tpu.vector_load %arg9[%swap3A_1846, %swap3A_1847] {strides = array<i32>} : memref<16x64xf32, #tpu.memory_space<vmem>>, vector<1x16xf32>,
        %swap3A_1849 = vector.shape_cast %swap3A_1848 : vector<1x16xf32> to vector<16xf32>
        %swap3A_1850 = vector.shape_cast %add3A_1831 : vector<16xf32> to vector<1x16xf32>
        tpu.vector_store %arg9[%swap3A_1846, %swap3A_1847], %swap3A_1850 {strides = array<i32>} : memref<16x64xf32, #tpu.memory_space<vmem>>, vector<1x16xf32>,
      }
      %scan3A_441 = arith.constant 16 : i32
      "tpu.region"() ({
        %run_scoped3A = tpu.sem_alloc : memref<!tpu.dma_semaphore, #tpu.memory_space<semaphore_mem>>
        %dma_start3A_442 = arith.constant 0 : i32
        %dma_start3A_443 = arith.constant 0 : i32
        %dma_start3A_444 = tpu.memref_slice %arg4[%add3A_435, %dma_start3A_442, %dma_start3A_443] : memref<1024x16x64xf32, #tpu.memory_space<hbm>> -> memref<1x16x64xf32, #tpu.memory_space<hbm>>
        %dma_start3A_445 = tpu.memref_squeeze %dma_start3A_444 : memref<1x16x64xf32, #tpu.memory_space<hbm>> -> memref<16x64xf32, #tpu.memory_space<hbm>>
        %dma_start3A_446 = arith.constant 0 : i32
        %dma_start3A_447 = arith.constant 0 : i32
        %dma_start3A_448 = tpu.memref_slice %arg4[%add3A_435, %dma_start3A_446, %dma_start3A_447] : memref<1024x16x64xf32, #tpu.memory_space<hbm>> -> memref<1x16x64xf32, #tpu.memory_space<hbm>>
        %dma_start3A_449 = tpu.memref_squeeze %dma_start3A_448 : memref<1x16x64xf32, #tpu.memory_space<hbm>> -> memref<16x64xf32, #tpu.memory_space<hbm>>
        tpu.enqueue_dma source(%arg9 : memref<16x64xf32, #tpu.memory_space<vmem>>) target(%dma_start3A_449 : memref<16x64xf32, #tpu.memory_space<hbm>>) target_semaphore(%run_scoped3A : memref<!tpu.dma_semaphore, #tpu.memory_space<semaphore_mem>>)
        %dma_wait3A_450 = arith.constant 0 : i32
        %dma_wait3A_451 = arith.constant 0 : i32
        %dma_wait3A_452 = tpu.memref_slice %arg4[%add3A_435, %dma_wait3A_450, %dma_wait3A_451] : memref<1024x16x64xf32, #tpu.memory_space<hbm>> -> memref<1x16x64xf32, #tpu.memory_space<hbm>>
        %dma_wait3A_453 = tpu.memref_squeeze %dma_wait3A_452 : memref<1x16x64xf32, #tpu.memory_space<hbm>> -> memref<16x64xf32, #tpu.memory_space<hbm>>
        %dma_wait3A_454 = arith.constant 0 : i32
        %dma_wait3A_455 = arith.constant 0 : i32
        %dma_wait3A_456 = tpu.memref_slice %arg4[%add3A_435, %dma_wait3A_454, %dma_wait3A_455] : memref<1024x16x64xf32, #tpu.memory_space<hbm>> -> memref<1x16x64xf32, #tpu.memory_space<hbm>>
        %dma_wait3A_457 = tpu.memref_squeeze %dma_wait3A_456 : memref<1x16x64xf32, #tpu.memory_space<hbm>> -> memref<16x64xf32, #tpu.memory_space<hbm>>
        tpu.wait_dma2 semaphore(%run_scoped3A : memref<!tpu.dma_semaphore, #tpu.memory_space<semaphore_mem>>) src(%arg9 : memref<16x64xf32, #tpu.memory_space<vmem>>) dst(%dma_wait3A_457 : memref<16x64xf32, #tpu.memory_space<hbm>>)
        tpu.yield
      }) : () -> ()
    }
    %scan3A_108 = arith.constant 16 : i32
    return
  }
}

module attributes {stable_mosaic.version = 14 : i64} {
  func.func @mm(%arg0: memref<16384x64xf32, #tpu.memory_space<vmem>>, %arg1: memref<64x2xf32, #tpu.memory_space<vmem>>, %arg2: memref<1x2xf32, #tpu.memory_space<vmem>>, %arg3: memref<16384x2xf32, #tpu.memory_space<vmem>>) attributes {dimension_semantics = [], scalar_prefetch = 0 : i64, scratch_operands = 0 : i64, tpu.core_type = #tpu.core_type<tc>} {
    %get3A = arith.constant 0 : index
    %get3A_0 = arith.constant 0 : index
    %get3A_1 = vector.load %arg0[%get3A, %get3A_0] : memref<16384x64xf32, #tpu.memory_space<vmem>>, vector<16384x64xf32>
    %get3A_2 = arith.constant 0 : index
    %get3A_3 = arith.constant 0 : index
    %get3A_4 = vector.load %arg1[%get3A_2, %get3A_3] : memref<64x2xf32, #tpu.memory_space<vmem>>, vector<64x2xf32>
    %dot_general3A = arith.constant dense<0.000000e+00> : vector<16384x2xf32>
    %dot_general3A_5 = tpu.matmul %get3A_1, %get3A_4, %dot_general3A {dimension_numbers = #tpu.dot_dimension_numbers<[1], [0], [0], [1], [0, 0, 1, 1], [], []>, transpose_lhs_hint = false} : vector<16384x64xf32>, vector<64x2xf32>, vector<16384x2xf32> -> vector<16384x2xf32>
    %mul3A = arith.constant 2.000000e-02 : f32
    %mul3A_6 = vector.broadcast %mul3A : f32 to vector<16384x2xf32>
    %mul3A_7 = arith.mulf %dot_general3A_5, %mul3A_6 : vector<16384x2xf32>
    %get3A_8 = arith.constant 0 : index
    %get3A_9 = arith.constant 0 : index
    %get3A_10 = vector.load %arg2[%get3A_8, %get3A_9] : memref<1x2xf32, #tpu.memory_space<vmem>>, vector<1x2xf32>
    %add3A = vector.broadcast %get3A_10 : vector<1x2xf32> to vector<16384x2xf32>
    %add3A_11 = arith.addf %mul3A_7, %add3A : vector<16384x2xf32>
    %swap3A = arith.constant 0 : index
    %swap3A_12 = arith.constant 0 : index
    %swap3A_13 = vector.load %arg3[%swap3A, %swap3A_12] : memref<16384x2xf32, #tpu.memory_space<vmem>>, vector<16384x2xf32>
    tpu.vector_store %arg3[%swap3A, %swap3A_12], %add3A_11 {strides = array<i32>} : memref<16384x2xf32, #tpu.memory_space<vmem>>, vector<16384x2xf32>,
    return
  }
}

</mosaic_0001>

<sc_bundles>
// kernel: kernel.4.cloned.1.call-start
scs
__scs_entry_jumppad:
0x0: {  	(pc) =	sbr.rel $0x88, $3  }
0x1: {  	(tag) =	ssettag $0x0;
	lr =	simm.s32 $0x1  }
0x2: {  	[smem:$0x3F9D] =	sst lr;
	_ =	strace $0xD0000000  }
0x3: {  	_ = 	snop  }
0x4: {  	_ = 	snop  }
0x5: {  	_ = 	snop  }
0x6: {  	_ = 	snop  }
0x7: {  	_ = 	snop  }
__scs_overlays_trampoline_lowered:
0x8: {  	[smem:$0x3FAC] =	sst s0  }
0x9: {  	[smem:$0x3FAD] =	sst s1  }
0xa: {  	[smem:$0x3FAE] =	sst s2  }
0xb: {  	[smem:$0x3FAF] =	sst s3  }
0xc: {  	[smem:$0x3FB0] =	sst s4  }
0xd: {  	[smem:$0x3FB1] =	sst s5  }
0xe: {  	[smem:$0x3FB2] =	sst s6  }
0xf: {  	[smem:$0x3FB3] =	sst s7  }
0x10: {  	[smem:$0x3FB4] =	sst s8  }
0x11: {  	[smem:$0x3FB5] =	sst s9;
	s0 =	simm.s32 @!p0 $0x0  }
0x12: {  	s1 =	sld [smem:$0x3F9B];
	s0 =	simm.s32 @p0 $0x1  }
0x13: {  	[smem:$0x3FB6] =	sst s0;
	s0 =	simm.s32 @!p1 $0x0  }
0x14: {  	s2 =	sld [smem:$0x3F9A];
	s0 =	simm.s32 @p1 $0x1  }
0x15: {  	[smem:$0x3FB7] =	sst s0;
	s0 =	simm.s32 @!p2 $0x0  }
0x16: {  	s3 =	sld [smem:$0x3FDB];
	s0 =	simm.s32 @p2 $0x1  }
0x17: {  	s4 =	simm.s32 $0x1BF5;
	[smem:$0x3FB9] =	sst s0  }
0x18: {  	s0 =	sld [smem:$0x3F9C];
	_ =	swait.ge [sflag:s4], $0x0  }
0x19: {  	s7 =	sld [smem:$0x3F9D]  }
0x1a: {  	s8 =	sadd.s32 $0xFFFFE003, lr  }
0x1b: {  	s9 =	sadd.s32 $0xFFFFFEF7, lr;
	s5 =	simm.s32 $0xFFFFFFFF;
	p2 =	slt.u32 s8, $0xFFFFF086  }
0x1c: {  	p1 =	slt.u32 s9, $0xF7A;
	s5 =	simm.s32 @!p2 $0x0  }
0x1d: {  	s5 =	simm.s32 @p1 $0x1;
	p0 =	seq.s32 s7, s2  }
0x1e: {  	s7 =	smul.u32 @!p0 $0xF7A, s2;
	p2 =	seq.s32 @!p0 s5, $0x0  }
0x1f: {  	s9 =	smul.u32 $0xF7A, s1;
	s8 =	simm.s32 @!p0 $0x1BF5;
	p2 =	por !p2, p0  }
0x20: {  	[sflag:s8] =	ssyncset.s32 @!p0 $0xFFFFF086;
	s6 =	sadd.s32 @!p0 s3, s7;
	s7 =	simm.s32 @!p0 $0x108  }
0x21: {  	s3 =	sadd.s32 s3, s9;
	s6 =	sadd.s32 @!p0 $0x88, s6;
	s7 =	simm.s32 @p2 $0x1082  }
0x22: {  	[simem:s7], [sflag:s8] =	dma.local @!p0 [hbm:s6], $0xF7A  }
0x23: {  	s9 =	sor.u32 $0xD0000000, s2;
	s6 =	simm.s32 $0x108;
	_ =	swait.ge @!p0 [sflag:s8], $0x0  }
0x24: {  	s3 =	sadd.s32 $0x88, s3;
	s6 =	simm.s32 @!p1 $0x1082;
	[sflag:s4] =	ssyncset.s32 $0xFFFFF086  }
0x25: {  	[simem:s6], [sflag:s4] =	dma.local [hbm:s3], $0xF7A  }
0x26: {  	[smem:$0x3F9D] =	sst s1;
	(tag) =	ssettag s2;
	_ =	strace s9  }
0x27: {  	s1 =	sld [smem:$0x3FAD]  }
0x28: {  	s2 =	sld [smem:$0x3FAE]  }
0x29: {  	s4 =	sld [smem:$0x3FB0]  }
0x2a: {  	p0 =	seq.s32 s5, $0x0;
	s5 =	sld [smem:$0x3FB1]  }
0x2b: {  	s6 =	sld [smem:$0x3FB2]  }
0x2c: {  	s7 =	sld [smem:$0x3FB3]  }
0x2d: {  	s3 =	simm.s32 $0x108;
	s8 =	sld [smem:$0x3FB4]  }
0x2e: {  	s3 =	simm.s32 @!p0 $0x1082;
	s9 =	sld [smem:$0x3FB5]  }
0x2f: {  	lr =	sadd.s32 s0, s3;
	s0 =	sld [smem:$0x3FAC]  }
0x30: {  	s3 =	sld [smem:$0x3FAF]  }
0x31: {  	[smem:$0x3FB8] =	sst s10  }
0x32: {  	s10 =	sld [smem:$0x3FB6];
	_ =	sdelay $0x3  }
0x33: {  	p0 =	seq.s32 s10, $0x1;
	s10 =	sld [smem:$0x3FB8];
	_ =	sdelay $0x3  }
0x34: {  	[smem:$0x3FB8] =	sst s10  }
0x35: {  	s10 =	sld [smem:$0x3FB7];
	_ =	sdelay $0x3  }
0x36: {  	p1 =	seq.s32 s10, $0x1;
	s10 =	sld [smem:$0x3FB8];
	_ =	sdelay $0x3  }
0x37: {  	[smem:$0x3FB8] =	sst s10  }
0x38: {  	s10 =	sld [smem:$0x3FB9]  }
0x39: {  	_ = 	snop;
	(pc) =	sbr.ind lr, $3  }
0x3a: {  	_ = 	snop  }
0x3b: {  	_ = 	snop  }
0x3c: {  	p2 =	seq.s32 s10, $0x1;
	s10 =	sld [smem:$0x3FB8]  }
0x3d: {  	_ =	shalt  }
0x3e: {  	_ =	shalt  }
0x3f: {  	_ =	shalt  }
0x40: {  	_ =	shalt  }
0x41: {  	_ =	shalt  }
0x42: {  	_ =	shalt  }
0x43: {  	_ =	shalt  }
0x44: {  	_ =	shalt  }
0x45: {  	_ =	shalt  }
0x46: {  	_ =	shalt  }
0x47: {  	_ =	shalt  }
0x48: {  	_ =	shalt  }
0x49: {  	_ =	shalt  }
0x4a: {  	_ =	shalt  }
0x4b: {  	_ =	shalt  }
0x4c: {  	_ =	shalt  }
0x4d: {  	_ =	shalt  }
0x4e: {  	_ =	shalt  }
0x4f: {  	_ =	shalt  }
0x50: {  	_ =	shalt  }
0x51: {  	_ =	shalt  }
0x52: {  	_ =	shalt  }
0x53: {  	_ =	shalt  }
0x54: {  	_ =	shalt  }
0x55: {  	_ =	shalt  }
0x56: {  	_ =	shalt  }
0x57: {  	_ =	shalt  }
0x58: {  	_ =	shalt  }
0x59: {  	_ =	shalt  }
0x5a: {  	_ =	shalt  }
0x5b: {  	_ =	shalt  }
0x5c: {  	_ =	shalt  }
0x5d: {  	_ =	shalt  }
0x5e: {  	_ =	shalt  }
0x5f: {  	_ =	shalt  }
0x60: {  	_ =	shalt  }
0x61: {  	_ =	shalt  }
0x62: {  	_ =	shalt  }
0x63: {  	_ =	shalt  }
0x64: {  	_ =	shalt  }
0x65: {  	_ =	shalt  }
0x66: {  	_ =	shalt  }
0x67: {  	_ =	shalt  }
0x68: {  	_ =	shalt  }
0x69: {  	_ =	shalt  }
0x6a: {  	_ =	shalt  }
0x6b: {  	_ =	shalt  }
0x6c: {  	_ =	shalt  }
0x6d: {  	_ =	shalt  }
0x6e: {  	_ =	shalt  }
0x6f: {  	_ =	shalt  }
0x70: {  	_ =	shalt  }
0x71: {  	_ =	shalt  }
0x72: {  	_ =	shalt  }
0x73: {  	_ =	shalt  }
0x74: {  	_ =	shalt  }
0x75: {  	_ =	shalt  }
0x76: {  	_ =	shalt  }
0x77: {  	_ =	shalt  }
0x78: {  	_ =	shalt  }
0x79: {  	_ =	shalt  }
0x7a: {  	_ =	shalt  }
0x7b: {  	_ =	shalt  }
0x7c: {  	_ =	shalt  }
0x7d: {  	_ =	shalt  }
0x7e: {  	_ =	shalt  }
0x7f: {  	_ =	shalt  }
0x80: {  	_ =	shalt  }
0x81: {  	_ =	shalt  }
0x82: {  	_ =	shalt  }
0x83: {  	_ =	shalt  }
0x84: {  	_ =	shalt  }
0x85: {  	_ =	shalt  }
0x86: {  	_ =	shalt  }
0x87: {  	_ =	shalt  }
.Lfunc_end0:
.L_simem_size_0:
called_computation_lowered:
.L_overlay_start_0:
0x88: {  	s2 =	sld [smem:$0x3FD9]  }
0x89: {  	s3 =	sld [smem:$0x3FFE];
	_ =	sdelay $0x1  }
0x8a: {  	s1 =	srdreg.scid  }
0x8b: {  	s0 =	sand.u32 $0x1, s1  }
0x8c: {  	s16 =	sshll.u32 s0, $0xA;
	s2 =	sadd.s32 s3, s2  }
0x8d: {  	s2 =	sadd.s32 s2, s16  }
0x8e: {  	[smem:$0x3FC4] =	sst s2  }
0x8f: {  	_ = 	snop  }
0x90: {  	(tm) =	ssettm $0x1  }
0x91: {  	s17 =	sld [smem:$0x3FFB];
	_ =	sdelay $0x3  }
0x92: {  	_ =	strace s17  }
0x93: {  	s2 =	sld [smem:$0x3FFC];
	_ =	sdelay $0x3  }
0x94: {  	_ =	strace s2  }
0x95: {  	s2 =	sld [smem:$0x3FFD];
	_ =	sdelay $0x3  }
0x96: {  	_ =	strace s2  }
0x97: {  	_ =	strace $0x8FFFFFFF  }
0x98: {  	s18 =	sld [smem:$0x3FDB];
	_ =	sdelay $0x1  }
0x99: {  	s19 =	simm.s32 $_scs_section_size  }
0x9a: {  	s4 =	simm.s32 $_size__tile_overlayer_lowered;
	s5 =	simm.s32 $_tile_overlayer_lowered  }
0x9b: {  	s22 =	simm.s32 $0x1BFF;
	s21 =	sshll.u32 s5, $0x1;
	s2 =	sadd.s32 s19, s18  }
0x9c: {  	s6 =	simm.s32 $0x0;
	s20 =	sshll.u32 s4, $0x1;
	s4 =	sadd.s32 s21, s2  }
0x9d: {  	[timem:s6], [sflag:s22] =	dma.local [hbm:s4], s20  }
0x9e: {  	_ =	swait.ge [sflag:s22], s20  }
0x9f: {  	s3 =	ssub.s32 $0x0, s20;
	[sflag:s22] =	ssyncset.done $0x0  }
0xa0: {  	[sflag:s22] =	ssyncadd.s32 s3;
	_ =	sdelay $0x1  }
0xa1: {  	s23 =	simm.s32 $0x1B8B  }
0xa2: {  	_ =	swait.ge [sflag:s23], $0x1  }
0xa3: {  	[sflag:s23] =	ssyncset.done $0x0  }
0xa4: {  	s25 =	simm.s32 $0x1B8E;
	s24 =	sld [smem:$0x3FFE];
	[sflag:s23] =	ssyncadd.s32 $0xFFFFFFFF  }
0xa5: {  	s26 =	simm.s32 $execute0_lowered;
	[smem:$0x3FD2] =	sst s25  }
0xa6: {  	s4 =	sshll.u32 s26, $0x1;
	_ =	strace $0x80000046;
	[dreg:$0x1] =	wrdreg $0xFFFFFFFF  }
0xa7: {  	s28 =	simm.s32 $_size_execute0_lowered;
	s2 =	sadd.s32 s2, s4;
	[dreg:$0x0] =	wrdreg $0x0  }
0xa8: {  	s4 =	sshll.u32 s28, $0x1;
	[dreg:$0x2] =	wrdreg s2  }
0xa9: {  	[dreg:$0x3] =	wrdreg s4  }
0xaa: {  	[dreg:$0x4] =	wrdreg $0xC0  }
0xab: {  	_ =	task [dreg:s6], $0x5FFFF  }
0xac: {  	[dreg:$0x1] =	wrdreg $0xFFFFFFFF  }
0xad: {  	[dreg:$0x0] =	wrdreg $0x60  }
0xae: {  	[dreg:$0x2] =	wrdreg s24  }
0xaf: {  	[dreg:$0x3] =	wrdreg $0x9  }
0xb0: {  	_ =	task.clear_ibuf [dreg:s6], $0x4FFFF;
	_ =	strace $0x90000046  }
0xb1: {  	s29 =	simm.s32 $0x9;
	_ =	strace $0x80000048  }
0xb2: {  	_ =	swait.ge [sflag:s29], $0x1  }
0xb3: {  	[sflag:s29] =	ssyncadd.s32 $0xFFFFFFFF  }
0xb4: {  	_ =	strace $0x90000048  }
0xb5: {  	_ =	sfence  }
0xb6: {  	s30 =	sld [smem:$0x0];
	_ =	sdelay $0x2  }
0xb7: {  	s31 =	sshll.u32 s1, $0xD;
	s1 =	sshrl.u32 s1, $0x2  }
0xb8: {  	s3 =	sand.u32 $0x4000, s31;
	s1 =	sadd.s32 s1, s30  }
0xb9: {  	s0 =	sor.u32 s3, s0;
	s1 =	sshll.u32 s1, $0x11  }
0xba: {  	s0 =	sor.u32 s1, s0  }
0xbb: {  	s0 =	sadd.s32 $0x8F2B, s0  }
0xbc: {  	[sflag:s0] =	ssyncadd.remote.s32 $0x1  }
0xbd: {  	_ =	sfence.sel $0xFFFF  }
0xbe: {  	[dreg:$0x0] =	wrdreg $0xFFFFFFFF;
	(pc) =	sbr.abs _section_cstart, $3  }
0xbf: {  	[dreg:$0x1] =	wrdreg $0xFFFFFFFF  }
0xc0: {  	_ =	task.clear_ibuf [dreg:s6], $0x2FFFF;
	_ =	strace $0x9FFFFFFF  }
0xc1: {  	(tm) =	ssettm $0x7FFFFFFF  }
tec
execute0_lowered:
.L_overlay_start_1:
0x0: {  	(tag) =	ssettag $0x1  }
0x1: {  	s0 =	rddreg [dreg:$0x0];
	s1 =	srdreg.scid;
	s2 =	simm.s32 $0x0  }
0x2: {  	s3 =	stileid.u32;
	s11 =	simm.s32 $0x3;
	s12 =	simm.s32 $0x50  }
0x3: {  	s19 =	simm.s32 $0x460;
	s20 =	simm.s32 $0x11E40;
	s21 =	simm.s32 $0x4B0  }
0x4: {  	s22 =	simm.s32 $0x13240;
	s23 =	simm.s32 $0x500;
	s24 =	simm.s32 $0x14640  }
0x5: {  	s28 =	simm.s32 $0x5A0;
	s29 =	simm.s32 $0x16E40;
	s30 =	simm.s32 $0x5F0  }
0x6: {  	s31 =	simm.s32 $0x18240;
	s9 =	simm.s32 $0x19640;
	s14 =	simm.s32 $0x0  }
0x7: {  	s1 =	sand.u32 $0x1, s1;
	[smem:$0x7FF] =	sst s2;
	s3 =	sshll.u32 s3, $0x6  }
0x8: {  	s5 =	sadd.s32 $0xF42E00, s0;
	s6 =	sadd.s32 $0x19A00, s0;
	s4 =	sshll.u32 s1, $0x5  }
0x9: {  	_ =	strace $0x80000047;
	s1 =	ssub.s32 $0x2, s1;
	s3 =	sor.u32 s4, s3  }
0xa: {  	s4 =	sadd.s32 $0xA00, s0;
	s7 =	sshrl.u32 s1, $0x1;
	s8 =	smul.u32 $0x64, s3  }
0xb: {  	s25 =	ssub.s32 s1, s7;
	s10 =	sor.u32 $0x1, s3;
	s7 =	simm.s32 $0x1  }
0xc: {  	s1 =	simm.s32 $0x2;
	s0 =	smax.u32 s25, $0x1;
	s25 =	simm.s32 $0x550  }
0xd: {  	s26 =	sadd.s32 s4, s8;
	s8 =	sor.u32 $0x2, s3;
	[dreg:$0x3] =	wrdreg s0  }
0xe: {  	s0 =	simm.s32 $0x320;
	[dreg:$0x2] =	wrdreg s26;
	s26 =	simm.s32 $0x15A40  }
.LBB2_1:
0xf: {  	[dreg:$0x4] =	wrdreg s14  }
0x10: {  	s13 =	rddreg [dreg:$0x2]  }
0x11: {  	[tilespmem:s2], [sflag:$0x3] =	stream.linear.gather [hbm4b:s13+s2], $0x320, $0x38;
	[tilespmem:$0x19A40] =	vst v63  }
0x12: {  	_ =	swait.ge [sflag:s11], $0x320  }
0x13: {  	[sflag:s11] =	ssyncset.done $0x0  }
0x14: {  	s18 =	simm.s32 $0x640;
	[sflag:s11] =	ssyncadd.s32 $0xFFFFFCE0  }
0x15: {  	[tilespmem:s18], [sflag:$0x1] =	stream.indirect.gather [hbm4b:s5+s12], $0x40, s2, s12, $0xb8;
	[tilespmem:$0x19A40] =	vst v63  }
0x16: {  	s14 =	simm.s32 $0x1A40  }
0x17: {  	[tilespmem:s14], [sflag:$0x1] =	stream.indirect.gather [hbm4b:s5+s12], $0x40, s12, s12, $0xb8;
	[tilespmem:$0x19A40] =	vst v63  }
0x18: {  	s15 =	simm.s32 $0xA0;
	s16 =	simm.s32 $0x2E40  }
0x19: {  	[tilespmem:s16], [sflag:$0x1] =	stream.indirect.gather [hbm4b:s5+s12], $0x40, s15, s12, $0xb8;
	[tilespmem:$0x19A40] =	vst v63  }
0x1a: {  	s17 =	simm.s32 $0xF0;
	s18 =	simm.s32 $0x4240  }
0x1b: {  	[tilespmem:s18], [sflag:$0x1] =	stream.indirect.gather [hbm4b:s5+s12], $0x40, s17, s12, $0xb8;
	[tilespmem:$0x19A40] =	vst v63  }
0x1c: {  	s15 =	simm.s32 $0x140;
	s16 =	simm.s32 $0x5640  }
0x1d: {  	[tilespmem:s16], [sflag:$0x1] =	stream.indirect.gather [hbm4b:s5+s12], $0x40, s15, s12, $0xb8;
	[tilespmem:$0x19A40] =	vst v63  }
0x1e: {  	s17 =	simm.s32 $0x190;
	s18 =	simm.s32 $0x6A40  }
0x1f: {  	[tilespmem:s18], [sflag:$0x1] =	stream.indirect.gather [hbm4b:s5+s12], $0x40, s17, s12, $0xb8;
	[tilespmem:$0x19A40] =	vst v63  }
0x20: {  	s15 =	simm.s32 $0x1E0;
	s16 =	simm.s32 $0x7E40  }
0x21: {  	[tilespmem:s16], [sflag:$0x1] =	stream.indirect.gather [hbm4b:s5+s12], $0x40, s15, s12, $0xb8;
	[tilespmem:$0x19A40] =	vst v63  }
0x22: {  	s17 =	simm.s32 $0x230;
	s18 =	simm.s32 $0x9240  }
0x23: {  	[tilespmem:s18], [sflag:$0x1] =	stream.indirect.gather [hbm4b:s5+s12], $0x40, s17, s12, $0xb8;
	[tilespmem:$0x19A40] =	vst v63  }
0x24: {  	s15 =	simm.s32 $0x280;
	s16 =	simm.s32 $0xA640  }
0x25: {  	[tilespmem:s16], [sflag:$0x1] =	stream.indirect.gather [hbm4b:s5+s12], $0x40, s15, s12, $0xb8;
	[tilespmem:$0x19A40] =	vst v63  }
0x26: {  	s13 =	simm.s32 $0x0;
	s17 =	simm.s32 $0x2D0;
	s18 =	simm.s32 $0xBA40  }
0x27: {  	[tilespmem:s18], [sflag:$0x1] =	stream.indirect.gather [hbm4b:s5+s12], $0x40, s17, s12, $0xb8;
	[tilespmem:$0x19A40] =	vst v63  }
.LBB2_2:
0x28: {  	s15 =	sshll.u32 s13, $0x1  }
0x29: {  	s14 =	sor.u32 s10, s15  }
0x2a: {  	s16 =	smul.u32 $0x64, s14;
	_ =	sdelay $0x1  }
0x2b: {  	s17 =	sadd.s32 s4, s16;
	s16 =	simm.s32 $0x0  }
0x2c: {  	[tilespmem:s0], [sflag:$0x3] =	stream.linear.gather [hbm4b:s17+s16], $0x320, $0x38;
	[tilespmem:$0x19A40] =	vst v63  }
0x2d: {  	_ =	swait.ge [sflag:s11], $0x320  }
0x2e: {  	[sflag:s11] =	ssyncset.done $0x0  }
0x2f: {  	s18 =	simm.s32 $0xCE40;
	[sflag:s11] =	ssyncadd.s32 $0xFFFFFCE0  }
0x30: {  	[tilespmem:s18], [sflag:$0x2] =	stream.indirect.gather [hbm4b:s5+s12], $0x40, s0, s12, $0xb8;
	[tilespmem:$0x19A40] =	vst v63  }
0x31: {  	s17 =	simm.s32 $0x370;
	s18 =	simm.s32 $0xE240  }
0x32: {  	[tilespmem:s18], [sflag:$0x2] =	stream.indirect.gather [hbm4b:s5+s12], $0x40, s17, s12, $0xb8;
	[tilespmem:$0x19A40] =	vst v63  }
0x33: {  	s17 =	simm.s32 $0x3C0;
	s18 =	simm.s32 $0xF640  }
0x34: {  	[tilespmem:s18], [sflag:$0x2] =	stream.indirect.gather [hbm4b:s5+s12], $0x40, s17, s12, $0xb8;
	[tilespmem:$0x19A40] =	vst v63  }
0x35: {  	s17 =	simm.s32 $0x410;
	s18 =	simm.s32 $0x10A40  }
0x36: {  	[tilespmem:s18], [sflag:$0x2] =	stream.indirect.gather [hbm4b:s5+s12], $0x40, s17, s12, $0xb8;
	[tilespmem:$0x19A40] =	vst v63  }
0x37: {  	_ = 	snop  }
0x38: {  	[tilespmem:s20], [sflag:$0x2] =	stream.indirect.gather [hbm4b:s5+s12], $0x40, s19, s12, $0xb8;
	[tilespmem:$0x19A40] =	vst v63  }
0x39: {  	_ = 	snop  }
0x3a: {  	[tilespmem:s22], [sflag:$0x2] =	stream.indirect.gather [hbm4b:s5+s12], $0x40, s21, s12, $0xb8;
	[tilespmem:$0x19A40] =	vst v63  }
0x3b: {  	_ = 	snop  }
0x3c: {  	[tilespmem:s24], [sflag:$0x2] =	stream.indirect.gather [hbm4b:s5+s12], $0x40, s23, s12, $0xb8;
	[tilespmem:$0x19A40] =	vst v63  }
0x3d: {  	_ = 	snop  }
0x3e: {  	[tilespmem:s26], [sflag:$0x2] =	stream.indirect.gather [hbm4b:s5+s12], $0x40, s25, s12, $0xb8;
	[tilespmem:$0x19A40] =	vst v63  }
0x3f: {  	_ = 	snop  }
0x40: {  	[tilespmem:s29], [sflag:$0x2] =	stream.indirect.gather [hbm4b:s5+s12], $0x40, s28, s12, $0xb8;
	[tilespmem:$0x19A40] =	vst v63  }
0x41: {  	_ = 	snop  }
0x42: {  	[tilespmem:s31], [sflag:$0x2] =	stream.indirect.gather [hbm4b:s5+s12], $0x40, s30, s12, $0xb8;
	[tilespmem:$0x19A40] =	vst v63  }
0x43: {  	_ =	swait.ge [sflag:s7], $0x1400  }
0x44: {  	[sflag:s7] =	ssyncset.done $0x0  }
0x45: {  	[sflag:s7] =	ssyncadd.s32 $0xFFFFEC00  }
0x46: {  	_ =	swait.ge [sflag:s7], $0x1400  }
0x47: {  	[sflag:s7] =	ssyncset.done $0x0  }
0x48: {  	[sflag:s7] =	ssyncadd.s32 $0xFFFFEC00  }
0x49: {  	_ =	swait.ge [sflag:s7], $0x1400  }
0x4a: {  	[sflag:s7] =	ssyncset.done $0x0  }
0x4b: {  	[sflag:s7] =	ssyncadd.s32 $0xFFFFEC00  }
0x4c: {  	_ =	swait.ge [sflag:s7], $0x1400  }
0x4d: {  	[sflag:s7] =	ssyncset.done $0x0  }
0x4e: {  	[sflag:s7] =	ssyncadd.s32 $0xFFFFEC00  }
0x4f: {  	_ =	swait.ge [sflag:s7], $0x1400  }
0x50: {  	[sflag:s7] =	ssyncset.done $0x0  }
0x51: {  	[sflag:s7] =	ssyncadd.s32 $0xFFFFEC00  }
0x52: {  	_ =	swait.ge [sflag:s7], $0x1400  }
0x53: {  	[sflag:s7] =	ssyncset.done $0x0  }
0x54: {  	[sflag:s7] =	ssyncadd.s32 $0xFFFFEC00  }
0x55: {  	_ =	swait.ge [sflag:s7], $0x1400  }
0x56: {  	[sflag:s7] =	ssyncset.done $0x0  }
0x57: {  	[sflag:s7] =	ssyncadd.s32 $0xFFFFEC00  }
0x58: {  	_ =	swait.ge [sflag:s7], $0x1400  }
0x59: {  	[sflag:s7] =	ssyncset.done $0x0  }
0x5a: {  	[sflag:s7] =	ssyncadd.s32 $0xFFFFEC00  }
0x5b: {  	_ =	swait.ge [sflag:s7], $0x1400  }
0x5c: {  	[sflag:s7] =	ssyncset.done $0x0  }
0x5d: {  	[sflag:s7] =	ssyncadd.s32 $0xFFFFEC00  }
0x5e: {  	_ =	swait.ge [sflag:s7], $0x1400  }
0x5f: {  	[sflag:s7] =	ssyncset.done $0x0  }
0x60: {  	[sflag:s7] =	ssyncadd.s32 $0xFFFFEC00  }
.LBB2_3:
0x61: {  	s17 =	smul.u32 $0x3200, s16;
	_ =	sdelay $0x1  }
0x62: {  	s17 =	sshra.s32 s17, $0x2  }
0x63: {  	v56 =	vld [tilespmem:s17+$0xA30];
	_ =	sdelay $0x4  }
0x64: {  	[tilespmem:$0x1FD80] =	vst v56;
	v56 =	vld [tilespmem:s17+$0xA50];
	_ =	sdelay $0x4  }
0x65: {  	[tilespmem:$0x1FD90] =	vst v56;
	v56 =	vld [tilespmem:s17+$0xA60];
	_ =	sdelay $0x1  }
0x66: {  	v3 =	vld [tilespmem:s17+$0x640]  }
0x67: {  	v4 =	vld [tilespmem:s17+$0x650]  }
0x68: {  	v5 =	vld [tilespmem:s17+$0x660]  }
0x69: {  	[tilespmem:$0x1FDA0] =	vst v56;
	v56 =	vld [tilespmem:s17+$0xA70]  }
0x6a: {  	v16 =	vld [tilespmem:s17+$0x670]  }
0x6b: {  	v17 =	vld [tilespmem:s17+$0x680]  }
0x6c: {  	v20 =	vld [tilespmem:s17+$0x690]  }
0x6d: {  	v21 =	vld [tilespmem:s17+$0x6A0]  }
0x6e: {  	[tilespmem:$0x1FDC0] =	vst v56;
	v56 =	vld [tilespmem:s17+$0xA80]  }
0x6f: {  	v32 =	vld [tilespmem:s17+$0x6B0]  }
0x70: {  	v33 =	vld [tilespmem:s17+$0x6C0]  }
0x71: {  	v36 =	vld [tilespmem:s17+$0x6D0]  }
0x72: {  	v37 =	vld [tilespmem:s17+$0x6E0]  }
0x73: {  	[tilespmem:$0x1FDB0] =	vst v56;
	v56 =	vld [tilespmem:s17+$0xA90]  }
0x74: {  	v48 =	vld [tilespmem:s17+$0x6F0]  }
0x75: {  	v49 =	vld [tilespmem:s17+$0x700]  }
0x76: {  	v52 =	vld [tilespmem:s17+$0x710]  }
0x77: {  	v53 =	vld [tilespmem:s17+$0x720]  }
0x78: {  	[tilespmem:$0x1FDD0] =	vst v56;
	v56 =	vld [tilespmem:s17+$0xAA0]  }
0x79: {  	v62 =	vld [tilespmem:s17+$0x730]  }
0x7a: {  	v63 =	vld [tilespmem:s17+$0x740]  }
0x7b: {  	v0 =	vld [tilespmem:s17+$0x750]  }
0x7c: {  	v2 =	vld [tilespmem:s17+$0x760]  }
0x7d: {  	[tilespmem:$0x1FDE0] =	vst v56;
	v56 =	vld [tilespmem:s17+$0xAB0]  }
0x7e: {  	v9 =	vld [tilespmem:s17+$0x770]  }
0x7f: {  	v1 =	vld [tilespmem:s17+$0x780]  }
0x80: {  	v6 =	vld [tilespmem:s17+$0x790]  }
0x81: {  	v8 =	vld [tilespmem:s17+$0x7A0]  }
0x82: {  	[tilespmem:$0x1FE00] =	vst v56;
	v56 =	vld [tilespmem:s17+$0xAC0]  }
0x83: {  	v13 =	vld [tilespmem:s17+$0x7B0]  }
0x84: {  	v7 =	vld [tilespmem:s17+$0x7C0]  }
0x85: {  	v10 =	vld [tilespmem:s17+$0x7D0]  }
0x86: {  	v12 =	vld [tilespmem:s17+$0x7E0]  }
0x87: {  	[tilespmem:$0x1FDF0] =	vst v56;
	v56 =	vld [tilespmem:s17+$0xAD0]  }
0x88: {  	v19 =	vld [tilespmem:s17+$0x7F0]  }
0x89: {  	v11 =	vld [tilespmem:s17+$0x800]  }
0x8a: {  	v14 =	vld [tilespmem:s17+$0x810]  }
0x8b: {  	v18 =	vld [tilespmem:s17+$0x820]  }
0x8c: {  	[tilespmem:$0x1FE10] =	vst v56;
	v56 =	vld [tilespmem:s17+$0xAE0]  }
0x8d: {  	v25 =	vld [tilespmem:s17+$0x830]  }
0x8e: {  	v15 =	vld [tilespmem:s17+$0x840]  }
0x8f: {  	v22 =	vld [tilespmem:s17+$0x850]  }
0x90: {  	v24 =	vld [tilespmem:s17+$0x860]  }
0x91: {  	[tilespmem:$0x1FE20] =	vst v56;
	v56 =	vld [tilespmem:s17+$0xAF0]  }
0x92: {  	v29 =	vld [tilespmem:s17+$0x870]  }
0x93: {  	v23 =	vld [tilespmem:s17+$0x880]  }
0x94: {  	v26 =	vld [tilespmem:s17+$0x890]  }
0x95: {  	v28 =	vld [tilespmem:s17+$0x8A0]  }
0x96: {  	[tilespmem:$0x1FE40] =	vst v56;
	v56 =	vld [tilespmem:s17+$0xB00]  }
0x97: {  	v35 =	vld [tilespmem:s17+$0x8B0]  }
0x98: {  	v27 =	vld [tilespmem:s17+$0x8C0]  }
0x99: {  	v30 =	vld [tilespmem:s17+$0x8D0]  }
0x9a: {  	v34 =	vld [tilespmem:s17+$0x8E0]  }
0x9b: {  	[tilespmem:$0x1FE30] =	vst v56;
	v56 =	vld [tilespmem:s17+$0xB10]  }
0x9c: {  	v41 =	vld [tilespmem:s17+$0x8F0]  }
0x9d: {  	v31 =	vld [tilespmem:s17+$0x900]  }
0x9e: {  	v38 =	vld [tilespmem:s17+$0x910]  }
0x9f: {  	v40 =	vld [tilespmem:s17+$0x920]  }
0xa0: {  	[tilespmem:$0x1FE50] =	vst v56;
	v56 =	vld [tilespmem:s17+$0xB20]  }
0xa1: {  	v45 =	vld [tilespmem:s17+$0x930]  }
0xa2: {  	v39 =	vld [tilespmem:s17+$0x940]  }
0xa3: {  	v42 =	vld [tilespmem:s17+$0x950]  }
0xa4: {  	v44 =	vld [tilespmem:s17+$0x960]  }
0xa5: {  	[tilespmem:$0x1FE60] =	vst v56;
	v56 =	vld [tilespmem:s17+$0xB30]  }
0xa6: {  	v51 =	vld [tilespmem:s17+$0x970]  }
0xa7: {  	v43 =	vld [tilespmem:s17+$0x980]  }
0xa8: {  	v46 =	vld [tilespmem:s17+$0x990]  }
0xa9: {  	v50 =	vld [tilespmem:s17+$0x9A0]  }
0xaa: {  	[tilespmem:$0x1FE80] =	vst v56;
	v56 =	vld [tilespmem:s17+$0xB40]  }
0xab: {  	v60 =	vld [tilespmem:s17+$0x9B0]  }
0xac: {  	v47 =	vld [tilespmem:s17+$0x9C0]  }
0xad: {  	v54 =	vld [tilespmem:s17+$0x9D0]  }
0xae: {  	v61 =	vld [tilespmem:s17+$0x9E0]  }
0xaf: {  	[tilespmem:$0x1FE70] =	vst v56;
	v56 =	vld [tilespmem:s17+$0xB50]  }
0xb0: {  	v55 =	vld [tilespmem:s17+$0x9F0]  }
0xb1: {  	v58 =	vld [tilespmem:s17+$0xA10]  }
0xb2: {  	v57 =	vld [tilespmem:s17+$0xA20]  }
0xb3: {  	v59 =	vld [tilespmem:s17+$0xA40]  }
0xb4: {  	[tilespmem:$0x1FE90] =	vst v56;
	v56 =	vld [tilespmem:s17+$0xB60]  }
0xb5: {  	[tilespmem:$0x1FD70] =	vst v55;
	v55 =	vld [tilespmem:s17+$0xA00]  }
0xb6: {  	v17 =	vadd.f32 v17, v3;
	v3 =	vld [tilespmem:s17+$0xCD0]  }
0xb7: {  	v20 =	vadd.f32 v20, v4;
	v4 =	vld [tilespmem:s17+$0xCE0]  }
0xb8: {  	v21 =	vadd.f32 v21, v5;
	v5 =	vld [tilespmem:s17+$0xCF0]  }
0xb9: {  	v17 =	vadd.f32 v33, v17;
	[tilespmem:$0x1FEA0] =	vst v56;
	v56 =	vld [tilespmem:s17+$0xB70]  }
0xba: {  	v32 =	vadd.f32 v32, v16;
	v16 =	vld [tilespmem:s17+$0xD00];
	v20 =	vadd.f32 v36, v20  }
0xbb: {  	v21 =	vadd.f32 v37, v21;
	v33 =	vadd.f32 v49, v17;
	v17 =	vld [tilespmem:s17+$0xD10]  }
0xbc: {  	v36 =	vadd.f32 v52, v20;
	v20 =	vld [tilespmem:s17+$0xD20]  }
0xbd: {  	v32 =	vadd.f32 v48, v32;
	v37 =	vadd.f32 v53, v21;
	v21 =	vld [tilespmem:s17+$0xD30]  }
0xbe: {  	[tilespmem:$0x1FEC0] =	vst v56;
	v56 =	vld [tilespmem:s17+$0xB80]  }
0xbf: {  	v48 =	vadd.f32 v62, v32;
	v32 =	vld [tilespmem:s17+$0xD40]  }
0xc0: {  	v49 =	vld [tilespmem:s17+$0xD90]  }
0xc1: {  	v52 =	vld [tilespmem:s17+$0xDA0]  }
0xc2: {  	v0 =	vadd.f32 v0, v36;
	v36 =	vld [tilespmem:s17+$0xD60]  }
0xc3: {  	[tilespmem:$0x1FEB0] =	vst v56;
	v56 =	vld [tilespmem:s17+$0xB90]  }
0xc4: {  	v33 =	vadd.f32 v63, v33;
	v2 =	vadd.f32 v2, v37;
	v37 =	vld [tilespmem:s17+$0xD70]  }
0xc5: {  	v9 =	vadd.f32 v9, v48;
	v48 =	vld [tilespmem:s17+$0xD80]  }
0xc6: {  	v1 =	vadd.f32 v1, v33;
	v33 =	vld [tilespmem:s17+$0xD50]  }
0xc7: {  	v2 =	vadd.f32 v8, v2;
	v8 =	vld [tilespmem:s17+$0xDD0]  }
0xc8: {  	[tilespmem:$0x1FED0] =	vst v56;
	v56 =	vld [tilespmem:s17+$0xBA0]  }
0xc9: {  	v53 =	vadd.f32 v13, v9;
	v9 =	vld [tilespmem:s17+$0xDE0]  }
0xca: {  	v13 =	vld [tilespmem:s17+$0xE20]  }
0xcb: {  	v0 =	vadd.f32 v6, v0;
	v6 =	vadd.f32 v19, v53;
	v53 =	vld [tilespmem:s17+$0xDB0]  }
0xcc: {  	v1 =	vadd.f32 v7, v1;
	v7 =	vld [tilespmem:s17+$0xDC0]  }
0xcd: {  	[tilespmem:$0x1FEE0] =	vst v56;
	v56 =	vld [tilespmem:s17+$0xBB0]  }
0xce: {  	v0 =	vadd.f32 v10, v0;
	v10 =	vld [tilespmem:s17+$0xDF0]  }
0xcf: {  	v2 =	vadd.f32 v12, v2;
	v12 =	vld [tilespmem:s17+$0xE10]  }
0xd0: {  	v19 =	vld [tilespmem:s17+$0xE60]  }
0xd1: {  	v1 =	vadd.f32 v11, v1;
	v11 =	vld [tilespmem:s17+$0xE00]  }
0xd2: {  	[tilespmem:$0x1FF00] =	vst v56;
	v56 =	vld [tilespmem:s17+$0xBC0]  }
0xd3: {  	v0 =	vadd.f32 v14, v0;
	v14 =	vld [tilespmem:s17+$0xE30]  }
0xd4: {  	v2 =	vadd.f32 v18, v2;
	v18 =	vld [tilespmem:s17+$0xE50]  }
0xd5: {  	v6 =	vadd.f32 v25, v6;
	v25 =	vld [tilespmem:s17+$0xEA0]  }
0xd6: {  	v1 =	vadd.f32 v15, v1;
	v15 =	vld [tilespmem:s17+$0xE40]  }
0xd7: {  	[tilespmem:$0x1FEF0] =	vst v56;
	v56 =	vld [tilespmem:s17+$0xBD0]  }
0xd8: {  	v0 =	vadd.f32 v22, v0;
	v22 =	vld [tilespmem:s17+$0xE70]  }
0xd9: {  	v2 =	vadd.f32 v24, v2;
	v24 =	vld [tilespmem:s17+$0xE90]  }
0xda: {  	v6 =	vadd.f32 v29, v6;
	v29 =	vld [tilespmem:s17+$0xEE0]  }
0xdb: {  	v1 =	vadd.f32 v23, v1;
	v2 =	vadd.f32 v28, v2;
	v23 =	vld [tilespmem:s17+$0xE80]  }
0xdc: {  	v0 =	vadd.f32 v26, v0;
	v6 =	vadd.f32 v35, v6;
	[tilespmem:$0x1FF10] =	vst v56;
	v56 =	vld [tilespmem:s17+$0xBE0]  }
0xdd: {  	v26 =	vld [tilespmem:s17+$0xEB0];
	v1 =	vadd.f32 v27, v1;
	v2 =	vadd.f32 v34, v2  }
0xde: {  	v28 =	vld [tilespmem:s17+$0xED0];
	v0 =	vadd.f32 v30, v0;
	v6 =	vadd.f32 v41, v6  }
0xdf: {  	v62 =	vld [tilespmem:$0x1FDC0];
	v1 =	vadd.f32 v31, v1;
	v2 =	vadd.f32 v40, v2  }
0xe0: {  	v27 =	vld [tilespmem:s17+$0xEC0];
	v0 =	vadd.f32 v38, v0;
	v6 =	vadd.f32 v45, v6  }
0xe1: {  	v1 =	vadd.f32 v39, v1;
	v2 =	vadd.f32 v44, v2;
	[tilespmem:$0x1FF20] =	vst v56;
	v56 =	vld [tilespmem:s17+$0xBF0]  }
0xe2: {  	v30 =	vld [tilespmem:s17+$0xEF0];
	v0 =	vadd.f32 v42, v0;
	v6 =	vadd.f32 v51, v6  }
0xe3: {  	v31 =	vld [tilespmem:s17+$0xF00];
	v1 =	vadd.f32 v43, v1;
	v2 =	vadd.f32 v50, v2  }
0xe4: {  	v0 =	vadd.f32 v46, v0;
	v6 =	vadd.f32 v60, v6;
	v60 =	vld [tilespmem:$0x1FDA0]  }
0xe5: {  	v1 =	vadd.f32 v47, v1;
	v2 =	vadd.f32 v61, v2;
	v61 =	vld [tilespmem:$0x1FDB0]  }
0xe6: {  	[tilespmem:$0x1FF40] =	vst v56;
	v56 =	vld [tilespmem:s17+$0xC00]  }
0xe7: {  	v0 =	vadd.f32 v54, v0;
	v1 =	vadd.f32 v55, v1;
	v55 =	vld [tilespmem:$0x1FD70]  }
0xe8: {  	v63 =	vld [tilespmem:$0x1FDD0]  }
0xe9: {  	v0 =	vadd.f32 v58, v0;
	v58 =	vld [tilespmem:$0x1FD80]  }
0xea: {  	v34 =	vld [tilespmem:$0x1FDE0]  }
0xeb: {  	v2 =	vadd.f32 v57, v2;
	[tilespmem:$0x1FF30] =	vst v56;
	v56 =	vld [tilespmem:s17+$0xC10]  }
0xec: {  	v1 =	vadd.f32 v59, v1;
	v59 =	vld [tilespmem:$0x1FD90];
	v6 =	vadd.f32 v55, v6  }
0xed: {  	v2 =	vadd.f32 v60, v2;
	v38 =	vld [tilespmem:$0x1FE00]  }
0xee: {  	v6 =	vadd.f32 v58, v6;
	v35 =	vld [tilespmem:$0x1FDF0]  }
0xef: {  	v2 =	vadd.f32 v34, v2;
	v34 =	vld [tilespmem:s17+$0xF10]  }
0xf0: {  	v6 =	vadd.f32 v62, v6;
	[tilespmem:$0x1FF50] =	vst v56;
	v56 =	vld [tilespmem:s17+$0xC20]  }
0xf1: {  	v1 =	vadd.f32 v61, v1;
	v39 =	vld [tilespmem:$0x1FE10]  }
0xf2: {  	v0 =	vadd.f32 v59, v0;
	v6 =	vadd.f32 v38, v6;
	v38 =	vld [tilespmem:s17+$0xF30]  }
0xf3: {  	v1 =	vadd.f32 v35, v1;
	v35 =	vld [tilespmem:s17+$0xF20]  }
0xf4: {  	v0 =	vadd.f32 v63, v0;
	v40 =	vld [tilespmem:$0x1FE20]  }
0xf5: {  	[tilespmem:$0x1FF60] =	vst v56;
	v56 =	vld [tilespmem:s17+$0xC30]  }
0xf6: {  	v0 =	vadd.f32 v39, v0;
	v39 =	vld [tilespmem:s17+$0xF40]  }
0xf7: {  	v42 =	vld [tilespmem:$0x1FE40]  }
0xf8: {  	v41 =	vld [tilespmem:$0x1FE30]  }
0xf9: {  	v2 =	vadd.f32 v40, v2;
	v40 =	vld [tilespmem:s17+$0xF50]  }
0xfa: {  	[tilespmem:$0x1FF80] =	vst v56;
	v56 =	vld [tilespmem:s17+$0xC40]  }
0xfb: {  	v43 =	vld [tilespmem:$0x1FE50]  }
0xfc: {  	v6 =	vadd.f32 v42, v6;
	v42 =	vld [tilespmem:s17+$0xF70]  }
0xfd: {  	v1 =	vadd.f32 v41, v1;
	v41 =	vld [tilespmem:s17+$0xF60]  }
0xfe: {  	v44 =	vld [tilespmem:$0x1FE60]  }
0xff: {  	[tilespmem:$0x1FF70] =	vst v56;
	v56 =	vld [tilespmem:s17+$0xC50]  }
0x100: {  	v0 =	vadd.f32 v43, v0;
	v43 =	vld [tilespmem:s17+$0xF80]  }
0x101: {  	v46 =	vld [tilespmem:$0x1FE80]  }
0x102: {  	v45 =	vld [tilespmem:$0x1FE70]  }
0x103: {  	v2 =	vadd.f32 v44, v2;
	v44 =	vld [tilespmem:s17+$0xF90]  }
0x104: {  	[tilespmem:$0x1FF90] =	vst v56;
	v56 =	vld [tilespmem:s17+$0xC60]  }
0x105: {  	v47 =	vld [tilespmem:$0x1FE90]  }
0x106: {  	v6 =	vadd.f32 v46, v6;
	v46 =	vld [tilespmem:s17+$0xFB0]  }
0x107: {  	v1 =	vadd.f32 v45, v1;
	v45 =	vld [tilespmem:s17+$0xFA0]  }
0x108: {  	v50 =	vld [tilespmem:$0x1FEA0]  }
0x109: {  	[tilespmem:$0x1FFA0] =	vst v56;
	v56 =	vld [tilespmem:s17+$0xC70]  }
0x10a: {  	v0 =	vadd.f32 v47, v0;
	v47 =	vld [tilespmem:s17+$0xFC0]  }
0x10b: {  	v54 =	vld [tilespmem:$0x1FEC0]  }
0x10c: {  	v51 =	vld [tilespmem:$0x1FEB0]  }
0x10d: {  	v55 =	vld [tilespmem:$0x1FED0]  }
0x10e: {  	[tilespmem:$0x1FFC0] =	vst v56;
	v56 =	vld [tilespmem:s17+$0xC80]  }
0x10f: {  	v57 =	vld [tilespmem:$0x1FEE0]  }
0x110: {  	v59 =	vld [tilespmem:$0x1FF00]  }
0x111: {  	v58 =	vld [tilespmem:$0x1FEF0]  }
0x112: {  	v60 =	vld [tilespmem:$0x1FF10]  }
0x113: {  	[tilespmem:$0x1FFB0] =	vst v56;
	v56 =	vld [tilespmem:s17+$0xC90]  }
0x114: {  	v61 =	vld [tilespmem:$0x1FF20]  }
0x115: {  	v63 =	vld [tilespmem:$0x1FF40]  }
0x116: {  	v62 =	vld [tilespmem:$0x1FF30]  }
0x117: {  	v2 =	vadd.f32 v50, v2;
	v50 =	vld [tilespmem:$0x1FF50]  }
0x118: {  	[tilespmem:$0x1FFD0] =	vst v56;
	v56 =	vld [tilespmem:s17+$0xCA0]  }
0x119: {  	v1 =	vadd.f32 v51, v1;
	v51 =	vld [tilespmem:$0x1FF60]  }
0x11a: {  	v0 =	vadd.f32 v55, v0;
	v55 =	vld [tilespmem:$0x1FF80]  }
0x11b: {  	v6 =	vadd.f32 v54, v6;
	v54 =	vld [tilespmem:$0x1FF70]  }
0x11c: {  	v2 =	vadd.f32 v57, v2;
	v57 =	vld [tilespmem:$0x1FF90]  }
0x11d: {  	[tilespmem:$0x1FFE0] =	vst v56;
	v56 =	vld [tilespmem:s17+$0xCB0]  }
0x11e: {  	v1 =	vadd.f32 v58, v1;
	v58 =	vld [tilespmem:$0x1FFA0]  }
0x11f: {  	v0 =	vadd.f32 v60, v0;
	v60 =	vld [tilespmem:$0x1FFC0]  }
0x120: {  	v6 =	vadd.f32 v59, v6;
	v2 =	vadd.f32 v61, v2;
	v61 =	vld [tilespmem:$0x1FFD0]  }
0x121: {  	v1 =	vadd.f32 v62, v1;
	v0 =	vadd.f32 v50, v0;
	v62 =	vld [tilespmem:$0x1FFE0]  }
0x122: {  	v6 =	vadd.f32 v63, v6;
	v2 =	vadd.f32 v51, v2;
	v59 =	vld [tilespmem:$0x1FFB0];
	[tilespmem:$0x1FFF0] =	vst v56  }
0x123: {  	v0 =	vadd.f32 v57, v0;
	v63 =	vld [tilespmem:$0x1FFF0]  }
0x124: {  	v6 =	vadd.f32 v55, v6;
	v2 =	vadd.f32 v58, v2;
	v56 =	vld [tilespmem:s17+$0xCC0]  }
0x125: {  	v50 =	vld [tilespmem:s17+$0xFD0];
	v1 =	vadd.f32 v54, v1;
	v0 =	vadd.f32 v61, v0  }
0x126: {  	v51 =	vld [tilespmem:s17+$0xFE0];
	v6 =	vadd.f32 v60, v6;
	v2 =	vadd.f32 v62, v2  }
0x127: {  	v55 =	vld [tilespmem:s17+$0x1070];
	v1 =	vadd.f32 v59, v1;
	v0 =	vadd.f32 v3, v0  }
0x128: {  	v54 =	vld [tilespmem:s17+$0xFF0];
	v2 =	vadd.f32 v4, v2;
	v6 =	vadd.f32 v63, v6  }
0x129: {  	v57 =	vld [tilespmem:s17+$0x1090];
	v0 =	vadd.f32 v17, v0;
	v1 =	vadd.f32 v56, v1  }
0x12a: {  	v58 =	vld [tilespmem:s17+$0x10A0];
	v2 =	vadd.f32 v20, v2;
	v5 =	vadd.f32 v5, v6  }
0x12b: {  	v60 =	vld [tilespmem:s17+$0x10C0];
	v0 =	vadd.f32 v33, v0;
	v1 =	vadd.f32 v16, v1  }
0x12c: {  	v59 =	vld [tilespmem:s17+$0x10B0];
	v2 =	vadd.f32 v36, v2;
	v5 =	vadd.f32 v21, v5  }
0x12d: {  	v61 =	vld [tilespmem:s17+$0x10D0];
	v0 =	vadd.f32 v49, v0;
	v1 =	vadd.f32 v32, v1  }
0x12e: {  	v3 =	vld [tilespmem:s17+$0x1000];
	v2 =	vadd.f32 v52, v2;
	v5 =	vadd.f32 v37, v5  }
0x12f: {  	v17 =	vld [tilespmem:s17+$0x1040];
	v0 =	vadd.f32 v8, v0;
	v1 =	vadd.f32 v48, v1  }
0x130: {  	v62 =	vld [tilespmem:s17+$0x10E0];
	v2 =	vadd.f32 v9, v2;
	v5 =	vadd.f32 v53, v5  }
0x131: {  	v33 =	vld [tilespmem:s17+$0x1110];
	v0 =	vadd.f32 v12, v0;
	v1 =	vadd.f32 v7, v1  }
0x132: {  	v4 =	vld [tilespmem:s17+$0x1010];
	v2 =	vadd.f32 v13, v2;
	v5 =	vadd.f32 v10, v5  }
0x133: {  	v49 =	vld [tilespmem:s17+$0x1060];
	v0 =	vadd.f32 v18, v0;
	v1 =	vadd.f32 v11, v1  }
0x134: {  	v56 =	vld [tilespmem:s17+$0x1080];
	v2 =	vadd.f32 v19, v2;
	v5 =	vadd.f32 v14, v5  }
0x135: {  	v63 =	vld [tilespmem:s17+$0x10F0];
	v0 =	vadd.f32 v24, v0;
	v1 =	vadd.f32 v15, v1  }
0x136: {  	v16 =	vld [tilespmem:s17+$0x1030];
	v2 =	vadd.f32 v25, v2;
	v5 =	vadd.f32 v22, v5  }
0x137: {  	v36 =	vld [tilespmem:s17+$0x1120];
	v0 =	vadd.f32 v28, v0;
	v1 =	vadd.f32 v23, v1  }
0x138: {  	v6 =	vld [tilespmem:s17+$0x1020];
	v2 =	vadd.f32 v29, v2;
	v5 =	vadd.f32 v26, v5  }
0x139: {  	v32 =	vld [tilespmem:s17+$0x1100];
	v0 =	vadd.f32 v34, v0;
	v1 =	vadd.f32 v27, v1  }
0x13a: {  	v52 =	vld [tilespmem:s17+$0x1220];
	v2 =	vadd.f32 v35, v2;
	v5 =	vadd.f32 v30, v5  }
0x13b: {  	v48 =	vld [tilespmem:s17+$0x1050];
	v0 =	vadd.f32 v40, v0;
	v1 =	vadd.f32 v31, v1  }
0x13c: {  	v37 =	vld [tilespmem:s17+$0x1130];
	v2 =	vadd.f32 v41, v2;
	v5 =	vadd.f32 v38, v5  }
0x13d: {  	v53 =	vld [tilespmem:s17+$0x1230];
	v0 =	vadd.f32 v44, v0;
	v1 =	vadd.f32 v39, v1  }
0x13e: {  	v40 =	vld [tilespmem:s17+$0x1160];
	v2 =	vadd.f32 v45, v2;
	v5 =	vadd.f32 v42, v5  }
0x13f: {  	v44 =	vld [tilespmem:s17+$0x11A0];
	v0 =	vadd.f32 v50, v0;
	v1 =	vadd.f32 v43, v1  }
0x140: {  	v50 =	vld [tilespmem:s17+$0x1200];
	v2 =	vadd.f32 v51, v2;
	v5 =	vadd.f32 v46, v5  }
0x141: {  	v41 =	vld [tilespmem:s17+$0x1170];
	v0 =	vadd.f32 v4, v0;
	v1 =	vadd.f32 v47, v1  }
0x142: {  	v39 =	vld [tilespmem:s17+$0x1150];
	v2 =	vadd.f32 v6, v2;
	v5 =	vadd.f32 v54, v5  }
0x143: {  	v45 =	vld [tilespmem:s17+$0x11B0];
	v0 =	vadd.f32 v48, v0;
	v1 =	vadd.f32 v3, v1  }
0x144: {  	v38 =	vld [tilespmem:s17+$0x1140];
	v2 =	vadd.f32 v49, v2;
	v5 =	vadd.f32 v16, v5  }
0x145: {  	v48 =	vld [tilespmem:s17+$0x11E0];
	v0 =	vadd.f32 v57, v0;
	v1 =	vadd.f32 v17, v1  }
0x146: {  	v43 =	vld [tilespmem:s17+$0x1190];
	v2 =	vadd.f32 v58, v2;
	v5 =	vadd.f32 v55, v5  }
0x147: {  	v51 =	vld [tilespmem:s17+$0x1210];
	v0 =	vadd.f32 v61, v0;
	v1 =	vadd.f32 v56, v1  }
0x148: {  	v42 =	vld [tilespmem:s17+$0x1180];
	v2 =	vadd.f32 v62, v2;
	v5 =	vadd.f32 v59, v5  }
0x149: {  	v57 =	vld [tilespmem:s17+$0x1270];
	v0 =	vadd.f32 v33, v0;
	v1 =	vadd.f32 v60, v1  }
0x14a: {  	v47 =	vld [tilespmem:s17+$0x11D0];
	v2 =	vadd.f32 v36, v2;
	v5 =	vadd.f32 v63, v5  }
0x14b: {  	v46 =	vld [tilespmem:s17+$0x11C0];
	v0 =	vadd.f32 v39, v0;
	v1 =	vadd.f32 v32, v1  }
0x14c: {  	v49 =	vld [tilespmem:s17+$0x11F0];
	v2 =	vadd.f32 v40, v2;
	v5 =	vadd.f32 v37, v5  }
0x14d: {  	v54 =	vld [tilespmem:s17+$0x1240];
	v0 =	vadd.f32 v43, v0;
	v1 =	vadd.f32 v38, v1  }
0x14e: {  	v55 =	vld [tilespmem:s17+$0x1250];
	v2 =	vadd.f32 v44, v2;
	v5 =	vadd.f32 v41, v5  }
0x14f: {  	v56 =	vld [tilespmem:s17+$0x1260];
	v0 =	vadd.f32 v47, v0;
	v1 =	vadd.f32 v42, v1  }
0x150: {  	v59 =	vld [tilespmem:s17+$0x1290];
	v2 =	vadd.f32 v48, v2;
	v5 =	vadd.f32 v45, v5  }
0x151: {  	v60 =	vld [tilespmem:s17+$0x12A0];
	v0 =	vadd.f32 v51, v0;
	v1 =	vadd.f32 v46, v1  }
0x152: {  	v58 =	vld [tilespmem:s17+$0x1280];
	v2 =	vadd.f32 v52, v2;
	v5 =	vadd.f32 v49, v5  }
0x153: {  	v61 =	vld [tilespmem:s17+$0x12B0];
	v0 =	vadd.f32 v55, v0;
	v1 =	vadd.f32 v50, v1  }
0x154: {  	v2 =	vadd.f32 v56, v2;
	v5 =	vadd.f32 v53, v5  }
0x155: {  	s18 =	sshll.u32 s16, $0x6;
	p0 =	sne.s32 s16, $0xF;
	v0 =	vadd.f32 v59, v0;
	v1 =	vadd.f32 v54, v1  }
.Ltmp0:
0x156: {  	s17 =	sand.u32 $0x3FFFFFC0, s18;
	v2 =	vadd.f32 v60, v2;
	v62 =	vadd.f32 v57, v5;
	(pc) =	sbr.rel @p0 .LBB2_3-.Ltmp0, $4  }
0x157: {  	[tilespmem:s17+$0x19650] =	vst v0;
	v1 =	vadd.f32 v58, v1  }
0x158: {  	[tilespmem:s17+$0x19660] =	vst v2;
	v63 =	vadd.f32 v61, v62  }
0x159: {  	[tilespmem:s17+$0x19640] =	vst v1  }
0x15a: {  	s16 =	sadd.s32 $0x1, s16;
	[tilespmem:s17+$0x19670] =	vst v63  }
0x15b: {  	s16 =	sadd.s32 s3, s15  }
0x15c: {  	p0 =	seq.s32 s13, $0xF;
	s16 =	sshll.u32 s16, $0x7  }
0x15d: {  	s15 =	sadd.s32 @!p0 s15, s8;
	s16 =	sadd.s32 s6, s16  }
0x15e: {  	[hbm4b:s16+s2] =	stream.linear.scatter [tilespmem:s9], [sflag:$0x3], $0x400, $0x38;
	[tilespmem:$0x19A40] =	vst v63  }
0x15f: {  	s15 =	smul.u32 @!p0 $0x64, s15;
	_ =	swait.ge [sflag:s11], $0x400  }
0x160: {  	[sflag:s11] =	ssyncset.done $0x0  }
0x161: {  	s16 =	simm.s32 @!p0 $0x0;
	s15 =	sadd.s32 @!p0 s4, s15;
	[sflag:s11] =	ssyncadd.s32 $0xFFFFFC00  }
0x162: {  	[tilespmem:s16], [sflag:$0x3] =	stream.linear.gather @!p0 [hbm4b:s15+s16], $0x320, $0x38;
	[tilespmem:$0x19A40] =	vst v63  }
0x163: {  	s15 =	simm.s32 @!p0 $0x3  }
0x164: {  	_ =	swait.ge @!p0 [sflag:s15], $0x320  }
0x165: {  	[sflag:s15] =	ssyncset.done @!p0 $0x0  }
0x166: {  	s17 =	simm.s32 @!p0 $0x640;
	[sflag:s15] =	ssyncadd.s32 @!p0 $0xFFFFFCE0;
	s15 =	simm.s32 @!p0 $0x50  }
0x167: {  	[tilespmem:s17], [sflag:$0x1] =	stream.indirect.gather @!p0 [hbm4b:s5+s15], $0x40, s16, s15, $0xb8;
	[tilespmem:$0x19A40] =	vst v63  }
0x168: {  	s16 =	simm.s32 @!p0 $0x1A40  }
0x169: {  	[tilespmem:s16], [sflag:$0x1] =	stream.indirect.gather @!p0 [hbm4b:s5+s15], $0x40, s15, s15, $0xb8;
	[tilespmem:$0x19A40] =	vst v63  }
0x16a: {  	s17 =	simm.s32 @!p0 $0x2E40;
	s16 =	simm.s32 @!p0 $0xA0  }
0x16b: {  	[tilespmem:s17], [sflag:$0x1] =	stream.indirect.gather @!p0 [hbm4b:s5+s15], $0x40, s16, s15, $0xb8;
	[tilespmem:$0x19A40] =	vst v63  }
0x16c: {  	s16 =	simm.s32 @!p0 $0xF0;
	s17 =	simm.s32 @!p0 $0x4240  }
0x16d: {  	[tilespmem:s17], [sflag:$0x1] =	stream.indirect.gather @!p0 [hbm4b:s5+s15], $0x40, s16, s15, $0xb8;
	[tilespmem:$0x19A40] =	vst v63  }
0x16e: {  	s16 =	simm.s32 @!p0 $0x140;
	s17 =	simm.s32 @!p0 $0x5640  }
0x16f: {  	[tilespmem:s17], [sflag:$0x1] =	stream.indirect.gather @!p0 [hbm4b:s5+s15], $0x40, s16, s15, $0xb8;
	[tilespmem:$0x19A40] =	vst v63  }
0x170: {  	s16 =	simm.s32 @!p0 $0x190;
	s17 =	simm.s32 @!p0 $0x6A40  }
0x171: {  	[tilespmem:s17], [sflag:$0x1] =	stream.indirect.gather @!p0 [hbm4b:s5+s15], $0x40, s16, s15, $0xb8;
	[tilespmem:$0x19A40] =	vst v63  }
0x172: {  	s16 =	simm.s32 @!p0 $0x1E0;
	s17 =	simm.s32 @!p0 $0x7E40  }
0x173: {  	[tilespmem:s17], [sflag:$0x1] =	stream.indirect.gather @!p0 [hbm4b:s5+s15], $0x40, s16, s15, $0xb8;
	[tilespmem:$0x19A40] =	vst v63  }
0x174: {  	s16 =	simm.s32 @!p0 $0x230;
	s17 =	simm.s32 @!p0 $0x9240  }
0x175: {  	[tilespmem:s17], [sflag:$0x1] =	stream.indirect.gather @!p0 [hbm4b:s5+s15], $0x40, s16, s15, $0xb8;
	[tilespmem:$0x19A40] =	vst v63  }
0x176: {  	s16 =	simm.s32 @!p0 $0x280;
	s17 =	simm.s32 @!p0 $0xA640  }
0x177: {  	[tilespmem:s17], [sflag:$0x1] =	stream.indirect.gather @!p0 [hbm4b:s5+s15], $0x40, s16, s15, $0xb8;
	[tilespmem:$0x19A40] =	vst v63  }
0x178: {  	s16 =	simm.s32 @!p0 $0x2D0;
	s17 =	simm.s32 @!p0 $0xBA40  }
0x179: {  	[tilespmem:s17], [sflag:$0x1] =	stream.indirect.gather @!p0 [hbm4b:s5+s15], $0x40, s16, s15, $0xb8;
	[tilespmem:$0x19A40] =	vst v63  }
0x17a: {  	_ =	swait.ge [sflag:s1], $0x1400  }
0x17b: {  	[sflag:s1] =	ssyncset.done $0x0  }
0x17c: {  	[sflag:s1] =	ssyncadd.s32 $0xFFFFEC00  }
0x17d: {  	_ =	swait.ge [sflag:s1], $0x1400  }
0x17e: {  	[sflag:s1] =	ssyncset.done $0x0  }
0x17f: {  	[sflag:s1] =	ssyncadd.s32 $0xFFFFEC00  }
0x180: {  	_ =	swait.ge [sflag:s1], $0x1400  }
0x181: {  	[sflag:s1] =	ssyncset.done $0x0  }
0x182: {  	[sflag:s1] =	ssyncadd.s32 $0xFFFFEC00  }
0x183: {  	_ =	swait.ge [sflag:s1], $0x1400  }
0x184: {  	[sflag:s1] =	ssyncset.done $0x0  }
0x185: {  	[sflag:s1] =	ssyncadd.s32 $0xFFFFEC00  }
0x186: {  	_ =	swait.ge [sflag:s1], $0x1400  }
0x187: {  	[sflag:s1] =	ssyncset.done $0x0  }
0x188: {  	[sflag:s1] =	ssyncadd.s32 $0xFFFFEC00  }
0x189: {  	_ =	swait.ge [sflag:s1], $0x1400  }
0x18a: {  	[sflag:s1] =	ssyncset.done $0x0  }
0x18b: {  	[sflag:s1] =	ssyncadd.s32 $0xFFFFEC00  }
0x18c: {  	_ =	swait.ge [sflag:s1], $0x1400  }
0x18d: {  	[sflag:s1] =	ssyncset.done $0x0  }
0x18e: {  	[sflag:s1] =	ssyncadd.s32 $0xFFFFEC00  }
0x18f: {  	_ =	swait.ge [sflag:s1], $0x1400  }
0x190: {  	[sflag:s1] =	ssyncset.done $0x0  }
0x191: {  	[sflag:s1] =	ssyncadd.s32 $0xFFFFEC00  }
0x192: {  	_ =	swait.ge [sflag:s1], $0x1400  }
0x193: {  	[sflag:s1] =	ssyncset.done $0x0  }
0x194: {  	[sflag:s1] =	ssyncadd.s32 $0xFFFFEC00  }
0x195: {  	_ =	swait.ge [sflag:s1], $0x1400  }
0x196: {  	[sflag:s1] =	ssyncset.done $0x0  }
0x197: {  	s15 =	simm.s32 $0x0;
	[sflag:s1] =	ssyncadd.s32 $0xFFFFEC00  }
.LBB2_5:
0x198: {  	s16 =	smul.u32 $0x3200, s15;
	_ =	sdelay $0x1  }
0x199: {  	s16 =	sshra.s32 s16, $0x2  }
0x19a: {  	v56 =	vld [tilespmem:s16+$0xD230];
	_ =	sdelay $0x4  }
0x19b: {  	[tilespmem:$0x1FAF0] =	vst v56;
	v56 =	vld [tilespmem:s16+$0xD250];
	_ =	sdelay $0x4  }
0x19c: {  	[tilespmem:$0x1FB00] =	vst v56;
	v56 =	vld [tilespmem:s16+$0xD260];
	_ =	sdelay $0x1  }
0x19d: {  	v3 =	vld [tilespmem:s16+$0xCE40]  }
0x19e: {  	v4 =	vld [tilespmem:s16+$0xCE50]  }
0x19f: {  	v5 =	vld [tilespmem:s16+$0xCE60]  }
0x1a0: {  	[tilespmem:$0x1FB10] =	vst v56;
	v56 =	vld [tilespmem:s16+$0xD270]  }
0x1a1: {  	v16 =	vld [tilespmem:s16+$0xCE70]  }
0x1a2: {  	v17 =	vld [tilespmem:s16+$0xCE80]  }
0x1a3: {  	v20 =	vld [tilespmem:s16+$0xCE90]  }
0x1a4: {  	v21 =	vld [tilespmem:s16+$0xCEA0]  }
0x1a5: {  	[tilespmem:$0x1FB30] =	vst v56;
	v56 =	vld [tilespmem:s16+$0xD280]  }
0x1a6: {  	v32 =	vld [tilespmem:s16+$0xCEB0]  }
0x1a7: {  	v33 =	vld [tilespmem:s16+$0xCEC0]  }
0x1a8: {  	v36 =	vld [tilespmem:s16+$0xCED0]  }
0x1a9: {  	v37 =	vld [tilespmem:s16+$0xCEE0]  }
0x1aa: {  	[tilespmem:$0x1FB20] =	vst v56;
	v56 =	vld [tilespmem:s16+$0xD290]  }
0x1ab: {  	v48 =	vld [tilespmem:s16+$0xCEF0]  }
0x1ac: {  	v49 =	vld [tilespmem:s16+$0xCF00]  }
0x1ad: {  	v52 =	vld [tilespmem:s16+$0xCF10]  }
0x1ae: {  	v53 =	vld [tilespmem:s16+$0xCF20]  }
0x1af: {  	[tilespmem:$0x1FB40] =	vst v56;
	v56 =	vld [tilespmem:s16+$0xD2A0]  }
0x1b0: {  	v62 =	vld [tilespmem:s16+$0xCF30]  }
0x1b1: {  	v63 =	vld [tilespmem:s16+$0xCF40]  }
0x1b2: {  	v0 =	vld [tilespmem:s16+$0xCF50]  }
0x1b3: {  	v2 =	vld [tilespmem:s16+$0xCF60]  }
0x1b4: {  	[tilespmem:$0x1FB50] =	vst v56;
	v56 =	vld [tilespmem:s16+$0xD2B0]  }
0x1b5: {  	v9 =	vld [tilespmem:s16+$0xCF70]  }
0x1b6: {  	v1 =	vld [tilespmem:s16+$0xCF80]  }
0x1b7: {  	v6 =	vld [tilespmem:s16+$0xCF90]  }
0x1b8: {  	v8 =	vld [tilespmem:s16+$0xCFA0]  }
0x1b9: {  	[tilespmem:$0x1FB70] =	vst v56;
	v56 =	vld [tilespmem:s16+$0xD2C0]  }
0x1ba: {  	v13 =	vld [tilespmem:s16+$0xCFB0]  }
0x1bb: {  	v7 =	vld [tilespmem:s16+$0xCFC0]  }
0x1bc: {  	v10 =	vld [tilespmem:s16+$0xCFD0]  }
0x1bd: {  	v12 =	vld [tilespmem:s16+$0xCFE0]  }
0x1be: {  	[tilespmem:$0x1FB60] =	vst v56;
	v56 =	vld [tilespmem:s16+$0xD2D0]  }
0x1bf: {  	v19 =	vld [tilespmem:s16+$0xCFF0]  }
0x1c0: {  	v11 =	vld [tilespmem:s16+$0xD000]  }
0x1c1: {  	v14 =	vld [tilespmem:s16+$0xD010]  }
0x1c2: {  	v18 =	vld [tilespmem:s16+$0xD020]  }
0x1c3: {  	[tilespmem:$0x1FB80] =	vst v56;
	v56 =	vld [tilespmem:s16+$0xD2E0]  }
0x1c4: {  	v25 =	vld [tilespmem:s16+$0xD030]  }
0x1c5: {  	v15 =	vld [tilespmem:s16+$0xD040]  }
0x1c6: {  	v22 =	vld [tilespmem:s16+$0xD050]  }
0x1c7: {  	v24 =	vld [tilespmem:s16+$0xD060]  }
0x1c8: {  	[tilespmem:$0x1FB90] =	vst v56;
	v56 =	vld [tilespmem:s16+$0xD2F0]  }
0x1c9: {  	v29 =	vld [tilespmem:s16+$0xD070]  }
0x1ca: {  	v23 =	vld [tilespmem:s16+$0xD080]  }
0x1cb: {  	v26 =	vld [tilespmem:s16+$0xD090]  }
0x1cc: {  	v28 =	vld [tilespmem:s16+$0xD0A0]  }
0x1cd: {  	[tilespmem:$0x1FBB0] =	vst v56;
	v56 =	vld [tilespmem:s16+$0xD300]  }
0x1ce: {  	v35 =	vld [tilespmem:s16+$0xD0B0]  }
0x1cf: {  	v27 =	vld [tilespmem:s16+$0xD0C0]  }
0x1d0: {  	v30 =	vld [tilespmem:s16+$0xD0D0]  }
0x1d1: {  	v34 =	vld [tilespmem:s16+$0xD0E0]  }
0x1d2: {  	[tilespmem:$0x1FBA0] =	vst v56;
	v56 =	vld [tilespmem:s16+$0xD310]  }
0x1d3: {  	v41 =	vld [tilespmem:s16+$0xD0F0]  }
0x1d4: {  	v31 =	vld [tilespmem:s16+$0xD100]  }
0x1d5: {  	v38 =	vld [tilespmem:s16+$0xD110]  }
0x1d6: {  	v40 =	vld [tilespmem:s16+$0xD120]  }
0x1d7: {  	[tilespmem:$0x1FBC0] =	vst v56;
	v56 =	vld [tilespmem:s16+$0xD320]  }
0x1d8: {  	v45 =	vld [tilespmem:s16+$0xD130]  }
0x1d9: {  	v39 =	vld [tilespmem:s16+$0xD140]  }
0x1da: {  	v42 =	vld [tilespmem:s16+$0xD150]  }
0x1db: {  	v44 =	vld [tilespmem:s16+$0xD160]  }
0x1dc: {  	[tilespmem:$0x1FBD0] =	vst v56;
	v56 =	vld [tilespmem:s16+$0xD330]  }
0x1dd: {  	v51 =	vld [tilespmem:s16+$0xD170]  }
0x1de: {  	v43 =	vld [tilespmem:s16+$0xD180]  }
0x1df: {  	v46 =	vld [tilespmem:s16+$0xD190]  }
0x1e0: {  	v50 =	vld [tilespmem:s16+$0xD1A0]  }
0x1e1: {  	[tilespmem:$0x1FBF0] =	vst v56;
	v56 =	vld [tilespmem:s16+$0xD340]  }
0x1e2: {  	v60 =	vld [tilespmem:s16+$0xD1B0]  }
0x1e3: {  	v47 =	vld [tilespmem:s16+$0xD1C0]  }
0x1e4: {  	v54 =	vld [tilespmem:s16+$0xD1D0]  }
0x1e5: {  	v61 =	vld [tilespmem:s16+$0xD1E0]  }
0x1e6: {  	[tilespmem:$0x1FBE0] =	vst v56;
	v56 =	vld [tilespmem:s16+$0xD350]  }
0x1e7: {  	v55 =	vld [tilespmem:s16+$0xD1F0]  }
0x1e8: {  	v58 =	vld [tilespmem:s16+$0xD210]  }
0x1e9: {  	v57 =	vld [tilespmem:s16+$0xD220]  }
0x1ea: {  	v59 =	vld [tilespmem:s16+$0xD240]  }
0x1eb: {  	[tilespmem:$0x1FC00] =	vst v56;
	v56 =	vld [tilespmem:s16+$0xD360]  }
0x1ec: {  	[tilespmem:$0x1FAE0] =	vst v55;
	v55 =	vld [tilespmem:s16+$0xD200]  }
0x1ed: {  	v17 =	vadd.f32 v17, v3;
	v3 =	vld [tilespmem:s16+$0xD4D0]  }
0x1ee: {  	v20 =	vadd.f32 v20, v4;
	v4 =	vld [tilespmem:s16+$0xD4E0]  }
0x1ef: {  	v21 =	vadd.f32 v21, v5;
	v5 =	vld [tilespmem:s16+$0xD4F0]  }
0x1f0: {  	v17 =	vadd.f32 v33, v17;
	[tilespmem:$0x1FC10] =	vst v56;
	v56 =	vld [tilespmem:s16+$0xD370]  }
0x1f1: {  	v32 =	vadd.f32 v32, v16;
	v16 =	vld [tilespmem:s16+$0xD500];
	v20 =	vadd.f32 v36, v20  }
0x1f2: {  	v21 =	vadd.f32 v37, v21;
	v33 =	vadd.f32 v49, v17;
	v17 =	vld [tilespmem:s16+$0xD510]  }
0x1f3: {  	v36 =	vadd.f32 v52, v20;
	v20 =	vld [tilespmem:s16+$0xD520]  }
0x1f4: {  	v32 =	vadd.f32 v48, v32;
	v37 =	vadd.f32 v53, v21;
	v21 =	vld [tilespmem:s16+$0xD530]  }
0x1f5: {  	[tilespmem:$0x1FC30] =	vst v56;
	v56 =	vld [tilespmem:s16+$0xD380]  }
0x1f6: {  	v48 =	vadd.f32 v62, v32;
	v32 =	vld [tilespmem:s16+$0xD540]  }
0x1f7: {  	v49 =	vld [tilespmem:s16+$0xD590]  }
0x1f8: {  	v52 =	vld [tilespmem:s16+$0xD5A0]  }
0x1f9: {  	v0 =	vadd.f32 v0, v36;
	v36 =	vld [tilespmem:s16+$0xD560]  }
0x1fa: {  	[tilespmem:$0x1FC20] =	vst v56;
	v56 =	vld [tilespmem:s16+$0xD390]  }
0x1fb: {  	v33 =	vadd.f32 v63, v33;
	v2 =	vadd.f32 v2, v37;
	v37 =	vld [tilespmem:s16+$0xD570]  }
0x1fc: {  	v9 =	vadd.f32 v9, v48;
	v48 =	vld [tilespmem:s16+$0xD580]  }
0x1fd: {  	v1 =	vadd.f32 v1, v33;
	v33 =	vld [tilespmem:s16+$0xD550]  }
0x1fe: {  	v2 =	vadd.f32 v8, v2;
	v8 =	vld [tilespmem:s16+$0xD5D0]  }
0x1ff: {  	[tilespmem:$0x1FC40] =	vst v56;
	v56 =	vld [tilespmem:s16+$0xD3A0]  }
0x200: {  	v53 =	vadd.f32 v13, v9;
	v9 =	vld [tilespmem:s16+$0xD5E0]  }
0x201: {  	v13 =	vld [tilespmem:s16+$0xD620]  }
0x202: {  	v0 =	vadd.f32 v6, v0;
	v6 =	vadd.f32 v19, v53;
	v53 =	vld [tilespmem:s16+$0xD5B0]  }
0x203: {  	v1 =	vadd.f32 v7, v1;
	v7 =	vld [tilespmem:s16+$0xD5C0]  }
0x204: {  	[tilespmem:$0x1FC50] =	vst v56;
	v56 =	vld [tilespmem:s16+$0xD3B0]  }
0x205: {  	v0 =	vadd.f32 v10, v0;
	v10 =	vld [tilespmem:s16+$0xD5F0]  }
0x206: {  	v2 =	vadd.f32 v12, v2;
	v12 =	vld [tilespmem:s16+$0xD610]  }
0x207: {  	v19 =	vld [tilespmem:s16+$0xD660]  }
0x208: {  	v1 =	vadd.f32 v11, v1;
	v11 =	vld [tilespmem:s16+$0xD600]  }
0x209: {  	[tilespmem:$0x1FC70] =	vst v56;
	v56 =	vld [tilespmem:s16+$0xD3C0]  }
0x20a: {  	v0 =	vadd.f32 v14, v0;
	v14 =	vld [tilespmem:s16+$0xD630]  }
0x20b: {  	v2 =	vadd.f32 v18, v2;
	v18 =	vld [tilespmem:s16+$0xD650]  }
0x20c: {  	v6 =	vadd.f32 v25, v6;
	v25 =	vld [tilespmem:s16+$0xD6A0]  }
0x20d: {  	v1 =	vadd.f32 v15, v1;
	v15 =	vld [tilespmem:s16+$0xD640]  }
0x20e: {  	[tilespmem:$0x1FC60] =	vst v56;
	v56 =	vld [tilespmem:s16+$0xD3D0]  }
0x20f: {  	v0 =	vadd.f32 v22, v0;
	v22 =	vld [tilespmem:s16+$0xD670]  }
0x210: {  	v2 =	vadd.f32 v24, v2;
	v24 =	vld [tilespmem:s16+$0xD690]  }
0x211: {  	v6 =	vadd.f32 v29, v6;
	v29 =	vld [tilespmem:s16+$0xD6E0]  }
0x212: {  	v1 =	vadd.f32 v23, v1;
	v2 =	vadd.f32 v28, v2;
	v23 =	vld [tilespmem:s16+$0xD680]  }
0x213: {  	v0 =	vadd.f32 v26, v0;
	v6 =	vadd.f32 v35, v6;
	[tilespmem:$0x1FC80] =	vst v56;
	v56 =	vld [tilespmem:s16+$0xD3E0]  }
0x214: {  	v26 =	vld [tilespmem:s16+$0xD6B0];
	v1 =	vadd.f32 v27, v1;
	v2 =	vadd.f32 v34, v2  }
0x215: {  	v28 =	vld [tilespmem:s16+$0xD6D0];
	v0 =	vadd.f32 v30, v0;
	v6 =	vadd.f32 v41, v6  }
0x216: {  	v62 =	vld [tilespmem:$0x1FB30];
	v1 =	vadd.f32 v31, v1;
	v2 =	vadd.f32 v40, v2  }
0x217: {  	v27 =	vld [tilespmem:s16+$0xD6C0];
	v0 =	vadd.f32 v38, v0;
	v6 =	vadd.f32 v45, v6  }
0x218: {  	v1 =	vadd.f32 v39, v1;
	v2 =	vadd.f32 v44, v2;
	[tilespmem:$0x1FC90] =	vst v56;
	v56 =	vld [tilespmem:s16+$0xD3F0]  }
0x219: {  	v30 =	vld [tilespmem:s16+$0xD6F0];
	v0 =	vadd.f32 v42, v0;
	v6 =	vadd.f32 v51, v6  }
0x21a: {  	v31 =	vld [tilespmem:s16+$0xD700];
	v1 =	vadd.f32 v43, v1;
	v2 =	vadd.f32 v50, v2  }
0x21b: {  	v0 =	vadd.f32 v46, v0;
	v6 =	vadd.f32 v60, v6;
	v60 =	vld [tilespmem:$0x1FB10]  }
0x21c: {  	v1 =	vadd.f32 v47, v1;
	v2 =	vadd.f32 v61, v2;
	v61 =	vld [tilespmem:$0x1FB20]  }
0x21d: {  	[tilespmem:$0x1FCB0] =	vst v56;
	v56 =	vld [tilespmem:s16+$0xD400]  }
0x21e: {  	v0 =	vadd.f32 v54, v0;
	v1 =	vadd.f32 v55, v1;
	v55 =	vld [tilespmem:$0x1FAE0]  }
0x21f: {  	v63 =	vld [tilespmem:$0x1FB40]  }
0x220: {  	v0 =	vadd.f32 v58, v0;
	v58 =	vld [tilespmem:$0x1FAF0]  }
0x221: {  	v34 =	vld [tilespmem:$0x1FB50]  }
0x222: {  	v2 =	vadd.f32 v57, v2;
	[tilespmem:$0x1FCA0] =	vst v56;
	v56 =	vld [tilespmem:s16+$0xD410]  }
0x223: {  	v1 =	vadd.f32 v59, v1;
	v59 =	vld [tilespmem:$0x1FB00];
	v6 =	vadd.f32 v55, v6  }
0x224: {  	v2 =	vadd.f32 v60, v2;
	v38 =	vld [tilespmem:$0x1FB70]  }
0x225: {  	v6 =	vadd.f32 v58, v6;
	v35 =	vld [tilespmem:$0x1FB60]  }
0x226: {  	v2 =	vadd.f32 v34, v2;
	v34 =	vld [tilespmem:s16+$0xD710]  }
0x227: {  	v6 =	vadd.f32 v62, v6;
	[tilespmem:$0x1FCC0] =	vst v56;
	v56 =	vld [tilespmem:s16+$0xD420]  }
0x228: {  	v1 =	vadd.f32 v61, v1;
	v39 =	vld [tilespmem:$0x1FB80]  }
0x229: {  	v0 =	vadd.f32 v59, v0;
	v6 =	vadd.f32 v38, v6;
	v38 =	vld [tilespmem:s16+$0xD730]  }
0x22a: {  	v1 =	vadd.f32 v35, v1;
	v35 =	vld [tilespmem:s16+$0xD720]  }
0x22b: {  	v0 =	vadd.f32 v63, v0;
	v40 =	vld [tilespmem:$0x1FB90]  }
0x22c: {  	[tilespmem:$0x1FCD0] =	vst v56;
	v56 =	vld [tilespmem:s16+$0xD430]  }
0x22d: {  	v0 =	vadd.f32 v39, v0;
	v39 =	vld [tilespmem:s16+$0xD740]  }
0x22e: {  	v42 =	vld [tilespmem:$0x1FBB0]  }
0x22f: {  	v41 =	vld [tilespmem:$0x1FBA0]  }
0x230: {  	v2 =	vadd.f32 v40, v2;
	v40 =	vld [tilespmem:s16+$0xD750]  }
0x231: {  	[tilespmem:$0x1FCF0] =	vst v56;
	v56 =	vld [tilespmem:s16+$0xD440]  }
0x232: {  	v43 =	vld [tilespmem:$0x1FBC0]  }
0x233: {  	v6 =	vadd.f32 v42, v6;
	v42 =	vld [tilespmem:s16+$0xD770]  }
0x234: {  	v1 =	vadd.f32 v41, v1;
	v41 =	vld [tilespmem:s16+$0xD760]  }
0x235: {  	v44 =	vld [tilespmem:$0x1FBD0]  }
0x236: {  	[tilespmem:$0x1FCE0] =	vst v56;
	v56 =	vld [tilespmem:s16+$0xD450]  }
0x237: {  	v0 =	vadd.f32 v43, v0;
	v43 =	vld [tilespmem:s16+$0xD780]  }
0x238: {  	v46 =	vld [tilespmem:$0x1FBF0]  }
0x239: {  	v45 =	vld [tilespmem:$0x1FBE0]  }
0x23a: {  	v2 =	vadd.f32 v44, v2;
	v44 =	vld [tilespmem:s16+$0xD790]  }
0x23b: {  	[tilespmem:$0x1FD00] =	vst v56;
	v56 =	vld [tilespmem:s16+$0xD460]  }
0x23c: {  	v47 =	vld [tilespmem:$0x1FC00]  }
0x23d: {  	v6 =	vadd.f32 v46, v6;
	v46 =	vld [tilespmem:s16+$0xD7B0]  }
0x23e: {  	v1 =	vadd.f32 v45, v1;
	v45 =	vld [tilespmem:s16+$0xD7A0]  }
0x23f: {  	v50 =	vld [tilespmem:$0x1FC10]  }
0x240: {  	[tilespmem:$0x1FD10] =	vst v56;
	v56 =	vld [tilespmem:s16+$0xD470]  }
0x241: {  	v0 =	vadd.f32 v47, v0;
	v47 =	vld [tilespmem:s16+$0xD7C0]  }
0x242: {  	v54 =	vld [tilespmem:$0x1FC30]  }
0x243: {  	v51 =	vld [tilespmem:$0x1FC20]  }
0x244: {  	v55 =	vld [tilespmem:$0x1FC40]  }
0x245: {  	[tilespmem:$0x1FD30] =	vst v56;
	v56 =	vld [tilespmem:s16+$0xD480]  }
0x246: {  	v57 =	vld [tilespmem:$0x1FC50]  }
0x247: {  	v59 =	vld [tilespmem:$0x1FC70]  }
0x248: {  	v58 =	vld [tilespmem:$0x1FC60]  }
0x249: {  	v60 =	vld [tilespmem:$0x1FC80]  }
0x24a: {  	[tilespmem:$0x1FD20] =	vst v56;
	v56 =	vld [tilespmem:s16+$0xD490]  }
0x24b: {  	v61 =	vld [tilespmem:$0x1FC90]  }
0x24c: {  	v63 =	vld [tilespmem:$0x1FCB0]  }
0x24d: {  	v62 =	vld [tilespmem:$0x1FCA0]  }
0x24e: {  	v2 =	vadd.f32 v50, v2;
	v50 =	vld [tilespmem:$0x1FCC0]  }
0x24f: {  	[tilespmem:$0x1FD40] =	vst v56;
	v56 =	vld [tilespmem:s16+$0xD4A0]  }
0x250: {  	v1 =	vadd.f32 v51, v1;
	v51 =	vld [tilespmem:$0x1FCD0]  }
0x251: {  	v0 =	vadd.f32 v55, v0;
	v55 =	vld [tilespmem:$0x1FCF0]  }
0x252: {  	v6 =	vadd.f32 v54, v6;
	v54 =	vld [tilespmem:$0x1FCE0]  }
0x253: {  	v2 =	vadd.f32 v57, v2;
	v57 =	vld [tilespmem:$0x1FD00]  }
0x254: {  	[tilespmem:$0x1FD50] =	vst v56;
	v56 =	vld [tilespmem:s16+$0xD4B0]  }
0x255: {  	v1 =	vadd.f32 v58, v1;
	v58 =	vld [tilespmem:$0x1FD10]  }
0x256: {  	v0 =	vadd.f32 v60, v0;
	v60 =	vld [tilespmem:$0x1FD30]  }
0x257: {  	v6 =	vadd.f32 v59, v6;
	v2 =	vadd.f32 v61, v2;
	v61 =	vld [tilespmem:$0x1FD40]  }
0x258: {  	v1 =	vadd.f32 v62, v1;
	v0 =	vadd.f32 v50, v0;
	v62 =	vld [tilespmem:$0x1FD50]  }
0x259: {  	v6 =	vadd.f32 v63, v6;
	v2 =	vadd.f32 v51, v2;
	v59 =	vld [tilespmem:$0x1FD20];
	[tilespmem:$0x1FD60] =	vst v56  }
0x25a: {  	v0 =	vadd.f32 v57, v0;
	v63 =	vld [tilespmem:$0x1FD60]  }
0x25b: {  	v6 =	vadd.f32 v55, v6;
	v2 =	vadd.f32 v58, v2;
	v56 =	vld [tilespmem:s16+$0xD4C0]  }
0x25c: {  	v50 =	vld [tilespmem:s16+$0xD7D0];
	v1 =	vadd.f32 v54, v1;
	v0 =	vadd.f32 v61, v0  }
0x25d: {  	v51 =	vld [tilespmem:s16+$0xD7E0];
	v6 =	vadd.f32 v60, v6;
	v2 =	vadd.f32 v62, v2  }
0x25e: {  	v55 =	vld [tilespmem:s16+$0xD870];
	v1 =	vadd.f32 v59, v1;
	v0 =	vadd.f32 v3, v0  }
0x25f: {  	v54 =	vld [tilespmem:s16+$0xD7F0];
	v2 =	vadd.f32 v4, v2;
	v6 =	vadd.f32 v63, v6  }
0x260: {  	v57 =	vld [tilespmem:s16+$0xD890];
	v0 =	vadd.f32 v17, v0;
	v1 =	vadd.f32 v56, v1  }
0x261: {  	v58 =	vld [tilespmem:s16+$0xD8A0];
	v2 =	vadd.f32 v20, v2;
	v5 =	vadd.f32 v5, v6  }
0x262: {  	v60 =	vld [tilespmem:s16+$0xD8C0];
	v0 =	vadd.f32 v33, v0;
	v1 =	vadd.f32 v16, v1  }
0x263: {  	v59 =	vld [tilespmem:s16+$0xD8B0];
	v2 =	vadd.f32 v36, v2;
	v5 =	vadd.f32 v21, v5  }
0x264: {  	v61 =	vld [tilespmem:s16+$0xD8D0];
	v0 =	vadd.f32 v49, v0;
	v1 =	vadd.f32 v32, v1  }
0x265: {  	v3 =	vld [tilespmem:s16+$0xD800];
	v2 =	vadd.f32 v52, v2;
	v5 =	vadd.f32 v37, v5  }
0x266: {  	v17 =	vld [tilespmem:s16+$0xD840];
	v0 =	vadd.f32 v8, v0;
	v1 =	vadd.f32 v48, v1  }
0x267: {  	v62 =	vld [tilespmem:s16+$0xD8E0];
	v2 =	vadd.f32 v9, v2;
	v5 =	vadd.f32 v53, v5  }
0x268: {  	v33 =	vld [tilespmem:s16+$0xD910];
	v0 =	vadd.f32 v12, v0;
	v1 =	vadd.f32 v7, v1  }
0x269: {  	v4 =	vld [tilespmem:s16+$0xD810];
	v2 =	vadd.f32 v13, v2;
	v5 =	vadd.f32 v10, v5  }
0x26a: {  	v49 =	vld [tilespmem:s16+$0xD860];
	v0 =	vadd.f32 v18, v0;
	v1 =	vadd.f32 v11, v1  }
0x26b: {  	v56 =	vld [tilespmem:s16+$0xD880];
	v2 =	vadd.f32 v19, v2;
	v5 =	vadd.f32 v14, v5  }
0x26c: {  	v63 =	vld [tilespmem:s16+$0xD8F0];
	v0 =	vadd.f32 v24, v0;
	v1 =	vadd.f32 v15, v1  }
0x26d: {  	v16 =	vld [tilespmem:s16+$0xD830];
	v2 =	vadd.f32 v25, v2;
	v5 =	vadd.f32 v22, v5  }
0x26e: {  	v36 =	vld [tilespmem:s16+$0xD920];
	v0 =	vadd.f32 v28, v0;
	v1 =	vadd.f32 v23, v1  }
0x26f: {  	v6 =	vld [tilespmem:s16+$0xD820];
	v2 =	vadd.f32 v29, v2;
	v5 =	vadd.f32 v26, v5  }
0x270: {  	v32 =	vld [tilespmem:s16+$0xD900];
	v0 =	vadd.f32 v34, v0;
	v1 =	vadd.f32 v27, v1  }
0x271: {  	v52 =	vld [tilespmem:s16+$0xDA20];
	v2 =	vadd.f32 v35, v2;
	v5 =	vadd.f32 v30, v5  }
0x272: {  	v48 =	vld [tilespmem:s16+$0xD850];
	v0 =	vadd.f32 v40, v0;
	v1 =	vadd.f32 v31, v1  }
0x273: {  	v37 =	vld [tilespmem:s16+$0xD930];
	v2 =	vadd.f32 v41, v2;
	v5 =	vadd.f32 v38, v5  }
0x274: {  	v53 =	vld [tilespmem:s16+$0xDA30];
	v0 =	vadd.f32 v44, v0;
	v1 =	vadd.f32 v39, v1  }
0x275: {  	v40 =	vld [tilespmem:s16+$0xD960];
	v2 =	vadd.f32 v45, v2;
	v5 =	vadd.f32 v42, v5  }
0x276: {  	v44 =	vld [tilespmem:s16+$0xD9A0];
	v0 =	vadd.f32 v50, v0;
	v1 =	vadd.f32 v43, v1  }
0x277: {  	v50 =	vld [tilespmem:s16+$0xDA00];
	v2 =	vadd.f32 v51, v2;
	v5 =	vadd.f32 v46, v5  }
0x278: {  	v41 =	vld [tilespmem:s16+$0xD970];
	v0 =	vadd.f32 v4, v0;
	v1 =	vadd.f32 v47, v1  }
0x279: {  	v39 =	vld [tilespmem:s16+$0xD950];
	v2 =	vadd.f32 v6, v2;
	v5 =	vadd.f32 v54, v5  }
0x27a: {  	v45 =	vld [tilespmem:s16+$0xD9B0];
	v0 =	vadd.f32 v48, v0;
	v1 =	vadd.f32 v3, v1  }
0x27b: {  	v38 =	vld [tilespmem:s16+$0xD940];
	v2 =	vadd.f32 v49, v2;
	v5 =	vadd.f32 v16, v5  }
0x27c: {  	v48 =	vld [tilespmem:s16+$0xD9E0];
	v0 =	vadd.f32 v57, v0;
	v1 =	vadd.f32 v17, v1  }
0x27d: {  	v43 =	vld [tilespmem:s16+$0xD990];
	v2 =	vadd.f32 v58, v2;
	v5 =	vadd.f32 v55, v5  }
0x27e: {  	v51 =	vld [tilespmem:s16+$0xDA10];
	v0 =	vadd.f32 v61, v0;
	v1 =	vadd.f32 v56, v1  }
0x27f: {  	v42 =	vld [tilespmem:s16+$0xD980];
	v2 =	vadd.f32 v62, v2;
	v5 =	vadd.f32 v59, v5  }
0x280: {  	v57 =	vld [tilespmem:s16+$0xDA70];
	v0 =	vadd.f32 v33, v0;
	v1 =	vadd.f32 v60, v1  }
0x281: {  	v47 =	vld [tilespmem:s16+$0xD9D0];
	v2 =	vadd.f32 v36, v2;
	v5 =	vadd.f32 v63, v5  }
0x282: {  	v46 =	vld [tilespmem:s16+$0xD9C0];
	v0 =	vadd.f32 v39, v0;
	v1 =	vadd.f32 v32, v1  }
0x283: {  	v49 =	vld [tilespmem:s16+$0xD9F0];
	v2 =	vadd.f32 v40, v2;
	v5 =	vadd.f32 v37, v5  }
0x284: {  	v54 =	vld [tilespmem:s16+$0xDA40];
	v0 =	vadd.f32 v43, v0;
	v1 =	vadd.f32 v38, v1  }
0x285: {  	v55 =	vld [tilespmem:s16+$0xDA50];
	v2 =	vadd.f32 v44, v2;
	v5 =	vadd.f32 v41, v5  }
0x286: {  	v56 =	vld [tilespmem:s16+$0xDA60];
	v0 =	vadd.f32 v47, v0;
	v1 =	vadd.f32 v42, v1  }
0x287: {  	v59 =	vld [tilespmem:s16+$0xDA90];
	v2 =	vadd.f32 v48, v2;
	v5 =	vadd.f32 v45, v5  }
0x288: {  	v60 =	vld [tilespmem:s16+$0xDAA0];
	v0 =	vadd.f32 v51, v0;
	v1 =	vadd.f32 v46, v1  }
0x289: {  	v58 =	vld [tilespmem:s16+$0xDA80];
	v2 =	vadd.f32 v52, v2;
	v5 =	vadd.f32 v49, v5  }
0x28a: {  	v61 =	vld [tilespmem:s16+$0xDAB0];
	v0 =	vadd.f32 v55, v0;
	v1 =	vadd.f32 v50, v1  }
0x28b: {  	v2 =	vadd.f32 v56, v2;
	v5 =	vadd.f32 v53, v5  }
0x28c: {  	s18 =	sshll.u32 s15, $0x6;
	p0 =	sne.s32 s15, $0xF;
	v0 =	vadd.f32 v59, v0;
	v1 =	vadd.f32 v54, v1  }
.Ltmp1:
0x28d: {  	s16 =	sand.u32 $0x3FFFFFC0, s18;
	v2 =	vadd.f32 v60, v2;
	v62 =	vadd.f32 v57, v5;
	(pc) =	sbr.rel @p0 .LBB2_5-.Ltmp1, $4  }
0x28e: {  	[tilespmem:s16+$0x19650] =	vst v0;
	v1 =	vadd.f32 v58, v1  }
0x28f: {  	[tilespmem:s16+$0x19660] =	vst v2;
	v63 =	vadd.f32 v61, v62  }
0x290: {  	[tilespmem:s16+$0x19640] =	vst v1  }
0x291: {  	s15 =	sadd.s32 $0x1, s15;
	[tilespmem:s16+$0x19670] =	vst v63  }
0x292: {  	s13 =	sadd.s32 $0x1, s13  }
0x293: {  	s14 =	sshll.u32 s14, $0x7;
	p0 =	sne.s32 s13, $0x10  }
.Ltmp2:
0x294: {  	s14 =	sadd.s32 s6, s14;
	(pc) =	sbr.rel @p0 .LBB2_2-.Ltmp2, $4  }
0x295: {  	[hbm4b:s14+s2] =	stream.linear.scatter [tilespmem:s9], [sflag:$0x3], $0x400, $0x38;
	[tilespmem:$0x19A40] =	vst v63  }
0x296: {  	_ =	swait.ge [sflag:s11], $0x400  }
0x297: {  	[sflag:s11] =	ssyncset.done $0x0  }
0x298: {  	[sflag:s11] =	ssyncadd.s32 $0xFFFFFC00  }
0x299: {  	s14 =	rddreg [dreg:$0x4]  }
0x29a: {  	s13 =	rddreg [dreg:$0x3];
	s14 =	sadd.s32 $0x1, s14  }
0x29b: {  	p0 =	sne.s32 s14, s13  }
.Ltmp3:
0x29c: {  	_ = 	snop;
	(pc) =	sbr.rel @p0 .LBB2_1-.Ltmp3, $1  }
0x29d: {  	_ =	sdelay $0x3  }
0x29e: {  	_ =	sfence.sel $0x180000  }
0x29f: {  	[bflag:$0x0] =	sbarrier.arrive $0xFFFF  }
0x2a0: {  	_ =	strace $0x90000047  }
0x2a1: {  	s0 =	stileid.u32;
	[bflag:$0x2] =	sbarrier.arrive $0xFFFF  }
0x2a2: {  	p0 =	sne.s32 s0, $0x0;
	s0 =	rddreg [dreg:$0x1]  }
0x2a3: {  	s0 =	sadd.s32 @!p0 $0x100000, s0  }
0x2a4: {  	[sflag:s0] =	ssyncadd.tile.s32 @!p0 $0x1;
	_ =	shalt  }
.Lfunc_end2:
_tile_overlayer_lowered:
.L_overlay_start_2:
0x2a5: {  	(tag) =	ssettag $0x2  }
0x2a6: {  	s0 =	rddreg [dreg:$0x0];
	s2 =	stileid.u32  }
0x2a7: {  	s1 =	rddreg [dreg:$0x1];
	p0 =	sne.s32 s2, $0x0  }
0x2a8: {  	s3 =	rddreg [dreg:$0x2];
	[bflag:$0x3] =	sbarrier.arrive $0xFFFF;
	s2 =	simm.s32 @!p0 $0x1C03  }
0x2a9: {  	[timem:s3], [sflag:s2] =	dma.local @!p0 [hbm:s0], s1  }
0x2aa: {  	s0 =	simm.s32 @!p0 $0x3  }
0x2ab: {  	_ =	swait.ge @!p0 [sflag:s0], s1  }
0x2ac: {  	s1 =	ssub.s32 @!p0 $0x0, s1;
	[sflag:s0] =	ssyncset.done @!p0 $0x0  }
0x2ad: {  	[sflag:s0] =	ssyncadd.s32 @!p0 s1  }
0x2ae: {  	[bflag:$0x3] =	sbarrier.arrive $0xFFFF  }
0x2af: {  	_ =	shalt  }

</sc_bundles>
